<compile_context>
chip_gen: v7x
topology: tpu7x:2x2x1
jax: 0.10.2.dev20260603
libtpu: 0.0.44.dev20260713+nightly
codegen_flags: <defaults>
</compile_context>

<pallas_src>
import jax
import jax.numpy as jnp
from jax import lax
from jax.experimental import pallas as pl
from jax.experimental.pallas import tpu as pltpu
from jax.experimental.pallas import tpu_sc as plsc

N = 10000
D = 128
HID = 256
CLF_H = 64
OUT = 3
EPS = 1e-5
F32 = jnp.float32

NS = 16
CH = 80
ROWS_PT = 624
TAIL = N - NS * ROWS_PT


def _zero_vmem(ref, nrows, width):
    z = jnp.zeros((16,), F32)

    def body(i, _):
        for k in range(width // 16):
            ref[i, pl.ds(k * 16, 16)] = z
        return 0

    lax.fori_loop(0, nrows, body, 0)


def _fill_vmem(ref, nrows, width, val):
    v = jnp.full((16,), val, F32)

    def body(i, _):
        for k in range(width // 16):
            ref[i, pl.ds(k * 16, 16)] = v
        return 0

    lax.fori_loop(0, nrows, body, 0)


def _copy_rows(src, dst, dst_base, nrows, chunk):
    full, rem = divmod(nrows, chunk)
    for t in range(full):
        pltpu.sync_copy(src, dst.at[pl.ds(dst_base + t * chunk, chunk), :])
    if rem:
        pltpu.sync_copy(src.at[pl.ds(0, rem), :],
                        dst.at[pl.ds(dst_base + full * chunk, rem), :])


def _zero_own_rows(acc, zsrc, s):
    _copy_rows(zsrc, acc, s * ROWS_PT, ROWS_PT, zsrc.shape[0])
    pl.when(s == NS - 1)(lambda: pltpu.sync_copy(
        zsrc.at[pl.ds(0, TAIL), :], acc.at[pl.ds(N - TAIL, TAIL), :]))


def _dump_own_rows(acc, out, s):
    base = s * ROWS_PT
    pltpu.sync_copy(acc.at[pl.ds(base, ROWS_PT), :],
                    out.at[pl.ds(base, ROWS_PT), :])
    pl.when(s == NS - 1)(lambda: pltpu.sync_copy(
        acc.at[pl.ds(N - TAIL, TAIL), :], out.at[pl.ds(N - TAIL, TAIL), :]))


def _stage(src, dst, sv, dv, base):
    pltpu.sync_copy(src.at[pl.ds(base, CH)], sv)
    pltpu.sync_copy(dst.at[pl.ds(base, CH)], dv)


def _seg_db(tab, src, dst, acc, sa, da, sb, db, ra, rb, sem_a, sem_b,
            edge_base, per_tile, s):
    nch = per_tile // CH
    base0 = edge_base + s * per_tile
    pairs, rem = divmod(nch, 2)

    _stage(src, dst, sa, da, base0)
    pltpu.async_copy(tab.at[sa], ra, sem_a)

    def body(i, _):
        jb = 2 * i + 1
        _stage(src, dst, sb, db, base0 + jb * CH)
        pltpu.async_copy(tab.at[sb], rb, sem_b)
        pltpu.make_async_copy(tab.at[sa], ra, sem_a).wait()
        pltpu.sync_copy(ra, acc.at[da], add=True)

        def _next():
            _stage(src, dst, sa, da, base0 + (jb + 1) * CH)
            pltpu.async_copy(tab.at[sa], ra, sem_a)

        pl.when(jb + 1 < nch)(_next)
        pltpu.make_async_copy(tab.at[sb], rb, sem_b).wait()
        pltpu.sync_copy(rb, acc.at[db], add=True)
        return 0

    lax.fori_loop(0, pairs, body, 0)
    if rem:
        pltpu.make_async_copy(tab.at[sa], ra, sem_a).wait()
        pltpu.sync_copy(ra, acc.at[da], add=True)


def _sc_l0_body(x_hbm, src_cat, dst_cat, s_on_o, s_vo_o, c_on_o, c_vo_o,
                acc, sa, da, sb, db, ra, rb, sem_a, sem_b):
    c = lax.axis_index("c")
    s = lax.axis_index("s")
    e_total = src_cat.shape[0] // 2
    per_tile = e_total // NS

    _zero_vmem(ra, CH, D)
    _zero_own_rows(acc, ra, s)
    plsc.subcore_barrier()
    _seg_db(x_hbm, src_cat, dst_cat, acc, sa, da, sb, db, ra, rb,
            sem_a, sem_b, c * e_total, per_tile, s)
    plsc.subcore_barrier()
    pl.when(c == 0)(lambda: _dump_own_rows(acc, s_on_o, s))
    pl.when(c == 1)(lambda: _dump_own_rows(acc, s_vo_o, s))

    _zero_vmem(ra, CH, D)
    _zero_own_rows(acc, ra, s)
    _fill_vmem(ra, CH, D, 1.0)
    plsc.subcore_barrier()

    nch = per_tile // CH
    base0 = c * e_total + s * per_tile
    pltpu.async_copy(dst_cat.at[pl.ds(base0, CH)], da, sem_a)

    def cbody(i, _):
        jb = 2 * i + 1
        pltpu.async_copy(dst_cat.at[pl.ds(base0 + jb * CH, CH)], db, sem_b)
        pltpu.make_async_copy(dst_cat.at[pl.ds(base0, CH)], da, sem_a).wait()
        pltpu.sync_copy(ra, acc.at[da], add=True)

        def _next():
            pltpu.async_copy(
                dst_cat.at[pl.ds(base0 + (jb + 1) * CH, CH)], da, sem_a)

        pl.when(jb + 1 < nch)(_next)
        pltpu.make_async_copy(dst_cat.at[pl.ds(base0, CH)], db, sem_b).wait()
        pltpu.sync_copy(ra, acc.at[db], add=True)
        return 0

    lax.fori_loop(0, nch // 2, cbody, 0)
    plsc.subcore_barrier()
    pl.when(c == 0)(lambda: _dump_own_rows(acc, c_on_o, s))
    pl.when(c == 1)(lambda: _dump_own_rows(acc, c_vo_o, s))


def _sc_l1_body(h0_hbm, h1_hbm, src_cat, dst_cat, on0_o, on1_o, vo0_o, vo1_o,
                acc, sa, da, sb, db, ra, rb, sem_a, sem_b):
    c = lax.axis_index("c")
    s = lax.axis_index("s")
    e_total = src_cat.shape[0] // 2
    per_tile = e_total // NS

    for task, (out0, out1) in enumerate(((on0_o, on1_o), (vo0_o, vo1_o))):
        _zero_vmem(ra, CH, D)
        _zero_own_rows(acc, ra, s)
        plsc.subcore_barrier()
        pl.when(c == 0)(lambda t=task: _seg_db(
            h0_hbm, src_cat, dst_cat, acc, sa, da, sb, db, ra, rb,
            sem_a, sem_b, t * e_total, per_tile, s))
        pl.when(c == 1)(lambda t=task: _seg_db(
            h1_hbm, src_cat, dst_cat, acc, sa, da, sb, db, ra, rb,
            sem_a, sem_b, t * e_total, per_tile, s))
        plsc.subcore_barrier()
        pl.when(c == 0)(lambda o=out0: _dump_own_rows(acc, o, s))
        pl.when(c == 1)(lambda o=out1: _dump_own_rows(acc, o, s))


def _sc_pool_body(h_hbm, src_on, dst_on, p0_o, p1_o,
                  acc, sa, da, sb, db, ra, rb, sem_a, sem_b):
    c = lax.axis_index("c")
    s = lax.axis_index("s")
    e_half = src_on.shape[0] // 2
    per_tile = e_half // NS

    _zero_vmem(ra, CH, D)
    _zero_own_rows(acc, ra, s)
    plsc.subcore_barrier()
    _seg_db(h_hbm, src_on, dst_on, acc, sa, da, sb, db, ra, rb,
            sem_a, sem_b, c * e_half, per_tile, s)
    plsc.subcore_barrier()
    pl.when(c == 0)(lambda: _dump_own_rows(acc, p0_o, s))
    pl.when(c == 1)(lambda: _dump_own_rows(acc, p1_o, s))


def _make_sc_kernels():
    mesh = plsc.VectorSubcoreMesh(core_axis_name="c", subcore_axis_name="s",
                                  num_cores=2, num_subcores=NS)
    f = jax.ShapeDtypeStruct
    nd = f((N, D), F32)
    i32 = jnp.int32

    scratch = [
        pltpu.VMEM_SHARED((N, D), F32),
        pltpu.VMEM((CH,), i32), pltpu.VMEM((CH,), i32),
        pltpu.VMEM((CH,), i32), pltpu.VMEM((CH,), i32),
        pltpu.VMEM((CH, D), F32), pltpu.VMEM((CH, D), F32),
        pltpu.SemaphoreType.DMA, pltpu.SemaphoreType.DMA,
    ]

    l0 = pl.kernel(_sc_l0_body, out_type=(nd, nd, nd, nd), mesh=mesh,
                   scratch_types=list(scratch))
    l1 = pl.kernel(_sc_l1_body, out_type=(nd, nd, nd, nd), mesh=mesh,
                   scratch_types=list(scratch))
    pool = pl.kernel(_sc_pool_body, out_type=(nd, nd), mesh=mesh,
                     scratch_types=list(scratch))
    return l0, l1, pool


_SC_L0, _SC_L1, _SC_POOL = _make_sc_kernels()


BR = 1000


def _tc_a_body(s_on, c_on, s_vo, c_vo, x,
               wn_on, wr_on, wn_vo, wr_vo, b, h0_o, h1_o):
    agg_on = s_on[:] / jnp.maximum(c_on[:, :1], 1.0)
    agg_vo = s_vo[:] / jnp.maximum(c_vo[:, :1], 1.0)
    h = (jnp.dot(agg_on, wn_on[:], preferred_element_type=F32)
         + jnp.dot(agg_vo, wn_vo[:], preferred_element_type=F32)
         + jnp.dot(x[:], wr_on[:] + wr_vo[:], preferred_element_type=F32)
         + b[:])
    h = jnp.maximum(h, 0.0)
    h0_o[:] = h[:, :D]
    h1_o[:] = h[:, D:]


def _tc_b_body(on0, on1, vo0, vo1, c_on, c_vo, h0, h1,
               wn_on, wr_on, wn_vo, wr_vo, b, lin_w, lin_b, h3_o):
    r_on = 1.0 / jnp.maximum(c_on[:, :1], 1.0)
    r_vo = 1.0 / jnp.maximum(c_vo[:, :1], 1.0)
    agg_on = jnp.concatenate([on0[:] * r_on, on1[:] * r_on], axis=-1)
    agg_vo = jnp.concatenate([vo0[:] * r_vo, vo1[:] * r_vo], axis=-1)
    h = jnp.concatenate([h0[:], h1[:]], axis=-1)
    z = (jnp.dot(agg_on, wn_on[:], preferred_element_type=F32)
         + jnp.dot(agg_vo, wn_vo[:], preferred_element_type=F32)
         + jnp.dot(h, wr_on[:] + wr_vo[:], preferred_element_type=F32)
         + b[:])
    z = jnp.maximum(z, 0.0)
    h3_o[:] = jnp.dot(z, lin_w[:], preferred_element_type=F32) + lin_b[:]


def _ln(x, g, b):
    m = jnp.mean(x, axis=-1, keepdims=True)
    v = jnp.mean((x - m) ** 2, axis=-1, keepdims=True)
    return (x - m) / jnp.sqrt(v + EPS) * g + b


def _tc_c_body(p0, p1, c_on, h3, norm_g, norm_b, pm_w1, pm_b1, pm_g, pm_b,
               pm_w2, pm_b2, cw1, cb1, bn_g, bn_b, bn_rm, bn_rv, cw2, cb2,
               out_o):
    pooled = (p0[:] + p1[:] + h3[:]) / jnp.maximum(c_on[:, :1], 1.0)
    h = _ln(pooled, norm_g[:], norm_b[:])
    z = jnp.maximum(jnp.dot(h, pm_w1[:], preferred_element_type=F32) + pm_b1[:], 0.0)
    z = _ln(z, pm_g[:], pm_b[:])
    z = jnp.dot(z, pm_w2[:], preferred_element_type=F32) + pm_b2[:]
    c = jnp.maximum(jnp.dot(z, cw1[:], preferred_element_type=F32) + cb1[:], 0.0)
    c = (c - bn_rm[:]) / jnp.sqrt(bn_rv[:] + EPS) * bn_g[:] + bn_b[:]
    logits = jnp.dot(c, cw2[:], preferred_element_type=F32) + cb2[:]
    m = jnp.max(logits, axis=-1, keepdims=True)
    e = jnp.exp(logits - m)
    out_o[:] = e / jnp.sum(e, axis=-1, keepdims=True)


def _row_spec(w):
    return pl.BlockSpec((BR, w), lambda i: (i, 0))


def _full_spec(shape):
    nd = len(shape)
    return pl.BlockSpec(shape, lambda i, _n=nd: (0,) * _n)


def _tc_a(s_on, c_on, s_vo, c_vo, x, wn_on, wr_on, wn_vo, wr_vo, b):
    grid = (N // BR,)
    return pl.pallas_call(
        _tc_a_body,
        grid=grid,
        in_specs=[_row_spec(D), _row_spec(D), _row_spec(D), _row_spec(D),
                  _row_spec(D), _full_spec((D, HID)), _full_spec((D, HID)),
                  _full_spec((D, HID)), _full_spec((D, HID)),
                  _full_spec((1, HID))],
        out_specs=[_row_spec(D), _row_spec(D)],
        out_shape=[jax.ShapeDtypeStruct((N, D), F32)] * 2,
    )(s_on, c_on, s_vo, c_vo, x, wn_on, wr_on, wn_vo, wr_vo, b)


def _tc_b(on0, on1, vo0, vo1, c_on, c_vo, h0, h1,
          wn_on, wr_on, wn_vo, wr_vo, b, lin_w, lin_b):
    grid = (N // BR,)
    return pl.pallas_call(
        _tc_b_body,
        grid=grid,
        in_specs=[_row_spec(D)] * 8
                 + [_full_spec((HID, HID))] * 4
                 + [_full_spec((1, HID)), _full_spec((HID, D)),
                    _full_spec((1, D))],
        out_specs=[_row_spec(D)],
        out_shape=[jax.ShapeDtypeStruct((N, D), F32)],
    )(on0, on1, vo0, vo1, c_on, c_vo, h0, h1,
      wn_on, wr_on, wn_vo, wr_vo, b, lin_w, lin_b)[0]


def _tc_c(p0, p1, c_on, h3, *w):
    grid = (N // BR,)
    wspecs = [_full_spec(a.shape) for a in w]
    return pl.pallas_call(
        _tc_c_body,
        grid=grid,
        in_specs=[_row_spec(D), _row_spec(D), _row_spec(D), _row_spec(D)]
                 + wspecs,
        out_specs=[_row_spec(OUT)],
        out_shape=[jax.ShapeDtypeStruct((N, OUT), F32)],
    )(p0, p1, c_on, h3, *w)[0]


def kernel(x_note, edge_index_onset, edge_index_voice, params):
    p = params
    src_on = edge_index_onset[0].astype(jnp.int32)
    dst_on = edge_index_onset[1].astype(jnp.int32)
    src_vo = edge_index_voice[0].astype(jnp.int32)
    dst_vo = edge_index_voice[1].astype(jnp.int32)

    src_cat = jnp.concatenate([src_on, src_vo])
    dst_cat = jnp.concatenate([dst_on, dst_vo])
    s_on, s_vo, c_on, c_vo = _SC_L0(x_note, src_cat, dst_cat)

    b0 = (p['l0_on_b'] + p['l0_vo_b']).reshape(1, HID)
    h0, h1 = _tc_a(s_on, c_on, s_vo, c_vo, x_note,
                   p['l0_on_Wn'], p['l0_on_Wr'], p['l0_vo_Wn'], p['l0_vo_Wr'],
                   b0)

    on0, on1, vo0, vo1 = _SC_L1(h0, h1, src_cat, dst_cat)

    b1 = (p['l1_on_b'] + p['l1_vo_b']).reshape(1, HID)
    h3 = _tc_b(on0, on1, vo0, vo1, c_on, c_vo, h0, h1,
               p['l1_on_Wn'], p['l1_on_Wr'], p['l1_vo_Wn'], p['l1_vo_Wr'],
               b1, p['lin_W'], p['lin_b'].reshape(1, D))

    p0, p1 = _SC_POOL(h3, src_on, dst_on)

    r = lambda a: a.reshape(1, -1)
    out = _tc_c(p0, p1, c_on, h3,
                r(p['norm_g']), r(p['norm_b']),
                p['pm_W1'], r(p['pm_b1']), r(p['pm_ln_g']), r(p['pm_ln_b']),
                p['pm_W2'], r(p['pm_b2']),
                p['clf_W1'], r(p['clf_b1']),
                r(p['bn_g']), r(p['bn_b']), r(p['bn_rm']), r(p['bn_rv']),
                p['clf_W2'], r(p['clf_b2']))
    return out

# --- scband reference (transcript-rebuilt; emitter-appended) ---
"""Pipeline reference for scband-cadence-gnnneighbor-87033217286453 (READ-ONLY COPY).

The authoritative reference and input builder live on the scoring server;
editing this copy changes nothing except your own understanding.
"""

import jax, jax.numpy as jnp
import numpy as np

N = 10000
E = 320000
D_IN = 128
HID = 256
HID2 = 128  # hidden_dim // 2
CLF_H = 64  # HID2 // 2
OUT = 3
EPS = 1e-5


def _ln(x, g, b):
    m = jnp.mean(x, axis=-1, keepdims=True)
    v = jnp.var(x, axis=-1, keepdims=True)
    return (x - m) / jnp.sqrt(v + EPS) * g + b


def _sage(x, ei, Wn, Wr, b):
    # PyG SAGEConv (mean aggregation): lin_l(mean_j x_j) + lin_r(x_i)
    src, dst = ei[0], ei[1]
    n = x.shape[0]
    s = jax.ops.segment_sum(x[src], dst, num_segments=n)
    cnt = jax.ops.segment_sum(jnp.ones((ei.shape[1],), x.dtype), dst, num_segments=n)
    agg = s / jnp.clip(cnt, 1.0)[:, None]
    return agg @ Wn + x @ Wr + b


def _make_params():
    base = jax.random.key(1)
    c = [0]
    def rn(shape, scale=0.02):
        c[0] += 1
        return jax.random.normal(jax.random.fold_in(base, c[0]), shape, jnp.float32) * scale
    p = {}
    for et in ('on', 'vo'):
        p[f'l0_{et}_Wn'] = rn((D_IN, HID)); p[f'l0_{et}_Wr'] = rn((D_IN, HID)); p[f'l0_{et}_b'] = jnp.zeros((HID,), jnp.float32)
        p[f'l1_{et}_Wn'] = rn((HID, HID)); p[f'l1_{et}_Wr'] = rn((HID, HID)); p[f'l1_{et}_b'] = jnp.zeros((HID,), jnp.float32)
    p['lin_W'] = rn((HID, HID2)); p['lin_b'] = jnp.zeros((HID2,), jnp.float32)
    p['norm_g'] = jnp.ones((HID2,), jnp.float32); p['norm_b'] = jnp.zeros((HID2,), jnp.float32)
    p['pm_W1'] = rn((HID2, HID2)); p['pm_b1'] = jnp.zeros((HID2,), jnp.float32)
    p['pm_ln_g'] = jnp.ones((HID2,), jnp.float32); p['pm_ln_b'] = jnp.zeros((HID2,), jnp.float32)
    p['pm_W2'] = rn((HID2, HID2)); p['pm_b2'] = jnp.zeros((HID2,), jnp.float32)
    p['clf_W1'] = rn((HID2, CLF_H)); p['clf_b1'] = jnp.zeros((CLF_H,), jnp.float32)
    p['bn_g'] = jnp.ones((CLF_H,), jnp.float32); p['bn_b'] = jnp.zeros((CLF_H,), jnp.float32)
    p['bn_rm'] = jnp.zeros((CLF_H,), jnp.float32); p['bn_rv'] = jnp.ones((CLF_H,), jnp.float32)
    p['clf_W2'] = rn((CLF_H, OUT)); p['clf_b2'] = jnp.zeros((OUT,), jnp.float32)
    return p


def setup_inputs(seed: int = 0):
    key = jax.random.key(seed)
    k1, k2, k3 = jax.random.split(key, 3)
    return {
        'x_note': jax.random.normal(k1, (N, D_IN), jnp.float32),
        'edge_index_onset': jax.random.randint(k2, (2, E), 0, N, jnp.int64 if jax.config.jax_enable_x64 else jnp.int32),
        'edge_index_voice': jax.random.randint(k3, (2, E), 0, N, jnp.int64 if jax.config.jax_enable_x64 else jnp.int32),
        'params': _make_params(),
    }


def _forward(x, ei_on, ei_vo, p):
    n = x.shape[0]
    # layer 0: HeteroConv(sum over edge types) + relu
    h = _sage(x, ei_on, p['l0_on_Wn'], p['l0_on_Wr'], p['l0_on_b']) + _sage(x, ei_vo, p['l0_vo_Wn'], p['l0_vo_Wr'], p['l0_vo_b'])
    h = jax.nn.relu(h)
    # layer 1
    h = _sage(h, ei_on, p['l1_on_Wn'], p['l1_on_Wr'], p['l1_on_b']) + _sage(h, ei_vo, p['l1_vo_Wn'], p['l1_vo_Wr'], p['l1_vo_b'])
    h = jax.nn.relu(h)
    # final gnn linear (hidden -> hidden//2)
    h = h @ p['lin_W'] + p['lin_b']
    # onset_pool: torch_scatter.scatter_mean(x[src], dst, out=x.clone())
    src, dst = ei_on[0], ei_on[1]
    sums = jax.ops.segment_sum(h[src], dst, num_segments=n) + h
    cnt = jax.ops.segment_sum(jnp.ones((ei_on.shape[1],), h.dtype), dst, num_segments=n)
    h = sums / jnp.clip(cnt, 1.0)[:, None]
    h = _ln(h, p['norm_g'], p['norm_b'])
    # pool_mlp (dropout is identity in eval)
    z = jax.nn.relu(h @ p['pm_W1'] + p['pm_b1'])
    z = _ln(z, p['pm_ln_g'], p['pm_ln_b'])
    z = z @ p['pm_W2'] + p['pm_b2']
    # cad_clf: Linear -> ReLU -> BatchNorm1d (eval) -> Linear
    c = jax.nn.relu(z @ p['clf_W1'] + p['clf_b1'])
    c = (c - p['bn_rm']) / jnp.sqrt(p['bn_rv'] + EPS) * p['bn_g'] + p['bn_b']
    logits = c @ p['clf_W2'] + p['clf_b2']
    return jax.nn.softmax(logits, axis=-1)


def reference(x_note, edge_index_onset, edge_index_voice, params):
    return _forward(x_note, edge_index_onset, edge_index_voice, params)

if __name__ == "__main__":
    import jax
    _d = setup_inputs()
    print(jax.jit(kernel)(*tuple(_d.values())))

</pallas_src>

<mosaic_0001>
#map = affine_map<(d0, d1) -> (0, 0)>
#map1 = affine_map<(d0, d1) -> (0)>
module attributes {stable_mosaic.version = 14 : i64} {
  func.func @_sc_pool_body(%arg0: i32, %arg1: i32, %arg2: memref<10000x128xf32, #tpu.memory_space<hbm>>, %arg3: memref<320000xi32, #tpu.memory_space<hbm>>, %arg4: memref<320000xi32, #tpu.memory_space<hbm>>, %arg5: memref<10000x128xf32, #tpu.memory_space<hbm>>, %arg6: memref<10000x128xf32, #tpu.memory_space<hbm>>, %arg7: memref<10000x128xf32, #tpu.memory_space<vmem_shared>>, %arg8: memref<80xi32, #tpu.memory_space<vmem>>, %arg9: memref<80xi32, #tpu.memory_space<vmem>>, %arg10: memref<80xi32, #tpu.memory_space<vmem>>, %arg11: memref<80xi32, #tpu.memory_space<vmem>>, %arg12: memref<80x128xf32, #tpu.memory_space<vmem>>, %arg13: memref<80x128xf32, #tpu.memory_space<vmem>>, %arg14: memref<!tpu.dma_semaphore, #tpu.memory_space<semaphore_mem>>, %arg15: memref<!tpu.dma_semaphore, #tpu.memory_space<semaphore_mem>>) attributes {dimension_semantics = [#tpu.dimension_semantics<core_parallel>, #tpu.dimension_semantics<subcore_parallel>], iteration_bounds = array<i64: 2, 16>, scalar_prefetch = 0 : i64, scratch_operands = 9 : i64, tpu.core_type = #tpu.core_type<sc_vector_subcore>, window_params = [{transform_indices = #map}, {transform_indices = #map1}, {transform_indices = #map1}, {transform_indices = #map}, {transform_indices = #map}]} {
    %broadcast_in_dim3A = arith.constant 0.000000e+00 : f32
    %broadcast_in_dim3A_0 = vector.broadcast %broadcast_in_dim3A : f32 to vector<16xf32>
    %scan3A = arith.constant 0 : i32
    %scan3A_1 = arith.constant 0 : i32
    %scan3A_2 = arith.constant 80 : i32
    %scan3A_3 = arith.addi %scan3A_1, %scan3A_2 : i32
    %scan3A_4 = arith.constant 1 : i32
    %scan3A_5 = scf.for %scan3A_52 = %scan3A_1 to %scan3A_3 step %scan3A_4 iter_args(%scan3A_53 = %scan3A) -> (i32)  : i32 {
      %swap3A = arith.index_cast %scan3A_52 : i32 to index
      %swap3A_54 = arith.constant 0 : index
      %swap3A_55 = tpu.vector_load %arg12[%swap3A, %swap3A_54] {strides = array<i32>} : memref<80x128xf32, #tpu.memory_space<vmem>>, vector<1x16xf32>,
      %swap3A_56 = vector.shape_cast %swap3A_55 : vector<1x16xf32> to vector<16xf32>
      %swap3A_57 = vector.shape_cast %broadcast_in_dim3A_0 : vector<16xf32> to vector<1x16xf32>
      tpu.vector_store %arg12[%swap3A, %swap3A_54], %swap3A_57 {strides = array<i32>} : memref<80x128xf32, #tpu.memory_space<vmem>>, vector<1x16xf32>,
      %swap3A_58 = arith.index_cast %scan3A_52 : i32 to index
      %swap3A_59 = arith.constant 16 : index
      %swap3A_60 = tpu.vector_load %arg12[%swap3A_58, %swap3A_59] {strides = array<i32>} : memref<80x128xf32, #tpu.memory_space<vmem>>, vector<1x16xf32>,
      %swap3A_61 = vector.shape_cast %swap3A_60 : vector<1x16xf32> to vector<16xf32>
      %swap3A_62 = vector.shape_cast %broadcast_in_dim3A_0 : vector<16xf32> to vector<1x16xf32>
      tpu.vector_store %arg12[%swap3A_58, %swap3A_59], %swap3A_62 {strides = array<i32>} : memref<80x128xf32, #tpu.memory_space<vmem>>, vector<1x16xf32>,
      %swap3A_63 = arith.index_cast %scan3A_52 : i32 to index
      %swap3A_64 = arith.constant 32 : index
      %swap3A_65 = tpu.vector_load %arg12[%swap3A_63, %swap3A_64] {strides = array<i32>} : memref<80x128xf32, #tpu.memory_space<vmem>>, vector<1x16xf32>,
      %swap3A_66 = vector.shape_cast %swap3A_65 : vector<1x16xf32> to vector<16xf32>
      %swap3A_67 = vector.shape_cast %broadcast_in_dim3A_0 : vector<16xf32> to vector<1x16xf32>
      tpu.vector_store %arg12[%swap3A_63, %swap3A_64], %swap3A_67 {strides = array<i32>} : memref<80x128xf32, #tpu.memory_space<vmem>>, vector<1x16xf32>,
      %swap3A_68 = arith.index_cast %scan3A_52 : i32 to index
      %swap3A_69 = arith.constant 48 : index
      %swap3A_70 = tpu.vector_load %arg12[%swap3A_68, %swap3A_69] {strides = array<i32>} : memref<80x128xf32, #tpu.memory_space<vmem>>, vector<1x16xf32>,
      %swap3A_71 = vector.shape_cast %swap3A_70 : vector<1x16xf32> to vector<16xf32>
      %swap3A_72 = vector.shape_cast %broadcast_in_dim3A_0 : vector<16xf32> to vector<1x16xf32>
      tpu.vector_store %arg12[%swap3A_68, %swap3A_69], %swap3A_72 {strides = array<i32>} : memref<80x128xf32, #tpu.memory_space<vmem>>, vector<1x16xf32>,
      %swap3A_73 = arith.index_cast %scan3A_52 : i32 to index
      %swap3A_74 = arith.constant 64 : index
      %swap3A_75 = tpu.vector_load %arg12[%swap3A_73, %swap3A_74] {strides = array<i32>} : memref<80x128xf32, #tpu.memory_space<vmem>>, vector<1x16xf32>,
      %swap3A_76 = vector.shape_cast %swap3A_75 : vector<1x16xf32> to vector<16xf32>
      %swap3A_77 = vector.shape_cast %broadcast_in_dim3A_0 : vector<16xf32> to vector<1x16xf32>
      tpu.vector_store %arg12[%swap3A_73, %swap3A_74], %swap3A_77 {strides = array<i32>} : memref<80x128xf32, #tpu.memory_space<vmem>>, vector<1x16xf32>,
      %swap3A_78 = arith.index_cast %scan3A_52 : i32 to index
      %swap3A_79 = arith.constant 80 : index
      %swap3A_80 = tpu.vector_load %arg12[%swap3A_78, %swap3A_79] {strides = array<i32>} : memref<80x128xf32, #tpu.memory_space<vmem>>, vector<1x16xf32>,
      %swap3A_81 = vector.shape_cast %swap3A_80 : vector<1x16xf32> to vector<16xf32>
      %swap3A_82 = vector.shape_cast %broadcast_in_dim3A_0 : vector<16xf32> to vector<1x16xf32>
      tpu.vector_store %arg12[%swap3A_78, %swap3A_79], %swap3A_82 {strides = array<i32>} : memref<80x128xf32, #tpu.memory_space<vmem>>, vector<1x16xf32>,
      %swap3A_83 = arith.index_cast %scan3A_52 : i32 to index
      %swap3A_84 = arith.constant 96 : index
      %swap3A_85 = tpu.vector_load %arg12[%swap3A_83, %swap3A_84] {strides = array<i32>} : memref<80x128xf32, #tpu.memory_space<vmem>>, vector<1x16xf32>,
      %swap3A_86 = vector.shape_cast %swap3A_85 : vector<1x16xf32> to vector<16xf32>
      %swap3A_87 = vector.shape_cast %broadcast_in_dim3A_0 : vector<16xf32> to vector<1x16xf32>
      tpu.vector_store %arg12[%swap3A_83, %swap3A_84], %swap3A_87 {strides = array<i32>} : memref<80x128xf32, #tpu.memory_space<vmem>>, vector<1x16xf32>,
      %swap3A_88 = arith.index_cast %scan3A_52 : i32 to index
      %swap3A_89 = arith.constant 112 : index
      %swap3A_90 = tpu.vector_load %arg12[%swap3A_88, %swap3A_89] {strides = array<i32>} : memref<80x128xf32, #tpu.memory_space<vmem>>, vector<1x16xf32>,
      %swap3A_91 = vector.shape_cast %swap3A_90 : vector<1x16xf32> to vector<16xf32>
      %swap3A_92 = vector.shape_cast %broadcast_in_dim3A_0 : vector<16xf32> to vector<1x16xf32>
      tpu.vector_store %arg12[%swap3A_88, %swap3A_89], %swap3A_92 {strides = array<i32>} : memref<80x128xf32, #tpu.memory_space<vmem>>, vector<1x16xf32>,
      %scan3A_93 = arith.constant 0 : i32
      scf.yield %scan3A_93 : i32
    }
    %scan3A_6 = arith.constant 80 : i32
    %mul3A = arith.constant 624 : i32
    %mul3A_7 = arith.muli %arg1, %mul3A : i32
    %add3A = arith.constant 0 : i32
    %add3A_8 = arith.addi %mul3A_7, %add3A : i32
    "tpu.region"() ({
      %run_scoped3A = tpu.sem_alloc : memref<!tpu.dma_semaphore, #tpu.memory_space<semaphore_mem>>
      %dma_start3A_52 = arith.constant 0 : i32
      %dma_start3A_53 = tpu.memref_slice %arg7[%add3A_8, %dma_start3A_52] : memref<10000x128xf32, #tpu.memory_space<vmem_shared>> -> memref<80x128xf32, #tpu.memory_space<vmem_shared>>
      %dma_start3A_54 = arith.constant 0 : i32
      %dma_start3A_55 = tpu.memref_slice %arg7[%add3A_8, %dma_start3A_54] : memref<10000x128xf32, #tpu.memory_space<vmem_shared>> -> memref<80x128xf32, #tpu.memory_space<vmem_shared>>
      tpu.enqueue_dma source(%arg12 : memref<80x128xf32, #tpu.memory_space<vmem>>) target(%dma_start3A_55 : memref<80x128xf32, #tpu.memory_space<vmem_shared>>) target_semaphore(%run_scoped3A : memref<!tpu.dma_semaphore, #tpu.memory_space<semaphore_mem>>)
      %dma_wait3A_56 = arith.constant 0 : i32
      %dma_wait3A_57 = tpu.memref_slice %arg7[%add3A_8, %dma_wait3A_56] : memref<10000x128xf32, #tpu.memory_space<vmem_shared>> -> memref<80x128xf32, #tpu.memory_space<vmem_shared>>
      %dma_wait3A_58 = arith.constant 0 : i32
      %dma_wait3A_59 = tpu.memref_slice %arg7[%add3A_8, %dma_wait3A_58] : memref<10000x128xf32, #tpu.memory_space<vmem_shared>> -> memref<80x128xf32, #tpu.memory_space<vmem_shared>>
      tpu.wait_dma2 semaphore(%run_scoped3A : memref<!tpu.dma_semaphore, #tpu.memory_space<semaphore_mem>>) src(%arg12 : memref<80x128xf32, #tpu.memory_space<vmem>>) dst(%dma_wait3A_59 : memref<80x128xf32, #tpu.memory_space<vmem_shared>>)
      tpu.yield
    }) : () -> ()
    %add3A_9 = arith.constant 80 : i32
    %add3A_10 = arith.addi %mul3A_7, %add3A_9 : i32
    "tpu.region"() ({
      %run_scoped3A = tpu.sem_alloc : memref<!tpu.dma_semaphore, #tpu.memory_space<semaphore_mem>>
      %dma_start3A_52 = arith.constant 0 : i32
      %dma_start3A_53 = tpu.memref_slice %arg7[%add3A_10, %dma_start3A_52] : memref<10000x128xf32, #tpu.memory_space<vmem_shared>> -> memref<80x128xf32, #tpu.memory_space<vmem_shared>>
      %dma_start3A_54 = arith.constant 0 : i32
      %dma_start3A_55 = tpu.memref_slice %arg7[%add3A_10, %dma_start3A_54] : memref<10000x128xf32, #tpu.memory_space<vmem_shared>> -> memref<80x128xf32, #tpu.memory_space<vmem_shared>>
      tpu.enqueue_dma source(%arg12 : memref<80x128xf32, #tpu.memory_space<vmem>>) target(%dma_start3A_55 : memref<80x128xf32, #tpu.memory_space<vmem_shared>>) target_semaphore(%run_scoped3A : memref<!tpu.dma_semaphore, #tpu.memory_space<semaphore_mem>>)
      %dma_wait3A_56 = arith.constant 0 : i32
      %dma_wait3A_57 = tpu.memref_slice %arg7[%add3A_10, %dma_wait3A_56] : memref<10000x128xf32, #tpu.memory_space<vmem_shared>> -> memref<80x128xf32, #tpu.memory_space<vmem_shared>>
      %dma_wait3A_58 = arith.constant 0 : i32
      %dma_wait3A_59 = tpu.memref_slice %arg7[%add3A_10, %dma_wait3A_58] : memref<10000x128xf32, #tpu.memory_space<vmem_shared>> -> memref<80x128xf32, #tpu.memory_space<vmem_shared>>
      tpu.wait_dma2 semaphore(%run_scoped3A : memref<!tpu.dma_semaphore, #tpu.memory_space<semaphore_mem>>) src(%arg12 : memref<80x128xf32, #tpu.memory_space<vmem>>) dst(%dma_wait3A_59 : memref<80x128xf32, #tpu.memory_space<vmem_shared>>)
      tpu.yield
    }) : () -> ()
    %add3A_11 = arith.constant 160 : i32
    %add3A_12 = arith.addi %mul3A_7, %add3A_11 : i32
    "tpu.region"() ({
      %run_scoped3A = tpu.sem_alloc : memref<!tpu.dma_semaphore, #tpu.memory_space<semaphore_mem>>
      %dma_start3A_52 = arith.constant 0 : i32
      %dma_start3A_53 = tpu.memref_slice %arg7[%add3A_12, %dma_start3A_52] : memref<10000x128xf32, #tpu.memory_space<vmem_shared>> -> memref<80x128xf32, #tpu.memory_space<vmem_shared>>
      %dma_start3A_54 = arith.constant 0 : i32
      %dma_start3A_55 = tpu.memref_slice %arg7[%add3A_12, %dma_start3A_54] : memref<10000x128xf32, #tpu.memory_space<vmem_shared>> -> memref<80x128xf32, #tpu.memory_space<vmem_shared>>
      tpu.enqueue_dma source(%arg12 : memref<80x128xf32, #tpu.memory_space<vmem>>) target(%dma_start3A_55 : memref<80x128xf32, #tpu.memory_space<vmem_shared>>) target_semaphore(%run_scoped3A : memref<!tpu.dma_semaphore, #tpu.memory_space<semaphore_mem>>)
      %dma_wait3A_56 = arith.constant 0 : i32
      %dma_wait3A_57 = tpu.memref_slice %arg7[%add3A_12, %dma_wait3A_56] : memref<10000x128xf32, #tpu.memory_space<vmem_shared>> -> memref<80x128xf32, #tpu.memory_space<vmem_shared>>
      %dma_wait3A_58 = arith.constant 0 : i32
      %dma_wait3A_59 = tpu.memref_slice %arg7[%add3A_12, %dma_wait3A_58] : memref<10000x128xf32, #tpu.memory_space<vmem_shared>> -> memref<80x128xf32, #tpu.memory_space<vmem_shared>>
      tpu.wait_dma2 semaphore(%run_scoped3A : memref<!tpu.dma_semaphore, #tpu.memory_space<semaphore_mem>>) src(%arg12 : memref<80x128xf32, #tpu.memory_space<vmem>>) dst(%dma_wait3A_59 : memref<80x128xf32, #tpu.memory_space<vmem_shared>>)
      tpu.yield
    }) : () -> ()
    %add3A_13 = arith.constant 240 : i32
    %add3A_14 = arith.addi %mul3A_7, %add3A_13 : i32
    "tpu.region"() ({
      %run_scoped3A = tpu.sem_alloc : memref<!tpu.dma_semaphore, #tpu.memory_space<semaphore_mem>>
      %dma_start3A_52 = arith.constant 0 : i32
      %dma_start3A_53 = tpu.memref_slice %arg7[%add3A_14, %dma_start3A_52] : memref<10000x128xf32, #tpu.memory_space<vmem_shared>> -> memref<80x128xf32, #tpu.memory_space<vmem_shared>>
      %dma_start3A_54 = arith.constant 0 : i32
      %dma_start3A_55 = tpu.memref_slice %arg7[%add3A_14, %dma_start3A_54] : memref<10000x128xf32, #tpu.memory_space<vmem_shared>> -> memref<80x128xf32, #tpu.memory_space<vmem_shared>>
      tpu.enqueue_dma source(%arg12 : memref<80x128xf32, #tpu.memory_space<vmem>>) target(%dma_start3A_55 : memref<80x128xf32, #tpu.memory_space<vmem_shared>>) target_semaphore(%run_scoped3A : memref<!tpu.dma_semaphore, #tpu.memory_space<semaphore_mem>>)
      %dma_wait3A_56 = arith.constant 0 : i32
      %dma_wait3A_57 = tpu.memref_slice %arg7[%add3A_14, %dma_wait3A_56] : memref<10000x128xf32, #tpu.memory_space<vmem_shared>> -> memref<80x128xf32, #tpu.memory_space<vmem_shared>>
      %dma_wait3A_58 = arith.constant 0 : i32
      %dma_wait3A_59 = tpu.memref_slice %arg7[%add3A_14, %dma_wait3A_58] : memref<10000x128xf32, #tpu.memory_space<vmem_shared>> -> memref<80x128xf32, #tpu.memory_space<vmem_shared>>
      tpu.wait_dma2 semaphore(%run_scoped3A : memref<!tpu.dma_semaphore, #tpu.memory_space<semaphore_mem>>) src(%arg12 : memref<80x128xf32, #tpu.memory_space<vmem>>) dst(%dma_wait3A_59 : memref<80x128xf32, #tpu.memory_space<vmem_shared>>)
      tpu.yield
    }) : () -> ()
    %add3A_15 = arith.constant 320 : i32
    %add3A_16 = arith.addi %mul3A_7, %add3A_15 : i32
    "tpu.region"() ({
      %run_scoped3A = tpu.sem_alloc : memref<!tpu.dma_semaphore, #tpu.memory_space<semaphore_mem>>
      %dma_start3A_52 = arith.constant 0 : i32
      %dma_start3A_53 = tpu.memref_slice %arg7[%add3A_16, %dma_start3A_52] : memref<10000x128xf32, #tpu.memory_space<vmem_shared>> -> memref<80x128xf32, #tpu.memory_space<vmem_shared>>
      %dma_start3A_54 = arith.constant 0 : i32
      %dma_start3A_55 = tpu.memref_slice %arg7[%add3A_16, %dma_start3A_54] : memref<10000x128xf32, #tpu.memory_space<vmem_shared>> -> memref<80x128xf32, #tpu.memory_space<vmem_shared>>
      tpu.enqueue_dma source(%arg12 : memref<80x128xf32, #tpu.memory_space<vmem>>) target(%dma_start3A_55 : memref<80x128xf32, #tpu.memory_space<vmem_shared>>) target_semaphore(%run_scoped3A : memref<!tpu.dma_semaphore, #tpu.memory_space<semaphore_mem>>)
      %dma_wait3A_56 = arith.constant 0 : i32
      %dma_wait3A_57 = tpu.memref_slice %arg7[%add3A_16, %dma_wait3A_56] : memref<10000x128xf32, #tpu.memory_space<vmem_shared>> -> memref<80x128xf32, #tpu.memory_space<vmem_shared>>
      %dma_wait3A_58 = arith.constant 0 : i32
      %dma_wait3A_59 = tpu.memref_slice %arg7[%add3A_16, %dma_wait3A_58] : memref<10000x128xf32, #tpu.memory_space<vmem_shared>> -> memref<80x128xf32, #tpu.memory_space<vmem_shared>>
      tpu.wait_dma2 semaphore(%run_scoped3A : memref<!tpu.dma_semaphore, #tpu.memory_space<semaphore_mem>>) src(%arg12 : memref<80x128xf32, #tpu.memory_space<vmem>>) dst(%dma_wait3A_59 : memref<80x128xf32, #tpu.memory_space<vmem_shared>>)
      tpu.yield
    }) : () -> ()
    %add3A_17 = arith.constant 400 : i32
    %add3A_18 = arith.addi %mul3A_7, %add3A_17 : i32
    "tpu.region"() ({
      %run_scoped3A = tpu.sem_alloc : memref<!tpu.dma_semaphore, #tpu.memory_space<semaphore_mem>>
      %dma_start3A_52 = arith.constant 0 : i32
      %dma_start3A_53 = tpu.memref_slice %arg7[%add3A_18, %dma_start3A_52] : memref<10000x128xf32, #tpu.memory_space<vmem_shared>> -> memref<80x128xf32, #tpu.memory_space<vmem_shared>>
      %dma_start3A_54 = arith.constant 0 : i32
      %dma_start3A_55 = tpu.memref_slice %arg7[%add3A_18, %dma_start3A_54] : memref<10000x128xf32, #tpu.memory_space<vmem_shared>> -> memref<80x128xf32, #tpu.memory_space<vmem_shared>>
      tpu.enqueue_dma source(%arg12 : memref<80x128xf32, #tpu.memory_space<vmem>>) target(%dma_start3A_55 : memref<80x128xf32, #tpu.memory_space<vmem_shared>>) target_semaphore(%run_scoped3A : memref<!tpu.dma_semaphore, #tpu.memory_space<semaphore_mem>>)
      %dma_wait3A_56 = arith.constant 0 : i32
      %dma_wait3A_57 = tpu.memref_slice %arg7[%add3A_18, %dma_wait3A_56] : memref<10000x128xf32, #tpu.memory_space<vmem_shared>> -> memref<80x128xf32, #tpu.memory_space<vmem_shared>>
      %dma_wait3A_58 = arith.constant 0 : i32
      %dma_wait3A_59 = tpu.memref_slice %arg7[%add3A_18, %dma_wait3A_58] : memref<10000x128xf32, #tpu.memory_space<vmem_shared>> -> memref<80x128xf32, #tpu.memory_space<vmem_shared>>
      tpu.wait_dma2 semaphore(%run_scoped3A : memref<!tpu.dma_semaphore, #tpu.memory_space<semaphore_mem>>) src(%arg12 : memref<80x128xf32, #tpu.memory_space<vmem>>) dst(%dma_wait3A_59 : memref<80x128xf32, #tpu.memory_space<vmem_shared>>)
      tpu.yield
    }) : () -> ()
    %add3A_19 = arith.constant 480 : i32
    %add3A_20 = arith.addi %mul3A_7, %add3A_19 : i32
    "tpu.region"() ({
      %run_scoped3A = tpu.sem_alloc : memref<!tpu.dma_semaphore, #tpu.memory_space<semaphore_mem>>
      %dma_start3A_52 = arith.constant 0 : i32
      %dma_start3A_53 = tpu.memref_slice %arg7[%add3A_20, %dma_start3A_52] : memref<10000x128xf32, #tpu.memory_space<vmem_shared>> -> memref<80x128xf32, #tpu.memory_space<vmem_shared>>
      %dma_start3A_54 = arith.constant 0 : i32
      %dma_start3A_55 = tpu.memref_slice %arg7[%add3A_20, %dma_start3A_54] : memref<10000x128xf32, #tpu.memory_space<vmem_shared>> -> memref<80x128xf32, #tpu.memory_space<vmem_shared>>
      tpu.enqueue_dma source(%arg12 : memref<80x128xf32, #tpu.memory_space<vmem>>) target(%dma_start3A_55 : memref<80x128xf32, #tpu.memory_space<vmem_shared>>) target_semaphore(%run_scoped3A : memref<!tpu.dma_semaphore, #tpu.memory_space<semaphore_mem>>)
      %dma_wait3A_56 = arith.constant 0 : i32
      %dma_wait3A_57 = tpu.memref_slice %arg7[%add3A_20, %dma_wait3A_56] : memref<10000x128xf32, #tpu.memory_space<vmem_shared>> -> memref<80x128xf32, #tpu.memory_space<vmem_shared>>
      %dma_wait3A_58 = arith.constant 0 : i32
      %dma_wait3A_59 = tpu.memref_slice %arg7[%add3A_20, %dma_wait3A_58] : memref<10000x128xf32, #tpu.memory_space<vmem_shared>> -> memref<80x128xf32, #tpu.memory_space<vmem_shared>>
      tpu.wait_dma2 semaphore(%run_scoped3A : memref<!tpu.dma_semaphore, #tpu.memory_space<semaphore_mem>>) src(%arg12 : memref<80x128xf32, #tpu.memory_space<vmem>>) dst(%dma_wait3A_59 : memref<80x128xf32, #tpu.memory_space<vmem_shared>>)
      tpu.yield
    }) : () -> ()
    %add3A_21 = arith.constant 560 : i32
    %add3A_22 = arith.addi %mul3A_7, %add3A_21 : i32
    "tpu.region"() ({
      %run_scoped3A = tpu.sem_alloc : memref<!tpu.dma_semaphore, #tpu.memory_space<semaphore_mem>>
      %dma_start3A_52 = arith.constant 0 : i32
      %dma_start3A_53 = arith.constant 0 : i32
      %dma_start3A_54 = tpu.memref_slice %arg12[%dma_start3A_52, %dma_start3A_53] : memref<80x128xf32, #tpu.memory_space<vmem>> -> memref<64x128xf32, #tpu.memory_space<vmem>>
      %dma_start3A_55 = arith.constant 0 : i32
      %dma_start3A_56 = tpu.memref_slice %arg7[%add3A_22, %dma_start3A_55] : memref<10000x128xf32, #tpu.memory_space<vmem_shared>> -> memref<64x128xf32, #tpu.memory_space<vmem_shared>>
      %dma_start3A_57 = arith.constant 0 : i32
      %dma_start3A_58 = tpu.memref_slice %arg7[%add3A_22, %dma_start3A_57] : memref<10000x128xf32, #tpu.memory_space<vmem_shared>> -> memref<64x128xf32, #tpu.memory_space<vmem_shared>>
      %dma_start3A_59 = arith.constant 0 : i32
      %dma_start3A_60 = arith.constant 0 : i32
      %dma_start3A_61 = tpu.memref_slice %arg12[%dma_start3A_59, %dma_start3A_60] : memref<80x128xf32, #tpu.memory_space<vmem>> -> memref<64x128xf32, #tpu.memory_space<vmem>>
      tpu.enqueue_dma source(%dma_start3A_61 : memref<64x128xf32, #tpu.memory_space<vmem>>) target(%dma_start3A_58 : memref<64x128xf32, #tpu.memory_space<vmem_shared>>) target_semaphore(%run_scoped3A : memref<!tpu.dma_semaphore, #tpu.memory_space<semaphore_mem>>)
      %dma_wait3A_62 = arith.constant 0 : i32
      %dma_wait3A_63 = arith.constant 0 : i32
      %dma_wait3A_64 = tpu.memref_slice %arg12[%dma_wait3A_62, %dma_wait3A_63] : memref<80x128xf32, #tpu.memory_space<vmem>> -> memref<64x128xf32, #tpu.memory_space<vmem>>
      %dma_wait3A_65 = arith.constant 0 : i32
      %dma_wait3A_66 = tpu.memref_slice %arg7[%add3A_22, %dma_wait3A_65] : memref<10000x128xf32, #tpu.memory_space<vmem_shared>> -> memref<64x128xf32, #tpu.memory_space<vmem_shared>>
      %dma_wait3A_67 = arith.constant 0 : i32
      %dma_wait3A_68 = tpu.memref_slice %arg7[%add3A_22, %dma_wait3A_67] : memref<10000x128xf32, #tpu.memory_space<vmem_shared>> -> memref<64x128xf32, #tpu.memory_space<vmem_shared>>
      %dma_wait3A_69 = arith.constant 0 : i32
      %dma_wait3A_70 = arith.constant 0 : i32
      %dma_wait3A_71 = tpu.memref_slice %arg12[%dma_wait3A_69, %dma_wait3A_70] : memref<80x128xf32, #tpu.memory_space<vmem>> -> memref<64x128xf32, #tpu.memory_space<vmem>>
      tpu.wait_dma2 semaphore(%run_scoped3A : memref<!tpu.dma_semaphore, #tpu.memory_space<semaphore_mem>>) src(%dma_wait3A_71 : memref<64x128xf32, #tpu.memory_space<vmem>>) dst(%dma_wait3A_68 : memref<64x128xf32, #tpu.memory_space<vmem_shared>>)
      tpu.yield
    }) : () -> ()
    %eq3A = arith.constant 15 : i32
    %eq3A_23 = arith.cmpi eq, %arg1, %eq3A : i32
    %convert_element_type3A = arith.extui %eq3A_23 : i1 to i32
    %cond3A = arith.constant 0 : i32
    %cond3A_24 = arith.cmpi ne, %convert_element_type3A, %cond3A : i32
    scf.if %cond3A_24 {
      "tpu.region"() ({
        %run_scoped3A = tpu.sem_alloc : memref<!tpu.dma_semaphore, #tpu.memory_space<semaphore_mem>>
        %dma_start3A_52 = arith.constant 0 : i32
        %dma_start3A_53 = arith.constant 0 : i32
        %dma_start3A_54 = tpu.memref_slice %arg12[%dma_start3A_52, %dma_start3A_53] : memref<80x128xf32, #tpu.memory_space<vmem>> -> memref<16x128xf32, #tpu.memory_space<vmem>>
        %dma_start3A_55 = arith.constant 9984 : i32
        %dma_start3A_56 = arith.constant 0 : i32
        %dma_start3A_57 = tpu.memref_slice %arg7[%dma_start3A_55, %dma_start3A_56] : memref<10000x128xf32, #tpu.memory_space<vmem_shared>> -> memref<16x128xf32, #tpu.memory_space<vmem_shared>>
        %dma_start3A_58 = arith.constant 9984 : i32
        %dma_start3A_59 = arith.constant 0 : i32
        %dma_start3A_60 = tpu.memref_slice %arg7[%dma_start3A_58, %dma_start3A_59] : memref<10000x128xf32, #tpu.memory_space<vmem_shared>> -> memref<16x128xf32, #tpu.memory_space<vmem_shared>>
        %dma_start3A_61 = arith.constant 0 : i32
        %dma_start3A_62 = arith.constant 0 : i32
        %dma_start3A_63 = tpu.memref_slice %arg12[%dma_start3A_61, %dma_start3A_62] : memref<80x128xf32, #tpu.memory_space<vmem>> -> memref<16x128xf32, #tpu.memory_space<vmem>>
        tpu.enqueue_dma source(%dma_start3A_63 : memref<16x128xf32, #tpu.memory_space<vmem>>) target(%dma_start3A_60 : memref<16x128xf32, #tpu.memory_space<vmem_shared>>) target_semaphore(%run_scoped3A : memref<!tpu.dma_semaphore, #tpu.memory_space<semaphore_mem>>)
        %dma_wait3A_64 = arith.constant 0 : i32
        %dma_wait3A_65 = arith.constant 0 : i32
        %dma_wait3A_66 = tpu.memref_slice %arg12[%dma_wait3A_64, %dma_wait3A_65] : memref<80x128xf32, #tpu.memory_space<vmem>> -> memref<16x128xf32, #tpu.memory_space<vmem>>
        %dma_wait3A_67 = arith.constant 9984 : i32
        %dma_wait3A_68 = arith.constant 0 : i32
        %dma_wait3A_69 = tpu.memref_slice %arg7[%dma_wait3A_67, %dma_wait3A_68] : memref<10000x128xf32, #tpu.memory_space<vmem_shared>> -> memref<16x128xf32, #tpu.memory_space<vmem_shared>>
        %dma_wait3A_70 = arith.constant 9984 : i32
        %dma_wait3A_71 = arith.constant 0 : i32
        %dma_wait3A_72 = tpu.memref_slice %arg7[%dma_wait3A_70, %dma_wait3A_71] : memref<10000x128xf32, #tpu.memory_space<vmem_shared>> -> memref<16x128xf32, #tpu.memory_space<vmem_shared>>
        %dma_wait3A_73 = arith.constant 0 : i32
        %dma_wait3A_74 = arith.constant 0 : i32
        %dma_wait3A_75 = tpu.memref_slice %arg12[%dma_wait3A_73, %dma_wait3A_74] : memref<80x128xf32, #tpu.memory_space<vmem>> -> memref<16x128xf32, #tpu.memory_space<vmem>>
        tpu.wait_dma2 semaphore(%run_scoped3A : memref<!tpu.dma_semaphore, #tpu.memory_space<semaphore_mem>>) src(%dma_wait3A_75 : memref<16x128xf32, #tpu.memory_space<vmem>>) dst(%dma_wait3A_72 : memref<16x128xf32, #tpu.memory_space<vmem_shared>>)
        tpu.yield
      }) : () -> ()
    } else {
    }
    %barrier3A = arith.constant 0 : index
    tpu.barrier barrier_id(%barrier3A)
    %mul3A_25 = arith.constant 160000 : i32
    %mul3A_26 = arith.muli %arg0, %mul3A_25 : i32
    %mul3A_27 = arith.constant 10000 : i32
    %mul3A_28 = arith.muli %arg1, %mul3A_27 : i32
    %add3A_29 = arith.addi %mul3A_26, %mul3A_28 : i32
    "tpu.region"() ({
      %run_scoped3A = tpu.sem_alloc : memref<!tpu.dma_semaphore, #tpu.memory_space<semaphore_mem>>
      %dma_start3A_52 = tpu.memref_slice %arg3[%add3A_29] : memref<320000xi32, #tpu.memory_space<hbm>> -> memref<80xi32, #tpu.memory_space<hbm>>
      %dma_start3A_53 = tpu.memref_slice %arg3[%add3A_29] : memref<320000xi32, #tpu.memory_space<hbm>> -> memref<80xi32, #tpu.memory_space<hbm>>
      tpu.enqueue_dma source(%dma_start3A_53 : memref<80xi32, #tpu.memory_space<hbm>>) target(%arg8 : memref<80xi32, #tpu.memory_space<vmem>>) target_semaphore(%run_scoped3A : memref<!tpu.dma_semaphore, #tpu.memory_space<semaphore_mem>>)
      %dma_wait3A_54 = tpu.memref_slice %arg3[%add3A_29] : memref<320000xi32, #tpu.memory_space<hbm>> -> memref<80xi32, #tpu.memory_space<hbm>>
      %dma_wait3A_55 = tpu.memref_slice %arg3[%add3A_29] : memref<320000xi32, #tpu.memory_space<hbm>> -> memref<80xi32, #tpu.memory_space<hbm>>
      tpu.wait_dma2 semaphore(%run_scoped3A : memref<!tpu.dma_semaphore, #tpu.memory_space<semaphore_mem>>) src(%dma_wait3A_55 : memref<80xi32, #tpu.memory_space<hbm>>) dst(%arg8 : memref<80xi32, #tpu.memory_space<vmem>>)
      tpu.yield
    }) : () -> ()
    "tpu.region"() ({
      %run_scoped3A = tpu.sem_alloc : memref<!tpu.dma_semaphore, #tpu.memory_space<semaphore_mem>>
      %dma_start3A_52 = tpu.memref_slice %arg4[%add3A_29] : memref<320000xi32, #tpu.memory_space<hbm>> -> memref<80xi32, #tpu.memory_space<hbm>>
      %dma_start3A_53 = tpu.memref_slice %arg4[%add3A_29] : memref<320000xi32, #tpu.memory_space<hbm>> -> memref<80xi32, #tpu.memory_space<hbm>>
      tpu.enqueue_dma source(%dma_start3A_53 : memref<80xi32, #tpu.memory_space<hbm>>) target(%arg9 : memref<80xi32, #tpu.memory_space<vmem>>) target_semaphore(%run_scoped3A : memref<!tpu.dma_semaphore, #tpu.memory_space<semaphore_mem>>)
      %dma_wait3A_54 = tpu.memref_slice %arg4[%add3A_29] : memref<320000xi32, #tpu.memory_space<hbm>> -> memref<80xi32, #tpu.memory_space<hbm>>
      %dma_wait3A_55 = tpu.memref_slice %arg4[%add3A_29] : memref<320000xi32, #tpu.memory_space<hbm>> -> memref<80xi32, #tpu.memory_space<hbm>>
      tpu.wait_dma2 semaphore(%run_scoped3A : memref<!tpu.dma_semaphore, #tpu.memory_space<semaphore_mem>>) src(%dma_wait3A_55 : memref<80xi32, #tpu.memory_space<hbm>>) dst(%arg9 : memref<80xi32, #tpu.memory_space<vmem>>)
      tpu.yield
    }) : () -> ()
    %dma_start3A = arith.constant 0 : i32
    %dma_start3A_30 = arith.constant 0 : i32
    %dma_start3A_31 = tpu.memref_slice %arg2[%dma_start3A, %dma_start3A_30] : memref<10000x128xf32, #tpu.memory_space<hbm>> -> memref<10000x128xf32, #tpu.memory_space<hbm>>
    tpu.enqueue_indirect_dma source(%dma_start3A_31 : memref<10000x128xf32, #tpu.memory_space<hbm>>) target(%arg12 : memref<80x128xf32, #tpu.memory_space<vmem>>) offsets(%arg8 : memref<80xi32, #tpu.memory_space<vmem>>) semaphore(%arg14 : memref<!tpu.dma_semaphore, #tpu.memory_space<semaphore_mem>>)
    %scan3A_32 = arith.constant 0 : i32
    %scan3A_33 = arith.constant 0 : i32
    %scan3A_34 = arith.constant 62 : i32
    %scan3A_35 = arith.addi %scan3A_33, %scan3A_34 : i32
    %scan3A_36 = arith.constant 1 : i32
    %scan3A_37 = scf.for %scan3A_52 = %scan3A_33 to %scan3A_35 step %scan3A_36 iter_args(%scan3A_53 = %scan3A_32) -> (i32)  : i32 {
      %mul3A_54 = arith.constant 2 : i32
      %mul3A_55 = arith.muli %mul3A_54, %scan3A_52 : i32
      %add3A_56 = arith.constant 1 : i32
      %add3A_57 = arith.addi %mul3A_55, %add3A_56 : i32
      %mul3A_58 = arith.constant 80 : i32
      %mul3A_59 = arith.muli %add3A_57, %mul3A_58 : i32
      %add3A_60 = arith.addi %add3A_29, %mul3A_59 : i32
      "tpu.region"() ({
        %run_scoped3A = tpu.sem_alloc : memref<!tpu.dma_semaphore, #tpu.memory_space<semaphore_mem>>
        %dma_start3A_77 = tpu.memref_slice %arg3[%add3A_60] : memref<320000xi32, #tpu.memory_space<hbm>> -> memref<80xi32, #tpu.memory_space<hbm>>
        %dma_start3A_78 = tpu.memref_slice %arg3[%add3A_60] : memref<320000xi32, #tpu.memory_space<hbm>> -> memref<80xi32, #tpu.memory_space<hbm>>
        tpu.enqueue_dma source(%dma_start3A_78 : memref<80xi32, #tpu.memory_space<hbm>>) target(%arg10 : memref<80xi32, #tpu.memory_space<vmem>>) target_semaphore(%run_scoped3A : memref<!tpu.dma_semaphore, #tpu.memory_space<semaphore_mem>>)
        %dma_wait3A_79 = tpu.memref_slice %arg3[%add3A_60] : memref<320000xi32, #tpu.memory_space<hbm>> -> memref<80xi32, #tpu.memory_space<hbm>>
        %dma_wait3A_80 = tpu.memref_slice %arg3[%add3A_60] : memref<320000xi32, #tpu.memory_space<hbm>> -> memref<80xi32, #tpu.memory_space<hbm>>
        tpu.wait_dma2 semaphore(%run_scoped3A : memref<!tpu.dma_semaphore, #tpu.memory_space<semaphore_mem>>) src(%dma_wait3A_80 : memref<80xi32, #tpu.memory_space<hbm>>) dst(%arg10 : memref<80xi32, #tpu.memory_space<vmem>>)
        tpu.yield
      }) : () -> ()
      "tpu.region"() ({
        %run_scoped3A = tpu.sem_alloc : memref<!tpu.dma_semaphore, #tpu.memory_space<semaphore_mem>>
        %dma_start3A_77 = tpu.memref_slice %arg4[%add3A_60] : memref<320000xi32, #tpu.memory_space<hbm>> -> memref<80xi32, #tpu.memory_space<hbm>>
        %dma_start3A_78 = tpu.memref_slice %arg4[%add3A_60] : memref<320000xi32, #tpu.memory_space<hbm>> -> memref<80xi32, #tpu.memory_space<hbm>>
        tpu.enqueue_dma source(%dma_start3A_78 : memref<80xi32, #tpu.memory_space<hbm>>) target(%arg11 : memref<80xi32, #tpu.memory_space<vmem>>) target_semaphore(%run_scoped3A : memref<!tpu.dma_semaphore, #tpu.memory_space<semaphore_mem>>)
        %dma_wait3A_79 = tpu.memref_slice %arg4[%add3A_60] : memref<320000xi32, #tpu.memory_space<hbm>> -> memref<80xi32, #tpu.memory_space<hbm>>
        %dma_wait3A_80 = tpu.memref_slice %arg4[%add3A_60] : memref<320000xi32, #tpu.memory_space<hbm>> -> memref<80xi32, #tpu.memory_space<hbm>>
        tpu.wait_dma2 semaphore(%run_scoped3A : memref<!tpu.dma_semaphore, #tpu.memory_space<semaphore_mem>>) src(%dma_wait3A_80 : memref<80xi32, #tpu.memory_space<hbm>>) dst(%arg11 : memref<80xi32, #tpu.memory_space<vmem>>)
        tpu.yield
      }) : () -> ()
      %dma_start3A_61 = arith.constant 0 : i32
      %dma_start3A_62 = arith.constant 0 : i32
      %dma_start3A_63 = tpu.memref_slice %arg2[%dma_start3A_61, %dma_start3A_62] : memref<10000x128xf32, #tpu.memory_space<hbm>> -> memref<10000x128xf32, #tpu.memory_space<hbm>>
      tpu.enqueue_indirect_dma source(%dma_start3A_63 : memref<10000x128xf32, #tpu.memory_space<hbm>>) target(%arg13 : memref<80x128xf32, #tpu.memory_space<vmem>>) offsets(%arg10 : memref<80xi32, #tpu.memory_space<vmem>>) semaphore(%arg15 : memref<!tpu.dma_semaphore, #tpu.memory_space<semaphore_mem>>)
      %dma_wait3A_64 = arith.constant 0 : i32
      %dma_wait3A_65 = arith.constant 0 : i32
      %dma_wait3A_66 = tpu.memref_slice %arg2[%dma_wait3A_64, %dma_wait3A_65] : memref<10000x128xf32, #tpu.memory_space<hbm>> -> memref<10000x128xf32, #tpu.memory_space<hbm>>
      tpu.wait_indirect_dma semaphore(%arg14 : memref<!tpu.dma_semaphore, #tpu.memory_space<semaphore_mem>>) src(%dma_wait3A_66 : memref<10000x128xf32, #tpu.memory_space<hbm>>) dst(%arg12 : memref<80x128xf32, #tpu.memory_space<vmem>>)
      "tpu.region"() ({
        %run_scoped3A = tpu.sem_alloc : memref<!tpu.dma_semaphore, #tpu.memory_space<semaphore_mem>>
        %dma_start3A_77 = arith.constant 0 : i32
        %dma_start3A_78 = arith.constant 0 : i32
        %dma_start3A_79 = tpu.memref_slice %arg7[%dma_start3A_77, %dma_start3A_78] : memref<10000x128xf32, #tpu.memory_space<vmem_shared>> -> memref<10000x128xf32, #tpu.memory_space<vmem_shared>>
        tpu.enqueue_indirect_dma source(%arg12 : memref<80x128xf32, #tpu.memory_space<vmem>>) target(%dma_start3A_79 : memref<10000x128xf32, #tpu.memory_space<vmem_shared>>) offsets(%arg9 : memref<80xi32, #tpu.memory_space<vmem>>) semaphore(%run_scoped3A : memref<!tpu.dma_semaphore, #tpu.memory_space<semaphore_mem>>) {add = true}
        %dma_wait3A_80 = arith.constant 0 : i32
        %dma_wait3A_81 = arith.constant 0 : i32
        %dma_wait3A_82 = tpu.memref_slice %arg7[%dma_wait3A_80, %dma_wait3A_81] : memref<10000x128xf32, #tpu.memory_space<vmem_shared>> -> memref<10000x128xf32, #tpu.memory_space<vmem_shared>>
        tpu.wait_indirect_dma semaphore(%run_scoped3A : memref<!tpu.dma_semaphore, #tpu.memory_space<semaphore_mem>>) src(%arg12 : memref<80x128xf32, #tpu.memory_space<vmem>>) dst(%dma_wait3A_82 : memref<10000x128xf32, #tpu.memory_space<vmem_shared>>)
        tpu.yield
      }) : () -> ()
      %add3A_67 = arith.constant 1 : i32
      %add3A_68 = arith.addi %add3A_57, %add3A_67 : i32
      %lt3A = arith.constant 125 : i32
      %lt3A_69 = arith.cmpi slt, %add3A_68, %lt3A : i32
      %convert_element_type3A_70 = arith.extui %lt3A_69 : i1 to i32
      %cond3A_71 = arith.constant 0 : i32
      %cond3A_72 = arith.cmpi ne, %convert_element_type3A_70, %cond3A_71 : i32
      scf.if %cond3A_72 {
        %add3A_77 = arith.constant 1 : i32
        %add3A_78 = arith.addi %add3A_57, %add3A_77 : i32
        %mul3A_79 = arith.constant 80 : i32
        %mul3A_80 = arith.muli %add3A_78, %mul3A_79 : i32
        %add3A_81 = arith.addi %add3A_29, %mul3A_80 : i32
        "tpu.region"() ({
          %run_scoped3A = tpu.sem_alloc : memref<!tpu.dma_semaphore, #tpu.memory_space<semaphore_mem>>
          %dma_start3A_85 = tpu.memref_slice %arg3[%add3A_81] : memref<320000xi32, #tpu.memory_space<hbm>> -> memref<80xi32, #tpu.memory_space<hbm>>
          %dma_start3A_86 = tpu.memref_slice %arg3[%add3A_81] : memref<320000xi32, #tpu.memory_space<hbm>> -> memref<80xi32, #tpu.memory_space<hbm>>
          tpu.enqueue_dma source(%dma_start3A_86 : memref<80xi32, #tpu.memory_space<hbm>>) target(%arg8 : memref<80xi32, #tpu.memory_space<vmem>>) target_semaphore(%run_scoped3A : memref<!tpu.dma_semaphore, #tpu.memory_space<semaphore_mem>>)
          %dma_wait3A_87 = tpu.memref_slice %arg3[%add3A_81] : memref<320000xi32, #tpu.memory_space<hbm>> -> memref<80xi32, #tpu.memory_space<hbm>>
          %dma_wait3A_88 = tpu.memref_slice %arg3[%add3A_81] : memref<320000xi32, #tpu.memory_space<hbm>> -> memref<80xi32, #tpu.memory_space<hbm>>
          tpu.wait_dma2 semaphore(%run_scoped3A : memref<!tpu.dma_semaphore, #tpu.memory_space<semaphore_mem>>) src(%dma_wait3A_88 : memref<80xi32, #tpu.memory_space<hbm>>) dst(%arg8 : memref<80xi32, #tpu.memory_space<vmem>>)
          tpu.yield
        }) : () -> ()
        "tpu.region"() ({
          %run_scoped3A = tpu.sem_alloc : memref<!tpu.dma_semaphore, #tpu.memory_space<semaphore_mem>>
          %dma_start3A_85 = tpu.memref_slice %arg4[%add3A_81] : memref<320000xi32, #tpu.memory_space<hbm>> -> memref<80xi32, #tpu.memory_space<hbm>>
          %dma_start3A_86 = tpu.memref_slice %arg4[%add3A_81] : memref<320000xi32, #tpu.memory_space<hbm>> -> memref<80xi32, #tpu.memory_space<hbm>>
          tpu.enqueue_dma source(%dma_start3A_86 : memref<80xi32, #tpu.memory_space<hbm>>) target(%arg9 : memref<80xi32, #tpu.memory_space<vmem>>) target_semaphore(%run_scoped3A : memref<!tpu.dma_semaphore, #tpu.memory_space<semaphore_mem>>)
          %dma_wait3A_87 = tpu.memref_slice %arg4[%add3A_81] : memref<320000xi32, #tpu.memory_space<hbm>> -> memref<80xi32, #tpu.memory_space<hbm>>
          %dma_wait3A_88 = tpu.memref_slice %arg4[%add3A_81] : memref<320000xi32, #tpu.memory_space<hbm>> -> memref<80xi32, #tpu.memory_space<hbm>>
          tpu.wait_dma2 semaphore(%run_scoped3A : memref<!tpu.dma_semaphore, #tpu.memory_space<semaphore_mem>>) src(%dma_wait3A_88 : memref<80xi32, #tpu.memory_space<hbm>>) dst(%arg9 : memref<80xi32, #tpu.memory_space<vmem>>)
          tpu.yield
        }) : () -> ()
        %dma_start3A_82 = arith.constant 0 : i32
        %dma_start3A_83 = arith.constant 0 : i32
        %dma_start3A_84 = tpu.memref_slice %arg2[%dma_start3A_82, %dma_start3A_83] : memref<10000x128xf32, #tpu.memory_space<hbm>> -> memref<10000x128xf32, #tpu.memory_space<hbm>>
        tpu.enqueue_indirect_dma source(%dma_start3A_84 : memref<10000x128xf32, #tpu.memory_space<hbm>>) target(%arg12 : memref<80x128xf32, #tpu.memory_space<vmem>>) offsets(%arg8 : memref<80xi32, #tpu.memory_space<vmem>>) semaphore(%arg14 : memref<!tpu.dma_semaphore, #tpu.memory_space<semaphore_mem>>)
      } else {
      }
      %dma_wait3A_73 = arith.constant 0 : i32
      %dma_wait3A_74 = arith.constant 0 : i32
      %dma_wait3A_75 = tpu.memref_slice %arg2[%dma_wait3A_73, %dma_wait3A_74] : memref<10000x128xf32, #tpu.memory_space<hbm>> -> memref<10000x128xf32, #tpu.memory_space<hbm>>
      tpu.wait_indirect_dma semaphore(%arg15 : memref<!tpu.dma_semaphore, #tpu.memory_space<semaphore_mem>>) src(%dma_wait3A_75 : memref<10000x128xf32, #tpu.memory_space<hbm>>) dst(%arg13 : memref<80x128xf32, #tpu.memory_space<vmem>>)
      "tpu.region"() ({
        %run_scoped3A = tpu.sem_alloc : memref<!tpu.dma_semaphore, #tpu.memory_space<semaphore_mem>>
        %dma_start3A_77 = arith.constant 0 : i32
        %dma_start3A_78 = arith.constant 0 : i32
        %dma_start3A_79 = tpu.memref_slice %arg7[%dma_start3A_77, %dma_start3A_78] : memref<10000x128xf32, #tpu.memory_space<vmem_shared>> -> memref<10000x128xf32, #tpu.memory_space<vmem_shared>>
        tpu.enqueue_indirect_dma source(%arg13 : memref<80x128xf32, #tpu.memory_space<vmem>>) target(%dma_start3A_79 : memref<10000x128xf32, #tpu.memory_space<vmem_shared>>) offsets(%arg11 : memref<80xi32, #tpu.memory_space<vmem>>) semaphore(%run_scoped3A : memref<!tpu.dma_semaphore, #tpu.memory_space<semaphore_mem>>) {add = true}
        %dma_wait3A_80 = arith.constant 0 : i32
        %dma_wait3A_81 = arith.constant 0 : i32
        %dma_wait3A_82 = tpu.memref_slice %arg7[%dma_wait3A_80, %dma_wait3A_81] : memref<10000x128xf32, #tpu.memory_space<vmem_shared>> -> memref<10000x128xf32, #tpu.memory_space<vmem_shared>>
        tpu.wait_indirect_dma semaphore(%run_scoped3A : memref<!tpu.dma_semaphore, #tpu.memory_space<semaphore_mem>>) src(%arg13 : memref<80x128xf32, #tpu.memory_space<vmem>>) dst(%dma_wait3A_82 : memref<10000x128xf32, #tpu.memory_space<vmem_shared>>)
        tpu.yield
      }) : () -> ()
      %scan3A_76 = arith.constant 0 : i32
      scf.yield %scan3A_76 : i32
    }
    %scan3A_38 = arith.constant 62 : i32
    %dma_wait3A = arith.constant 0 : i32
    %dma_wait3A_39 = arith.constant 0 : i32
    %dma_wait3A_40 = tpu.memref_slice %arg2[%dma_wait3A, %dma_wait3A_39] : memref<10000x128xf32, #tpu.memory_space<hbm>> -> memref<10000x128xf32, #tpu.memory_space<hbm>>
    tpu.wait_indirect_dma semaphore(%arg14 : memref<!tpu.dma_semaphore, #tpu.memory_space<semaphore_mem>>) src(%dma_wait3A_40 : memref<10000x128xf32, #tpu.memory_space<hbm>>) dst(%arg12 : memref<80x128xf32, #tpu.memory_space<vmem>>)
    "tpu.region"() ({
      %run_scoped3A = tpu.sem_alloc : memref<!tpu.dma_semaphore, #tpu.memory_space<semaphore_mem>>
      %dma_start3A_52 = arith.constant 0 : i32
      %dma_start3A_53 = arith.constant 0 : i32
      %dma_start3A_54 = tpu.memref_slice %arg7[%dma_start3A_52, %dma_start3A_53] : memref<10000x128xf32, #tpu.memory_space<vmem_shared>> -> memref<10000x128xf32, #tpu.memory_space<vmem_shared>>
      tpu.enqueue_indirect_dma source(%arg12 : memref<80x128xf32, #tpu.memory_space<vmem>>) target(%dma_start3A_54 : memref<10000x128xf32, #tpu.memory_space<vmem_shared>>) offsets(%arg9 : memref<80xi32, #tpu.memory_space<vmem>>) semaphore(%run_scoped3A : memref<!tpu.dma_semaphore, #tpu.memory_space<semaphore_mem>>) {add = true}
      %dma_wait3A_55 = arith.constant 0 : i32
      %dma_wait3A_56 = arith.constant 0 : i32
      %dma_wait3A_57 = tpu.memref_slice %arg7[%dma_wait3A_55, %dma_wait3A_56] : memref<10000x128xf32, #tpu.memory_space<vmem_shared>> -> memref<10000x128xf32, #tpu.memory_space<vmem_shared>>
      tpu.wait_indirect_dma semaphore(%run_scoped3A : memref<!tpu.dma_semaphore, #tpu.memory_space<semaphore_mem>>) src(%arg12 : memref<80x128xf32, #tpu.memory_space<vmem>>) dst(%dma_wait3A_57 : memref<10000x128xf32, #tpu.memory_space<vmem_shared>>)
      tpu.yield
    }) : () -> ()
    %barrier3A_41 = arith.constant 0 : index
    tpu.barrier barrier_id(%barrier3A_41)
    %eq3A_42 = arith.constant 0 : i32
    %eq3A_43 = arith.cmpi eq, %arg0, %eq3A_42 : i32
    %convert_element_type3A_44 = arith.extui %eq3A_43 : i1 to i32
    %cond3A_45 = arith.constant 0 : i32
    %cond3A_46 = arith.cmpi ne, %convert_element_type3A_44, %cond3A_45 : i32
    scf.if %cond3A_46 {
      %mul3A_52 = arith.constant 624 : i32
      %mul3A_53 = arith.muli %arg1, %mul3A_52 : i32
      "tpu.region"() ({
        %run_scoped3A = tpu.sem_alloc : memref<!tpu.dma_semaphore, #tpu.memory_space<semaphore_mem>>
        %dma_start3A_59 = arith.constant 0 : i32
        %dma_start3A_60 = tpu.memref_slice %arg5[%mul3A_53, %dma_start3A_59] : memref<10000x128xf32, #tpu.memory_space<hbm>> -> memref<624x128xf32, #tpu.memory_space<hbm>>
        %dma_start3A_61 = arith.constant 0 : i32
        %dma_start3A_62 = tpu.memref_slice %arg7[%mul3A_53, %dma_start3A_61] : memref<10000x128xf32, #tpu.memory_space<vmem_shared>> -> memref<624x128xf32, #tpu.memory_space<vmem_shared>>
        tpu.enqueue_dma source(%dma_start3A_62 : memref<624x128xf32, #tpu.memory_space<vmem_shared>>) target(%dma_start3A_60 : memref<624x128xf32, #tpu.memory_space<hbm>>) target_semaphore(%run_scoped3A : memref<!tpu.dma_semaphore, #tpu.memory_space<semaphore_mem>>)
        %dma_wait3A_63 = arith.constant 0 : i32
        %dma_wait3A_64 = tpu.memref_slice %arg5[%mul3A_53, %dma_wait3A_63] : memref<10000x128xf32, #tpu.memory_space<hbm>> -> memref<624x128xf32, #tpu.memory_space<hbm>>
        %dma_wait3A_65 = arith.constant 0 : i32
        %dma_wait3A_66 = tpu.memref_slice %arg7[%mul3A_53, %dma_wait3A_65] : memref<10000x128xf32, #tpu.memory_space<vmem_shared>> -> memref<624x128xf32, #tpu.memory_space<vmem_shared>>
        tpu.wait_dma2 semaphore(%run_scoped3A : memref<!tpu.dma_semaphore, #tpu.memory_space<semaphore_mem>>) src(%dma_wait3A_66 : memref<624x128xf32, #tpu.memory_space<vmem_shared>>) dst(%dma_wait3A_64 : memref<624x128xf32, #tpu.memory_space<hbm>>)
        tpu.yield
      }) : () -> ()
      %eq3A_54 = arith.constant 15 : i32
      %eq3A_55 = arith.cmpi eq, %arg1, %eq3A_54 : i32
      %convert_element_type3A_56 = arith.extui %eq3A_55 : i1 to i32
      %cond3A_57 = arith.constant 0 : i32
      %cond3A_58 = arith.cmpi ne, %convert_element_type3A_56, %cond3A_57 : i32
      scf.if %cond3A_58 {
        "tpu.region"() ({
          %run_scoped3A = tpu.sem_alloc : memref<!tpu.dma_semaphore, #tpu.memory_space<semaphore_mem>>
          %dma_start3A_59 = arith.constant 9984 : i32
          %dma_start3A_60 = arith.constant 0 : i32
          %dma_start3A_61 = tpu.memref_slice %arg5[%dma_start3A_59, %dma_start3A_60] : memref<10000x128xf32, #tpu.memory_space<hbm>> -> memref<16x128xf32, #tpu.memory_space<hbm>>
          %dma_start3A_62 = arith.constant 9984 : i32
          %dma_start3A_63 = arith.constant 0 : i32
          %dma_start3A_64 = tpu.memref_slice %arg7[%dma_start3A_62, %dma_start3A_63] : memref<10000x128xf32, #tpu.memory_space<vmem_shared>> -> memref<16x128xf32, #tpu.memory_space<vmem_shared>>
          tpu.enqueue_dma source(%dma_start3A_64 : memref<16x128xf32, #tpu.memory_space<vmem_shared>>) target(%dma_start3A_61 : memref<16x128xf32, #tpu.memory_space<hbm>>) target_semaphore(%run_scoped3A : memref<!tpu.dma_semaphore, #tpu.memory_space<semaphore_mem>>)
          %dma_wait3A_65 = arith.constant 9984 : i32
          %dma_wait3A_66 = arith.constant 0 : i32
          %dma_wait3A_67 = tpu.memref_slice %arg5[%dma_wait3A_65, %dma_wait3A_66] : memref<10000x128xf32, #tpu.memory_space<hbm>> -> memref<16x128xf32, #tpu.memory_space<hbm>>
          %dma_wait3A_68 = arith.constant 9984 : i32
          %dma_wait3A_69 = arith.constant 0 : i32
          %dma_wait3A_70 = tpu.memref_slice %arg7[%dma_wait3A_68, %dma_wait3A_69] : memref<10000x128xf32, #tpu.memory_space<vmem_shared>> -> memref<16x128xf32, #tpu.memory_space<vmem_shared>>
          tpu.wait_dma2 semaphore(%run_scoped3A : memref<!tpu.dma_semaphore, #tpu.memory_space<semaphore_mem>>) src(%dma_wait3A_70 : memref<16x128xf32, #tpu.memory_space<vmem_shared>>) dst(%dma_wait3A_67 : memref<16x128xf32, #tpu.memory_space<hbm>>)
          tpu.yield
        }) : () -> ()
      } else {
      }
    } else {
    }
    %eq3A_47 = arith.constant 1 : i32
    %eq3A_48 = arith.cmpi eq, %arg0, %eq3A_47 : i32
    %convert_element_type3A_49 = arith.extui %eq3A_48 : i1 to i32
    %cond3A_50 = arith.constant 0 : i32
    %cond3A_51 = arith.cmpi ne, %convert_element_type3A_49, %cond3A_50 : i32
    scf.if %cond3A_51 {
      %mul3A_52 = arith.constant 624 : i32
      %mul3A_53 = arith.muli %arg1, %mul3A_52 : i32
      "tpu.region"() ({
        %run_scoped3A = tpu.sem_alloc : memref<!tpu.dma_semaphore, #tpu.memory_space<semaphore_mem>>
        %dma_start3A_59 = arith.constant 0 : i32
        %dma_start3A_60 = tpu.memref_slice %arg6[%mul3A_53, %dma_start3A_59] : memref<10000x128xf32, #tpu.memory_space<hbm>> -> memref<624x128xf32, #tpu.memory_space<hbm>>
        %dma_start3A_61 = arith.constant 0 : i32
        %dma_start3A_62 = tpu.memref_slice %arg7[%mul3A_53, %dma_start3A_61] : memref<10000x128xf32, #tpu.memory_space<vmem_shared>> -> memref<624x128xf32, #tpu.memory_space<vmem_shared>>
        tpu.enqueue_dma source(%dma_start3A_62 : memref<624x128xf32, #tpu.memory_space<vmem_shared>>) target(%dma_start3A_60 : memref<624x128xf32, #tpu.memory_space<hbm>>) target_semaphore(%run_scoped3A : memref<!tpu.dma_semaphore, #tpu.memory_space<semaphore_mem>>)
        %dma_wait3A_63 = arith.constant 0 : i32
        %dma_wait3A_64 = tpu.memref_slice %arg6[%mul3A_53, %dma_wait3A_63] : memref<10000x128xf32, #tpu.memory_space<hbm>> -> memref<624x128xf32, #tpu.memory_space<hbm>>
        %dma_wait3A_65 = arith.constant 0 : i32
        %dma_wait3A_66 = tpu.memref_slice %arg7[%mul3A_53, %dma_wait3A_65] : memref<10000x128xf32, #tpu.memory_space<vmem_shared>> -> memref<624x128xf32, #tpu.memory_space<vmem_shared>>
        tpu.wait_dma2 semaphore(%run_scoped3A : memref<!tpu.dma_semaphore, #tpu.memory_space<semaphore_mem>>) src(%dma_wait3A_66 : memref<624x128xf32, #tpu.memory_space<vmem_shared>>) dst(%dma_wait3A_64 : memref<624x128xf32, #tpu.memory_space<hbm>>)
        tpu.yield
      }) : () -> ()
      %eq3A_54 = arith.constant 15 : i32
      %eq3A_55 = arith.cmpi eq, %arg1, %eq3A_54 : i32
      %convert_element_type3A_56 = arith.extui %eq3A_55 : i1 to i32
      %cond3A_57 = arith.constant 0 : i32
      %cond3A_58 = arith.cmpi ne, %convert_element_type3A_56, %cond3A_57 : i32
      scf.if %cond3A_58 {
        "tpu.region"() ({
          %run_scoped3A = tpu.sem_alloc : memref<!tpu.dma_semaphore, #tpu.memory_space<semaphore_mem>>
          %dma_start3A_59 = arith.constant 9984 : i32
          %dma_start3A_60 = arith.constant 0 : i32
          %dma_start3A_61 = tpu.memref_slice %arg6[%dma_start3A_59, %dma_start3A_60] : memref<10000x128xf32, #tpu.memory_space<hbm>> -> memref<16x128xf32, #tpu.memory_space<hbm>>
          %dma_start3A_62 = arith.constant 9984 : i32
          %dma_start3A_63 = arith.constant 0 : i32
          %dma_start3A_64 = tpu.memref_slice %arg7[%dma_start3A_62, %dma_start3A_63] : memref<10000x128xf32, #tpu.memory_space<vmem_shared>> -> memref<16x128xf32, #tpu.memory_space<vmem_shared>>
          tpu.enqueue_dma source(%dma_start3A_64 : memref<16x128xf32, #tpu.memory_space<vmem_shared>>) target(%dma_start3A_61 : memref<16x128xf32, #tpu.memory_space<hbm>>) target_semaphore(%run_scoped3A : memref<!tpu.dma_semaphore, #tpu.memory_space<semaphore_mem>>)
          %dma_wait3A_65 = arith.constant 9984 : i32
          %dma_wait3A_66 = arith.constant 0 : i32
          %dma_wait3A_67 = tpu.memref_slice %arg6[%dma_wait3A_65, %dma_wait3A_66] : memref<10000x128xf32, #tpu.memory_space<hbm>> -> memref<16x128xf32, #tpu.memory_space<hbm>>
          %dma_wait3A_68 = arith.constant 9984 : i32
          %dma_wait3A_69 = arith.constant 0 : i32
          %dma_wait3A_70 = tpu.memref_slice %arg7[%dma_wait3A_68, %dma_wait3A_69] : memref<10000x128xf32, #tpu.memory_space<vmem_shared>> -> memref<16x128xf32, #tpu.memory_space<vmem_shared>>
          tpu.wait_dma2 semaphore(%run_scoped3A : memref<!tpu.dma_semaphore, #tpu.memory_space<semaphore_mem>>) src(%dma_wait3A_70 : memref<16x128xf32, #tpu.memory_space<vmem_shared>>) dst(%dma_wait3A_67 : memref<16x128xf32, #tpu.memory_space<hbm>>)
          tpu.yield
        }) : () -> ()
      } else {
      }
    } else {
    }
    return
  }
}

#map = affine_map<(d0, d1) -> (0, 0)>
#map1 = affine_map<(d0, d1) -> (0)>
module attributes {stable_mosaic.version = 14 : i64} {
  func.func @_sc_l0_body(%arg0: i32, %arg1: i32, %arg2: memref<10000x128xf32, #tpu.memory_space<hbm>>, %arg3: memref<640000xi32, #tpu.memory_space<hbm>>, %arg4: memref<640000xi32, #tpu.memory_space<hbm>>, %arg5: memref<10000x128xf32, #tpu.memory_space<hbm>>, %arg6: memref<10000x128xf32, #tpu.memory_space<hbm>>, %arg7: memref<10000x128xf32, #tpu.memory_space<hbm>>, %arg8: memref<10000x128xf32, #tpu.memory_space<hbm>>, %arg9: memref<10000x128xf32, #tpu.memory_space<vmem_shared>>, %arg10: memref<80xi32, #tpu.memory_space<vmem>>, %arg11: memref<80xi32, #tpu.memory_space<vmem>>, %arg12: memref<80xi32, #tpu.memory_space<vmem>>, %arg13: memref<80xi32, #tpu.memory_space<vmem>>, %arg14: memref<80x128xf32, #tpu.memory_space<vmem>>, %arg15: memref<80x128xf32, #tpu.memory_space<vmem>>, %arg16: memref<!tpu.dma_semaphore, #tpu.memory_space<semaphore_mem>>, %arg17: memref<!tpu.dma_semaphore, #tpu.memory_space<semaphore_mem>>) attributes {dimension_semantics = [#tpu.dimension_semantics<core_parallel>, #tpu.dimension_semantics<subcore_parallel>], iteration_bounds = array<i64: 2, 16>, scalar_prefetch = 0 : i64, scratch_operands = 9 : i64, tpu.core_type = #tpu.core_type<sc_vector_subcore>, window_params = [{transform_indices = #map}, {transform_indices = #map1}, {transform_indices = #map1}, {transform_indices = #map}, {transform_indices = #map}, {transform_indices = #map}, {transform_indices = #map}]} {
    %broadcast_in_dim3A = arith.constant 0.000000e+00 : f32
    %broadcast_in_dim3A_0 = vector.broadcast %broadcast_in_dim3A : f32 to vector<16xf32>
    %scan3A = arith.constant 0 : i32
    %scan3A_1 = arith.constant 0 : i32
    %scan3A_2 = arith.constant 80 : i32
    %scan3A_3 = arith.addi %scan3A_1, %scan3A_2 : i32
    %scan3A_4 = arith.constant 1 : i32
    %scan3A_5 = scf.for %scan3A_117 = %scan3A_1 to %scan3A_3 step %scan3A_4 iter_args(%scan3A_118 = %scan3A) -> (i32)  : i32 {
      %swap3A = arith.index_cast %scan3A_117 : i32 to index
      %swap3A_119 = arith.constant 0 : index
      %swap3A_120 = tpu.vector_load %arg14[%swap3A, %swap3A_119] {strides = array<i32>} : memref<80x128xf32, #tpu.memory_space<vmem>>, vector<1x16xf32>,
      %swap3A_121 = vector.shape_cast %swap3A_120 : vector<1x16xf32> to vector<16xf32>
      %swap3A_122 = vector.shape_cast %broadcast_in_dim3A_0 : vector<16xf32> to vector<1x16xf32>
      tpu.vector_store %arg14[%swap3A, %swap3A_119], %swap3A_122 {strides = array<i32>} : memref<80x128xf32, #tpu.memory_space<vmem>>, vector<1x16xf32>,
      %swap3A_123 = arith.index_cast %scan3A_117 : i32 to index
      %swap3A_124 = arith.constant 16 : index
      %swap3A_125 = tpu.vector_load %arg14[%swap3A_123, %swap3A_124] {strides = array<i32>} : memref<80x128xf32, #tpu.memory_space<vmem>>, vector<1x16xf32>,
      %swap3A_126 = vector.shape_cast %swap3A_125 : vector<1x16xf32> to vector<16xf32>
      %swap3A_127 = vector.shape_cast %broadcast_in_dim3A_0 : vector<16xf32> to vector<1x16xf32>
      tpu.vector_store %arg14[%swap3A_123, %swap3A_124], %swap3A_127 {strides = array<i32>} : memref<80x128xf32, #tpu.memory_space<vmem>>, vector<1x16xf32>,
      %swap3A_128 = arith.index_cast %scan3A_117 : i32 to index
      %swap3A_129 = arith.constant 32 : index
      %swap3A_130 = tpu.vector_load %arg14[%swap3A_128, %swap3A_129] {strides = array<i32>} : memref<80x128xf32, #tpu.memory_space<vmem>>, vector<1x16xf32>,
      %swap3A_131 = vector.shape_cast %swap3A_130 : vector<1x16xf32> to vector<16xf32>
      %swap3A_132 = vector.shape_cast %broadcast_in_dim3A_0 : vector<16xf32> to vector<1x16xf32>
      tpu.vector_store %arg14[%swap3A_128, %swap3A_129], %swap3A_132 {strides = array<i32>} : memref<80x128xf32, #tpu.memory_space<vmem>>, vector<1x16xf32>,
      %swap3A_133 = arith.index_cast %scan3A_117 : i32 to index
      %swap3A_134 = arith.constant 48 : index
      %swap3A_135 = tpu.vector_load %arg14[%swap3A_133, %swap3A_134] {strides = array<i32>} : memref<80x128xf32, #tpu.memory_space<vmem>>, vector<1x16xf32>,
      %swap3A_136 = vector.shape_cast %swap3A_135 : vector<1x16xf32> to vector<16xf32>
      %swap3A_137 = vector.shape_cast %broadcast_in_dim3A_0 : vector<16xf32> to vector<1x16xf32>
      tpu.vector_store %arg14[%swap3A_133, %swap3A_134], %swap3A_137 {strides = array<i32>} : memref<80x128xf32, #tpu.memory_space<vmem>>, vector<1x16xf32>,
      %swap3A_138 = arith.index_cast %scan3A_117 : i32 to index
      %swap3A_139 = arith.constant 64 : index
      %swap3A_140 = tpu.vector_load %arg14[%swap3A_138, %swap3A_139] {strides = array<i32>} : memref<80x128xf32, #tpu.memory_space<vmem>>, vector<1x16xf32>,
      %swap3A_141 = vector.shape_cast %swap3A_140 : vector<1x16xf32> to vector<16xf32>
      %swap3A_142 = vector.shape_cast %broadcast_in_dim3A_0 : vector<16xf32> to vector<1x16xf32>
      tpu.vector_store %arg14[%swap3A_138, %swap3A_139], %swap3A_142 {strides = array<i32>} : memref<80x128xf32, #tpu.memory_space<vmem>>, vector<1x16xf32>,
      %swap3A_143 = arith.index_cast %scan3A_117 : i32 to index
      %swap3A_144 = arith.constant 80 : index
      %swap3A_145 = tpu.vector_load %arg14[%swap3A_143, %swap3A_144] {strides = array<i32>} : memref<80x128xf32, #tpu.memory_space<vmem>>, vector<1x16xf32>,
      %swap3A_146 = vector.shape_cast %swap3A_145 : vector<1x16xf32> to vector<16xf32>
      %swap3A_147 = vector.shape_cast %broadcast_in_dim3A_0 : vector<16xf32> to vector<1x16xf32>
      tpu.vector_store %arg14[%swap3A_143, %swap3A_144], %swap3A_147 {strides = array<i32>} : memref<80x128xf32, #tpu.memory_space<vmem>>, vector<1x16xf32>,
      %swap3A_148 = arith.index_cast %scan3A_117 : i32 to index
      %swap3A_149 = arith.constant 96 : index
      %swap3A_150 = tpu.vector_load %arg14[%swap3A_148, %swap3A_149] {strides = array<i32>} : memref<80x128xf32, #tpu.memory_space<vmem>>, vector<1x16xf32>,
      %swap3A_151 = vector.shape_cast %swap3A_150 : vector<1x16xf32> to vector<16xf32>
      %swap3A_152 = vector.shape_cast %broadcast_in_dim3A_0 : vector<16xf32> to vector<1x16xf32>
      tpu.vector_store %arg14[%swap3A_148, %swap3A_149], %swap3A_152 {strides = array<i32>} : memref<80x128xf32, #tpu.memory_space<vmem>>, vector<1x16xf32>,
      %swap3A_153 = arith.index_cast %scan3A_117 : i32 to index
      %swap3A_154 = arith.constant 112 : index
      %swap3A_155 = tpu.vector_load %arg14[%swap3A_153, %swap3A_154] {strides = array<i32>} : memref<80x128xf32, #tpu.memory_space<vmem>>, vector<1x16xf32>,
      %swap3A_156 = vector.shape_cast %swap3A_155 : vector<1x16xf32> to vector<16xf32>
      %swap3A_157 = vector.shape_cast %broadcast_in_dim3A_0 : vector<16xf32> to vector<1x16xf32>
      tpu.vector_store %arg14[%swap3A_153, %swap3A_154], %swap3A_157 {strides = array<i32>} : memref<80x128xf32, #tpu.memory_space<vmem>>, vector<1x16xf32>,
      %scan3A_158 = arith.constant 0 : i32
      scf.yield %scan3A_158 : i32
    }
    %scan3A_6 = arith.constant 80 : i32
    %mul3A = arith.constant 624 : i32
    %mul3A_7 = arith.muli %arg1, %mul3A : i32
    %add3A = arith.constant 0 : i32
    %add3A_8 = arith.addi %mul3A_7, %add3A : i32
    "tpu.region"() ({
      %run_scoped3A = tpu.sem_alloc : memref<!tpu.dma_semaphore, #tpu.memory_space<semaphore_mem>>
      %dma_start3A_117 = arith.constant 0 : i32
      %dma_start3A_118 = tpu.memref_slice %arg9[%add3A_8, %dma_start3A_117] : memref<10000x128xf32, #tpu.memory_space<vmem_shared>> -> memref<80x128xf32, #tpu.memory_space<vmem_shared>>
      %dma_start3A_119 = arith.constant 0 : i32
      %dma_start3A_120 = tpu.memref_slice %arg9[%add3A_8, %dma_start3A_119] : memref<10000x128xf32, #tpu.memory_space<vmem_shared>> -> memref<80x128xf32, #tpu.memory_space<vmem_shared>>
      tpu.enqueue_dma source(%arg14 : memref<80x128xf32, #tpu.memory_space<vmem>>) target(%dma_start3A_120 : memref<80x128xf32, #tpu.memory_space<vmem_shared>>) target_semaphore(%run_scoped3A : memref<!tpu.dma_semaphore, #tpu.memory_space<semaphore_mem>>)
      %dma_wait3A = arith.constant 0 : i32
      %dma_wait3A_121 = tpu.memref_slice %arg9[%add3A_8, %dma_wait3A] : memref<10000x128xf32, #tpu.memory_space<vmem_shared>> -> memref<80x128xf32, #tpu.memory_space<vmem_shared>>
      %dma_wait3A_122 = arith.constant 0 : i32
      %dma_wait3A_123 = tpu.memref_slice %arg9[%add3A_8, %dma_wait3A_122] : memref<10000x128xf32, #tpu.memory_space<vmem_shared>> -> memref<80x128xf32, #tpu.memory_space<vmem_shared>>
      tpu.wait_dma2 semaphore(%run_scoped3A : memref<!tpu.dma_semaphore, #tpu.memory_space<semaphore_mem>>) src(%arg14 : memref<80x128xf32, #tpu.memory_space<vmem>>) dst(%dma_wait3A_123 : memref<80x128xf32, #tpu.memory_space<vmem_shared>>)
      tpu.yield
    }) : () -> ()
    %add3A_9 = arith.constant 80 : i32
    %add3A_10 = arith.addi %mul3A_7, %add3A_9 : i32
    "tpu.region"() ({
      %run_scoped3A = tpu.sem_alloc : memref<!tpu.dma_semaphore, #tpu.memory_space<semaphore_mem>>
      %dma_start3A_117 = arith.constant 0 : i32
      %dma_start3A_118 = tpu.memref_slice %arg9[%add3A_10, %dma_start3A_117] : memref<10000x128xf32, #tpu.memory_space<vmem_shared>> -> memref<80x128xf32, #tpu.memory_space<vmem_shared>>
      %dma_start3A_119 = arith.constant 0 : i32
      %dma_start3A_120 = tpu.memref_slice %arg9[%add3A_10, %dma_start3A_119] : memref<10000x128xf32, #tpu.memory_space<vmem_shared>> -> memref<80x128xf32, #tpu.memory_space<vmem_shared>>
      tpu.enqueue_dma source(%arg14 : memref<80x128xf32, #tpu.memory_space<vmem>>) target(%dma_start3A_120 : memref<80x128xf32, #tpu.memory_space<vmem_shared>>) target_semaphore(%run_scoped3A : memref<!tpu.dma_semaphore, #tpu.memory_space<semaphore_mem>>)
      %dma_wait3A = arith.constant 0 : i32
      %dma_wait3A_121 = tpu.memref_slice %arg9[%add3A_10, %dma_wait3A] : memref<10000x128xf32, #tpu.memory_space<vmem_shared>> -> memref<80x128xf32, #tpu.memory_space<vmem_shared>>
      %dma_wait3A_122 = arith.constant 0 : i32
      %dma_wait3A_123 = tpu.memref_slice %arg9[%add3A_10, %dma_wait3A_122] : memref<10000x128xf32, #tpu.memory_space<vmem_shared>> -> memref<80x128xf32, #tpu.memory_space<vmem_shared>>
      tpu.wait_dma2 semaphore(%run_scoped3A : memref<!tpu.dma_semaphore, #tpu.memory_space<semaphore_mem>>) src(%arg14 : memref<80x128xf32, #tpu.memory_space<vmem>>) dst(%dma_wait3A_123 : memref<80x128xf32, #tpu.memory_space<vmem_shared>>)
      tpu.yield
    }) : () -> ()
    %add3A_11 = arith.constant 160 : i32
    %add3A_12 = arith.addi %mul3A_7, %add3A_11 : i32
    "tpu.region"() ({
      %run_scoped3A = tpu.sem_alloc : memref<!tpu.dma_semaphore, #tpu.memory_space<semaphore_mem>>
      %dma_start3A_117 = arith.constant 0 : i32
      %dma_start3A_118 = tpu.memref_slice %arg9[%add3A_12, %dma_start3A_117] : memref<10000x128xf32, #tpu.memory_space<vmem_shared>> -> memref<80x128xf32, #tpu.memory_space<vmem_shared>>
      %dma_start3A_119 = arith.constant 0 : i32
      %dma_start3A_120 = tpu.memref_slice %arg9[%add3A_12, %dma_start3A_119] : memref<10000x128xf32, #tpu.memory_space<vmem_shared>> -> memref<80x128xf32, #tpu.memory_space<vmem_shared>>
      tpu.enqueue_dma source(%arg14 : memref<80x128xf32, #tpu.memory_space<vmem>>) target(%dma_start3A_120 : memref<80x128xf32, #tpu.memory_space<vmem_shared>>) target_semaphore(%run_scoped3A : memref<!tpu.dma_semaphore, #tpu.memory_space<semaphore_mem>>)
      %dma_wait3A = arith.constant 0 : i32
      %dma_wait3A_121 = tpu.memref_slice %arg9[%add3A_12, %dma_wait3A] : memref<10000x128xf32, #tpu.memory_space<vmem_shared>> -> memref<80x128xf32, #tpu.memory_space<vmem_shared>>
      %dma_wait3A_122 = arith.constant 0 : i32
      %dma_wait3A_123 = tpu.memref_slice %arg9[%add3A_12, %dma_wait3A_122] : memref<10000x128xf32, #tpu.memory_space<vmem_shared>> -> memref<80x128xf32, #tpu.memory_space<vmem_shared>>
      tpu.wait_dma2 semaphore(%run_scoped3A : memref<!tpu.dma_semaphore, #tpu.memory_space<semaphore_mem>>) src(%arg14 : memref<80x128xf32, #tpu.memory_space<vmem>>) dst(%dma_wait3A_123 : memref<80x128xf32, #tpu.memory_space<vmem_shared>>)
      tpu.yield
    }) : () -> ()
    %add3A_13 = arith.constant 240 : i32
    %add3A_14 = arith.addi %mul3A_7, %add3A_13 : i32
    "tpu.region"() ({
      %run_scoped3A = tpu.sem_alloc : memref<!tpu.dma_semaphore, #tpu.memory_space<semaphore_mem>>
      %dma_start3A_117 = arith.constant 0 : i32
      %dma_start3A_118 = tpu.memref_slice %arg9[%add3A_14, %dma_start3A_117] : memref<10000x128xf32, #tpu.memory_space<vmem_shared>> -> memref<80x128xf32, #tpu.memory_space<vmem_shared>>
      %dma_start3A_119 = arith.constant 0 : i32
      %dma_start3A_120 = tpu.memref_slice %arg9[%add3A_14, %dma_start3A_119] : memref<10000x128xf32, #tpu.memory_space<vmem_shared>> -> memref<80x128xf32, #tpu.memory_space<vmem_shared>>
      tpu.enqueue_dma source(%arg14 : memref<80x128xf32, #tpu.memory_space<vmem>>) target(%dma_start3A_120 : memref<80x128xf32, #tpu.memory_space<vmem_shared>>) target_semaphore(%run_scoped3A : memref<!tpu.dma_semaphore, #tpu.memory_space<semaphore_mem>>)
      %dma_wait3A = arith.constant 0 : i32
      %dma_wait3A_121 = tpu.memref_slice %arg9[%add3A_14, %dma_wait3A] : memref<10000x128xf32, #tpu.memory_space<vmem_shared>> -> memref<80x128xf32, #tpu.memory_space<vmem_shared>>
      %dma_wait3A_122 = arith.constant 0 : i32
      %dma_wait3A_123 = tpu.memref_slice %arg9[%add3A_14, %dma_wait3A_122] : memref<10000x128xf32, #tpu.memory_space<vmem_shared>> -> memref<80x128xf32, #tpu.memory_space<vmem_shared>>
      tpu.wait_dma2 semaphore(%run_scoped3A : memref<!tpu.dma_semaphore, #tpu.memory_space<semaphore_mem>>) src(%arg14 : memref<80x128xf32, #tpu.memory_space<vmem>>) dst(%dma_wait3A_123 : memref<80x128xf32, #tpu.memory_space<vmem_shared>>)
      tpu.yield
    }) : () -> ()
    %add3A_15 = arith.constant 320 : i32
    %add3A_16 = arith.addi %mul3A_7, %add3A_15 : i32
    "tpu.region"() ({
      %run_scoped3A = tpu.sem_alloc : memref<!tpu.dma_semaphore, #tpu.memory_space<semaphore_mem>>
      %dma_start3A_117 = arith.constant 0 : i32
      %dma_start3A_118 = tpu.memref_slice %arg9[%add3A_16, %dma_start3A_117] : memref<10000x128xf32, #tpu.memory_space<vmem_shared>> -> memref<80x128xf32, #tpu.memory_space<vmem_shared>>
      %dma_start3A_119 = arith.constant 0 : i32
      %dma_start3A_120 = tpu.memref_slice %arg9[%add3A_16, %dma_start3A_119] : memref<10000x128xf32, #tpu.memory_space<vmem_shared>> -> memref<80x128xf32, #tpu.memory_space<vmem_shared>>
      tpu.enqueue_dma source(%arg14 : memref<80x128xf32, #tpu.memory_space<vmem>>) target(%dma_start3A_120 : memref<80x128xf32, #tpu.memory_space<vmem_shared>>) target_semaphore(%run_scoped3A : memref<!tpu.dma_semaphore, #tpu.memory_space<semaphore_mem>>)
      %dma_wait3A = arith.constant 0 : i32
      %dma_wait3A_121 = tpu.memref_slice %arg9[%add3A_16, %dma_wait3A] : memref<10000x128xf32, #tpu.memory_space<vmem_shared>> -> memref<80x128xf32, #tpu.memory_space<vmem_shared>>
      %dma_wait3A_122 = arith.constant 0 : i32
      %dma_wait3A_123 = tpu.memref_slice %arg9[%add3A_16, %dma_wait3A_122] : memref<10000x128xf32, #tpu.memory_space<vmem_shared>> -> memref<80x128xf32, #tpu.memory_space<vmem_shared>>
      tpu.wait_dma2 semaphore(%run_scoped3A : memref<!tpu.dma_semaphore, #tpu.memory_space<semaphore_mem>>) src(%arg14 : memref<80x128xf32, #tpu.memory_space<vmem>>) dst(%dma_wait3A_123 : memref<80x128xf32, #tpu.memory_space<vmem_shared>>)
      tpu.yield
    }) : () -> ()
    %add3A_17 = arith.constant 400 : i32
    %add3A_18 = arith.addi %mul3A_7, %add3A_17 : i32
    "tpu.region"() ({
      %run_scoped3A = tpu.sem_alloc : memref<!tpu.dma_semaphore, #tpu.memory_space<semaphore_mem>>
      %dma_start3A_117 = arith.constant 0 : i32
      %dma_start3A_118 = tpu.memref_slice %arg9[%add3A_18, %dma_start3A_117] : memref<10000x128xf32, #tpu.memory_space<vmem_shared>> -> memref<80x128xf32, #tpu.memory_space<vmem_shared>>
      %dma_start3A_119 = arith.constant 0 : i32
      %dma_start3A_120 = tpu.memref_slice %arg9[%add3A_18, %dma_start3A_119] : memref<10000x128xf32, #tpu.memory_space<vmem_shared>> -> memref<80x128xf32, #tpu.memory_space<vmem_shared>>
      tpu.enqueue_dma source(%arg14 : memref<80x128xf32, #tpu.memory_space<vmem>>) target(%dma_start3A_120 : memref<80x128xf32, #tpu.memory_space<vmem_shared>>) target_semaphore(%run_scoped3A : memref<!tpu.dma_semaphore, #tpu.memory_space<semaphore_mem>>)
      %dma_wait3A = arith.constant 0 : i32
      %dma_wait3A_121 = tpu.memref_slice %arg9[%add3A_18, %dma_wait3A] : memref<10000x128xf32, #tpu.memory_space<vmem_shared>> -> memref<80x128xf32, #tpu.memory_space<vmem_shared>>
      %dma_wait3A_122 = arith.constant 0 : i32
      %dma_wait3A_123 = tpu.memref_slice %arg9[%add3A_18, %dma_wait3A_122] : memref<10000x128xf32, #tpu.memory_space<vmem_shared>> -> memref<80x128xf32, #tpu.memory_space<vmem_shared>>
      tpu.wait_dma2 semaphore(%run_scoped3A : memref<!tpu.dma_semaphore, #tpu.memory_space<semaphore_mem>>) src(%arg14 : memref<80x128xf32, #tpu.memory_space<vmem>>) dst(%dma_wait3A_123 : memref<80x128xf32, #tpu.memory_space<vmem_shared>>)
      tpu.yield
    }) : () -> ()
    %add3A_19 = arith.constant 480 : i32
    %add3A_20 = arith.addi %mul3A_7, %add3A_19 : i32
    "tpu.region"() ({
      %run_scoped3A = tpu.sem_alloc : memref<!tpu.dma_semaphore, #tpu.memory_space<semaphore_mem>>
      %dma_start3A_117 = arith.constant 0 : i32
      %dma_start3A_118 = tpu.memref_slice %arg9[%add3A_20, %dma_start3A_117] : memref<10000x128xf32, #tpu.memory_space<vmem_shared>> -> memref<80x128xf32, #tpu.memory_space<vmem_shared>>
      %dma_start3A_119 = arith.constant 0 : i32
      %dma_start3A_120 = tpu.memref_slice %arg9[%add3A_20, %dma_start3A_119] : memref<10000x128xf32, #tpu.memory_space<vmem_shared>> -> memref<80x128xf32, #tpu.memory_space<vmem_shared>>
      tpu.enqueue_dma source(%arg14 : memref<80x128xf32, #tpu.memory_space<vmem>>) target(%dma_start3A_120 : memref<80x128xf32, #tpu.memory_space<vmem_shared>>) target_semaphore(%run_scoped3A : memref<!tpu.dma_semaphore, #tpu.memory_space<semaphore_mem>>)
      %dma_wait3A = arith.constant 0 : i32
      %dma_wait3A_121 = tpu.memref_slice %arg9[%add3A_20, %dma_wait3A] : memref<10000x128xf32, #tpu.memory_space<vmem_shared>> -> memref<80x128xf32, #tpu.memory_space<vmem_shared>>
      %dma_wait3A_122 = arith.constant 0 : i32
      %dma_wait3A_123 = tpu.memref_slice %arg9[%add3A_20, %dma_wait3A_122] : memref<10000x128xf32, #tpu.memory_space<vmem_shared>> -> memref<80x128xf32, #tpu.memory_space<vmem_shared>>
      tpu.wait_dma2 semaphore(%run_scoped3A : memref<!tpu.dma_semaphore, #tpu.memory_space<semaphore_mem>>) src(%arg14 : memref<80x128xf32, #tpu.memory_space<vmem>>) dst(%dma_wait3A_123 : memref<80x128xf32, #tpu.memory_space<vmem_shared>>)
      tpu.yield
    }) : () -> ()
    %add3A_21 = arith.constant 560 : i32
    %add3A_22 = arith.addi %mul3A_7, %add3A_21 : i32
    "tpu.region"() ({
      %run_scoped3A = tpu.sem_alloc : memref<!tpu.dma_semaphore, #tpu.memory_space<semaphore_mem>>
      %dma_start3A_117 = arith.constant 0 : i32
      %dma_start3A_118 = arith.constant 0 : i32
      %dma_start3A_119 = tpu.memref_slice %arg14[%dma_start3A_117, %dma_start3A_118] : memref<80x128xf32, #tpu.memory_space<vmem>> -> memref<64x128xf32, #tpu.memory_space<vmem>>
      %dma_start3A_120 = arith.constant 0 : i32
      %dma_start3A_121 = tpu.memref_slice %arg9[%add3A_22, %dma_start3A_120] : memref<10000x128xf32, #tpu.memory_space<vmem_shared>> -> memref<64x128xf32, #tpu.memory_space<vmem_shared>>
      %dma_start3A_122 = arith.constant 0 : i32
      %dma_start3A_123 = tpu.memref_slice %arg9[%add3A_22, %dma_start3A_122] : memref<10000x128xf32, #tpu.memory_space<vmem_shared>> -> memref<64x128xf32, #tpu.memory_space<vmem_shared>>
      %dma_start3A_124 = arith.constant 0 : i32
      %dma_start3A_125 = arith.constant 0 : i32
      %dma_start3A_126 = tpu.memref_slice %arg14[%dma_start3A_124, %dma_start3A_125] : memref<80x128xf32, #tpu.memory_space<vmem>> -> memref<64x128xf32, #tpu.memory_space<vmem>>
      tpu.enqueue_dma source(%dma_start3A_126 : memref<64x128xf32, #tpu.memory_space<vmem>>) target(%dma_start3A_123 : memref<64x128xf32, #tpu.memory_space<vmem_shared>>) target_semaphore(%run_scoped3A : memref<!tpu.dma_semaphore, #tpu.memory_space<semaphore_mem>>)
      %dma_wait3A = arith.constant 0 : i32
      %dma_wait3A_127 = arith.constant 0 : i32
      %dma_wait3A_128 = tpu.memref_slice %arg14[%dma_wait3A, %dma_wait3A_127] : memref<80x128xf32, #tpu.memory_space<vmem>> -> memref<64x128xf32, #tpu.memory_space<vmem>>
      %dma_wait3A_129 = arith.constant 0 : i32
      %dma_wait3A_130 = tpu.memref_slice %arg9[%add3A_22, %dma_wait3A_129] : memref<10000x128xf32, #tpu.memory_space<vmem_shared>> -> memref<64x128xf32, #tpu.memory_space<vmem_shared>>
      %dma_wait3A_131 = arith.constant 0 : i32
      %dma_wait3A_132 = tpu.memref_slice %arg9[%add3A_22, %dma_wait3A_131] : memref<10000x128xf32, #tpu.memory_space<vmem_shared>> -> memref<64x128xf32, #tpu.memory_space<vmem_shared>>
      %dma_wait3A_133 = arith.constant 0 : i32
      %dma_wait3A_134 = arith.constant 0 : i32
      %dma_wait3A_135 = tpu.memref_slice %arg14[%dma_wait3A_133, %dma_wait3A_134] : memref<80x128xf32, #tpu.memory_space<vmem>> -> memref<64x128xf32, #tpu.memory_space<vmem>>
      tpu.wait_dma2 semaphore(%run_scoped3A : memref<!tpu.dma_semaphore, #tpu.memory_space<semaphore_mem>>) src(%dma_wait3A_135 : memref<64x128xf32, #tpu.memory_space<vmem>>) dst(%dma_wait3A_132 : memref<64x128xf32, #tpu.memory_space<vmem_shared>>)
      tpu.yield
    }) : () -> ()
    %eq3A = arith.constant 15 : i32
    %eq3A_23 = arith.cmpi eq, %arg1, %eq3A : i32
    %convert_element_type3A = arith.extui %eq3A_23 : i1 to i32
    %cond3A = arith.constant 0 : i32
    %cond3A_24 = arith.cmpi ne, %convert_element_type3A, %cond3A : i32
    scf.if %cond3A_24 {
      "tpu.region"() ({
        %run_scoped3A = tpu.sem_alloc : memref<!tpu.dma_semaphore, #tpu.memory_space<semaphore_mem>>
        %dma_start3A_117 = arith.constant 0 : i32
        %dma_start3A_118 = arith.constant 0 : i32
        %dma_start3A_119 = tpu.memref_slice %arg14[%dma_start3A_117, %dma_start3A_118] : memref<80x128xf32, #tpu.memory_space<vmem>> -> memref<16x128xf32, #tpu.memory_space<vmem>>
        %dma_start3A_120 = arith.constant 9984 : i32
        %dma_start3A_121 = arith.constant 0 : i32
        %dma_start3A_122 = tpu.memref_slice %arg9[%dma_start3A_120, %dma_start3A_121] : memref<10000x128xf32, #tpu.memory_space<vmem_shared>> -> memref<16x128xf32, #tpu.memory_space<vmem_shared>>
        %dma_start3A_123 = arith.constant 9984 : i32
        %dma_start3A_124 = arith.constant 0 : i32
        %dma_start3A_125 = tpu.memref_slice %arg9[%dma_start3A_123, %dma_start3A_124] : memref<10000x128xf32, #tpu.memory_space<vmem_shared>> -> memref<16x128xf32, #tpu.memory_space<vmem_shared>>
        %dma_start3A_126 = arith.constant 0 : i32
        %dma_start3A_127 = arith.constant 0 : i32
        %dma_start3A_128 = tpu.memref_slice %arg14[%dma_start3A_126, %dma_start3A_127] : memref<80x128xf32, #tpu.memory_space<vmem>> -> memref<16x128xf32, #tpu.memory_space<vmem>>
        tpu.enqueue_dma source(%dma_start3A_128 : memref<16x128xf32, #tpu.memory_space<vmem>>) target(%dma_start3A_125 : memref<16x128xf32, #tpu.memory_space<vmem_shared>>) target_semaphore(%run_scoped3A : memref<!tpu.dma_semaphore, #tpu.memory_space<semaphore_mem>>)
        %dma_wait3A = arith.constant 0 : i32
        %dma_wait3A_129 = arith.constant 0 : i32
        %dma_wait3A_130 = tpu.memref_slice %arg14[%dma_wait3A, %dma_wait3A_129] : memref<80x128xf32, #tpu.memory_space<vmem>> -> memref<16x128xf32, #tpu.memory_space<vmem>>
        %dma_wait3A_131 = arith.constant 9984 : i32
        %dma_wait3A_132 = arith.constant 0 : i32
        %dma_wait3A_133 = tpu.memref_slice %arg9[%dma_wait3A_131, %dma_wait3A_132] : memref<10000x128xf32, #tpu.memory_space<vmem_shared>> -> memref<16x128xf32, #tpu.memory_space<vmem_shared>>
        %dma_wait3A_134 = arith.constant 9984 : i32
        %dma_wait3A_135 = arith.constant 0 : i32
        %dma_wait3A_136 = tpu.memref_slice %arg9[%dma_wait3A_134, %dma_wait3A_135] : memref<10000x128xf32, #tpu.memory_space<vmem_shared>> -> memref<16x128xf32, #tpu.memory_space<vmem_shared>>
        %dma_wait3A_137 = arith.constant 0 : i32
        %dma_wait3A_138 = arith.constant 0 : i32
        %dma_wait3A_139 = tpu.memref_slice %arg14[%dma_wait3A_137, %dma_wait3A_138] : memref<80x128xf32, #tpu.memory_space<vmem>> -> memref<16x128xf32, #tpu.memory_space<vmem>>
        tpu.wait_dma2 semaphore(%run_scoped3A : memref<!tpu.dma_semaphore, #tpu.memory_space<semaphore_mem>>) src(%dma_wait3A_139 : memref<16x128xf32, #tpu.memory_space<vmem>>) dst(%dma_wait3A_136 : memref<16x128xf32, #tpu.memory_space<vmem_shared>>)
        tpu.yield
      }) : () -> ()
    } else {
    }
    %barrier3A = arith.constant 0 : index
    tpu.barrier barrier_id(%barrier3A)
    %mul3A_25 = arith.constant 320000 : i32
    %mul3A_26 = arith.muli %arg0, %mul3A_25 : i32
    %mul3A_27 = arith.constant 20000 : i32
    %mul3A_28 = arith.muli %arg1, %mul3A_27 : i32
    %add3A_29 = arith.addi %mul3A_26, %mul3A_28 : i32
    "tpu.region"() ({
      %run_scoped3A = tpu.sem_alloc : memref<!tpu.dma_semaphore, #tpu.memory_space<semaphore_mem>>
      %dma_start3A_117 = tpu.memref_slice %arg3[%add3A_29] : memref<640000xi32, #tpu.memory_space<hbm>> -> memref<80xi32, #tpu.memory_space<hbm>>
      %dma_start3A_118 = tpu.memref_slice %arg3[%add3A_29] : memref<640000xi32, #tpu.memory_space<hbm>> -> memref<80xi32, #tpu.memory_space<hbm>>
      tpu.enqueue_dma source(%dma_start3A_118 : memref<80xi32, #tpu.memory_space<hbm>>) target(%arg10 : memref<80xi32, #tpu.memory_space<vmem>>) target_semaphore(%run_scoped3A : memref<!tpu.dma_semaphore, #tpu.memory_space<semaphore_mem>>)
      %dma_wait3A = tpu.memref_slice %arg3[%add3A_29] : memref<640000xi32, #tpu.memory_space<hbm>> -> memref<80xi32, #tpu.memory_space<hbm>>
      %dma_wait3A_119 = tpu.memref_slice %arg3[%add3A_29] : memref<640000xi32, #tpu.memory_space<hbm>> -> memref<80xi32, #tpu.memory_space<hbm>>
      tpu.wait_dma2 semaphore(%run_scoped3A : memref<!tpu.dma_semaphore, #tpu.memory_space<semaphore_mem>>) src(%dma_wait3A_119 : memref<80xi32, #tpu.memory_space<hbm>>) dst(%arg10 : memref<80xi32, #tpu.memory_space<vmem>>)
      tpu.yield
    }) : () -> ()
    "tpu.region"() ({
      %run_scoped3A = tpu.sem_alloc : memref<!tpu.dma_semaphore, #tpu.memory_space<semaphore_mem>>
      %dma_start3A_117 = tpu.memref_slice %arg4[%add3A_29] : memref<640000xi32, #tpu.memory_space<hbm>> -> memref<80xi32, #tpu.memory_space<hbm>>
      %dma_start3A_118 = tpu.memref_slice %arg4[%add3A_29] : memref<640000xi32, #tpu.memory_space<hbm>> -> memref<80xi32, #tpu.memory_space<hbm>>
      tpu.enqueue_dma source(%dma_start3A_118 : memref<80xi32, #tpu.memory_space<hbm>>) target(%arg11 : memref<80xi32, #tpu.memory_space<vmem>>) target_semaphore(%run_scoped3A : memref<!tpu.dma_semaphore, #tpu.memory_space<semaphore_mem>>)
      %dma_wait3A = tpu.memref_slice %arg4[%add3A_29] : memref<640000xi32, #tpu.memory_space<hbm>> -> memref<80xi32, #tpu.memory_space<hbm>>
      %dma_wait3A_119 = tpu.memref_slice %arg4[%add3A_29] : memref<640000xi32, #tpu.memory_space<hbm>> -> memref<80xi32, #tpu.memory_space<hbm>>
      tpu.wait_dma2 semaphore(%run_scoped3A : memref<!tpu.dma_semaphore, #tpu.memory_space<semaphore_mem>>) src(%dma_wait3A_119 : memref<80xi32, #tpu.memory_space<hbm>>) dst(%arg11 : memref<80xi32, #tpu.memory_space<vmem>>)
      tpu.yield
    }) : () -> ()
    %dma_start3A = arith.constant 0 : i32
    %dma_start3A_30 = arith.constant 0 : i32
    %dma_start3A_31 = tpu.memref_slice %arg2[%dma_start3A, %dma_start3A_30] : memref<10000x128xf32, #tpu.memory_space<hbm>> -> memref<10000x128xf32, #tpu.memory_space<hbm>>
    tpu.enqueue_indirect_dma source(%dma_start3A_31 : memref<10000x128xf32, #tpu.memory_space<hbm>>) target(%arg14 : memref<80x128xf32, #tpu.memory_space<vmem>>) offsets(%arg10 : memref<80xi32, #tpu.memory_space<vmem>>) semaphore(%arg16 : memref<!tpu.dma_semaphore, #tpu.memory_space<semaphore_mem>>)
    %scan3A_32 = arith.constant 0 : i32
    %scan3A_33 = arith.constant 0 : i32
    %scan3A_34 = arith.constant 125 : i32
    %scan3A_35 = arith.addi %scan3A_33, %scan3A_34 : i32
    %scan3A_36 = arith.constant 1 : i32
    %scan3A_37 = scf.for %scan3A_117 = %scan3A_33 to %scan3A_35 step %scan3A_36 iter_args(%scan3A_118 = %scan3A_32) -> (i32)  : i32 {
      %mul3A_119 = arith.constant 2 : i32
      %mul3A_120 = arith.muli %mul3A_119, %scan3A_117 : i32
      %add3A_121 = arith.constant 1 : i32
      %add3A_122 = arith.addi %mul3A_120, %add3A_121 : i32
      %mul3A_123 = arith.constant 80 : i32
      %mul3A_124 = arith.muli %add3A_122, %mul3A_123 : i32
      %add3A_125 = arith.addi %add3A_29, %mul3A_124 : i32
      "tpu.region"() ({
        %run_scoped3A = tpu.sem_alloc : memref<!tpu.dma_semaphore, #tpu.memory_space<semaphore_mem>>
        %dma_start3A_141 = tpu.memref_slice %arg3[%add3A_125] : memref<640000xi32, #tpu.memory_space<hbm>> -> memref<80xi32, #tpu.memory_space<hbm>>
        %dma_start3A_142 = tpu.memref_slice %arg3[%add3A_125] : memref<640000xi32, #tpu.memory_space<hbm>> -> memref<80xi32, #tpu.memory_space<hbm>>
        tpu.enqueue_dma source(%dma_start3A_142 : memref<80xi32, #tpu.memory_space<hbm>>) target(%arg12 : memref<80xi32, #tpu.memory_space<vmem>>) target_semaphore(%run_scoped3A : memref<!tpu.dma_semaphore, #tpu.memory_space<semaphore_mem>>)
        %dma_wait3A_143 = tpu.memref_slice %arg3[%add3A_125] : memref<640000xi32, #tpu.memory_space<hbm>> -> memref<80xi32, #tpu.memory_space<hbm>>
        %dma_wait3A_144 = tpu.memref_slice %arg3[%add3A_125] : memref<640000xi32, #tpu.memory_space<hbm>> -> memref<80xi32, #tpu.memory_space<hbm>>
        tpu.wait_dma2 semaphore(%run_scoped3A : memref<!tpu.dma_semaphore, #tpu.memory_space<semaphore_mem>>) src(%dma_wait3A_144 : memref<80xi32, #tpu.memory_space<hbm>>) dst(%arg12 : memref<80xi32, #tpu.memory_space<vmem>>)
        tpu.yield
      }) : () -> ()
      "tpu.region"() ({
        %run_scoped3A = tpu.sem_alloc : memref<!tpu.dma_semaphore, #tpu.memory_space<semaphore_mem>>
        %dma_start3A_141 = tpu.memref_slice %arg4[%add3A_125] : memref<640000xi32, #tpu.memory_space<hbm>> -> memref<80xi32, #tpu.memory_space<hbm>>
        %dma_start3A_142 = tpu.memref_slice %arg4[%add3A_125] : memref<640000xi32, #tpu.memory_space<hbm>> -> memref<80xi32, #tpu.memory_space<hbm>>
        tpu.enqueue_dma source(%dma_start3A_142 : memref<80xi32, #tpu.memory_space<hbm>>) target(%arg13 : memref<80xi32, #tpu.memory_space<vmem>>) target_semaphore(%run_scoped3A : memref<!tpu.dma_semaphore, #tpu.memory_space<semaphore_mem>>)
        %dma_wait3A_143 = tpu.memref_slice %arg4[%add3A_125] : memref<640000xi32, #tpu.memory_space<hbm>> -> memref<80xi32, #tpu.memory_space<hbm>>
        %dma_wait3A_144 = tpu.memref_slice %arg4[%add3A_125] : memref<640000xi32, #tpu.memory_space<hbm>> -> memref<80xi32, #tpu.memory_space<hbm>>
        tpu.wait_dma2 semaphore(%run_scoped3A : memref<!tpu.dma_semaphore, #tpu.memory_space<semaphore_mem>>) src(%dma_wait3A_144 : memref<80xi32, #tpu.memory_space<hbm>>) dst(%arg13 : memref<80xi32, #tpu.memory_space<vmem>>)
        tpu.yield
      }) : () -> ()
      %dma_start3A_126 = arith.constant 0 : i32
      %dma_start3A_127 = arith.constant 0 : i32
      %dma_start3A_128 = tpu.memref_slice %arg2[%dma_start3A_126, %dma_start3A_127] : memref<10000x128xf32, #tpu.memory_space<hbm>> -> memref<10000x128xf32, #tpu.memory_space<hbm>>
      tpu.enqueue_indirect_dma source(%dma_start3A_128 : memref<10000x128xf32, #tpu.memory_space<hbm>>) target(%arg15 : memref<80x128xf32, #tpu.memory_space<vmem>>) offsets(%arg12 : memref<80xi32, #tpu.memory_space<vmem>>) semaphore(%arg17 : memref<!tpu.dma_semaphore, #tpu.memory_space<semaphore_mem>>)
      %dma_wait3A = arith.constant 0 : i32
      %dma_wait3A_129 = arith.constant 0 : i32
      %dma_wait3A_130 = tpu.memref_slice %arg2[%dma_wait3A, %dma_wait3A_129] : memref<10000x128xf32, #tpu.memory_space<hbm>> -> memref<10000x128xf32, #tpu.memory_space<hbm>>
      tpu.wait_indirect_dma semaphore(%arg16 : memref<!tpu.dma_semaphore, #tpu.memory_space<semaphore_mem>>) src(%dma_wait3A_130 : memref<10000x128xf32, #tpu.memory_space<hbm>>) dst(%arg14 : memref<80x128xf32, #tpu.memory_space<vmem>>)
      "tpu.region"() ({
        %run_scoped3A = tpu.sem_alloc : memref<!tpu.dma_semaphore, #tpu.memory_space<semaphore_mem>>
        %dma_start3A_141 = arith.constant 0 : i32
        %dma_start3A_142 = arith.constant 0 : i32
        %dma_start3A_143 = tpu.memref_slice %arg9[%dma_start3A_141, %dma_start3A_142] : memref<10000x128xf32, #tpu.memory_space<vmem_shared>> -> memref<10000x128xf32, #tpu.memory_space<vmem_shared>>
        tpu.enqueue_indirect_dma source(%arg14 : memref<80x128xf32, #tpu.memory_space<vmem>>) target(%dma_start3A_143 : memref<10000x128xf32, #tpu.memory_space<vmem_shared>>) offsets(%arg11 : memref<80xi32, #tpu.memory_space<vmem>>) semaphore(%run_scoped3A : memref<!tpu.dma_semaphore, #tpu.memory_space<semaphore_mem>>) {add = true}
        %dma_wait3A_144 = arith.constant 0 : i32
        %dma_wait3A_145 = arith.constant 0 : i32
        %dma_wait3A_146 = tpu.memref_slice %arg9[%dma_wait3A_144, %dma_wait3A_145] : memref<10000x128xf32, #tpu.memory_space<vmem_shared>> -> memref<10000x128xf32, #tpu.memory_space<vmem_shared>>
        tpu.wait_indirect_dma semaphore(%run_scoped3A : memref<!tpu.dma_semaphore, #tpu.memory_space<semaphore_mem>>) src(%arg14 : memref<80x128xf32, #tpu.memory_space<vmem>>) dst(%dma_wait3A_146 : memref<10000x128xf32, #tpu.memory_space<vmem_shared>>)
        tpu.yield
      }) : () -> ()
      %add3A_131 = arith.constant 1 : i32
      %add3A_132 = arith.addi %add3A_122, %add3A_131 : i32
      %lt3A = arith.constant 250 : i32
      %lt3A_133 = arith.cmpi slt, %add3A_132, %lt3A : i32
      %convert_element_type3A_134 = arith.extui %lt3A_133 : i1 to i32
      %cond3A_135 = arith.constant 0 : i32
      %cond3A_136 = arith.cmpi ne, %convert_element_type3A_134, %cond3A_135 : i32
      scf.if %cond3A_136 {
        %add3A_141 = arith.constant 1 : i32
        %add3A_142 = arith.addi %add3A_122, %add3A_141 : i32
        %mul3A_143 = arith.constant 80 : i32
        %mul3A_144 = arith.muli %add3A_142, %mul3A_143 : i32
        %add3A_145 = arith.addi %add3A_29, %mul3A_144 : i32
        "tpu.region"() ({
          %run_scoped3A = tpu.sem_alloc : memref<!tpu.dma_semaphore, #tpu.memory_space<semaphore_mem>>
          %dma_start3A_149 = tpu.memref_slice %arg3[%add3A_145] : memref<640000xi32, #tpu.memory_space<hbm>> -> memref<80xi32, #tpu.memory_space<hbm>>
          %dma_start3A_150 = tpu.memref_slice %arg3[%add3A_145] : memref<640000xi32, #tpu.memory_space<hbm>> -> memref<80xi32, #tpu.memory_space<hbm>>
          tpu.enqueue_dma source(%dma_start3A_150 : memref<80xi32, #tpu.memory_space<hbm>>) target(%arg10 : memref<80xi32, #tpu.memory_space<vmem>>) target_semaphore(%run_scoped3A : memref<!tpu.dma_semaphore, #tpu.memory_space<semaphore_mem>>)
          %dma_wait3A_151 = tpu.memref_slice %arg3[%add3A_145] : memref<640000xi32, #tpu.memory_space<hbm>> -> memref<80xi32, #tpu.memory_space<hbm>>
          %dma_wait3A_152 = tpu.memref_slice %arg3[%add3A_145] : memref<640000xi32, #tpu.memory_space<hbm>> -> memref<80xi32, #tpu.memory_space<hbm>>
          tpu.wait_dma2 semaphore(%run_scoped3A : memref<!tpu.dma_semaphore, #tpu.memory_space<semaphore_mem>>) src(%dma_wait3A_152 : memref<80xi32, #tpu.memory_space<hbm>>) dst(%arg10 : memref<80xi32, #tpu.memory_space<vmem>>)
          tpu.yield
        }) : () -> ()
        "tpu.region"() ({
          %run_scoped3A = tpu.sem_alloc : memref<!tpu.dma_semaphore, #tpu.memory_space<semaphore_mem>>
          %dma_start3A_149 = tpu.memref_slice %arg4[%add3A_145] : memref<640000xi32, #tpu.memory_space<hbm>> -> memref<80xi32, #tpu.memory_space<hbm>>
          %dma_start3A_150 = tpu.memref_slice %arg4[%add3A_145] : memref<640000xi32, #tpu.memory_space<hbm>> -> memref<80xi32, #tpu.memory_space<hbm>>
          tpu.enqueue_dma source(%dma_start3A_150 : memref<80xi32, #tpu.memory_space<hbm>>) target(%arg11 : memref<80xi32, #tpu.memory_space<vmem>>) target_semaphore(%run_scoped3A : memref<!tpu.dma_semaphore, #tpu.memory_space<semaphore_mem>>)
          %dma_wait3A_151 = tpu.memref_slice %arg4[%add3A_145] : memref<640000xi32, #tpu.memory_space<hbm>> -> memref<80xi32, #tpu.memory_space<hbm>>
          %dma_wait3A_152 = tpu.memref_slice %arg4[%add3A_145] : memref<640000xi32, #tpu.memory_space<hbm>> -> memref<80xi32, #tpu.memory_space<hbm>>
          tpu.wait_dma2 semaphore(%run_scoped3A : memref<!tpu.dma_semaphore, #tpu.memory_space<semaphore_mem>>) src(%dma_wait3A_152 : memref<80xi32, #tpu.memory_space<hbm>>) dst(%arg11 : memref<80xi32, #tpu.memory_space<vmem>>)
          tpu.yield
        }) : () -> ()
        %dma_start3A_146 = arith.constant 0 : i32
        %dma_start3A_147 = arith.constant 0 : i32
        %dma_start3A_148 = tpu.memref_slice %arg2[%dma_start3A_146, %dma_start3A_147] : memref<10000x128xf32, #tpu.memory_space<hbm>> -> memref<10000x128xf32, #tpu.memory_space<hbm>>
        tpu.enqueue_indirect_dma source(%dma_start3A_148 : memref<10000x128xf32, #tpu.memory_space<hbm>>) target(%arg14 : memref<80x128xf32, #tpu.memory_space<vmem>>) offsets(%arg10 : memref<80xi32, #tpu.memory_space<vmem>>) semaphore(%arg16 : memref<!tpu.dma_semaphore, #tpu.memory_space<semaphore_mem>>)
      } else {
      }
      %dma_wait3A_137 = arith.constant 0 : i32
      %dma_wait3A_138 = arith.constant 0 : i32
      %dma_wait3A_139 = tpu.memref_slice %arg2[%dma_wait3A_137, %dma_wait3A_138] : memref<10000x128xf32, #tpu.memory_space<hbm>> -> memref<10000x128xf32, #tpu.memory_space<hbm>>
      tpu.wait_indirect_dma semaphore(%arg17 : memref<!tpu.dma_semaphore, #tpu.memory_space<semaphore_mem>>) src(%dma_wait3A_139 : memref<10000x128xf32, #tpu.memory_space<hbm>>) dst(%arg15 : memref<80x128xf32, #tpu.memory_space<vmem>>)
      "tpu.region"() ({
        %run_scoped3A = tpu.sem_alloc : memref<!tpu.dma_semaphore, #tpu.memory_space<semaphore_mem>>
        %dma_start3A_141 = arith.constant 0 : i32
        %dma_start3A_142 = arith.constant 0 : i32
        %dma_start3A_143 = tpu.memref_slice %arg9[%dma_start3A_141, %dma_start3A_142] : memref<10000x128xf32, #tpu.memory_space<vmem_shared>> -> memref<10000x128xf32, #tpu.memory_space<vmem_shared>>
        tpu.enqueue_indirect_dma source(%arg15 : memref<80x128xf32, #tpu.memory_space<vmem>>) target(%dma_start3A_143 : memref<10000x128xf32, #tpu.memory_space<vmem_shared>>) offsets(%arg13 : memref<80xi32, #tpu.memory_space<vmem>>) semaphore(%run_scoped3A : memref<!tpu.dma_semaphore, #tpu.memory_space<semaphore_mem>>) {add = true}
        %dma_wait3A_144 = arith.constant 0 : i32
        %dma_wait3A_145 = arith.constant 0 : i32
        %dma_wait3A_146 = tpu.memref_slice %arg9[%dma_wait3A_144, %dma_wait3A_145] : memref<10000x128xf32, #tpu.memory_space<vmem_shared>> -> memref<10000x128xf32, #tpu.memory_space<vmem_shared>>
        tpu.wait_indirect_dma semaphore(%run_scoped3A : memref<!tpu.dma_semaphore, #tpu.memory_space<semaphore_mem>>) src(%arg15 : memref<80x128xf32, #tpu.memory_space<vmem>>) dst(%dma_wait3A_146 : memref<10000x128xf32, #tpu.memory_space<vmem_shared>>)
        tpu.yield
      }) : () -> ()
      %scan3A_140 = arith.constant 0 : i32
      scf.yield %scan3A_140 : i32
    }
    %scan3A_38 = arith.constant 125 : i32
    %barrier3A_39 = arith.constant 0 : index
    tpu.barrier barrier_id(%barrier3A_39)
    %eq3A_40 = arith.constant 0 : i32
    %eq3A_41 = arith.cmpi eq, %arg0, %eq3A_40 : i32
    %convert_element_type3A_42 = arith.extui %eq3A_41 : i1 to i32
    %cond3A_43 = arith.constant 0 : i32
    %cond3A_44 = arith.cmpi ne, %convert_element_type3A_42, %cond3A_43 : i32
    scf.if %cond3A_44 {
      %mul3A_117 = arith.constant 624 : i32
      %mul3A_118 = arith.muli %arg1, %mul3A_117 : i32
      "tpu.region"() ({
        %run_scoped3A = tpu.sem_alloc : memref<!tpu.dma_semaphore, #tpu.memory_space<semaphore_mem>>
        %dma_start3A_124 = arith.constant 0 : i32
        %dma_start3A_125 = tpu.memref_slice %arg5[%mul3A_118, %dma_start3A_124] : memref<10000x128xf32, #tpu.memory_space<hbm>> -> memref<624x128xf32, #tpu.memory_space<hbm>>
        %dma_start3A_126 = arith.constant 0 : i32
        %dma_start3A_127 = tpu.memref_slice %arg9[%mul3A_118, %dma_start3A_126] : memref<10000x128xf32, #tpu.memory_space<vmem_shared>> -> memref<624x128xf32, #tpu.memory_space<vmem_shared>>
        tpu.enqueue_dma source(%dma_start3A_127 : memref<624x128xf32, #tpu.memory_space<vmem_shared>>) target(%dma_start3A_125 : memref<624x128xf32, #tpu.memory_space<hbm>>) target_semaphore(%run_scoped3A : memref<!tpu.dma_semaphore, #tpu.memory_space<semaphore_mem>>)
        %dma_wait3A = arith.constant 0 : i32
        %dma_wait3A_128 = tpu.memref_slice %arg5[%mul3A_118, %dma_wait3A] : memref<10000x128xf32, #tpu.memory_space<hbm>> -> memref<624x128xf32, #tpu.memory_space<hbm>>
        %dma_wait3A_129 = arith.constant 0 : i32
        %dma_wait3A_130 = tpu.memref_slice %arg9[%mul3A_118, %dma_wait3A_129] : memref<10000x128xf32, #tpu.memory_space<vmem_shared>> -> memref<624x128xf32, #tpu.memory_space<vmem_shared>>
        tpu.wait_dma2 semaphore(%run_scoped3A : memref<!tpu.dma_semaphore, #tpu.memory_space<semaphore_mem>>) src(%dma_wait3A_130 : memref<624x128xf32, #tpu.memory_space<vmem_shared>>) dst(%dma_wait3A_128 : memref<624x128xf32, #tpu.memory_space<hbm>>)
        tpu.yield
      }) : () -> ()
      %eq3A_119 = arith.constant 15 : i32
      %eq3A_120 = arith.cmpi eq, %arg1, %eq3A_119 : i32
      %convert_element_type3A_121 = arith.extui %eq3A_120 : i1 to i32
      %cond3A_122 = arith.constant 0 : i32
      %cond3A_123 = arith.cmpi ne, %convert_element_type3A_121, %cond3A_122 : i32
      scf.if %cond3A_123 {
        "tpu.region"() ({
          %run_scoped3A = tpu.sem_alloc : memref<!tpu.dma_semaphore, #tpu.memory_space<semaphore_mem>>
          %dma_start3A_124 = arith.constant 9984 : i32
          %dma_start3A_125 = arith.constant 0 : i32
          %dma_start3A_126 = tpu.memref_slice %arg5[%dma_start3A_124, %dma_start3A_125] : memref<10000x128xf32, #tpu.memory_space<hbm>> -> memref<16x128xf32, #tpu.memory_space<hbm>>
          %dma_start3A_127 = arith.constant 9984 : i32
          %dma_start3A_128 = arith.constant 0 : i32
          %dma_start3A_129 = tpu.memref_slice %arg9[%dma_start3A_127, %dma_start3A_128] : memref<10000x128xf32, #tpu.memory_space<vmem_shared>> -> memref<16x128xf32, #tpu.memory_space<vmem_shared>>
          tpu.enqueue_dma source(%dma_start3A_129 : memref<16x128xf32, #tpu.memory_space<vmem_shared>>) target(%dma_start3A_126 : memref<16x128xf32, #tpu.memory_space<hbm>>) target_semaphore(%run_scoped3A : memref<!tpu.dma_semaphore, #tpu.memory_space<semaphore_mem>>)
          %dma_wait3A = arith.constant 9984 : i32
          %dma_wait3A_130 = arith.constant 0 : i32
          %dma_wait3A_131 = tpu.memref_slice %arg5[%dma_wait3A, %dma_wait3A_130] : memref<10000x128xf32, #tpu.memory_space<hbm>> -> memref<16x128xf32, #tpu.memory_space<hbm>>
          %dma_wait3A_132 = arith.constant 9984 : i32
          %dma_wait3A_133 = arith.constant 0 : i32
          %dma_wait3A_134 = tpu.memref_slice %arg9[%dma_wait3A_132, %dma_wait3A_133] : memref<10000x128xf32, #tpu.memory_space<vmem_shared>> -> memref<16x128xf32, #tpu.memory_space<vmem_shared>>
          tpu.wait_dma2 semaphore(%run_scoped3A : memref<!tpu.dma_semaphore, #tpu.memory_space<semaphore_mem>>) src(%dma_wait3A_134 : memref<16x128xf32, #tpu.memory_space<vmem_shared>>) dst(%dma_wait3A_131 : memref<16x128xf32, #tpu.memory_space<hbm>>)
          tpu.yield
        }) : () -> ()
      } else {
      }
    } else {
    }
    %eq3A_45 = arith.constant 1 : i32
    %eq3A_46 = arith.cmpi eq, %arg0, %eq3A_45 : i32
    %convert_element_type3A_47 = arith.extui %eq3A_46 : i1 to i32
    %cond3A_48 = arith.constant 0 : i32
    %cond3A_49 = arith.cmpi ne, %convert_element_type3A_47, %cond3A_48 : i32
    scf.if %cond3A_49 {
      %mul3A_117 = arith.constant 624 : i32
      %mul3A_118 = arith.muli %arg1, %mul3A_117 : i32
      "tpu.region"() ({
        %run_scoped3A = tpu.sem_alloc : memref<!tpu.dma_semaphore, #tpu.memory_space<semaphore_mem>>
        %dma_start3A_124 = arith.constant 0 : i32
        %dma_start3A_125 = tpu.memref_slice %arg6[%mul3A_118, %dma_start3A_124] : memref<10000x128xf32, #tpu.memory_space<hbm>> -> memref<624x128xf32, #tpu.memory_space<hbm>>
        %dma_start3A_126 = arith.constant 0 : i32
        %dma_start3A_127 = tpu.memref_slice %arg9[%mul3A_118, %dma_start3A_126] : memref<10000x128xf32, #tpu.memory_space<vmem_shared>> -> memref<624x128xf32, #tpu.memory_space<vmem_shared>>
        tpu.enqueue_dma source(%dma_start3A_127 : memref<624x128xf32, #tpu.memory_space<vmem_shared>>) target(%dma_start3A_125 : memref<624x128xf32, #tpu.memory_space<hbm>>) target_semaphore(%run_scoped3A : memref<!tpu.dma_semaphore, #tpu.memory_space<semaphore_mem>>)
        %dma_wait3A = arith.constant 0 : i32
        %dma_wait3A_128 = tpu.memref_slice %arg6[%mul3A_118, %dma_wait3A] : memref<10000x128xf32, #tpu.memory_space<hbm>> -> memref<624x128xf32, #tpu.memory_space<hbm>>
        %dma_wait3A_129 = arith.constant 0 : i32
        %dma_wait3A_130 = tpu.memref_slice %arg9[%mul3A_118, %dma_wait3A_129] : memref<10000x128xf32, #tpu.memory_space<vmem_shared>> -> memref<624x128xf32, #tpu.memory_space<vmem_shared>>
        tpu.wait_dma2 semaphore(%run_scoped3A : memref<!tpu.dma_semaphore, #tpu.memory_space<semaphore_mem>>) src(%dma_wait3A_130 : memref<624x128xf32, #tpu.memory_space<vmem_shared>>) dst(%dma_wait3A_128 : memref<624x128xf32, #tpu.memory_space<hbm>>)
        tpu.yield
      }) : () -> ()
      %eq3A_119 = arith.constant 15 : i32
      %eq3A_120 = arith.cmpi eq, %arg1, %eq3A_119 : i32
      %convert_element_type3A_121 = arith.extui %eq3A_120 : i1 to i32
      %cond3A_122 = arith.constant 0 : i32
      %cond3A_123 = arith.cmpi ne, %convert_element_type3A_121, %cond3A_122 : i32
      scf.if %cond3A_123 {
        "tpu.region"() ({
          %run_scoped3A = tpu.sem_alloc : memref<!tpu.dma_semaphore, #tpu.memory_space<semaphore_mem>>
          %dma_start3A_124 = arith.constant 9984 : i32
          %dma_start3A_125 = arith.constant 0 : i32
          %dma_start3A_126 = tpu.memref_slice %arg6[%dma_start3A_124, %dma_start3A_125] : memref<10000x128xf32, #tpu.memory_space<hbm>> -> memref<16x128xf32, #tpu.memory_space<hbm>>
          %dma_start3A_127 = arith.constant 9984 : i32
          %dma_start3A_128 = arith.constant 0 : i32
          %dma_start3A_129 = tpu.memref_slice %arg9[%dma_start3A_127, %dma_start3A_128] : memref<10000x128xf32, #tpu.memory_space<vmem_shared>> -> memref<16x128xf32, #tpu.memory_space<vmem_shared>>
          tpu.enqueue_dma source(%dma_start3A_129 : memref<16x128xf32, #tpu.memory_space<vmem_shared>>) target(%dma_start3A_126 : memref<16x128xf32, #tpu.memory_space<hbm>>) target_semaphore(%run_scoped3A : memref<!tpu.dma_semaphore, #tpu.memory_space<semaphore_mem>>)
          %dma_wait3A = arith.constant 9984 : i32
          %dma_wait3A_130 = arith.constant 0 : i32
          %dma_wait3A_131 = tpu.memref_slice %arg6[%dma_wait3A, %dma_wait3A_130] : memref<10000x128xf32, #tpu.memory_space<hbm>> -> memref<16x128xf32, #tpu.memory_space<hbm>>
          %dma_wait3A_132 = arith.constant 9984 : i32
          %dma_wait3A_133 = arith.constant 0 : i32
          %dma_wait3A_134 = tpu.memref_slice %arg9[%dma_wait3A_132, %dma_wait3A_133] : memref<10000x128xf32, #tpu.memory_space<vmem_shared>> -> memref<16x128xf32, #tpu.memory_space<vmem_shared>>
          tpu.wait_dma2 semaphore(%run_scoped3A : memref<!tpu.dma_semaphore, #tpu.memory_space<semaphore_mem>>) src(%dma_wait3A_134 : memref<16x128xf32, #tpu.memory_space<vmem_shared>>) dst(%dma_wait3A_131 : memref<16x128xf32, #tpu.memory_space<hbm>>)
          tpu.yield
        }) : () -> ()
      } else {
      }
    } else {
    }
    %broadcast_in_dim3A_50 = arith.constant 0.000000e+00 : f32
    %broadcast_in_dim3A_51 = vector.broadcast %broadcast_in_dim3A_50 : f32 to vector<16xf32>
    %scan3A_52 = arith.constant 0 : i32
    %scan3A_53 = arith.constant 0 : i32
    %scan3A_54 = arith.constant 80 : i32
    %scan3A_55 = arith.addi %scan3A_53, %scan3A_54 : i32
    %scan3A_56 = arith.constant 1 : i32
    %scan3A_57 = scf.for %scan3A_117 = %scan3A_53 to %scan3A_55 step %scan3A_56 iter_args(%scan3A_118 = %scan3A_52) -> (i32)  : i32 {
      %swap3A = arith.index_cast %scan3A_117 : i32 to index
      %swap3A_119 = arith.constant 0 : index
      %swap3A_120 = tpu.vector_load %arg14[%swap3A, %swap3A_119] {strides = array<i32>} : memref<80x128xf32, #tpu.memory_space<vmem>>, vector<1x16xf32>,
      %swap3A_121 = vector.shape_cast %swap3A_120 : vector<1x16xf32> to vector<16xf32>
      %swap3A_122 = vector.shape_cast %broadcast_in_dim3A_51 : vector<16xf32> to vector<1x16xf32>
      tpu.vector_store %arg14[%swap3A, %swap3A_119], %swap3A_122 {strides = array<i32>} : memref<80x128xf32, #tpu.memory_space<vmem>>, vector<1x16xf32>,
      %swap3A_123 = arith.index_cast %scan3A_117 : i32 to index
      %swap3A_124 = arith.constant 16 : index
      %swap3A_125 = tpu.vector_load %arg14[%swap3A_123, %swap3A_124] {strides = array<i32>} : memref<80x128xf32, #tpu.memory_space<vmem>>, vector<1x16xf32>,
      %swap3A_126 = vector.shape_cast %swap3A_125 : vector<1x16xf32> to vector<16xf32>
      %swap3A_127 = vector.shape_cast %broadcast_in_dim3A_51 : vector<16xf32> to vector<1x16xf32>
      tpu.vector_store %arg14[%swap3A_123, %swap3A_124], %swap3A_127 {strides = array<i32>} : memref<80x128xf32, #tpu.memory_space<vmem>>, vector<1x16xf32>,
      %swap3A_128 = arith.index_cast %scan3A_117 : i32 to index
      %swap3A_129 = arith.constant 32 : index
      %swap3A_130 = tpu.vector_load %arg14[%swap3A_128, %swap3A_129] {strides = array<i32>} : memref<80x128xf32, #tpu.memory_space<vmem>>, vector<1x16xf32>,
      %swap3A_131 = vector.shape_cast %swap3A_130 : vector<1x16xf32> to vector<16xf32>
      %swap3A_132 = vector.shape_cast %broadcast_in_dim3A_51 : vector<16xf32> to vector<1x16xf32>
      tpu.vector_store %arg14[%swap3A_128, %swap3A_129], %swap3A_132 {strides = array<i32>} : memref<80x128xf32, #tpu.memory_space<vmem>>, vector<1x16xf32>,
      %swap3A_133 = arith.index_cast %scan3A_117 : i32 to index
      %swap3A_134 = arith.constant 48 : index
      %swap3A_135 = tpu.vector_load %arg14[%swap3A_133, %swap3A_134] {strides = array<i32>} : memref<80x128xf32, #tpu.memory_space<vmem>>, vector<1x16xf32>,
      %swap3A_136 = vector.shape_cast %swap3A_135 : vector<1x16xf32> to vector<16xf32>
      %swap3A_137 = vector.shape_cast %broadcast_in_dim3A_51 : vector<16xf32> to vector<1x16xf32>
      tpu.vector_store %arg14[%swap3A_133, %swap3A_134], %swap3A_137 {strides = array<i32>} : memref<80x128xf32, #tpu.memory_space<vmem>>, vector<1x16xf32>,
      %swap3A_138 = arith.index_cast %scan3A_117 : i32 to index
      %swap3A_139 = arith.constant 64 : index
      %swap3A_140 = tpu.vector_load %arg14[%swap3A_138, %swap3A_139] {strides = array<i32>} : memref<80x128xf32, #tpu.memory_space<vmem>>, vector<1x16xf32>,
      %swap3A_141 = vector.shape_cast %swap3A_140 : vector<1x16xf32> to vector<16xf32>
      %swap3A_142 = vector.shape_cast %broadcast_in_dim3A_51 : vector<16xf32> to vector<1x16xf32>
      tpu.vector_store %arg14[%swap3A_138, %swap3A_139], %swap3A_142 {strides = array<i32>} : memref<80x128xf32, #tpu.memory_space<vmem>>, vector<1x16xf32>,
      %swap3A_143 = arith.index_cast %scan3A_117 : i32 to index
      %swap3A_144 = arith.constant 80 : index
      %swap3A_145 = tpu.vector_load %arg14[%swap3A_143, %swap3A_144] {strides = array<i32>} : memref<80x128xf32, #tpu.memory_space<vmem>>, vector<1x16xf32>,
      %swap3A_146 = vector.shape_cast %swap3A_145 : vector<1x16xf32> to vector<16xf32>
      %swap3A_147 = vector.shape_cast %broadcast_in_dim3A_51 : vector<16xf32> to vector<1x16xf32>
      tpu.vector_store %arg14[%swap3A_143, %swap3A_144], %swap3A_147 {strides = array<i32>} : memref<80x128xf32, #tpu.memory_space<vmem>>, vector<1x16xf32>,
      %swap3A_148 = arith.index_cast %scan3A_117 : i32 to index
      %swap3A_149 = arith.constant 96 : index
      %swap3A_150 = tpu.vector_load %arg14[%swap3A_148, %swap3A_149] {strides = array<i32>} : memref<80x128xf32, #tpu.memory_space<vmem>>, vector<1x16xf32>,
      %swap3A_151 = vector.shape_cast %swap3A_150 : vector<1x16xf32> to vector<16xf32>
      %swap3A_152 = vector.shape_cast %broadcast_in_dim3A_51 : vector<16xf32> to vector<1x16xf32>
      tpu.vector_store %arg14[%swap3A_148, %swap3A_149], %swap3A_152 {strides = array<i32>} : memref<80x128xf32, #tpu.memory_space<vmem>>, vector<1x16xf32>,
      %swap3A_153 = arith.index_cast %scan3A_117 : i32 to index
      %swap3A_154 = arith.constant 112 : index
      %swap3A_155 = tpu.vector_load %arg14[%swap3A_153, %swap3A_154] {strides = array<i32>} : memref<80x128xf32, #tpu.memory_space<vmem>>, vector<1x16xf32>,
      %swap3A_156 = vector.shape_cast %swap3A_155 : vector<1x16xf32> to vector<16xf32>
      %swap3A_157 = vector.shape_cast %broadcast_in_dim3A_51 : vector<16xf32> to vector<1x16xf32>
      tpu.vector_store %arg14[%swap3A_153, %swap3A_154], %swap3A_157 {strides = array<i32>} : memref<80x128xf32, #tpu.memory_space<vmem>>, vector<1x16xf32>,
      %scan3A_158 = arith.constant 0 : i32
      scf.yield %scan3A_158 : i32
    }
    %scan3A_58 = arith.constant 80 : i32
    %mul3A_59 = arith.constant 624 : i32
    %mul3A_60 = arith.muli %arg1, %mul3A_59 : i32
    %add3A_61 = arith.constant 0 : i32
    %add3A_62 = arith.addi %mul3A_60, %add3A_61 : i32
    "tpu.region"() ({
      %run_scoped3A = tpu.sem_alloc : memref<!tpu.dma_semaphore, #tpu.memory_space<semaphore_mem>>
      %dma_start3A_117 = arith.constant 0 : i32
      %dma_start3A_118 = tpu.memref_slice %arg9[%add3A_62, %dma_start3A_117] : memref<10000x128xf32, #tpu.memory_space<vmem_shared>> -> memref<80x128xf32, #tpu.memory_space<vmem_shared>>
      %dma_start3A_119 = arith.constant 0 : i32
      %dma_start3A_120 = tpu.memref_slice %arg9[%add3A_62, %dma_start3A_119] : memref<10000x128xf32, #tpu.memory_space<vmem_shared>> -> memref<80x128xf32, #tpu.memory_space<vmem_shared>>
      tpu.enqueue_dma source(%arg14 : memref<80x128xf32, #tpu.memory_space<vmem>>) target(%dma_start3A_120 : memref<80x128xf32, #tpu.memory_space<vmem_shared>>) target_semaphore(%run_scoped3A : memref<!tpu.dma_semaphore, #tpu.memory_space<semaphore_mem>>)
      %dma_wait3A = arith.constant 0 : i32
      %dma_wait3A_121 = tpu.memref_slice %arg9[%add3A_62, %dma_wait3A] : memref<10000x128xf32, #tpu.memory_space<vmem_shared>> -> memref<80x128xf32, #tpu.memory_space<vmem_shared>>
      %dma_wait3A_122 = arith.constant 0 : i32
      %dma_wait3A_123 = tpu.memref_slice %arg9[%add3A_62, %dma_wait3A_122] : memref<10000x128xf32, #tpu.memory_space<vmem_shared>> -> memref<80x128xf32, #tpu.memory_space<vmem_shared>>
      tpu.wait_dma2 semaphore(%run_scoped3A : memref<!tpu.dma_semaphore, #tpu.memory_space<semaphore_mem>>) src(%arg14 : memref<80x128xf32, #tpu.memory_space<vmem>>) dst(%dma_wait3A_123 : memref<80x128xf32, #tpu.memory_space<vmem_shared>>)
      tpu.yield
    }) : () -> ()
    %add3A_63 = arith.constant 80 : i32
    %add3A_64 = arith.addi %mul3A_60, %add3A_63 : i32
    "tpu.region"() ({
      %run_scoped3A = tpu.sem_alloc : memref<!tpu.dma_semaphore, #tpu.memory_space<semaphore_mem>>
      %dma_start3A_117 = arith.constant 0 : i32
      %dma_start3A_118 = tpu.memref_slice %arg9[%add3A_64, %dma_start3A_117] : memref<10000x128xf32, #tpu.memory_space<vmem_shared>> -> memref<80x128xf32, #tpu.memory_space<vmem_shared>>
      %dma_start3A_119 = arith.constant 0 : i32
      %dma_start3A_120 = tpu.memref_slice %arg9[%add3A_64, %dma_start3A_119] : memref<10000x128xf32, #tpu.memory_space<vmem_shared>> -> memref<80x128xf32, #tpu.memory_space<vmem_shared>>
      tpu.enqueue_dma source(%arg14 : memref<80x128xf32, #tpu.memory_space<vmem>>) target(%dma_start3A_120 : memref<80x128xf32, #tpu.memory_space<vmem_shared>>) target_semaphore(%run_scoped3A : memref<!tpu.dma_semaphore, #tpu.memory_space<semaphore_mem>>)
      %dma_wait3A = arith.constant 0 : i32
      %dma_wait3A_121 = tpu.memref_slice %arg9[%add3A_64, %dma_wait3A] : memref<10000x128xf32, #tpu.memory_space<vmem_shared>> -> memref<80x128xf32, #tpu.memory_space<vmem_shared>>
      %dma_wait3A_122 = arith.constant 0 : i32
      %dma_wait3A_123 = tpu.memref_slice %arg9[%add3A_64, %dma_wait3A_122] : memref<10000x128xf32, #tpu.memory_space<vmem_shared>> -> memref<80x128xf32, #tpu.memory_space<vmem_shared>>
      tpu.wait_dma2 semaphore(%run_scoped3A : memref<!tpu.dma_semaphore, #tpu.memory_space<semaphore_mem>>) src(%arg14 : memref<80x128xf32, #tpu.memory_space<vmem>>) dst(%dma_wait3A_123 : memref<80x128xf32, #tpu.memory_space<vmem_shared>>)
      tpu.yield
    }) : () -> ()
    %add3A_65 = arith.constant 160 : i32
    %add3A_66 = arith.addi %mul3A_60, %add3A_65 : i32
    "tpu.region"() ({
      %run_scoped3A = tpu.sem_alloc : memref<!tpu.dma_semaphore, #tpu.memory_space<semaphore_mem>>
      %dma_start3A_117 = arith.constant 0 : i32
      %dma_start3A_118 = tpu.memref_slice %arg9[%add3A_66, %dma_start3A_117] : memref<10000x128xf32, #tpu.memory_space<vmem_shared>> -> memref<80x128xf32, #tpu.memory_space<vmem_shared>>
      %dma_start3A_119 = arith.constant 0 : i32
      %dma_start3A_120 = tpu.memref_slice %arg9[%add3A_66, %dma_start3A_119] : memref<10000x128xf32, #tpu.memory_space<vmem_shared>> -> memref<80x128xf32, #tpu.memory_space<vmem_shared>>
      tpu.enqueue_dma source(%arg14 : memref<80x128xf32, #tpu.memory_space<vmem>>) target(%dma_start3A_120 : memref<80x128xf32, #tpu.memory_space<vmem_shared>>) target_semaphore(%run_scoped3A : memref<!tpu.dma_semaphore, #tpu.memory_space<semaphore_mem>>)
      %dma_wait3A = arith.constant 0 : i32
      %dma_wait3A_121 = tpu.memref_slice %arg9[%add3A_66, %dma_wait3A] : memref<10000x128xf32, #tpu.memory_space<vmem_shared>> -> memref<80x128xf32, #tpu.memory_space<vmem_shared>>
      %dma_wait3A_122 = arith.constant 0 : i32
      %dma_wait3A_123 = tpu.memref_slice %arg9[%add3A_66, %dma_wait3A_122] : memref<10000x128xf32, #tpu.memory_space<vmem_shared>> -> memref<80x128xf32, #tpu.memory_space<vmem_shared>>
      tpu.wait_dma2 semaphore(%run_scoped3A : memref<!tpu.dma_semaphore, #tpu.memory_space<semaphore_mem>>) src(%arg14 : memref<80x128xf32, #tpu.memory_space<vmem>>) dst(%dma_wait3A_123 : memref<80x128xf32, #tpu.memory_space<vmem_shared>>)
      tpu.yield
    }) : () -> ()
    %add3A_67 = arith.constant 240 : i32
    %add3A_68 = arith.addi %mul3A_60, %add3A_67 : i32
    "tpu.region"() ({
      %run_scoped3A = tpu.sem_alloc : memref<!tpu.dma_semaphore, #tpu.memory_space<semaphore_mem>>
      %dma_start3A_117 = arith.constant 0 : i32
      %dma_start3A_118 = tpu.memref_slice %arg9[%add3A_68, %dma_start3A_117] : memref<10000x128xf32, #tpu.memory_space<vmem_shared>> -> memref<80x128xf32, #tpu.memory_space<vmem_shared>>
      %dma_start3A_119 = arith.constant 0 : i32
      %dma_start3A_120 = tpu.memref_slice %arg9[%add3A_68, %dma_start3A_119] : memref<10000x128xf32, #tpu.memory_space<vmem_shared>> -> memref<80x128xf32, #tpu.memory_space<vmem_shared>>
      tpu.enqueue_dma source(%arg14 : memref<80x128xf32, #tpu.memory_space<vmem>>) target(%dma_start3A_120 : memref<80x128xf32, #tpu.memory_space<vmem_shared>>) target_semaphore(%run_scoped3A : memref<!tpu.dma_semaphore, #tpu.memory_space<semaphore_mem>>)
      %dma_wait3A = arith.constant 0 : i32
      %dma_wait3A_121 = tpu.memref_slice %arg9[%add3A_68, %dma_wait3A] : memref<10000x128xf32, #tpu.memory_space<vmem_shared>> -> memref<80x128xf32, #tpu.memory_space<vmem_shared>>
      %dma_wait3A_122 = arith.constant 0 : i32
      %dma_wait3A_123 = tpu.memref_slice %arg9[%add3A_68, %dma_wait3A_122] : memref<10000x128xf32, #tpu.memory_space<vmem_shared>> -> memref<80x128xf32, #tpu.memory_space<vmem_shared>>
      tpu.wait_dma2 semaphore(%run_scoped3A : memref<!tpu.dma_semaphore, #tpu.memory_space<semaphore_mem>>) src(%arg14 : memref<80x128xf32, #tpu.memory_space<vmem>>) dst(%dma_wait3A_123 : memref<80x128xf32, #tpu.memory_space<vmem_shared>>)
      tpu.yield
    }) : () -> ()
    %add3A_69 = arith.constant 320 : i32
    %add3A_70 = arith.addi %mul3A_60, %add3A_69 : i32
    "tpu.region"() ({
      %run_scoped3A = tpu.sem_alloc : memref<!tpu.dma_semaphore, #tpu.memory_space<semaphore_mem>>
      %dma_start3A_117 = arith.constant 0 : i32
      %dma_start3A_118 = tpu.memref_slice %arg9[%add3A_70, %dma_start3A_117] : memref<10000x128xf32, #tpu.memory_space<vmem_shared>> -> memref<80x128xf32, #tpu.memory_space<vmem_shared>>
      %dma_start3A_119 = arith.constant 0 : i32
      %dma_start3A_120 = tpu.memref_slice %arg9[%add3A_70, %dma_start3A_119] : memref<10000x128xf32, #tpu.memory_space<vmem_shared>> -> memref<80x128xf32, #tpu.memory_space<vmem_shared>>
      tpu.enqueue_dma source(%arg14 : memref<80x128xf32, #tpu.memory_space<vmem>>) target(%dma_start3A_120 : memref<80x128xf32, #tpu.memory_space<vmem_shared>>) target_semaphore(%run_scoped3A : memref<!tpu.dma_semaphore, #tpu.memory_space<semaphore_mem>>)
      %dma_wait3A = arith.constant 0 : i32
      %dma_wait3A_121 = tpu.memref_slice %arg9[%add3A_70, %dma_wait3A] : memref<10000x128xf32, #tpu.memory_space<vmem_shared>> -> memref<80x128xf32, #tpu.memory_space<vmem_shared>>
      %dma_wait3A_122 = arith.constant 0 : i32
      %dma_wait3A_123 = tpu.memref_slice %arg9[%add3A_70, %dma_wait3A_122] : memref<10000x128xf32, #tpu.memory_space<vmem_shared>> -> memref<80x128xf32, #tpu.memory_space<vmem_shared>>
      tpu.wait_dma2 semaphore(%run_scoped3A : memref<!tpu.dma_semaphore, #tpu.memory_space<semaphore_mem>>) src(%arg14 : memref<80x128xf32, #tpu.memory_space<vmem>>) dst(%dma_wait3A_123 : memref<80x128xf32, #tpu.memory_space<vmem_shared>>)
      tpu.yield
    }) : () -> ()
    %add3A_71 = arith.constant 400 : i32
    %add3A_72 = arith.addi %mul3A_60, %add3A_71 : i32
    "tpu.region"() ({
      %run_scoped3A = tpu.sem_alloc : memref<!tpu.dma_semaphore, #tpu.memory_space<semaphore_mem>>
      %dma_start3A_117 = arith.constant 0 : i32
      %dma_start3A_118 = tpu.memref_slice %arg9[%add3A_72, %dma_start3A_117] : memref<10000x128xf32, #tpu.memory_space<vmem_shared>> -> memref<80x128xf32, #tpu.memory_space<vmem_shared>>
      %dma_start3A_119 = arith.constant 0 : i32
      %dma_start3A_120 = tpu.memref_slice %arg9[%add3A_72, %dma_start3A_119] : memref<10000x128xf32, #tpu.memory_space<vmem_shared>> -> memref<80x128xf32, #tpu.memory_space<vmem_shared>>
      tpu.enqueue_dma source(%arg14 : memref<80x128xf32, #tpu.memory_space<vmem>>) target(%dma_start3A_120 : memref<80x128xf32, #tpu.memory_space<vmem_shared>>) target_semaphore(%run_scoped3A : memref<!tpu.dma_semaphore, #tpu.memory_space<semaphore_mem>>)
      %dma_wait3A = arith.constant 0 : i32
      %dma_wait3A_121 = tpu.memref_slice %arg9[%add3A_72, %dma_wait3A] : memref<10000x128xf32, #tpu.memory_space<vmem_shared>> -> memref<80x128xf32, #tpu.memory_space<vmem_shared>>
      %dma_wait3A_122 = arith.constant 0 : i32
      %dma_wait3A_123 = tpu.memref_slice %arg9[%add3A_72, %dma_wait3A_122] : memref<10000x128xf32, #tpu.memory_space<vmem_shared>> -> memref<80x128xf32, #tpu.memory_space<vmem_shared>>
      tpu.wait_dma2 semaphore(%run_scoped3A : memref<!tpu.dma_semaphore, #tpu.memory_space<semaphore_mem>>) src(%arg14 : memref<80x128xf32, #tpu.memory_space<vmem>>) dst(%dma_wait3A_123 : memref<80x128xf32, #tpu.memory_space<vmem_shared>>)
      tpu.yield
    }) : () -> ()
    %add3A_73 = arith.constant 480 : i32
    %add3A_74 = arith.addi %mul3A_60, %add3A_73 : i32
    "tpu.region"() ({
      %run_scoped3A = tpu.sem_alloc : memref<!tpu.dma_semaphore, #tpu.memory_space<semaphore_mem>>
      %dma_start3A_117 = arith.constant 0 : i32
      %dma_start3A_118 = tpu.memref_slice %arg9[%add3A_74, %dma_start3A_117] : memref<10000x128xf32, #tpu.memory_space<vmem_shared>> -> memref<80x128xf32, #tpu.memory_space<vmem_shared>>
      %dma_start3A_119 = arith.constant 0 : i32
      %dma_start3A_120 = tpu.memref_slice %arg9[%add3A_74, %dma_start3A_119] : memref<10000x128xf32, #tpu.memory_space<vmem_shared>> -> memref<80x128xf32, #tpu.memory_space<vmem_shared>>
      tpu.enqueue_dma source(%arg14 : memref<80x128xf32, #tpu.memory_space<vmem>>) target(%dma_start3A_120 : memref<80x128xf32, #tpu.memory_space<vmem_shared>>) target_semaphore(%run_scoped3A : memref<!tpu.dma_semaphore, #tpu.memory_space<semaphore_mem>>)
      %dma_wait3A = arith.constant 0 : i32
      %dma_wait3A_121 = tpu.memref_slice %arg9[%add3A_74, %dma_wait3A] : memref<10000x128xf32, #tpu.memory_space<vmem_shared>> -> memref<80x128xf32, #tpu.memory_space<vmem_shared>>
      %dma_wait3A_122 = arith.constant 0 : i32
      %dma_wait3A_123 = tpu.memref_slice %arg9[%add3A_74, %dma_wait3A_122] : memref<10000x128xf32, #tpu.memory_space<vmem_shared>> -> memref<80x128xf32, #tpu.memory_space<vmem_shared>>
      tpu.wait_dma2 semaphore(%run_scoped3A : memref<!tpu.dma_semaphore, #tpu.memory_space<semaphore_mem>>) src(%arg14 : memref<80x128xf32, #tpu.memory_space<vmem>>) dst(%dma_wait3A_123 : memref<80x128xf32, #tpu.memory_space<vmem_shared>>)
      tpu.yield
    }) : () -> ()
    %add3A_75 = arith.constant 560 : i32
    %add3A_76 = arith.addi %mul3A_60, %add3A_75 : i32
    "tpu.region"() ({
      %run_scoped3A = tpu.sem_alloc : memref<!tpu.dma_semaphore, #tpu.memory_space<semaphore_mem>>
      %dma_start3A_117 = arith.constant 0 : i32
      %dma_start3A_118 = arith.constant 0 : i32
      %dma_start3A_119 = tpu.memref_slice %arg14[%dma_start3A_117, %dma_start3A_118] : memref<80x128xf32, #tpu.memory_space<vmem>> -> memref<64x128xf32, #tpu.memory_space<vmem>>
      %dma_start3A_120 = arith.constant 0 : i32
      %dma_start3A_121 = tpu.memref_slice %arg9[%add3A_76, %dma_start3A_120] : memref<10000x128xf32, #tpu.memory_space<vmem_shared>> -> memref<64x128xf32, #tpu.memory_space<vmem_shared>>
      %dma_start3A_122 = arith.constant 0 : i32
      %dma_start3A_123 = tpu.memref_slice %arg9[%add3A_76, %dma_start3A_122] : memref<10000x128xf32, #tpu.memory_space<vmem_shared>> -> memref<64x128xf32, #tpu.memory_space<vmem_shared>>
      %dma_start3A_124 = arith.constant 0 : i32
      %dma_start3A_125 = arith.constant 0 : i32
      %dma_start3A_126 = tpu.memref_slice %arg14[%dma_start3A_124, %dma_start3A_125] : memref<80x128xf32, #tpu.memory_space<vmem>> -> memref<64x128xf32, #tpu.memory_space<vmem>>
      tpu.enqueue_dma source(%dma_start3A_126 : memref<64x128xf32, #tpu.memory_space<vmem>>) target(%dma_start3A_123 : memref<64x128xf32, #tpu.memory_space<vmem_shared>>) target_semaphore(%run_scoped3A : memref<!tpu.dma_semaphore, #tpu.memory_space<semaphore_mem>>)
      %dma_wait3A = arith.constant 0 : i32
      %dma_wait3A_127 = arith.constant 0 : i32
      %dma_wait3A_128 = tpu.memref_slice %arg14[%dma_wait3A, %dma_wait3A_127] : memref<80x128xf32, #tpu.memory_space<vmem>> -> memref<64x128xf32, #tpu.memory_space<vmem>>
      %dma_wait3A_129 = arith.constant 0 : i32
      %dma_wait3A_130 = tpu.memref_slice %arg9[%add3A_76, %dma_wait3A_129] : memref<10000x128xf32, #tpu.memory_space<vmem_shared>> -> memref<64x128xf32, #tpu.memory_space<vmem_shared>>
      %dma_wait3A_131 = arith.constant 0 : i32
      %dma_wait3A_132 = tpu.memref_slice %arg9[%add3A_76, %dma_wait3A_131] : memref<10000x128xf32, #tpu.memory_space<vmem_shared>> -> memref<64x128xf32, #tpu.memory_space<vmem_shared>>
      %dma_wait3A_133 = arith.constant 0 : i32
      %dma_wait3A_134 = arith.constant 0 : i32
      %dma_wait3A_135 = tpu.memref_slice %arg14[%dma_wait3A_133, %dma_wait3A_134] : memref<80x128xf32, #tpu.memory_space<vmem>> -> memref<64x128xf32, #tpu.memory_space<vmem>>
      tpu.wait_dma2 semaphore(%run_scoped3A : memref<!tpu.dma_semaphore, #tpu.memory_space<semaphore_mem>>) src(%dma_wait3A_135 : memref<64x128xf32, #tpu.memory_space<vmem>>) dst(%dma_wait3A_132 : memref<64x128xf32, #tpu.memory_space<vmem_shared>>)
      tpu.yield
    }) : () -> ()
    %eq3A_77 = arith.constant 15 : i32
    %eq3A_78 = arith.cmpi eq, %arg1, %eq3A_77 : i32
    %convert_element_type3A_79 = arith.extui %eq3A_78 : i1 to i32
    %cond3A_80 = arith.constant 0 : i32
    %cond3A_81 = arith.cmpi ne, %convert_element_type3A_79, %cond3A_80 : i32
    scf.if %cond3A_81 {
      "tpu.region"() ({
        %run_scoped3A = tpu.sem_alloc : memref<!tpu.dma_semaphore, #tpu.memory_space<semaphore_mem>>
        %dma_start3A_117 = arith.constant 0 : i32
        %dma_start3A_118 = arith.constant 0 : i32
        %dma_start3A_119 = tpu.memref_slice %arg14[%dma_start3A_117, %dma_start3A_118] : memref<80x128xf32, #tpu.memory_space<vmem>> -> memref<16x128xf32, #tpu.memory_space<vmem>>
        %dma_start3A_120 = arith.constant 9984 : i32
        %dma_start3A_121 = arith.constant 0 : i32
        %dma_start3A_122 = tpu.memref_slice %arg9[%dma_start3A_120, %dma_start3A_121] : memref<10000x128xf32, #tpu.memory_space<vmem_shared>> -> memref<16x128xf32, #tpu.memory_space<vmem_shared>>
        %dma_start3A_123 = arith.constant 9984 : i32
        %dma_start3A_124 = arith.constant 0 : i32
        %dma_start3A_125 = tpu.memref_slice %arg9[%dma_start3A_123, %dma_start3A_124] : memref<10000x128xf32, #tpu.memory_space<vmem_shared>> -> memref<16x128xf32, #tpu.memory_space<vmem_shared>>
        %dma_start3A_126 = arith.constant 0 : i32
        %dma_start3A_127 = arith.constant 0 : i32
        %dma_start3A_128 = tpu.memref_slice %arg14[%dma_start3A_126, %dma_start3A_127] : memref<80x128xf32, #tpu.memory_space<vmem>> -> memref<16x128xf32, #tpu.memory_space<vmem>>
        tpu.enqueue_dma source(%dma_start3A_128 : memref<16x128xf32, #tpu.memory_space<vmem>>) target(%dma_start3A_125 : memref<16x128xf32, #tpu.memory_space<vmem_shared>>) target_semaphore(%run_scoped3A : memref<!tpu.dma_semaphore, #tpu.memory_space<semaphore_mem>>)
        %dma_wait3A = arith.constant 0 : i32
        %dma_wait3A_129 = arith.constant 0 : i32
        %dma_wait3A_130 = tpu.memref_slice %arg14[%dma_wait3A, %dma_wait3A_129] : memref<80x128xf32, #tpu.memory_space<vmem>> -> memref<16x128xf32, #tpu.memory_space<vmem>>
        %dma_wait3A_131 = arith.constant 9984 : i32
        %dma_wait3A_132 = arith.constant 0 : i32
        %dma_wait3A_133 = tpu.memref_slice %arg9[%dma_wait3A_131, %dma_wait3A_132] : memref<10000x128xf32, #tpu.memory_space<vmem_shared>> -> memref<16x128xf32, #tpu.memory_space<vmem_shared>>
        %dma_wait3A_134 = arith.constant 9984 : i32
        %dma_wait3A_135 = arith.constant 0 : i32
        %dma_wait3A_136 = tpu.memref_slice %arg9[%dma_wait3A_134, %dma_wait3A_135] : memref<10000x128xf32, #tpu.memory_space<vmem_shared>> -> memref<16x128xf32, #tpu.memory_space<vmem_shared>>
        %dma_wait3A_137 = arith.constant 0 : i32
        %dma_wait3A_138 = arith.constant 0 : i32
        %dma_wait3A_139 = tpu.memref_slice %arg14[%dma_wait3A_137, %dma_wait3A_138] : memref<80x128xf32, #tpu.memory_space<vmem>> -> memref<16x128xf32, #tpu.memory_space<vmem>>
        tpu.wait_dma2 semaphore(%run_scoped3A : memref<!tpu.dma_semaphore, #tpu.memory_space<semaphore_mem>>) src(%dma_wait3A_139 : memref<16x128xf32, #tpu.memory_space<vmem>>) dst(%dma_wait3A_136 : memref<16x128xf32, #tpu.memory_space<vmem_shared>>)
        tpu.yield
      }) : () -> ()
    } else {
    }
    %broadcast_in_dim3A_82 = arith.constant 1.000000e+00 : f32
    %broadcast_in_dim3A_83 = vector.broadcast %broadcast_in_dim3A_82 : f32 to vector<16xf32>
    %scan3A_84 = arith.constant 0 : i32
    %scan3A_85 = arith.constant 0 : i32
    %scan3A_86 = arith.constant 80 : i32
    %scan3A_87 = arith.addi %scan3A_85, %scan3A_86 : i32
    %scan3A_88 = arith.constant 1 : i32
    %scan3A_89 = scf.for %scan3A_117 = %scan3A_85 to %scan3A_87 step %scan3A_88 iter_args(%scan3A_118 = %scan3A_84) -> (i32)  : i32 {
      %swap3A = arith.index_cast %scan3A_117 : i32 to index
      %swap3A_119 = arith.constant 0 : index
      %swap3A_120 = tpu.vector_load %arg14[%swap3A, %swap3A_119] {strides = array<i32>} : memref<80x128xf32, #tpu.memory_space<vmem>>, vector<1x16xf32>,
      %swap3A_121 = vector.shape_cast %swap3A_120 : vector<1x16xf32> to vector<16xf32>
      %swap3A_122 = vector.shape_cast %broadcast_in_dim3A_83 : vector<16xf32> to vector<1x16xf32>
      tpu.vector_store %arg14[%swap3A, %swap3A_119], %swap3A_122 {strides = array<i32>} : memref<80x128xf32, #tpu.memory_space<vmem>>, vector<1x16xf32>,
      %swap3A_123 = arith.index_cast %scan3A_117 : i32 to index
      %swap3A_124 = arith.constant 16 : index
      %swap3A_125 = tpu.vector_load %arg14[%swap3A_123, %swap3A_124] {strides = array<i32>} : memref<80x128xf32, #tpu.memory_space<vmem>>, vector<1x16xf32>,
      %swap3A_126 = vector.shape_cast %swap3A_125 : vector<1x16xf32> to vector<16xf32>
      %swap3A_127 = vector.shape_cast %broadcast_in_dim3A_83 : vector<16xf32> to vector<1x16xf32>
      tpu.vector_store %arg14[%swap3A_123, %swap3A_124], %swap3A_127 {strides = array<i32>} : memref<80x128xf32, #tpu.memory_space<vmem>>, vector<1x16xf32>,
      %swap3A_128 = arith.index_cast %scan3A_117 : i32 to index
      %swap3A_129 = arith.constant 32 : index
      %swap3A_130 = tpu.vector_load %arg14[%swap3A_128, %swap3A_129] {strides = array<i32>} : memref<80x128xf32, #tpu.memory_space<vmem>>, vector<1x16xf32>,
      %swap3A_131 = vector.shape_cast %swap3A_130 : vector<1x16xf32> to vector<16xf32>
      %swap3A_132 = vector.shape_cast %broadcast_in_dim3A_83 : vector<16xf32> to vector<1x16xf32>
      tpu.vector_store %arg14[%swap3A_128, %swap3A_129], %swap3A_132 {strides = array<i32>} : memref<80x128xf32, #tpu.memory_space<vmem>>, vector<1x16xf32>,
      %swap3A_133 = arith.index_cast %scan3A_117 : i32 to index
      %swap3A_134 = arith.constant 48 : index
      %swap3A_135 = tpu.vector_load %arg14[%swap3A_133, %swap3A_134] {strides = array<i32>} : memref<80x128xf32, #tpu.memory_space<vmem>>, vector<1x16xf32>,
      %swap3A_136 = vector.shape_cast %swap3A_135 : vector<1x16xf32> to vector<16xf32>
      %swap3A_137 = vector.shape_cast %broadcast_in_dim3A_83 : vector<16xf32> to vector<1x16xf32>
      tpu.vector_store %arg14[%swap3A_133, %swap3A_134], %swap3A_137 {strides = array<i32>} : memref<80x128xf32, #tpu.memory_space<vmem>>, vector<1x16xf32>,
      %swap3A_138 = arith.index_cast %scan3A_117 : i32 to index
      %swap3A_139 = arith.constant 64 : index
      %swap3A_140 = tpu.vector_load %arg14[%swap3A_138, %swap3A_139] {strides = array<i32>} : memref<80x128xf32, #tpu.memory_space<vmem>>, vector<1x16xf32>,
      %swap3A_141 = vector.shape_cast %swap3A_140 : vector<1x16xf32> to vector<16xf32>
      %swap3A_142 = vector.shape_cast %broadcast_in_dim3A_83 : vector<16xf32> to vector<1x16xf32>
      tpu.vector_store %arg14[%swap3A_138, %swap3A_139], %swap3A_142 {strides = array<i32>} : memref<80x128xf32, #tpu.memory_space<vmem>>, vector<1x16xf32>,
      %swap3A_143 = arith.index_cast %scan3A_117 : i32 to index
      %swap3A_144 = arith.constant 80 : index
      %swap3A_145 = tpu.vector_load %arg14[%swap3A_143, %swap3A_144] {strides = array<i32>} : memref<80x128xf32, #tpu.memory_space<vmem>>, vector<1x16xf32>,
      %swap3A_146 = vector.shape_cast %swap3A_145 : vector<1x16xf32> to vector<16xf32>
      %swap3A_147 = vector.shape_cast %broadcast_in_dim3A_83 : vector<16xf32> to vector<1x16xf32>
      tpu.vector_store %arg14[%swap3A_143, %swap3A_144], %swap3A_147 {strides = array<i32>} : memref<80x128xf32, #tpu.memory_space<vmem>>, vector<1x16xf32>,
      %swap3A_148 = arith.index_cast %scan3A_117 : i32 to index
      %swap3A_149 = arith.constant 96 : index
      %swap3A_150 = tpu.vector_load %arg14[%swap3A_148, %swap3A_149] {strides = array<i32>} : memref<80x128xf32, #tpu.memory_space<vmem>>, vector<1x16xf32>,
      %swap3A_151 = vector.shape_cast %swap3A_150 : vector<1x16xf32> to vector<16xf32>
      %swap3A_152 = vector.shape_cast %broadcast_in_dim3A_83 : vector<16xf32> to vector<1x16xf32>
      tpu.vector_store %arg14[%swap3A_148, %swap3A_149], %swap3A_152 {strides = array<i32>} : memref<80x128xf32, #tpu.memory_space<vmem>>, vector<1x16xf32>,
      %swap3A_153 = arith.index_cast %scan3A_117 : i32 to index
      %swap3A_154 = arith.constant 112 : index
      %swap3A_155 = tpu.vector_load %arg14[%swap3A_153, %swap3A_154] {strides = array<i32>} : memref<80x128xf32, #tpu.memory_space<vmem>>, vector<1x16xf32>,
      %swap3A_156 = vector.shape_cast %swap3A_155 : vector<1x16xf32> to vector<16xf32>
      %swap3A_157 = vector.shape_cast %broadcast_in_dim3A_83 : vector<16xf32> to vector<1x16xf32>
      tpu.vector_store %arg14[%swap3A_153, %swap3A_154], %swap3A_157 {strides = array<i32>} : memref<80x128xf32, #tpu.memory_space<vmem>>, vector<1x16xf32>,
      %scan3A_158 = arith.constant 0 : i32
      scf.yield %scan3A_158 : i32
    }
    %scan3A_90 = arith.constant 80 : i32
    %barrier3A_91 = arith.constant 0 : index
    tpu.barrier barrier_id(%barrier3A_91)
    %mul3A_92 = arith.constant 320000 : i32
    %mul3A_93 = arith.muli %arg0, %mul3A_92 : i32
    %mul3A_94 = arith.constant 20000 : i32
    %mul3A_95 = arith.muli %arg1, %mul3A_94 : i32
    %add3A_96 = arith.addi %mul3A_93, %mul3A_95 : i32
    %dma_start3A_97 = tpu.memref_slice %arg4[%add3A_96] : memref<640000xi32, #tpu.memory_space<hbm>> -> memref<80xi32, #tpu.memory_space<hbm>>
    %dma_start3A_98 = tpu.memref_slice %arg4[%add3A_96] : memref<640000xi32, #tpu.memory_space<hbm>> -> memref<80xi32, #tpu.memory_space<hbm>>
    tpu.enqueue_dma source(%dma_start3A_98 : memref<80xi32, #tpu.memory_space<hbm>>) target(%arg11 : memref<80xi32, #tpu.memory_space<vmem>>) target_semaphore(%arg16 : memref<!tpu.dma_semaphore, #tpu.memory_space<semaphore_mem>>)
    %scan3A_99 = arith.constant 0 : i32
    %scan3A_100 = arith.constant 0 : i32
    %scan3A_101 = arith.constant 125 : i32
    %scan3A_102 = arith.addi %scan3A_100, %scan3A_101 : i32
    %scan3A_103 = arith.constant 1 : i32
    %scan3A_104 = scf.for %scan3A_117 = %scan3A_100 to %scan3A_102 step %scan3A_103 iter_args(%scan3A_118 = %scan3A_99) -> (i32)  : i32 {
      %mul3A_119 = arith.constant 2 : i32
      %mul3A_120 = arith.muli %mul3A_119, %scan3A_117 : i32
      %add3A_121 = arith.constant 1 : i32
      %add3A_122 = arith.addi %mul3A_120, %add3A_121 : i32
      %mul3A_123 = arith.constant 80 : i32
      %mul3A_124 = arith.muli %add3A_122, %mul3A_123 : i32
      %add3A_125 = arith.addi %add3A_96, %mul3A_124 : i32
      %dma_start3A_126 = tpu.memref_slice %arg4[%add3A_125] : memref<640000xi32, #tpu.memory_space<hbm>> -> memref<80xi32, #tpu.memory_space<hbm>>
      %dma_start3A_127 = tpu.memref_slice %arg4[%add3A_125] : memref<640000xi32, #tpu.memory_space<hbm>> -> memref<80xi32, #tpu.memory_space<hbm>>
      tpu.enqueue_dma source(%dma_start3A_127 : memref<80xi32, #tpu.memory_space<hbm>>) target(%arg13 : memref<80xi32, #tpu.memory_space<vmem>>) target_semaphore(%arg17 : memref<!tpu.dma_semaphore, #tpu.memory_space<semaphore_mem>>)
      %dma_wait3A = tpu.memref_slice %arg4[%add3A_96] : memref<640000xi32, #tpu.memory_space<hbm>> -> memref<80xi32, #tpu.memory_space<hbm>>
      %dma_wait3A_128 = tpu.memref_slice %arg4[%add3A_96] : memref<640000xi32, #tpu.memory_space<hbm>> -> memref<80xi32, #tpu.memory_space<hbm>>
      tpu.wait_dma2 semaphore(%arg16 : memref<!tpu.dma_semaphore, #tpu.memory_space<semaphore_mem>>) src(%dma_wait3A_128 : memref<80xi32, #tpu.memory_space<hbm>>) dst(%arg11 : memref<80xi32, #tpu.memory_space<vmem>>)
      "tpu.region"() ({
        %run_scoped3A = tpu.sem_alloc : memref<!tpu.dma_semaphore, #tpu.memory_space<semaphore_mem>>
        %dma_start3A_138 = arith.constant 0 : i32
        %dma_start3A_139 = arith.constant 0 : i32
        %dma_start3A_140 = tpu.memref_slice %arg9[%dma_start3A_138, %dma_start3A_139] : memref<10000x128xf32, #tpu.memory_space<vmem_shared>> -> memref<10000x128xf32, #tpu.memory_space<vmem_shared>>
        tpu.enqueue_indirect_dma source(%arg14 : memref<80x128xf32, #tpu.memory_space<vmem>>) target(%dma_start3A_140 : memref<10000x128xf32, #tpu.memory_space<vmem_shared>>) offsets(%arg11 : memref<80xi32, #tpu.memory_space<vmem>>) semaphore(%run_scoped3A : memref<!tpu.dma_semaphore, #tpu.memory_space<semaphore_mem>>) {add = true}
        %dma_wait3A_141 = arith.constant 0 : i32
        %dma_wait3A_142 = arith.constant 0 : i32
        %dma_wait3A_143 = tpu.memref_slice %arg9[%dma_wait3A_141, %dma_wait3A_142] : memref<10000x128xf32, #tpu.memory_space<vmem_shared>> -> memref<10000x128xf32, #tpu.memory_space<vmem_shared>>
        tpu.wait_indirect_dma semaphore(%run_scoped3A : memref<!tpu.dma_semaphore, #tpu.memory_space<semaphore_mem>>) src(%arg14 : memref<80x128xf32, #tpu.memory_space<vmem>>) dst(%dma_wait3A_143 : memref<10000x128xf32, #tpu.memory_space<vmem_shared>>)
        tpu.yield
      }) : () -> ()
      %add3A_129 = arith.constant 1 : i32
      %add3A_130 = arith.addi %add3A_122, %add3A_129 : i32
      %lt3A = arith.constant 250 : i32
      %lt3A_131 = arith.cmpi slt, %add3A_130, %lt3A : i32
      %convert_element_type3A_132 = arith.extui %lt3A_131 : i1 to i32
      %cond3A_133 = arith.constant 0 : i32
      %cond3A_134 = arith.cmpi ne, %convert_element_type3A_132, %cond3A_133 : i32
      scf.if %cond3A_134 {
        %add3A_138 = arith.constant 1 : i32
        %add3A_139 = arith.addi %add3A_122, %add3A_138 : i32
        %mul3A_140 = arith.constant 80 : i32
        %mul3A_141 = arith.muli %add3A_139, %mul3A_140 : i32
        %add3A_142 = arith.addi %add3A_96, %mul3A_141 : i32
        %dma_start3A_143 = tpu.memref_slice %arg4[%add3A_142] : memref<640000xi32, #tpu.memory_space<hbm>> -> memref<80xi32, #tpu.memory_space<hbm>>
        %dma_start3A_144 = tpu.memref_slice %arg4[%add3A_142] : memref<640000xi32, #tpu.memory_space<hbm>> -> memref<80xi32, #tpu.memory_space<hbm>>
        tpu.enqueue_dma source(%dma_start3A_144 : memref<80xi32, #tpu.memory_space<hbm>>) target(%arg11 : memref<80xi32, #tpu.memory_space<vmem>>) target_semaphore(%arg16 : memref<!tpu.dma_semaphore, #tpu.memory_space<semaphore_mem>>)
      } else {
      }
      %dma_wait3A_135 = tpu.memref_slice %arg4[%add3A_96] : memref<640000xi32, #tpu.memory_space<hbm>> -> memref<80xi32, #tpu.memory_space<hbm>>
      %dma_wait3A_136 = tpu.memref_slice %arg4[%add3A_96] : memref<640000xi32, #tpu.memory_space<hbm>> -> memref<80xi32, #tpu.memory_space<hbm>>
      tpu.wait_dma2 semaphore(%arg17 : memref<!tpu.dma_semaphore, #tpu.memory_space<semaphore_mem>>) src(%dma_wait3A_136 : memref<80xi32, #tpu.memory_space<hbm>>) dst(%arg13 : memref<80xi32, #tpu.memory_space<vmem>>)
      "tpu.region"() ({
        %run_scoped3A = tpu.sem_alloc : memref<!tpu.dma_semaphore, #tpu.memory_space<semaphore_mem>>
        %dma_start3A_138 = arith.constant 0 : i32
        %dma_start3A_139 = arith.constant 0 : i32
        %dma_start3A_140 = tpu.memref_slice %arg9[%dma_start3A_138, %dma_start3A_139] : memref<10000x128xf32, #tpu.memory_space<vmem_shared>> -> memref<10000x128xf32, #tpu.memory_space<vmem_shared>>
        tpu.enqueue_indirect_dma source(%arg14 : memref<80x128xf32, #tpu.memory_space<vmem>>) target(%dma_start3A_140 : memref<10000x128xf32, #tpu.memory_space<vmem_shared>>) offsets(%arg13 : memref<80xi32, #tpu.memory_space<vmem>>) semaphore(%run_scoped3A : memref<!tpu.dma_semaphore, #tpu.memory_space<semaphore_mem>>) {add = true}
        %dma_wait3A_141 = arith.constant 0 : i32
        %dma_wait3A_142 = arith.constant 0 : i32
        %dma_wait3A_143 = tpu.memref_slice %arg9[%dma_wait3A_141, %dma_wait3A_142] : memref<10000x128xf32, #tpu.memory_space<vmem_shared>> -> memref<10000x128xf32, #tpu.memory_space<vmem_shared>>
        tpu.wait_indirect_dma semaphore(%run_scoped3A : memref<!tpu.dma_semaphore, #tpu.memory_space<semaphore_mem>>) src(%arg14 : memref<80x128xf32, #tpu.memory_space<vmem>>) dst(%dma_wait3A_143 : memref<10000x128xf32, #tpu.memory_space<vmem_shared>>)
        tpu.yield
      }) : () -> ()
      %scan3A_137 = arith.constant 0 : i32
      scf.yield %scan3A_137 : i32
    }
    %scan3A_105 = arith.constant 125 : i32
    %barrier3A_106 = arith.constant 0 : index
    tpu.barrier barrier_id(%barrier3A_106)
    %eq3A_107 = arith.constant 0 : i32
    %eq3A_108 = arith.cmpi eq, %arg0, %eq3A_107 : i32
    %convert_element_type3A_109 = arith.extui %eq3A_108 : i1 to i32
    %cond3A_110 = arith.constant 0 : i32
    %cond3A_111 = arith.cmpi ne, %convert_element_type3A_109, %cond3A_110 : i32
    scf.if %cond3A_111 {
      %mul3A_117 = arith.constant 624 : i32
      %mul3A_118 = arith.muli %arg1, %mul3A_117 : i32
      "tpu.region"() ({
        %run_scoped3A = tpu.sem_alloc : memref<!tpu.dma_semaphore, #tpu.memory_space<semaphore_mem>>
        %dma_start3A_124 = arith.constant 0 : i32
        %dma_start3A_125 = tpu.memref_slice %arg7[%mul3A_118, %dma_start3A_124] : memref<10000x128xf32, #tpu.memory_space<hbm>> -> memref<624x128xf32, #tpu.memory_space<hbm>>
        %dma_start3A_126 = arith.constant 0 : i32
        %dma_start3A_127 = tpu.memref_slice %arg9[%mul3A_118, %dma_start3A_126] : memref<10000x128xf32, #tpu.memory_space<vmem_shared>> -> memref<624x128xf32, #tpu.memory_space<vmem_shared>>
        tpu.enqueue_dma source(%dma_start3A_127 : memref<624x128xf32, #tpu.memory_space<vmem_shared>>) target(%dma_start3A_125 : memref<624x128xf32, #tpu.memory_space<hbm>>) target_semaphore(%run_scoped3A : memref<!tpu.dma_semaphore, #tpu.memory_space<semaphore_mem>>)
        %dma_wait3A = arith.constant 0 : i32
        %dma_wait3A_128 = tpu.memref_slice %arg7[%mul3A_118, %dma_wait3A] : memref<10000x128xf32, #tpu.memory_space<hbm>> -> memref<624x128xf32, #tpu.memory_space<hbm>>
        %dma_wait3A_129 = arith.constant 0 : i32
        %dma_wait3A_130 = tpu.memref_slice %arg9[%mul3A_118, %dma_wait3A_129] : memref<10000x128xf32, #tpu.memory_space<vmem_shared>> -> memref<624x128xf32, #tpu.memory_space<vmem_shared>>
        tpu.wait_dma2 semaphore(%run_scoped3A : memref<!tpu.dma_semaphore, #tpu.memory_space<semaphore_mem>>) src(%dma_wait3A_130 : memref<624x128xf32, #tpu.memory_space<vmem_shared>>) dst(%dma_wait3A_128 : memref<624x128xf32, #tpu.memory_space<hbm>>)
        tpu.yield
      }) : () -> ()
      %eq3A_119 = arith.constant 15 : i32
      %eq3A_120 = arith.cmpi eq, %arg1, %eq3A_119 : i32
      %convert_element_type3A_121 = arith.extui %eq3A_120 : i1 to i32
      %cond3A_122 = arith.constant 0 : i32
      %cond3A_123 = arith.cmpi ne, %convert_element_type3A_121, %cond3A_122 : i32
      scf.if %cond3A_123 {
        "tpu.region"() ({
          %run_scoped3A = tpu.sem_alloc : memref<!tpu.dma_semaphore, #tpu.memory_space<semaphore_mem>>
          %dma_start3A_124 = arith.constant 9984 : i32
          %dma_start3A_125 = arith.constant 0 : i32
          %dma_start3A_126 = tpu.memref_slice %arg7[%dma_start3A_124, %dma_start3A_125] : memref<10000x128xf32, #tpu.memory_space<hbm>> -> memref<16x128xf32, #tpu.memory_space<hbm>>
          %dma_start3A_127 = arith.constant 9984 : i32
          %dma_start3A_128 = arith.constant 0 : i32
          %dma_start3A_129 = tpu.memref_slice %arg9[%dma_start3A_127, %dma_start3A_128] : memref<10000x128xf32, #tpu.memory_space<vmem_shared>> -> memref<16x128xf32, #tpu.memory_space<vmem_shared>>
          tpu.enqueue_dma source(%dma_start3A_129 : memref<16x128xf32, #tpu.memory_space<vmem_shared>>) target(%dma_start3A_126 : memref<16x128xf32, #tpu.memory_space<hbm>>) target_semaphore(%run_scoped3A : memref<!tpu.dma_semaphore, #tpu.memory_space<semaphore_mem>>)
          %dma_wait3A = arith.constant 9984 : i32
          %dma_wait3A_130 = arith.constant 0 : i32
          %dma_wait3A_131 = tpu.memref_slice %arg7[%dma_wait3A, %dma_wait3A_130] : memref<10000x128xf32, #tpu.memory_space<hbm>> -> memref<16x128xf32, #tpu.memory_space<hbm>>
          %dma_wait3A_132 = arith.constant 9984 : i32
          %dma_wait3A_133 = arith.constant 0 : i32
          %dma_wait3A_134 = tpu.memref_slice %arg9[%dma_wait3A_132, %dma_wait3A_133] : memref<10000x128xf32, #tpu.memory_space<vmem_shared>> -> memref<16x128xf32, #tpu.memory_space<vmem_shared>>
          tpu.wait_dma2 semaphore(%run_scoped3A : memref<!tpu.dma_semaphore, #tpu.memory_space<semaphore_mem>>) src(%dma_wait3A_134 : memref<16x128xf32, #tpu.memory_space<vmem_shared>>) dst(%dma_wait3A_131 : memref<16x128xf32, #tpu.memory_space<hbm>>)
          tpu.yield
        }) : () -> ()
      } else {
      }
    } else {
    }
    %eq3A_112 = arith.constant 1 : i32
    %eq3A_113 = arith.cmpi eq, %arg0, %eq3A_112 : i32
    %convert_element_type3A_114 = arith.extui %eq3A_113 : i1 to i32
    %cond3A_115 = arith.constant 0 : i32
    %cond3A_116 = arith.cmpi ne, %convert_element_type3A_114, %cond3A_115 : i32
    scf.if %cond3A_116 {
      %mul3A_117 = arith.constant 624 : i32
      %mul3A_118 = arith.muli %arg1, %mul3A_117 : i32
      "tpu.region"() ({
        %run_scoped3A = tpu.sem_alloc : memref<!tpu.dma_semaphore, #tpu.memory_space<semaphore_mem>>
        %dma_start3A_124 = arith.constant 0 : i32
        %dma_start3A_125 = tpu.memref_slice %arg8[%mul3A_118, %dma_start3A_124] : memref<10000x128xf32, #tpu.memory_space<hbm>> -> memref<624x128xf32, #tpu.memory_space<hbm>>
        %dma_start3A_126 = arith.constant 0 : i32
        %dma_start3A_127 = tpu.memref_slice %arg9[%mul3A_118, %dma_start3A_126] : memref<10000x128xf32, #tpu.memory_space<vmem_shared>> -> memref<624x128xf32, #tpu.memory_space<vmem_shared>>
        tpu.enqueue_dma source(%dma_start3A_127 : memref<624x128xf32, #tpu.memory_space<vmem_shared>>) target(%dma_start3A_125 : memref<624x128xf32, #tpu.memory_space<hbm>>) target_semaphore(%run_scoped3A : memref<!tpu.dma_semaphore, #tpu.memory_space<semaphore_mem>>)
        %dma_wait3A = arith.constant 0 : i32
        %dma_wait3A_128 = tpu.memref_slice %arg8[%mul3A_118, %dma_wait3A] : memref<10000x128xf32, #tpu.memory_space<hbm>> -> memref<624x128xf32, #tpu.memory_space<hbm>>
        %dma_wait3A_129 = arith.constant 0 : i32
        %dma_wait3A_130 = tpu.memref_slice %arg9[%mul3A_118, %dma_wait3A_129] : memref<10000x128xf32, #tpu.memory_space<vmem_shared>> -> memref<624x128xf32, #tpu.memory_space<vmem_shared>>
        tpu.wait_dma2 semaphore(%run_scoped3A : memref<!tpu.dma_semaphore, #tpu.memory_space<semaphore_mem>>) src(%dma_wait3A_130 : memref<624x128xf32, #tpu.memory_space<vmem_shared>>) dst(%dma_wait3A_128 : memref<624x128xf32, #tpu.memory_space<hbm>>)
        tpu.yield
      }) : () -> ()
      %eq3A_119 = arith.constant 15 : i32
      %eq3A_120 = arith.cmpi eq, %arg1, %eq3A_119 : i32
      %convert_element_type3A_121 = arith.extui %eq3A_120 : i1 to i32
      %cond3A_122 = arith.constant 0 : i32
      %cond3A_123 = arith.cmpi ne, %convert_element_type3A_121, %cond3A_122 : i32
      scf.if %cond3A_123 {
        "tpu.region"() ({
          %run_scoped3A = tpu.sem_alloc : memref<!tpu.dma_semaphore, #tpu.memory_space<semaphore_mem>>
          %dma_start3A_124 = arith.constant 9984 : i32
          %dma_start3A_125 = arith.constant 0 : i32
          %dma_start3A_126 = tpu.memref_slice %arg8[%dma_start3A_124, %dma_start3A_125] : memref<10000x128xf32, #tpu.memory_space<hbm>> -> memref<16x128xf32, #tpu.memory_space<hbm>>
          %dma_start3A_127 = arith.constant 9984 : i32
          %dma_start3A_128 = arith.constant 0 : i32
          %dma_start3A_129 = tpu.memref_slice %arg9[%dma_start3A_127, %dma_start3A_128] : memref<10000x128xf32, #tpu.memory_space<vmem_shared>> -> memref<16x128xf32, #tpu.memory_space<vmem_shared>>
          tpu.enqueue_dma source(%dma_start3A_129 : memref<16x128xf32, #tpu.memory_space<vmem_shared>>) target(%dma_start3A_126 : memref<16x128xf32, #tpu.memory_space<hbm>>) target_semaphore(%run_scoped3A : memref<!tpu.dma_semaphore, #tpu.memory_space<semaphore_mem>>)
          %dma_wait3A = arith.constant 9984 : i32
          %dma_wait3A_130 = arith.constant 0 : i32
          %dma_wait3A_131 = tpu.memref_slice %arg8[%dma_wait3A, %dma_wait3A_130] : memref<10000x128xf32, #tpu.memory_space<hbm>> -> memref<16x128xf32, #tpu.memory_space<hbm>>
          %dma_wait3A_132 = arith.constant 9984 : i32
          %dma_wait3A_133 = arith.constant 0 : i32
          %dma_wait3A_134 = tpu.memref_slice %arg9[%dma_wait3A_132, %dma_wait3A_133] : memref<10000x128xf32, #tpu.memory_space<vmem_shared>> -> memref<16x128xf32, #tpu.memory_space<vmem_shared>>
          tpu.wait_dma2 semaphore(%run_scoped3A : memref<!tpu.dma_semaphore, #tpu.memory_space<semaphore_mem>>) src(%dma_wait3A_134 : memref<16x128xf32, #tpu.memory_space<vmem_shared>>) dst(%dma_wait3A_131 : memref<16x128xf32, #tpu.memory_space<hbm>>)
          tpu.yield
        }) : () -> ()
      } else {
      }
    } else {
    }
    return
  }
}

#map = affine_map<(d0, d1) -> (0, 0)>
#map1 = affine_map<(d0, d1) -> (0)>
module attributes {stable_mosaic.version = 14 : i64} {
  func.func @_sc_l1_body(%arg0: i32, %arg1: i32, %arg2: memref<10000x128xf32, #tpu.memory_space<hbm>>, %arg3: memref<10000x128xf32, #tpu.memory_space<hbm>>, %arg4: memref<640000xi32, #tpu.memory_space<hbm>>, %arg5: memref<640000xi32, #tpu.memory_space<hbm>>, %arg6: memref<10000x128xf32, #tpu.memory_space<hbm>>, %arg7: memref<10000x128xf32, #tpu.memory_space<hbm>>, %arg8: memref<10000x128xf32, #tpu.memory_space<hbm>>, %arg9: memref<10000x128xf32, #tpu.memory_space<hbm>>, %arg10: memref<10000x128xf32, #tpu.memory_space<vmem_shared>>, %arg11: memref<80xi32, #tpu.memory_space<vmem>>, %arg12: memref<80xi32, #tpu.memory_space<vmem>>, %arg13: memref<80xi32, #tpu.memory_space<vmem>>, %arg14: memref<80xi32, #tpu.memory_space<vmem>>, %arg15: memref<80x128xf32, #tpu.memory_space<vmem>>, %arg16: memref<80x128xf32, #tpu.memory_space<vmem>>, %arg17: memref<!tpu.dma_semaphore, #tpu.memory_space<semaphore_mem>>, %arg18: memref<!tpu.dma_semaphore, #tpu.memory_space<semaphore_mem>>) attributes {dimension_semantics = [#tpu.dimension_semantics<core_parallel>, #tpu.dimension_semantics<subcore_parallel>], iteration_bounds = array<i64: 2, 16>, scalar_prefetch = 0 : i64, scratch_operands = 9 : i64, tpu.core_type = #tpu.core_type<sc_vector_subcore>, window_params = [{transform_indices = #map}, {transform_indices = #map}, {transform_indices = #map1}, {transform_indices = #map1}, {transform_indices = #map}, {transform_indices = #map}, {transform_indices = #map}, {transform_indices = #map}]} {
    %broadcast_in_dim3A = arith.constant 0.000000e+00 : f32
    %broadcast_in_dim3A_0 = vector.broadcast %broadcast_in_dim3A : f32 to vector<16xf32>
    %scan3A = arith.constant 0 : i32
    %scan3A_1 = arith.constant 0 : i32
    %scan3A_2 = arith.constant 80 : i32
    %scan3A_3 = arith.addi %scan3A_1, %scan3A_2 : i32
    %scan3A_4 = arith.constant 1 : i32
    %scan3A_5 = scf.for %scan3A_100 = %scan3A_1 to %scan3A_3 step %scan3A_4 iter_args(%scan3A_101 = %scan3A) -> (i32)  : i32 {
      %swap3A = arith.index_cast %scan3A_100 : i32 to index
      %swap3A_102 = arith.constant 0 : index
      %swap3A_103 = tpu.vector_load %arg15[%swap3A, %swap3A_102] {strides = array<i32>} : memref<80x128xf32, #tpu.memory_space<vmem>>, vector<1x16xf32>,
      %swap3A_104 = vector.shape_cast %swap3A_103 : vector<1x16xf32> to vector<16xf32>
      %swap3A_105 = vector.shape_cast %broadcast_in_dim3A_0 : vector<16xf32> to vector<1x16xf32>
      tpu.vector_store %arg15[%swap3A, %swap3A_102], %swap3A_105 {strides = array<i32>} : memref<80x128xf32, #tpu.memory_space<vmem>>, vector<1x16xf32>,
      %swap3A_106 = arith.index_cast %scan3A_100 : i32 to index
      %swap3A_107 = arith.constant 16 : index
      %swap3A_108 = tpu.vector_load %arg15[%swap3A_106, %swap3A_107] {strides = array<i32>} : memref<80x128xf32, #tpu.memory_space<vmem>>, vector<1x16xf32>,
      %swap3A_109 = vector.shape_cast %swap3A_108 : vector<1x16xf32> to vector<16xf32>
      %swap3A_110 = vector.shape_cast %broadcast_in_dim3A_0 : vector<16xf32> to vector<1x16xf32>
      tpu.vector_store %arg15[%swap3A_106, %swap3A_107], %swap3A_110 {strides = array<i32>} : memref<80x128xf32, #tpu.memory_space<vmem>>, vector<1x16xf32>,
      %swap3A_111 = arith.index_cast %scan3A_100 : i32 to index
      %swap3A_112 = arith.constant 32 : index
      %swap3A_113 = tpu.vector_load %arg15[%swap3A_111, %swap3A_112] {strides = array<i32>} : memref<80x128xf32, #tpu.memory_space<vmem>>, vector<1x16xf32>,
      %swap3A_114 = vector.shape_cast %swap3A_113 : vector<1x16xf32> to vector<16xf32>
      %swap3A_115 = vector.shape_cast %broadcast_in_dim3A_0 : vector<16xf32> to vector<1x16xf32>
      tpu.vector_store %arg15[%swap3A_111, %swap3A_112], %swap3A_115 {strides = array<i32>} : memref<80x128xf32, #tpu.memory_space<vmem>>, vector<1x16xf32>,
      %swap3A_116 = arith.index_cast %scan3A_100 : i32 to index
      %swap3A_117 = arith.constant 48 : index
      %swap3A_118 = tpu.vector_load %arg15[%swap3A_116, %swap3A_117] {strides = array<i32>} : memref<80x128xf32, #tpu.memory_space<vmem>>, vector<1x16xf32>,
      %swap3A_119 = vector.shape_cast %swap3A_118 : vector<1x16xf32> to vector<16xf32>
      %swap3A_120 = vector.shape_cast %broadcast_in_dim3A_0 : vector<16xf32> to vector<1x16xf32>
      tpu.vector_store %arg15[%swap3A_116, %swap3A_117], %swap3A_120 {strides = array<i32>} : memref<80x128xf32, #tpu.memory_space<vmem>>, vector<1x16xf32>,
      %swap3A_121 = arith.index_cast %scan3A_100 : i32 to index
      %swap3A_122 = arith.constant 64 : index
      %swap3A_123 = tpu.vector_load %arg15[%swap3A_121, %swap3A_122] {strides = array<i32>} : memref<80x128xf32, #tpu.memory_space<vmem>>, vector<1x16xf32>,
      %swap3A_124 = vector.shape_cast %swap3A_123 : vector<1x16xf32> to vector<16xf32>
      %swap3A_125 = vector.shape_cast %broadcast_in_dim3A_0 : vector<16xf32> to vector<1x16xf32>
      tpu.vector_store %arg15[%swap3A_121, %swap3A_122], %swap3A_125 {strides = array<i32>} : memref<80x128xf32, #tpu.memory_space<vmem>>, vector<1x16xf32>,
      %swap3A_126 = arith.index_cast %scan3A_100 : i32 to index
      %swap3A_127 = arith.constant 80 : index
      %swap3A_128 = tpu.vector_load %arg15[%swap3A_126, %swap3A_127] {strides = array<i32>} : memref<80x128xf32, #tpu.memory_space<vmem>>, vector<1x16xf32>,
      %swap3A_129 = vector.shape_cast %swap3A_128 : vector<1x16xf32> to vector<16xf32>
      %swap3A_130 = vector.shape_cast %broadcast_in_dim3A_0 : vector<16xf32> to vector<1x16xf32>
      tpu.vector_store %arg15[%swap3A_126, %swap3A_127], %swap3A_130 {strides = array<i32>} : memref<80x128xf32, #tpu.memory_space<vmem>>, vector<1x16xf32>,
      %swap3A_131 = arith.index_cast %scan3A_100 : i32 to index
      %swap3A_132 = arith.constant 96 : index
      %swap3A_133 = tpu.vector_load %arg15[%swap3A_131, %swap3A_132] {strides = array<i32>} : memref<80x128xf32, #tpu.memory_space<vmem>>, vector<1x16xf32>,
      %swap3A_134 = vector.shape_cast %swap3A_133 : vector<1x16xf32> to vector<16xf32>
      %swap3A_135 = vector.shape_cast %broadcast_in_dim3A_0 : vector<16xf32> to vector<1x16xf32>
      tpu.vector_store %arg15[%swap3A_131, %swap3A_132], %swap3A_135 {strides = array<i32>} : memref<80x128xf32, #tpu.memory_space<vmem>>, vector<1x16xf32>,
      %swap3A_136 = arith.index_cast %scan3A_100 : i32 to index
      %swap3A_137 = arith.constant 112 : index
      %swap3A_138 = tpu.vector_load %arg15[%swap3A_136, %swap3A_137] {strides = array<i32>} : memref<80x128xf32, #tpu.memory_space<vmem>>, vector<1x16xf32>,
      %swap3A_139 = vector.shape_cast %swap3A_138 : vector<1x16xf32> to vector<16xf32>
      %swap3A_140 = vector.shape_cast %broadcast_in_dim3A_0 : vector<16xf32> to vector<1x16xf32>
      tpu.vector_store %arg15[%swap3A_136, %swap3A_137], %swap3A_140 {strides = array<i32>} : memref<80x128xf32, #tpu.memory_space<vmem>>, vector<1x16xf32>,
      %scan3A_141 = arith.constant 0 : i32
      scf.yield %scan3A_141 : i32
    }
    %scan3A_6 = arith.constant 80 : i32
    %mul3A = arith.constant 624 : i32
    %mul3A_7 = arith.muli %arg1, %mul3A : i32
    %add3A = arith.constant 0 : i32
    %add3A_8 = arith.addi %mul3A_7, %add3A : i32
    "tpu.region"() ({
      %run_scoped3A = tpu.sem_alloc : memref<!tpu.dma_semaphore, #tpu.memory_space<semaphore_mem>>
      %dma_start3A = arith.constant 0 : i32
      %dma_start3A_100 = tpu.memref_slice %arg10[%add3A_8, %dma_start3A] : memref<10000x128xf32, #tpu.memory_space<vmem_shared>> -> memref<80x128xf32, #tpu.memory_space<vmem_shared>>
      %dma_start3A_101 = arith.constant 0 : i32
      %dma_start3A_102 = tpu.memref_slice %arg10[%add3A_8, %dma_start3A_101] : memref<10000x128xf32, #tpu.memory_space<vmem_shared>> -> memref<80x128xf32, #tpu.memory_space<vmem_shared>>
      tpu.enqueue_dma source(%arg15 : memref<80x128xf32, #tpu.memory_space<vmem>>) target(%dma_start3A_102 : memref<80x128xf32, #tpu.memory_space<vmem_shared>>) target_semaphore(%run_scoped3A : memref<!tpu.dma_semaphore, #tpu.memory_space<semaphore_mem>>)
      %dma_wait3A = arith.constant 0 : i32
      %dma_wait3A_103 = tpu.memref_slice %arg10[%add3A_8, %dma_wait3A] : memref<10000x128xf32, #tpu.memory_space<vmem_shared>> -> memref<80x128xf32, #tpu.memory_space<vmem_shared>>
      %dma_wait3A_104 = arith.constant 0 : i32
      %dma_wait3A_105 = tpu.memref_slice %arg10[%add3A_8, %dma_wait3A_104] : memref<10000x128xf32, #tpu.memory_space<vmem_shared>> -> memref<80x128xf32, #tpu.memory_space<vmem_shared>>
      tpu.wait_dma2 semaphore(%run_scoped3A : memref<!tpu.dma_semaphore, #tpu.memory_space<semaphore_mem>>) src(%arg15 : memref<80x128xf32, #tpu.memory_space<vmem>>) dst(%dma_wait3A_105 : memref<80x128xf32, #tpu.memory_space<vmem_shared>>)
      tpu.yield
    }) : () -> ()
    %add3A_9 = arith.constant 80 : i32
    %add3A_10 = arith.addi %mul3A_7, %add3A_9 : i32
    "tpu.region"() ({
      %run_scoped3A = tpu.sem_alloc : memref<!tpu.dma_semaphore, #tpu.memory_space<semaphore_mem>>
      %dma_start3A = arith.constant 0 : i32
      %dma_start3A_100 = tpu.memref_slice %arg10[%add3A_10, %dma_start3A] : memref<10000x128xf32, #tpu.memory_space<vmem_shared>> -> memref<80x128xf32, #tpu.memory_space<vmem_shared>>
      %dma_start3A_101 = arith.constant 0 : i32
      %dma_start3A_102 = tpu.memref_slice %arg10[%add3A_10, %dma_start3A_101] : memref<10000x128xf32, #tpu.memory_space<vmem_shared>> -> memref<80x128xf32, #tpu.memory_space<vmem_shared>>
      tpu.enqueue_dma source(%arg15 : memref<80x128xf32, #tpu.memory_space<vmem>>) target(%dma_start3A_102 : memref<80x128xf32, #tpu.memory_space<vmem_shared>>) target_semaphore(%run_scoped3A : memref<!tpu.dma_semaphore, #tpu.memory_space<semaphore_mem>>)
      %dma_wait3A = arith.constant 0 : i32
      %dma_wait3A_103 = tpu.memref_slice %arg10[%add3A_10, %dma_wait3A] : memref<10000x128xf32, #tpu.memory_space<vmem_shared>> -> memref<80x128xf32, #tpu.memory_space<vmem_shared>>
      %dma_wait3A_104 = arith.constant 0 : i32
      %dma_wait3A_105 = tpu.memref_slice %arg10[%add3A_10, %dma_wait3A_104] : memref<10000x128xf32, #tpu.memory_space<vmem_shared>> -> memref<80x128xf32, #tpu.memory_space<vmem_shared>>
      tpu.wait_dma2 semaphore(%run_scoped3A : memref<!tpu.dma_semaphore, #tpu.memory_space<semaphore_mem>>) src(%arg15 : memref<80x128xf32, #tpu.memory_space<vmem>>) dst(%dma_wait3A_105 : memref<80x128xf32, #tpu.memory_space<vmem_shared>>)
      tpu.yield
    }) : () -> ()
    %add3A_11 = arith.constant 160 : i32
    %add3A_12 = arith.addi %mul3A_7, %add3A_11 : i32
    "tpu.region"() ({
      %run_scoped3A = tpu.sem_alloc : memref<!tpu.dma_semaphore, #tpu.memory_space<semaphore_mem>>
      %dma_start3A = arith.constant 0 : i32
      %dma_start3A_100 = tpu.memref_slice %arg10[%add3A_12, %dma_start3A] : memref<10000x128xf32, #tpu.memory_space<vmem_shared>> -> memref<80x128xf32, #tpu.memory_space<vmem_shared>>
      %dma_start3A_101 = arith.constant 0 : i32
      %dma_start3A_102 = tpu.memref_slice %arg10[%add3A_12, %dma_start3A_101] : memref<10000x128xf32, #tpu.memory_space<vmem_shared>> -> memref<80x128xf32, #tpu.memory_space<vmem_shared>>
      tpu.enqueue_dma source(%arg15 : memref<80x128xf32, #tpu.memory_space<vmem>>) target(%dma_start3A_102 : memref<80x128xf32, #tpu.memory_space<vmem_shared>>) target_semaphore(%run_scoped3A : memref<!tpu.dma_semaphore, #tpu.memory_space<semaphore_mem>>)
      %dma_wait3A = arith.constant 0 : i32
      %dma_wait3A_103 = tpu.memref_slice %arg10[%add3A_12, %dma_wait3A] : memref<10000x128xf32, #tpu.memory_space<vmem_shared>> -> memref<80x128xf32, #tpu.memory_space<vmem_shared>>
      %dma_wait3A_104 = arith.constant 0 : i32
      %dma_wait3A_105 = tpu.memref_slice %arg10[%add3A_12, %dma_wait3A_104] : memref<10000x128xf32, #tpu.memory_space<vmem_shared>> -> memref<80x128xf32, #tpu.memory_space<vmem_shared>>
      tpu.wait_dma2 semaphore(%run_scoped3A : memref<!tpu.dma_semaphore, #tpu.memory_space<semaphore_mem>>) src(%arg15 : memref<80x128xf32, #tpu.memory_space<vmem>>) dst(%dma_wait3A_105 : memref<80x128xf32, #tpu.memory_space<vmem_shared>>)
      tpu.yield
    }) : () -> ()
    %add3A_13 = arith.constant 240 : i32
    %add3A_14 = arith.addi %mul3A_7, %add3A_13 : i32
    "tpu.region"() ({
      %run_scoped3A = tpu.sem_alloc : memref<!tpu.dma_semaphore, #tpu.memory_space<semaphore_mem>>
      %dma_start3A = arith.constant 0 : i32
      %dma_start3A_100 = tpu.memref_slice %arg10[%add3A_14, %dma_start3A] : memref<10000x128xf32, #tpu.memory_space<vmem_shared>> -> memref<80x128xf32, #tpu.memory_space<vmem_shared>>
      %dma_start3A_101 = arith.constant 0 : i32
      %dma_start3A_102 = tpu.memref_slice %arg10[%add3A_14, %dma_start3A_101] : memref<10000x128xf32, #tpu.memory_space<vmem_shared>> -> memref<80x128xf32, #tpu.memory_space<vmem_shared>>
      tpu.enqueue_dma source(%arg15 : memref<80x128xf32, #tpu.memory_space<vmem>>) target(%dma_start3A_102 : memref<80x128xf32, #tpu.memory_space<vmem_shared>>) target_semaphore(%run_scoped3A : memref<!tpu.dma_semaphore, #tpu.memory_space<semaphore_mem>>)
      %dma_wait3A = arith.constant 0 : i32
      %dma_wait3A_103 = tpu.memref_slice %arg10[%add3A_14, %dma_wait3A] : memref<10000x128xf32, #tpu.memory_space<vmem_shared>> -> memref<80x128xf32, #tpu.memory_space<vmem_shared>>
      %dma_wait3A_104 = arith.constant 0 : i32
      %dma_wait3A_105 = tpu.memref_slice %arg10[%add3A_14, %dma_wait3A_104] : memref<10000x128xf32, #tpu.memory_space<vmem_shared>> -> memref<80x128xf32, #tpu.memory_space<vmem_shared>>
      tpu.wait_dma2 semaphore(%run_scoped3A : memref<!tpu.dma_semaphore, #tpu.memory_space<semaphore_mem>>) src(%arg15 : memref<80x128xf32, #tpu.memory_space<vmem>>) dst(%dma_wait3A_105 : memref<80x128xf32, #tpu.memory_space<vmem_shared>>)
      tpu.yield
    }) : () -> ()
    %add3A_15 = arith.constant 320 : i32
    %add3A_16 = arith.addi %mul3A_7, %add3A_15 : i32
    "tpu.region"() ({
      %run_scoped3A = tpu.sem_alloc : memref<!tpu.dma_semaphore, #tpu.memory_space<semaphore_mem>>
      %dma_start3A = arith.constant 0 : i32
      %dma_start3A_100 = tpu.memref_slice %arg10[%add3A_16, %dma_start3A] : memref<10000x128xf32, #tpu.memory_space<vmem_shared>> -> memref<80x128xf32, #tpu.memory_space<vmem_shared>>
      %dma_start3A_101 = arith.constant 0 : i32
      %dma_start3A_102 = tpu.memref_slice %arg10[%add3A_16, %dma_start3A_101] : memref<10000x128xf32, #tpu.memory_space<vmem_shared>> -> memref<80x128xf32, #tpu.memory_space<vmem_shared>>
      tpu.enqueue_dma source(%arg15 : memref<80x128xf32, #tpu.memory_space<vmem>>) target(%dma_start3A_102 : memref<80x128xf32, #tpu.memory_space<vmem_shared>>) target_semaphore(%run_scoped3A : memref<!tpu.dma_semaphore, #tpu.memory_space<semaphore_mem>>)
      %dma_wait3A = arith.constant 0 : i32
      %dma_wait3A_103 = tpu.memref_slice %arg10[%add3A_16, %dma_wait3A] : memref<10000x128xf32, #tpu.memory_space<vmem_shared>> -> memref<80x128xf32, #tpu.memory_space<vmem_shared>>
      %dma_wait3A_104 = arith.constant 0 : i32
      %dma_wait3A_105 = tpu.memref_slice %arg10[%add3A_16, %dma_wait3A_104] : memref<10000x128xf32, #tpu.memory_space<vmem_shared>> -> memref<80x128xf32, #tpu.memory_space<vmem_shared>>
      tpu.wait_dma2 semaphore(%run_scoped3A : memref<!tpu.dma_semaphore, #tpu.memory_space<semaphore_mem>>) src(%arg15 : memref<80x128xf32, #tpu.memory_space<vmem>>) dst(%dma_wait3A_105 : memref<80x128xf32, #tpu.memory_space<vmem_shared>>)
      tpu.yield
    }) : () -> ()
    %add3A_17 = arith.constant 400 : i32
    %add3A_18 = arith.addi %mul3A_7, %add3A_17 : i32
    "tpu.region"() ({
      %run_scoped3A = tpu.sem_alloc : memref<!tpu.dma_semaphore, #tpu.memory_space<semaphore_mem>>
      %dma_start3A = arith.constant 0 : i32
      %dma_start3A_100 = tpu.memref_slice %arg10[%add3A_18, %dma_start3A] : memref<10000x128xf32, #tpu.memory_space<vmem_shared>> -> memref<80x128xf32, #tpu.memory_space<vmem_shared>>
      %dma_start3A_101 = arith.constant 0 : i32
      %dma_start3A_102 = tpu.memref_slice %arg10[%add3A_18, %dma_start3A_101] : memref<10000x128xf32, #tpu.memory_space<vmem_shared>> -> memref<80x128xf32, #tpu.memory_space<vmem_shared>>
      tpu.enqueue_dma source(%arg15 : memref<80x128xf32, #tpu.memory_space<vmem>>) target(%dma_start3A_102 : memref<80x128xf32, #tpu.memory_space<vmem_shared>>) target_semaphore(%run_scoped3A : memref<!tpu.dma_semaphore, #tpu.memory_space<semaphore_mem>>)
      %dma_wait3A = arith.constant 0 : i32
      %dma_wait3A_103 = tpu.memref_slice %arg10[%add3A_18, %dma_wait3A] : memref<10000x128xf32, #tpu.memory_space<vmem_shared>> -> memref<80x128xf32, #tpu.memory_space<vmem_shared>>
      %dma_wait3A_104 = arith.constant 0 : i32
      %dma_wait3A_105 = tpu.memref_slice %arg10[%add3A_18, %dma_wait3A_104] : memref<10000x128xf32, #tpu.memory_space<vmem_shared>> -> memref<80x128xf32, #tpu.memory_space<vmem_shared>>
      tpu.wait_dma2 semaphore(%run_scoped3A : memref<!tpu.dma_semaphore, #tpu.memory_space<semaphore_mem>>) src(%arg15 : memref<80x128xf32, #tpu.memory_space<vmem>>) dst(%dma_wait3A_105 : memref<80x128xf32, #tpu.memory_space<vmem_shared>>)
      tpu.yield
    }) : () -> ()
    %add3A_19 = arith.constant 480 : i32
    %add3A_20 = arith.addi %mul3A_7, %add3A_19 : i32
    "tpu.region"() ({
      %run_scoped3A = tpu.sem_alloc : memref<!tpu.dma_semaphore, #tpu.memory_space<semaphore_mem>>
      %dma_start3A = arith.constant 0 : i32
      %dma_start3A_100 = tpu.memref_slice %arg10[%add3A_20, %dma_start3A] : memref<10000x128xf32, #tpu.memory_space<vmem_shared>> -> memref<80x128xf32, #tpu.memory_space<vmem_shared>>
      %dma_start3A_101 = arith.constant 0 : i32
      %dma_start3A_102 = tpu.memref_slice %arg10[%add3A_20, %dma_start3A_101] : memref<10000x128xf32, #tpu.memory_space<vmem_shared>> -> memref<80x128xf32, #tpu.memory_space<vmem_shared>>
      tpu.enqueue_dma source(%arg15 : memref<80x128xf32, #tpu.memory_space<vmem>>) target(%dma_start3A_102 : memref<80x128xf32, #tpu.memory_space<vmem_shared>>) target_semaphore(%run_scoped3A : memref<!tpu.dma_semaphore, #tpu.memory_space<semaphore_mem>>)
      %dma_wait3A = arith.constant 0 : i32
      %dma_wait3A_103 = tpu.memref_slice %arg10[%add3A_20, %dma_wait3A] : memref<10000x128xf32, #tpu.memory_space<vmem_shared>> -> memref<80x128xf32, #tpu.memory_space<vmem_shared>>
      %dma_wait3A_104 = arith.constant 0 : i32
      %dma_wait3A_105 = tpu.memref_slice %arg10[%add3A_20, %dma_wait3A_104] : memref<10000x128xf32, #tpu.memory_space<vmem_shared>> -> memref<80x128xf32, #tpu.memory_space<vmem_shared>>
      tpu.wait_dma2 semaphore(%run_scoped3A : memref<!tpu.dma_semaphore, #tpu.memory_space<semaphore_mem>>) src(%arg15 : memref<80x128xf32, #tpu.memory_space<vmem>>) dst(%dma_wait3A_105 : memref<80x128xf32, #tpu.memory_space<vmem_shared>>)
      tpu.yield
    }) : () -> ()
    %add3A_21 = arith.constant 560 : i32
    %add3A_22 = arith.addi %mul3A_7, %add3A_21 : i32
    "tpu.region"() ({
      %run_scoped3A = tpu.sem_alloc : memref<!tpu.dma_semaphore, #tpu.memory_space<semaphore_mem>>
      %dma_start3A = arith.constant 0 : i32
      %dma_start3A_100 = arith.constant 0 : i32
      %dma_start3A_101 = tpu.memref_slice %arg15[%dma_start3A, %dma_start3A_100] : memref<80x128xf32, #tpu.memory_space<vmem>> -> memref<64x128xf32, #tpu.memory_space<vmem>>
      %dma_start3A_102 = arith.constant 0 : i32
      %dma_start3A_103 = tpu.memref_slice %arg10[%add3A_22, %dma_start3A_102] : memref<10000x128xf32, #tpu.memory_space<vmem_shared>> -> memref<64x128xf32, #tpu.memory_space<vmem_shared>>
      %dma_start3A_104 = arith.constant 0 : i32
      %dma_start3A_105 = tpu.memref_slice %arg10[%add3A_22, %dma_start3A_104] : memref<10000x128xf32, #tpu.memory_space<vmem_shared>> -> memref<64x128xf32, #tpu.memory_space<vmem_shared>>
      %dma_start3A_106 = arith.constant 0 : i32
      %dma_start3A_107 = arith.constant 0 : i32
      %dma_start3A_108 = tpu.memref_slice %arg15[%dma_start3A_106, %dma_start3A_107] : memref<80x128xf32, #tpu.memory_space<vmem>> -> memref<64x128xf32, #tpu.memory_space<vmem>>
      tpu.enqueue_dma source(%dma_start3A_108 : memref<64x128xf32, #tpu.memory_space<vmem>>) target(%dma_start3A_105 : memref<64x128xf32, #tpu.memory_space<vmem_shared>>) target_semaphore(%run_scoped3A : memref<!tpu.dma_semaphore, #tpu.memory_space<semaphore_mem>>)
      %dma_wait3A = arith.constant 0 : i32
      %dma_wait3A_109 = arith.constant 0 : i32
      %dma_wait3A_110 = tpu.memref_slice %arg15[%dma_wait3A, %dma_wait3A_109] : memref<80x128xf32, #tpu.memory_space<vmem>> -> memref<64x128xf32, #tpu.memory_space<vmem>>
      %dma_wait3A_111 = arith.constant 0 : i32
      %dma_wait3A_112 = tpu.memref_slice %arg10[%add3A_22, %dma_wait3A_111] : memref<10000x128xf32, #tpu.memory_space<vmem_shared>> -> memref<64x128xf32, #tpu.memory_space<vmem_shared>>
      %dma_wait3A_113 = arith.constant 0 : i32
      %dma_wait3A_114 = tpu.memref_slice %arg10[%add3A_22, %dma_wait3A_113] : memref<10000x128xf32, #tpu.memory_space<vmem_shared>> -> memref<64x128xf32, #tpu.memory_space<vmem_shared>>
      %dma_wait3A_115 = arith.constant 0 : i32
      %dma_wait3A_116 = arith.constant 0 : i32
      %dma_wait3A_117 = tpu.memref_slice %arg15[%dma_wait3A_115, %dma_wait3A_116] : memref<80x128xf32, #tpu.memory_space<vmem>> -> memref<64x128xf32, #tpu.memory_space<vmem>>
      tpu.wait_dma2 semaphore(%run_scoped3A : memref<!tpu.dma_semaphore, #tpu.memory_space<semaphore_mem>>) src(%dma_wait3A_117 : memref<64x128xf32, #tpu.memory_space<vmem>>) dst(%dma_wait3A_114 : memref<64x128xf32, #tpu.memory_space<vmem_shared>>)
      tpu.yield
    }) : () -> ()
    %eq3A = arith.constant 15 : i32
    %eq3A_23 = arith.cmpi eq, %arg1, %eq3A : i32
    %convert_element_type3A = arith.extui %eq3A_23 : i1 to i32
    %cond3A = arith.constant 0 : i32
    %cond3A_24 = arith.cmpi ne, %convert_element_type3A, %cond3A : i32
    scf.if %cond3A_24 {
      "tpu.region"() ({
        %run_scoped3A = tpu.sem_alloc : memref<!tpu.dma_semaphore, #tpu.memory_space<semaphore_mem>>
        %dma_start3A = arith.constant 0 : i32
        %dma_start3A_100 = arith.constant 0 : i32
        %dma_start3A_101 = tpu.memref_slice %arg15[%dma_start3A, %dma_start3A_100] : memref<80x128xf32, #tpu.memory_space<vmem>> -> memref<16x128xf32, #tpu.memory_space<vmem>>
        %dma_start3A_102 = arith.constant 9984 : i32
        %dma_start3A_103 = arith.constant 0 : i32
        %dma_start3A_104 = tpu.memref_slice %arg10[%dma_start3A_102, %dma_start3A_103] : memref<10000x128xf32, #tpu.memory_space<vmem_shared>> -> memref<16x128xf32, #tpu.memory_space<vmem_shared>>
        %dma_start3A_105 = arith.constant 9984 : i32
        %dma_start3A_106 = arith.constant 0 : i32
        %dma_start3A_107 = tpu.memref_slice %arg10[%dma_start3A_105, %dma_start3A_106] : memref<10000x128xf32, #tpu.memory_space<vmem_shared>> -> memref<16x128xf32, #tpu.memory_space<vmem_shared>>
        %dma_start3A_108 = arith.constant 0 : i32
        %dma_start3A_109 = arith.constant 0 : i32
        %dma_start3A_110 = tpu.memref_slice %arg15[%dma_start3A_108, %dma_start3A_109] : memref<80x128xf32, #tpu.memory_space<vmem>> -> memref<16x128xf32, #tpu.memory_space<vmem>>
        tpu.enqueue_dma source(%dma_start3A_110 : memref<16x128xf32, #tpu.memory_space<vmem>>) target(%dma_start3A_107 : memref<16x128xf32, #tpu.memory_space<vmem_shared>>) target_semaphore(%run_scoped3A : memref<!tpu.dma_semaphore, #tpu.memory_space<semaphore_mem>>)
        %dma_wait3A = arith.constant 0 : i32
        %dma_wait3A_111 = arith.constant 0 : i32
        %dma_wait3A_112 = tpu.memref_slice %arg15[%dma_wait3A, %dma_wait3A_111] : memref<80x128xf32, #tpu.memory_space<vmem>> -> memref<16x128xf32, #tpu.memory_space<vmem>>
        %dma_wait3A_113 = arith.constant 9984 : i32
        %dma_wait3A_114 = arith.constant 0 : i32
        %dma_wait3A_115 = tpu.memref_slice %arg10[%dma_wait3A_113, %dma_wait3A_114] : memref<10000x128xf32, #tpu.memory_space<vmem_shared>> -> memref<16x128xf32, #tpu.memory_space<vmem_shared>>
        %dma_wait3A_116 = arith.constant 9984 : i32
        %dma_wait3A_117 = arith.constant 0 : i32
        %dma_wait3A_118 = tpu.memref_slice %arg10[%dma_wait3A_116, %dma_wait3A_117] : memref<10000x128xf32, #tpu.memory_space<vmem_shared>> -> memref<16x128xf32, #tpu.memory_space<vmem_shared>>
        %dma_wait3A_119 = arith.constant 0 : i32
        %dma_wait3A_120 = arith.constant 0 : i32
        %dma_wait3A_121 = tpu.memref_slice %arg15[%dma_wait3A_119, %dma_wait3A_120] : memref<80x128xf32, #tpu.memory_space<vmem>> -> memref<16x128xf32, #tpu.memory_space<vmem>>
        tpu.wait_dma2 semaphore(%run_scoped3A : memref<!tpu.dma_semaphore, #tpu.memory_space<semaphore_mem>>) src(%dma_wait3A_121 : memref<16x128xf32, #tpu.memory_space<vmem>>) dst(%dma_wait3A_118 : memref<16x128xf32, #tpu.memory_space<vmem_shared>>)
        tpu.yield
      }) : () -> ()
    } else {
    }
    %barrier3A = arith.constant 0 : index
    tpu.barrier barrier_id(%barrier3A)
    %eq3A_25 = arith.constant 0 : i32
    %eq3A_26 = arith.cmpi eq, %arg0, %eq3A_25 : i32
    %convert_element_type3A_27 = arith.extui %eq3A_26 : i1 to i32
    %cond3A_28 = arith.constant 0 : i32
    %cond3A_29 = arith.cmpi ne, %convert_element_type3A_27, %cond3A_28 : i32
    scf.if %cond3A_29 {
      %mul3A_100 = arith.constant 20000 : i32
      %mul3A_101 = arith.muli %arg1, %mul3A_100 : i32
      %add3A_102 = arith.constant 0 : i32
      %add3A_103 = arith.addi %add3A_102, %mul3A_101 : i32
      "tpu.region"() ({
        %run_scoped3A = tpu.sem_alloc : memref<!tpu.dma_semaphore, #tpu.memory_space<semaphore_mem>>
        %dma_start3A_113 = tpu.memref_slice %arg4[%add3A_103] : memref<640000xi32, #tpu.memory_space<hbm>> -> memref<80xi32, #tpu.memory_space<hbm>>
        %dma_start3A_114 = tpu.memref_slice %arg4[%add3A_103] : memref<640000xi32, #tpu.memory_space<hbm>> -> memref<80xi32, #tpu.memory_space<hbm>>
        tpu.enqueue_dma source(%dma_start3A_114 : memref<80xi32, #tpu.memory_space<hbm>>) target(%arg11 : memref<80xi32, #tpu.memory_space<vmem>>) target_semaphore(%run_scoped3A : memref<!tpu.dma_semaphore, #tpu.memory_space<semaphore_mem>>)
        %dma_wait3A = tpu.memref_slice %arg4[%add3A_103] : memref<640000xi32, #tpu.memory_space<hbm>> -> memref<80xi32, #tpu.memory_space<hbm>>
        %dma_wait3A_115 = tpu.memref_slice %arg4[%add3A_103] : memref<640000xi32, #tpu.memory_space<hbm>> -> memref<80xi32, #tpu.memory_space<hbm>>
        tpu.wait_dma2 semaphore(%run_scoped3A : memref<!tpu.dma_semaphore, #tpu.memory_space<semaphore_mem>>) src(%dma_wait3A_115 : memref<80xi32, #tpu.memory_space<hbm>>) dst(%arg11 : memref<80xi32, #tpu.memory_space<vmem>>)
        tpu.yield
      }) : () -> ()
      "tpu.region"() ({
        %run_scoped3A = tpu.sem_alloc : memref<!tpu.dma_semaphore, #tpu.memory_space<semaphore_mem>>
        %dma_start3A_113 = tpu.memref_slice %arg5[%add3A_103] : memref<640000xi32, #tpu.memory_space<hbm>> -> memref<80xi32, #tpu.memory_space<hbm>>
        %dma_start3A_114 = tpu.memref_slice %arg5[%add3A_103] : memref<640000xi32, #tpu.memory_space<hbm>> -> memref<80xi32, #tpu.memory_space<hbm>>
        tpu.enqueue_dma source(%dma_start3A_114 : memref<80xi32, #tpu.memory_space<hbm>>) target(%arg12 : memref<80xi32, #tpu.memory_space<vmem>>) target_semaphore(%run_scoped3A : memref<!tpu.dma_semaphore, #tpu.memory_space<semaphore_mem>>)
        %dma_wait3A = tpu.memref_slice %arg5[%add3A_103] : memref<640000xi32, #tpu.memory_space<hbm>> -> memref<80xi32, #tpu.memory_space<hbm>>
        %dma_wait3A_115 = tpu.memref_slice %arg5[%add3A_103] : memref<640000xi32, #tpu.memory_space<hbm>> -> memref<80xi32, #tpu.memory_space<hbm>>
        tpu.wait_dma2 semaphore(%run_scoped3A : memref<!tpu.dma_semaphore, #tpu.memory_space<semaphore_mem>>) src(%dma_wait3A_115 : memref<80xi32, #tpu.memory_space<hbm>>) dst(%arg12 : memref<80xi32, #tpu.memory_space<vmem>>)
        tpu.yield
      }) : () -> ()
      %dma_start3A = arith.constant 0 : i32
      %dma_start3A_104 = arith.constant 0 : i32
      %dma_start3A_105 = tpu.memref_slice %arg2[%dma_start3A, %dma_start3A_104] : memref<10000x128xf32, #tpu.memory_space<hbm>> -> memref<10000x128xf32, #tpu.memory_space<hbm>>
      tpu.enqueue_indirect_dma source(%dma_start3A_105 : memref<10000x128xf32, #tpu.memory_space<hbm>>) target(%arg15 : memref<80x128xf32, #tpu.memory_space<vmem>>) offsets(%arg11 : memref<80xi32, #tpu.memory_space<vmem>>) semaphore(%arg17 : memref<!tpu.dma_semaphore, #tpu.memory_space<semaphore_mem>>)
      %scan3A_106 = arith.constant 0 : i32
      %scan3A_107 = arith.constant 0 : i32
      %scan3A_108 = arith.constant 125 : i32
      %scan3A_109 = arith.addi %scan3A_107, %scan3A_108 : i32
      %scan3A_110 = arith.constant 1 : i32
      %scan3A_111 = scf.for %scan3A_113 = %scan3A_107 to %scan3A_109 step %scan3A_110 iter_args(%scan3A_114 = %scan3A_106) -> (i32)  : i32 {
        %mul3A_115 = arith.constant 2 : i32
        %mul3A_116 = arith.muli %mul3A_115, %scan3A_113 : i32
        %add3A_117 = arith.constant 1 : i32
        %add3A_118 = arith.addi %mul3A_116, %add3A_117 : i32
        %mul3A_119 = arith.constant 80 : i32
        %mul3A_120 = arith.muli %add3A_118, %mul3A_119 : i32
        %add3A_121 = arith.addi %add3A_103, %mul3A_120 : i32
        "tpu.region"() ({
          %run_scoped3A = tpu.sem_alloc : memref<!tpu.dma_semaphore, #tpu.memory_space<semaphore_mem>>
          %dma_start3A_137 = tpu.memref_slice %arg4[%add3A_121] : memref<640000xi32, #tpu.memory_space<hbm>> -> memref<80xi32, #tpu.memory_space<hbm>>
          %dma_start3A_138 = tpu.memref_slice %arg4[%add3A_121] : memref<640000xi32, #tpu.memory_space<hbm>> -> memref<80xi32, #tpu.memory_space<hbm>>
          tpu.enqueue_dma source(%dma_start3A_138 : memref<80xi32, #tpu.memory_space<hbm>>) target(%arg13 : memref<80xi32, #tpu.memory_space<vmem>>) target_semaphore(%run_scoped3A : memref<!tpu.dma_semaphore, #tpu.memory_space<semaphore_mem>>)
          %dma_wait3A_139 = tpu.memref_slice %arg4[%add3A_121] : memref<640000xi32, #tpu.memory_space<hbm>> -> memref<80xi32, #tpu.memory_space<hbm>>
          %dma_wait3A_140 = tpu.memref_slice %arg4[%add3A_121] : memref<640000xi32, #tpu.memory_space<hbm>> -> memref<80xi32, #tpu.memory_space<hbm>>
          tpu.wait_dma2 semaphore(%run_scoped3A : memref<!tpu.dma_semaphore, #tpu.memory_space<semaphore_mem>>) src(%dma_wait3A_140 : memref<80xi32, #tpu.memory_space<hbm>>) dst(%arg13 : memref<80xi32, #tpu.memory_space<vmem>>)
          tpu.yield
        }) : () -> ()
        "tpu.region"() ({
          %run_scoped3A = tpu.sem_alloc : memref<!tpu.dma_semaphore, #tpu.memory_space<semaphore_mem>>
          %dma_start3A_137 = tpu.memref_slice %arg5[%add3A_121] : memref<640000xi32, #tpu.memory_space<hbm>> -> memref<80xi32, #tpu.memory_space<hbm>>
          %dma_start3A_138 = tpu.memref_slice %arg5[%add3A_121] : memref<640000xi32, #tpu.memory_space<hbm>> -> memref<80xi32, #tpu.memory_space<hbm>>
          tpu.enqueue_dma source(%dma_start3A_138 : memref<80xi32, #tpu.memory_space<hbm>>) target(%arg14 : memref<80xi32, #tpu.memory_space<vmem>>) target_semaphore(%run_scoped3A : memref<!tpu.dma_semaphore, #tpu.memory_space<semaphore_mem>>)
          %dma_wait3A_139 = tpu.memref_slice %arg5[%add3A_121] : memref<640000xi32, #tpu.memory_space<hbm>> -> memref<80xi32, #tpu.memory_space<hbm>>
          %dma_wait3A_140 = tpu.memref_slice %arg5[%add3A_121] : memref<640000xi32, #tpu.memory_space<hbm>> -> memref<80xi32, #tpu.memory_space<hbm>>
          tpu.wait_dma2 semaphore(%run_scoped3A : memref<!tpu.dma_semaphore, #tpu.memory_space<semaphore_mem>>) src(%dma_wait3A_140 : memref<80xi32, #tpu.memory_space<hbm>>) dst(%arg14 : memref<80xi32, #tpu.memory_space<vmem>>)
          tpu.yield
        }) : () -> ()
        %dma_start3A_122 = arith.constant 0 : i32
        %dma_start3A_123 = arith.constant 0 : i32
        %dma_start3A_124 = tpu.memref_slice %arg2[%dma_start3A_122, %dma_start3A_123] : memref<10000x128xf32, #tpu.memory_space<hbm>> -> memref<10000x128xf32, #tpu.memory_space<hbm>>
        tpu.enqueue_indirect_dma source(%dma_start3A_124 : memref<10000x128xf32, #tpu.memory_space<hbm>>) target(%arg16 : memref<80x128xf32, #tpu.memory_space<vmem>>) offsets(%arg13 : memref<80xi32, #tpu.memory_space<vmem>>) semaphore(%arg18 : memref<!tpu.dma_semaphore, #tpu.memory_space<semaphore_mem>>)
        %dma_wait3A = arith.constant 0 : i32
        %dma_wait3A_125 = arith.constant 0 : i32
        %dma_wait3A_126 = tpu.memref_slice %arg2[%dma_wait3A, %dma_wait3A_125] : memref<10000x128xf32, #tpu.memory_space<hbm>> -> memref<10000x128xf32, #tpu.memory_space<hbm>>
        tpu.wait_indirect_dma semaphore(%arg17 : memref<!tpu.dma_semaphore, #tpu.memory_space<semaphore_mem>>) src(%dma_wait3A_126 : memref<10000x128xf32, #tpu.memory_space<hbm>>) dst(%arg15 : memref<80x128xf32, #tpu.memory_space<vmem>>)
        "tpu.region"() ({
          %run_scoped3A = tpu.sem_alloc : memref<!tpu.dma_semaphore, #tpu.memory_space<semaphore_mem>>
          %dma_start3A_137 = arith.constant 0 : i32
          %dma_start3A_138 = arith.constant 0 : i32
          %dma_start3A_139 = tpu.memref_slice %arg10[%dma_start3A_137, %dma_start3A_138] : memref<10000x128xf32, #tpu.memory_space<vmem_shared>> -> memref<10000x128xf32, #tpu.memory_space<vmem_shared>>
          tpu.enqueue_indirect_dma source(%arg15 : memref<80x128xf32, #tpu.memory_space<vmem>>) target(%dma_start3A_139 : memref<10000x128xf32, #tpu.memory_space<vmem_shared>>) offsets(%arg12 : memref<80xi32, #tpu.memory_space<vmem>>) semaphore(%run_scoped3A : memref<!tpu.dma_semaphore, #tpu.memory_space<semaphore_mem>>) {add = true}
          %dma_wait3A_140 = arith.constant 0 : i32
          %dma_wait3A_141 = arith.constant 0 : i32
          %dma_wait3A_142 = tpu.memref_slice %arg10[%dma_wait3A_140, %dma_wait3A_141] : memref<10000x128xf32, #tpu.memory_space<vmem_shared>> -> memref<10000x128xf32, #tpu.memory_space<vmem_shared>>
          tpu.wait_indirect_dma semaphore(%run_scoped3A : memref<!tpu.dma_semaphore, #tpu.memory_space<semaphore_mem>>) src(%arg15 : memref<80x128xf32, #tpu.memory_space<vmem>>) dst(%dma_wait3A_142 : memref<10000x128xf32, #tpu.memory_space<vmem_shared>>)
          tpu.yield
        }) : () -> ()
        %add3A_127 = arith.constant 1 : i32
        %add3A_128 = arith.addi %add3A_118, %add3A_127 : i32
        %lt3A = arith.constant 250 : i32
        %lt3A_129 = arith.cmpi slt, %add3A_128, %lt3A : i32
        %convert_element_type3A_130 = arith.extui %lt3A_129 : i1 to i32
        %cond3A_131 = arith.constant 0 : i32
        %cond3A_132 = arith.cmpi ne, %convert_element_type3A_130, %cond3A_131 : i32
        scf.if %cond3A_132 {
          %add3A_137 = arith.constant 1 : i32
          %add3A_138 = arith.addi %add3A_118, %add3A_137 : i32
          %mul3A_139 = arith.constant 80 : i32
          %mul3A_140 = arith.muli %add3A_138, %mul3A_139 : i32
          %add3A_141 = arith.addi %add3A_103, %mul3A_140 : i32
          "tpu.region"() ({
            %run_scoped3A = tpu.sem_alloc : memref<!tpu.dma_semaphore, #tpu.memory_space<semaphore_mem>>
            %dma_start3A_145 = tpu.memref_slice %arg4[%add3A_141] : memref<640000xi32, #tpu.memory_space<hbm>> -> memref<80xi32, #tpu.memory_space<hbm>>
            %dma_start3A_146 = tpu.memref_slice %arg4[%add3A_141] : memref<640000xi32, #tpu.memory_space<hbm>> -> memref<80xi32, #tpu.memory_space<hbm>>
            tpu.enqueue_dma source(%dma_start3A_146 : memref<80xi32, #tpu.memory_space<hbm>>) target(%arg11 : memref<80xi32, #tpu.memory_space<vmem>>) target_semaphore(%run_scoped3A : memref<!tpu.dma_semaphore, #tpu.memory_space<semaphore_mem>>)
            %dma_wait3A_147 = tpu.memref_slice %arg4[%add3A_141] : memref<640000xi32, #tpu.memory_space<hbm>> -> memref<80xi32, #tpu.memory_space<hbm>>
            %dma_wait3A_148 = tpu.memref_slice %arg4[%add3A_141] : memref<640000xi32, #tpu.memory_space<hbm>> -> memref<80xi32, #tpu.memory_space<hbm>>
            tpu.wait_dma2 semaphore(%run_scoped3A : memref<!tpu.dma_semaphore, #tpu.memory_space<semaphore_mem>>) src(%dma_wait3A_148 : memref<80xi32, #tpu.memory_space<hbm>>) dst(%arg11 : memref<80xi32, #tpu.memory_space<vmem>>)
            tpu.yield
          }) : () -> ()
          "tpu.region"() ({
            %run_scoped3A = tpu.sem_alloc : memref<!tpu.dma_semaphore, #tpu.memory_space<semaphore_mem>>
            %dma_start3A_145 = tpu.memref_slice %arg5[%add3A_141] : memref<640000xi32, #tpu.memory_space<hbm>> -> memref<80xi32, #tpu.memory_space<hbm>>
            %dma_start3A_146 = tpu.memref_slice %arg5[%add3A_141] : memref<640000xi32, #tpu.memory_space<hbm>> -> memref<80xi32, #tpu.memory_space<hbm>>
            tpu.enqueue_dma source(%dma_start3A_146 : memref<80xi32, #tpu.memory_space<hbm>>) target(%arg12 : memref<80xi32, #tpu.memory_space<vmem>>) target_semaphore(%run_scoped3A : memref<!tpu.dma_semaphore, #tpu.memory_space<semaphore_mem>>)
            %dma_wait3A_147 = tpu.memref_slice %arg5[%add3A_141] : memref<640000xi32, #tpu.memory_space<hbm>> -> memref<80xi32, #tpu.memory_space<hbm>>
            %dma_wait3A_148 = tpu.memref_slice %arg5[%add3A_141] : memref<640000xi32, #tpu.memory_space<hbm>> -> memref<80xi32, #tpu.memory_space<hbm>>
            tpu.wait_dma2 semaphore(%run_scoped3A : memref<!tpu.dma_semaphore, #tpu.memory_space<semaphore_mem>>) src(%dma_wait3A_148 : memref<80xi32, #tpu.memory_space<hbm>>) dst(%arg12 : memref<80xi32, #tpu.memory_space<vmem>>)
            tpu.yield
          }) : () -> ()
          %dma_start3A_142 = arith.constant 0 : i32
          %dma_start3A_143 = arith.constant 0 : i32
          %dma_start3A_144 = tpu.memref_slice %arg2[%dma_start3A_142, %dma_start3A_143] : memref<10000x128xf32, #tpu.memory_space<hbm>> -> memref<10000x128xf32, #tpu.memory_space<hbm>>
          tpu.enqueue_indirect_dma source(%dma_start3A_144 : memref<10000x128xf32, #tpu.memory_space<hbm>>) target(%arg15 : memref<80x128xf32, #tpu.memory_space<vmem>>) offsets(%arg11 : memref<80xi32, #tpu.memory_space<vmem>>) semaphore(%arg17 : memref<!tpu.dma_semaphore, #tpu.memory_space<semaphore_mem>>)
        } else {
        }
        %dma_wait3A_133 = arith.constant 0 : i32
        %dma_wait3A_134 = arith.constant 0 : i32
        %dma_wait3A_135 = tpu.memref_slice %arg2[%dma_wait3A_133, %dma_wait3A_134] : memref<10000x128xf32, #tpu.memory_space<hbm>> -> memref<10000x128xf32, #tpu.memory_space<hbm>>
        tpu.wait_indirect_dma semaphore(%arg18 : memref<!tpu.dma_semaphore, #tpu.memory_space<semaphore_mem>>) src(%dma_wait3A_135 : memref<10000x128xf32, #tpu.memory_space<hbm>>) dst(%arg16 : memref<80x128xf32, #tpu.memory_space<vmem>>)
        "tpu.region"() ({
          %run_scoped3A = tpu.sem_alloc : memref<!tpu.dma_semaphore, #tpu.memory_space<semaphore_mem>>
          %dma_start3A_137 = arith.constant 0 : i32
          %dma_start3A_138 = arith.constant 0 : i32
          %dma_start3A_139 = tpu.memref_slice %arg10[%dma_start3A_137, %dma_start3A_138] : memref<10000x128xf32, #tpu.memory_space<vmem_shared>> -> memref<10000x128xf32, #tpu.memory_space<vmem_shared>>
          tpu.enqueue_indirect_dma source(%arg16 : memref<80x128xf32, #tpu.memory_space<vmem>>) target(%dma_start3A_139 : memref<10000x128xf32, #tpu.memory_space<vmem_shared>>) offsets(%arg14 : memref<80xi32, #tpu.memory_space<vmem>>) semaphore(%run_scoped3A : memref<!tpu.dma_semaphore, #tpu.memory_space<semaphore_mem>>) {add = true}
          %dma_wait3A_140 = arith.constant 0 : i32
          %dma_wait3A_141 = arith.constant 0 : i32
          %dma_wait3A_142 = tpu.memref_slice %arg10[%dma_wait3A_140, %dma_wait3A_141] : memref<10000x128xf32, #tpu.memory_space<vmem_shared>> -> memref<10000x128xf32, #tpu.memory_space<vmem_shared>>
          tpu.wait_indirect_dma semaphore(%run_scoped3A : memref<!tpu.dma_semaphore, #tpu.memory_space<semaphore_mem>>) src(%arg16 : memref<80x128xf32, #tpu.memory_space<vmem>>) dst(%dma_wait3A_142 : memref<10000x128xf32, #tpu.memory_space<vmem_shared>>)
          tpu.yield
        }) : () -> ()
        %scan3A_136 = arith.constant 0 : i32
        scf.yield %scan3A_136 : i32
      }
      %scan3A_112 = arith.constant 125 : i32
    } else {
    }
    %eq3A_30 = arith.constant 1 : i32
    %eq3A_31 = arith.cmpi eq, %arg0, %eq3A_30 : i32
    %convert_element_type3A_32 = arith.extui %eq3A_31 : i1 to i32
    %cond3A_33 = arith.constant 0 : i32
    %cond3A_34 = arith.cmpi ne, %convert_element_type3A_32, %cond3A_33 : i32
    scf.if %cond3A_34 {
      %mul3A_100 = arith.constant 20000 : i32
      %mul3A_101 = arith.muli %arg1, %mul3A_100 : i32
      %add3A_102 = arith.constant 0 : i32
      %add3A_103 = arith.addi %add3A_102, %mul3A_101 : i32
      "tpu.region"() ({
        %run_scoped3A = tpu.sem_alloc : memref<!tpu.dma_semaphore, #tpu.memory_space<semaphore_mem>>
        %dma_start3A_113 = tpu.memref_slice %arg4[%add3A_103] : memref<640000xi32, #tpu.memory_space<hbm>> -> memref<80xi32, #tpu.memory_space<hbm>>
        %dma_start3A_114 = tpu.memref_slice %arg4[%add3A_103] : memref<640000xi32, #tpu.memory_space<hbm>> -> memref<80xi32, #tpu.memory_space<hbm>>
        tpu.enqueue_dma source(%dma_start3A_114 : memref<80xi32, #tpu.memory_space<hbm>>) target(%arg11 : memref<80xi32, #tpu.memory_space<vmem>>) target_semaphore(%run_scoped3A : memref<!tpu.dma_semaphore, #tpu.memory_space<semaphore_mem>>)
        %dma_wait3A = tpu.memref_slice %arg4[%add3A_103] : memref<640000xi32, #tpu.memory_space<hbm>> -> memref<80xi32, #tpu.memory_space<hbm>>
        %dma_wait3A_115 = tpu.memref_slice %arg4[%add3A_103] : memref<640000xi32, #tpu.memory_space<hbm>> -> memref<80xi32, #tpu.memory_space<hbm>>
        tpu.wait_dma2 semaphore(%run_scoped3A : memref<!tpu.dma_semaphore, #tpu.memory_space<semaphore_mem>>) src(%dma_wait3A_115 : memref<80xi32, #tpu.memory_space<hbm>>) dst(%arg11 : memref<80xi32, #tpu.memory_space<vmem>>)
        tpu.yield
      }) : () -> ()
      "tpu.region"() ({
        %run_scoped3A = tpu.sem_alloc : memref<!tpu.dma_semaphore, #tpu.memory_space<semaphore_mem>>
        %dma_start3A_113 = tpu.memref_slice %arg5[%add3A_103] : memref<640000xi32, #tpu.memory_space<hbm>> -> memref<80xi32, #tpu.memory_space<hbm>>
        %dma_start3A_114 = tpu.memref_slice %arg5[%add3A_103] : memref<640000xi32, #tpu.memory_space<hbm>> -> memref<80xi32, #tpu.memory_space<hbm>>
        tpu.enqueue_dma source(%dma_start3A_114 : memref<80xi32, #tpu.memory_space<hbm>>) target(%arg12 : memref<80xi32, #tpu.memory_space<vmem>>) target_semaphore(%run_scoped3A : memref<!tpu.dma_semaphore, #tpu.memory_space<semaphore_mem>>)
        %dma_wait3A = tpu.memref_slice %arg5[%add3A_103] : memref<640000xi32, #tpu.memory_space<hbm>> -> memref<80xi32, #tpu.memory_space<hbm>>
        %dma_wait3A_115 = tpu.memref_slice %arg5[%add3A_103] : memref<640000xi32, #tpu.memory_space<hbm>> -> memref<80xi32, #tpu.memory_space<hbm>>
        tpu.wait_dma2 semaphore(%run_scoped3A : memref<!tpu.dma_semaphore, #tpu.memory_space<semaphore_mem>>) src(%dma_wait3A_115 : memref<80xi32, #tpu.memory_space<hbm>>) dst(%arg12 : memref<80xi32, #tpu.memory_space<vmem>>)
        tpu.yield
      }) : () -> ()
      %dma_start3A = arith.constant 0 : i32
      %dma_start3A_104 = arith.constant 0 : i32
      %dma_start3A_105 = tpu.memref_slice %arg3[%dma_start3A, %dma_start3A_104] : memref<10000x128xf32, #tpu.memory_space<hbm>> -> memref<10000x128xf32, #tpu.memory_space<hbm>>
      tpu.enqueue_indirect_dma source(%dma_start3A_105 : memref<10000x128xf32, #tpu.memory_space<hbm>>) target(%arg15 : memref<80x128xf32, #tpu.memory_space<vmem>>) offsets(%arg11 : memref<80xi32, #tpu.memory_space<vmem>>) semaphore(%arg17 : memref<!tpu.dma_semaphore, #tpu.memory_space<semaphore_mem>>)
      %scan3A_106 = arith.constant 0 : i32
      %scan3A_107 = arith.constant 0 : i32
      %scan3A_108 = arith.constant 125 : i32
      %scan3A_109 = arith.addi %scan3A_107, %scan3A_108 : i32
      %scan3A_110 = arith.constant 1 : i32
      %scan3A_111 = scf.for %scan3A_113 = %scan3A_107 to %scan3A_109 step %scan3A_110 iter_args(%scan3A_114 = %scan3A_106) -> (i32)  : i32 {
        %mul3A_115 = arith.constant 2 : i32
        %mul3A_116 = arith.muli %mul3A_115, %scan3A_113 : i32
        %add3A_117 = arith.constant 1 : i32
        %add3A_118 = arith.addi %mul3A_116, %add3A_117 : i32
        %mul3A_119 = arith.constant 80 : i32
        %mul3A_120 = arith.muli %add3A_118, %mul3A_119 : i32
        %add3A_121 = arith.addi %add3A_103, %mul3A_120 : i32
        "tpu.region"() ({
          %run_scoped3A = tpu.sem_alloc : memref<!tpu.dma_semaphore, #tpu.memory_space<semaphore_mem>>
          %dma_start3A_137 = tpu.memref_slice %arg4[%add3A_121] : memref<640000xi32, #tpu.memory_space<hbm>> -> memref<80xi32, #tpu.memory_space<hbm>>
          %dma_start3A_138 = tpu.memref_slice %arg4[%add3A_121] : memref<640000xi32, #tpu.memory_space<hbm>> -> memref<80xi32, #tpu.memory_space<hbm>>
          tpu.enqueue_dma source(%dma_start3A_138 : memref<80xi32, #tpu.memory_space<hbm>>) target(%arg13 : memref<80xi32, #tpu.memory_space<vmem>>) target_semaphore(%run_scoped3A : memref<!tpu.dma_semaphore, #tpu.memory_space<semaphore_mem>>)
          %dma_wait3A_139 = tpu.memref_slice %arg4[%add3A_121] : memref<640000xi32, #tpu.memory_space<hbm>> -> memref<80xi32, #tpu.memory_space<hbm>>
          %dma_wait3A_140 = tpu.memref_slice %arg4[%add3A_121] : memref<640000xi32, #tpu.memory_space<hbm>> -> memref<80xi32, #tpu.memory_space<hbm>>
          tpu.wait_dma2 semaphore(%run_scoped3A : memref<!tpu.dma_semaphore, #tpu.memory_space<semaphore_mem>>) src(%dma_wait3A_140 : memref<80xi32, #tpu.memory_space<hbm>>) dst(%arg13 : memref<80xi32, #tpu.memory_space<vmem>>)
          tpu.yield
        }) : () -> ()
        "tpu.region"() ({
          %run_scoped3A = tpu.sem_alloc : memref<!tpu.dma_semaphore, #tpu.memory_space<semaphore_mem>>
          %dma_start3A_137 = tpu.memref_slice %arg5[%add3A_121] : memref<640000xi32, #tpu.memory_space<hbm>> -> memref<80xi32, #tpu.memory_space<hbm>>
          %dma_start3A_138 = tpu.memref_slice %arg5[%add3A_121] : memref<640000xi32, #tpu.memory_space<hbm>> -> memref<80xi32, #tpu.memory_space<hbm>>
          tpu.enqueue_dma source(%dma_start3A_138 : memref<80xi32, #tpu.memory_space<hbm>>) target(%arg14 : memref<80xi32, #tpu.memory_space<vmem>>) target_semaphore(%run_scoped3A : memref<!tpu.dma_semaphore, #tpu.memory_space<semaphore_mem>>)
          %dma_wait3A_139 = tpu.memref_slice %arg5[%add3A_121] : memref<640000xi32, #tpu.memory_space<hbm>> -> memref<80xi32, #tpu.memory_space<hbm>>
          %dma_wait3A_140 = tpu.memref_slice %arg5[%add3A_121] : memref<640000xi32, #tpu.memory_space<hbm>> -> memref<80xi32, #tpu.memory_space<hbm>>
          tpu.wait_dma2 semaphore(%run_scoped3A : memref<!tpu.dma_semaphore, #tpu.memory_space<semaphore_mem>>) src(%dma_wait3A_140 : memref<80xi32, #tpu.memory_space<hbm>>) dst(%arg14 : memref<80xi32, #tpu.memory_space<vmem>>)
          tpu.yield
        }) : () -> ()
        %dma_start3A_122 = arith.constant 0 : i32
        %dma_start3A_123 = arith.constant 0 : i32
        %dma_start3A_124 = tpu.memref_slice %arg3[%dma_start3A_122, %dma_start3A_123] : memref<10000x128xf32, #tpu.memory_space<hbm>> -> memref<10000x128xf32, #tpu.memory_space<hbm>>
        tpu.enqueue_indirect_dma source(%dma_start3A_124 : memref<10000x128xf32, #tpu.memory_space<hbm>>) target(%arg16 : memref<80x128xf32, #tpu.memory_space<vmem>>) offsets(%arg13 : memref<80xi32, #tpu.memory_space<vmem>>) semaphore(%arg18 : memref<!tpu.dma_semaphore, #tpu.memory_space<semaphore_mem>>)
        %dma_wait3A = arith.constant 0 : i32
        %dma_wait3A_125 = arith.constant 0 : i32
        %dma_wait3A_126 = tpu.memref_slice %arg3[%dma_wait3A, %dma_wait3A_125] : memref<10000x128xf32, #tpu.memory_space<hbm>> -> memref<10000x128xf32, #tpu.memory_space<hbm>>
        tpu.wait_indirect_dma semaphore(%arg17 : memref<!tpu.dma_semaphore, #tpu.memory_space<semaphore_mem>>) src(%dma_wait3A_126 : memref<10000x128xf32, #tpu.memory_space<hbm>>) dst(%arg15 : memref<80x128xf32, #tpu.memory_space<vmem>>)
        "tpu.region"() ({
          %run_scoped3A = tpu.sem_alloc : memref<!tpu.dma_semaphore, #tpu.memory_space<semaphore_mem>>
          %dma_start3A_137 = arith.constant 0 : i32
          %dma_start3A_138 = arith.constant 0 : i32
          %dma_start3A_139 = tpu.memref_slice %arg10[%dma_start3A_137, %dma_start3A_138] : memref<10000x128xf32, #tpu.memory_space<vmem_shared>> -> memref<10000x128xf32, #tpu.memory_space<vmem_shared>>
          tpu.enqueue_indirect_dma source(%arg15 : memref<80x128xf32, #tpu.memory_space<vmem>>) target(%dma_start3A_139 : memref<10000x128xf32, #tpu.memory_space<vmem_shared>>) offsets(%arg12 : memref<80xi32, #tpu.memory_space<vmem>>) semaphore(%run_scoped3A : memref<!tpu.dma_semaphore, #tpu.memory_space<semaphore_mem>>) {add = true}
          %dma_wait3A_140 = arith.constant 0 : i32
          %dma_wait3A_141 = arith.constant 0 : i32
          %dma_wait3A_142 = tpu.memref_slice %arg10[%dma_wait3A_140, %dma_wait3A_141] : memref<10000x128xf32, #tpu.memory_space<vmem_shared>> -> memref<10000x128xf32, #tpu.memory_space<vmem_shared>>
          tpu.wait_indirect_dma semaphore(%run_scoped3A : memref<!tpu.dma_semaphore, #tpu.memory_space<semaphore_mem>>) src(%arg15 : memref<80x128xf32, #tpu.memory_space<vmem>>) dst(%dma_wait3A_142 : memref<10000x128xf32, #tpu.memory_space<vmem_shared>>)
          tpu.yield
        }) : () -> ()
        %add3A_127 = arith.constant 1 : i32
        %add3A_128 = arith.addi %add3A_118, %add3A_127 : i32
        %lt3A = arith.constant 250 : i32
        %lt3A_129 = arith.cmpi slt, %add3A_128, %lt3A : i32
        %convert_element_type3A_130 = arith.extui %lt3A_129 : i1 to i32
        %cond3A_131 = arith.constant 0 : i32
        %cond3A_132 = arith.cmpi ne, %convert_element_type3A_130, %cond3A_131 : i32
        scf.if %cond3A_132 {
          %add3A_137 = arith.constant 1 : i32
          %add3A_138 = arith.addi %add3A_118, %add3A_137 : i32
          %mul3A_139 = arith.constant 80 : i32
          %mul3A_140 = arith.muli %add3A_138, %mul3A_139 : i32
          %add3A_141 = arith.addi %add3A_103, %mul3A_140 : i32
          "tpu.region"() ({
            %run_scoped3A = tpu.sem_alloc : memref<!tpu.dma_semaphore, #tpu.memory_space<semaphore_mem>>
            %dma_start3A_145 = tpu.memref_slice %arg4[%add3A_141] : memref<640000xi32, #tpu.memory_space<hbm>> -> memref<80xi32, #tpu.memory_space<hbm>>
            %dma_start3A_146 = tpu.memref_slice %arg4[%add3A_141] : memref<640000xi32, #tpu.memory_space<hbm>> -> memref<80xi32, #tpu.memory_space<hbm>>
            tpu.enqueue_dma source(%dma_start3A_146 : memref<80xi32, #tpu.memory_space<hbm>>) target(%arg11 : memref<80xi32, #tpu.memory_space<vmem>>) target_semaphore(%run_scoped3A : memref<!tpu.dma_semaphore, #tpu.memory_space<semaphore_mem>>)
            %dma_wait3A_147 = tpu.memref_slice %arg4[%add3A_141] : memref<640000xi32, #tpu.memory_space<hbm>> -> memref<80xi32, #tpu.memory_space<hbm>>
            %dma_wait3A_148 = tpu.memref_slice %arg4[%add3A_141] : memref<640000xi32, #tpu.memory_space<hbm>> -> memref<80xi32, #tpu.memory_space<hbm>>
            tpu.wait_dma2 semaphore(%run_scoped3A : memref<!tpu.dma_semaphore, #tpu.memory_space<semaphore_mem>>) src(%dma_wait3A_148 : memref<80xi32, #tpu.memory_space<hbm>>) dst(%arg11 : memref<80xi32, #tpu.memory_space<vmem>>)
            tpu.yield
          }) : () -> ()
          "tpu.region"() ({
            %run_scoped3A = tpu.sem_alloc : memref<!tpu.dma_semaphore, #tpu.memory_space<semaphore_mem>>
            %dma_start3A_145 = tpu.memref_slice %arg5[%add3A_141] : memref<640000xi32, #tpu.memory_space<hbm>> -> memref<80xi32, #tpu.memory_space<hbm>>
            %dma_start3A_146 = tpu.memref_slice %arg5[%add3A_141] : memref<640000xi32, #tpu.memory_space<hbm>> -> memref<80xi32, #tpu.memory_space<hbm>>
            tpu.enqueue_dma source(%dma_start3A_146 : memref<80xi32, #tpu.memory_space<hbm>>) target(%arg12 : memref<80xi32, #tpu.memory_space<vmem>>) target_semaphore(%run_scoped3A : memref<!tpu.dma_semaphore, #tpu.memory_space<semaphore_mem>>)
            %dma_wait3A_147 = tpu.memref_slice %arg5[%add3A_141] : memref<640000xi32, #tpu.memory_space<hbm>> -> memref<80xi32, #tpu.memory_space<hbm>>
            %dma_wait3A_148 = tpu.memref_slice %arg5[%add3A_141] : memref<640000xi32, #tpu.memory_space<hbm>> -> memref<80xi32, #tpu.memory_space<hbm>>
            tpu.wait_dma2 semaphore(%run_scoped3A : memref<!tpu.dma_semaphore, #tpu.memory_space<semaphore_mem>>) src(%dma_wait3A_148 : memref<80xi32, #tpu.memory_space<hbm>>) dst(%arg12 : memref<80xi32, #tpu.memory_space<vmem>>)
            tpu.yield
          }) : () -> ()
          %dma_start3A_142 = arith.constant 0 : i32
          %dma_start3A_143 = arith.constant 0 : i32
          %dma_start3A_144 = tpu.memref_slice %arg3[%dma_start3A_142, %dma_start3A_143] : memref<10000x128xf32, #tpu.memory_space<hbm>> -> memref<10000x128xf32, #tpu.memory_space<hbm>>
          tpu.enqueue_indirect_dma source(%dma_start3A_144 : memref<10000x128xf32, #tpu.memory_space<hbm>>) target(%arg15 : memref<80x128xf32, #tpu.memory_space<vmem>>) offsets(%arg11 : memref<80xi32, #tpu.memory_space<vmem>>) semaphore(%arg17 : memref<!tpu.dma_semaphore, #tpu.memory_space<semaphore_mem>>)
        } else {
        }
        %dma_wait3A_133 = arith.constant 0 : i32
        %dma_wait3A_134 = arith.constant 0 : i32
        %dma_wait3A_135 = tpu.memref_slice %arg3[%dma_wait3A_133, %dma_wait3A_134] : memref<10000x128xf32, #tpu.memory_space<hbm>> -> memref<10000x128xf32, #tpu.memory_space<hbm>>
        tpu.wait_indirect_dma semaphore(%arg18 : memref<!tpu.dma_semaphore, #tpu.memory_space<semaphore_mem>>) src(%dma_wait3A_135 : memref<10000x128xf32, #tpu.memory_space<hbm>>) dst(%arg16 : memref<80x128xf32, #tpu.memory_space<vmem>>)
        "tpu.region"() ({
          %run_scoped3A = tpu.sem_alloc : memref<!tpu.dma_semaphore, #tpu.memory_space<semaphore_mem>>
          %dma_start3A_137 = arith.constant 0 : i32
          %dma_start3A_138 = arith.constant 0 : i32
          %dma_start3A_139 = tpu.memref_slice %arg10[%dma_start3A_137, %dma_start3A_138] : memref<10000x128xf32, #tpu.memory_space<vmem_shared>> -> memref<10000x128xf32, #tpu.memory_space<vmem_shared>>
          tpu.enqueue_indirect_dma source(%arg16 : memref<80x128xf32, #tpu.memory_space<vmem>>) target(%dma_start3A_139 : memref<10000x128xf32, #tpu.memory_space<vmem_shared>>) offsets(%arg14 : memref<80xi32, #tpu.memory_space<vmem>>) semaphore(%run_scoped3A : memref<!tpu.dma_semaphore, #tpu.memory_space<semaphore_mem>>) {add = true}
          %dma_wait3A_140 = arith.constant 0 : i32
          %dma_wait3A_141 = arith.constant 0 : i32
          %dma_wait3A_142 = tpu.memref_slice %arg10[%dma_wait3A_140, %dma_wait3A_141] : memref<10000x128xf32, #tpu.memory_space<vmem_shared>> -> memref<10000x128xf32, #tpu.memory_space<vmem_shared>>
          tpu.wait_indirect_dma semaphore(%run_scoped3A : memref<!tpu.dma_semaphore, #tpu.memory_space<semaphore_mem>>) src(%arg16 : memref<80x128xf32, #tpu.memory_space<vmem>>) dst(%dma_wait3A_142 : memref<10000x128xf32, #tpu.memory_space<vmem_shared>>)
          tpu.yield
        }) : () -> ()
        %scan3A_136 = arith.constant 0 : i32
        scf.yield %scan3A_136 : i32
      }
      %scan3A_112 = arith.constant 125 : i32
    } else {
    }
    %barrier3A_35 = arith.constant 0 : index
    tpu.barrier barrier_id(%barrier3A_35)
    %eq3A_36 = arith.constant 0 : i32
    %eq3A_37 = arith.cmpi eq, %arg0, %eq3A_36 : i32
    %convert_element_type3A_38 = arith.extui %eq3A_37 : i1 to i32
    %cond3A_39 = arith.constant 0 : i32
    %cond3A_40 = arith.cmpi ne, %convert_element_type3A_38, %cond3A_39 : i32
    scf.if %cond3A_40 {
      %mul3A_100 = arith.constant 624 : i32
      %mul3A_101 = arith.muli %arg1, %mul3A_100 : i32
      "tpu.region"() ({
        %run_scoped3A = tpu.sem_alloc : memref<!tpu.dma_semaphore, #tpu.memory_space<semaphore_mem>>
        %dma_start3A = arith.constant 0 : i32
        %dma_start3A_107 = tpu.memref_slice %arg6[%mul3A_101, %dma_start3A] : memref<10000x128xf32, #tpu.memory_space<hbm>> -> memref<624x128xf32, #tpu.memory_space<hbm>>
        %dma_start3A_108 = arith.constant 0 : i32
        %dma_start3A_109 = tpu.memref_slice %arg10[%mul3A_101, %dma_start3A_108] : memref<10000x128xf32, #tpu.memory_space<vmem_shared>> -> memref<624x128xf32, #tpu.memory_space<vmem_shared>>
        tpu.enqueue_dma source(%dma_start3A_109 : memref<624x128xf32, #tpu.memory_space<vmem_shared>>) target(%dma_start3A_107 : memref<624x128xf32, #tpu.memory_space<hbm>>) target_semaphore(%run_scoped3A : memref<!tpu.dma_semaphore, #tpu.memory_space<semaphore_mem>>)
        %dma_wait3A = arith.constant 0 : i32
        %dma_wait3A_110 = tpu.memref_slice %arg6[%mul3A_101, %dma_wait3A] : memref<10000x128xf32, #tpu.memory_space<hbm>> -> memref<624x128xf32, #tpu.memory_space<hbm>>
        %dma_wait3A_111 = arith.constant 0 : i32
        %dma_wait3A_112 = tpu.memref_slice %arg10[%mul3A_101, %dma_wait3A_111] : memref<10000x128xf32, #tpu.memory_space<vmem_shared>> -> memref<624x128xf32, #tpu.memory_space<vmem_shared>>
        tpu.wait_dma2 semaphore(%run_scoped3A : memref<!tpu.dma_semaphore, #tpu.memory_space<semaphore_mem>>) src(%dma_wait3A_112 : memref<624x128xf32, #tpu.memory_space<vmem_shared>>) dst(%dma_wait3A_110 : memref<624x128xf32, #tpu.memory_space<hbm>>)
        tpu.yield
      }) : () -> ()
      %eq3A_102 = arith.constant 15 : i32
      %eq3A_103 = arith.cmpi eq, %arg1, %eq3A_102 : i32
      %convert_element_type3A_104 = arith.extui %eq3A_103 : i1 to i32
      %cond3A_105 = arith.constant 0 : i32
      %cond3A_106 = arith.cmpi ne, %convert_element_type3A_104, %cond3A_105 : i32
      scf.if %cond3A_106 {
        "tpu.region"() ({
          %run_scoped3A = tpu.sem_alloc : memref<!tpu.dma_semaphore, #tpu.memory_space<semaphore_mem>>
          %dma_start3A = arith.constant 9984 : i32
          %dma_start3A_107 = arith.constant 0 : i32
          %dma_start3A_108 = tpu.memref_slice %arg6[%dma_start3A, %dma_start3A_107] : memref<10000x128xf32, #tpu.memory_space<hbm>> -> memref<16x128xf32, #tpu.memory_space<hbm>>
          %dma_start3A_109 = arith.constant 9984 : i32
          %dma_start3A_110 = arith.constant 0 : i32
          %dma_start3A_111 = tpu.memref_slice %arg10[%dma_start3A_109, %dma_start3A_110] : memref<10000x128xf32, #tpu.memory_space<vmem_shared>> -> memref<16x128xf32, #tpu.memory_space<vmem_shared>>
          tpu.enqueue_dma source(%dma_start3A_111 : memref<16x128xf32, #tpu.memory_space<vmem_shared>>) target(%dma_start3A_108 : memref<16x128xf32, #tpu.memory_space<hbm>>) target_semaphore(%run_scoped3A : memref<!tpu.dma_semaphore, #tpu.memory_space<semaphore_mem>>)
          %dma_wait3A = arith.constant 9984 : i32
          %dma_wait3A_112 = arith.constant 0 : i32
          %dma_wait3A_113 = tpu.memref_slice %arg6[%dma_wait3A, %dma_wait3A_112] : memref<10000x128xf32, #tpu.memory_space<hbm>> -> memref<16x128xf32, #tpu.memory_space<hbm>>
          %dma_wait3A_114 = arith.constant 9984 : i32
          %dma_wait3A_115 = arith.constant 0 : i32
          %dma_wait3A_116 = tpu.memref_slice %arg10[%dma_wait3A_114, %dma_wait3A_115] : memref<10000x128xf32, #tpu.memory_space<vmem_shared>> -> memref<16x128xf32, #tpu.memory_space<vmem_shared>>
          tpu.wait_dma2 semaphore(%run_scoped3A : memref<!tpu.dma_semaphore, #tpu.memory_space<semaphore_mem>>) src(%dma_wait3A_116 : memref<16x128xf32, #tpu.memory_space<vmem_shared>>) dst(%dma_wait3A_113 : memref<16x128xf32, #tpu.memory_space<hbm>>)
          tpu.yield
        }) : () -> ()
      } else {
      }
    } else {
    }
    %eq3A_41 = arith.constant 1 : i32
    %eq3A_42 = arith.cmpi eq, %arg0, %eq3A_41 : i32
    %convert_element_type3A_43 = arith.extui %eq3A_42 : i1 to i32
    %cond3A_44 = arith.constant 0 : i32
    %cond3A_45 = arith.cmpi ne, %convert_element_type3A_43, %cond3A_44 : i32
    scf.if %cond3A_45 {
      %mul3A_100 = arith.constant 624 : i32
      %mul3A_101 = arith.muli %arg1, %mul3A_100 : i32
      "tpu.region"() ({
        %run_scoped3A = tpu.sem_alloc : memref<!tpu.dma_semaphore, #tpu.memory_space<semaphore_mem>>
        %dma_start3A = arith.constant 0 : i32
        %dma_start3A_107 = tpu.memref_slice %arg7[%mul3A_101, %dma_start3A] : memref<10000x128xf32, #tpu.memory_space<hbm>> -> memref<624x128xf32, #tpu.memory_space<hbm>>
        %dma_start3A_108 = arith.constant 0 : i32
        %dma_start3A_109 = tpu.memref_slice %arg10[%mul3A_101, %dma_start3A_108] : memref<10000x128xf32, #tpu.memory_space<vmem_shared>> -> memref<624x128xf32, #tpu.memory_space<vmem_shared>>
        tpu.enqueue_dma source(%dma_start3A_109 : memref<624x128xf32, #tpu.memory_space<vmem_shared>>) target(%dma_start3A_107 : memref<624x128xf32, #tpu.memory_space<hbm>>) target_semaphore(%run_scoped3A : memref<!tpu.dma_semaphore, #tpu.memory_space<semaphore_mem>>)
        %dma_wait3A = arith.constant 0 : i32
        %dma_wait3A_110 = tpu.memref_slice %arg7[%mul3A_101, %dma_wait3A] : memref<10000x128xf32, #tpu.memory_space<hbm>> -> memref<624x128xf32, #tpu.memory_space<hbm>>
        %dma_wait3A_111 = arith.constant 0 : i32
        %dma_wait3A_112 = tpu.memref_slice %arg10[%mul3A_101, %dma_wait3A_111] : memref<10000x128xf32, #tpu.memory_space<vmem_shared>> -> memref<624x128xf32, #tpu.memory_space<vmem_shared>>
        tpu.wait_dma2 semaphore(%run_scoped3A : memref<!tpu.dma_semaphore, #tpu.memory_space<semaphore_mem>>) src(%dma_wait3A_112 : memref<624x128xf32, #tpu.memory_space<vmem_shared>>) dst(%dma_wait3A_110 : memref<624x128xf32, #tpu.memory_space<hbm>>)
        tpu.yield
      }) : () -> ()
      %eq3A_102 = arith.constant 15 : i32
      %eq3A_103 = arith.cmpi eq, %arg1, %eq3A_102 : i32
      %convert_element_type3A_104 = arith.extui %eq3A_103 : i1 to i32
      %cond3A_105 = arith.constant 0 : i32
      %cond3A_106 = arith.cmpi ne, %convert_element_type3A_104, %cond3A_105 : i32
      scf.if %cond3A_106 {
        "tpu.region"() ({
          %run_scoped3A = tpu.sem_alloc : memref<!tpu.dma_semaphore, #tpu.memory_space<semaphore_mem>>
          %dma_start3A = arith.constant 9984 : i32
          %dma_start3A_107 = arith.constant 0 : i32
          %dma_start3A_108 = tpu.memref_slice %arg7[%dma_start3A, %dma_start3A_107] : memref<10000x128xf32, #tpu.memory_space<hbm>> -> memref<16x128xf32, #tpu.memory_space<hbm>>
          %dma_start3A_109 = arith.constant 9984 : i32
          %dma_start3A_110 = arith.constant 0 : i32
          %dma_start3A_111 = tpu.memref_slice %arg10[%dma_start3A_109, %dma_start3A_110] : memref<10000x128xf32, #tpu.memory_space<vmem_shared>> -> memref<16x128xf32, #tpu.memory_space<vmem_shared>>
          tpu.enqueue_dma source(%dma_start3A_111 : memref<16x128xf32, #tpu.memory_space<vmem_shared>>) target(%dma_start3A_108 : memref<16x128xf32, #tpu.memory_space<hbm>>) target_semaphore(%run_scoped3A : memref<!tpu.dma_semaphore, #tpu.memory_space<semaphore_mem>>)
          %dma_wait3A = arith.constant 9984 : i32
          %dma_wait3A_112 = arith.constant 0 : i32
          %dma_wait3A_113 = tpu.memref_slice %arg7[%dma_wait3A, %dma_wait3A_112] : memref<10000x128xf32, #tpu.memory_space<hbm>> -> memref<16x128xf32, #tpu.memory_space<hbm>>
          %dma_wait3A_114 = arith.constant 9984 : i32
          %dma_wait3A_115 = arith.constant 0 : i32
          %dma_wait3A_116 = tpu.memref_slice %arg10[%dma_wait3A_114, %dma_wait3A_115] : memref<10000x128xf32, #tpu.memory_space<vmem_shared>> -> memref<16x128xf32, #tpu.memory_space<vmem_shared>>
          tpu.wait_dma2 semaphore(%run_scoped3A : memref<!tpu.dma_semaphore, #tpu.memory_space<semaphore_mem>>) src(%dma_wait3A_116 : memref<16x128xf32, #tpu.memory_space<vmem_shared>>) dst(%dma_wait3A_113 : memref<16x128xf32, #tpu.memory_space<hbm>>)
          tpu.yield
        }) : () -> ()
      } else {
      }
    } else {
    }
    %broadcast_in_dim3A_46 = arith.constant 0.000000e+00 : f32
    %broadcast_in_dim3A_47 = vector.broadcast %broadcast_in_dim3A_46 : f32 to vector<16xf32>
    %scan3A_48 = arith.constant 0 : i32
    %scan3A_49 = arith.constant 0 : i32
    %scan3A_50 = arith.constant 80 : i32
    %scan3A_51 = arith.addi %scan3A_49, %scan3A_50 : i32
    %scan3A_52 = arith.constant 1 : i32
    %scan3A_53 = scf.for %scan3A_100 = %scan3A_49 to %scan3A_51 step %scan3A_52 iter_args(%scan3A_101 = %scan3A_48) -> (i32)  : i32 {
      %swap3A = arith.index_cast %scan3A_100 : i32 to index
      %swap3A_102 = arith.constant 0 : index
      %swap3A_103 = tpu.vector_load %arg15[%swap3A, %swap3A_102] {strides = array<i32>} : memref<80x128xf32, #tpu.memory_space<vmem>>, vector<1x16xf32>,
      %swap3A_104 = vector.shape_cast %swap3A_103 : vector<1x16xf32> to vector<16xf32>
      %swap3A_105 = vector.shape_cast %broadcast_in_dim3A_47 : vector<16xf32> to vector<1x16xf32>
      tpu.vector_store %arg15[%swap3A, %swap3A_102], %swap3A_105 {strides = array<i32>} : memref<80x128xf32, #tpu.memory_space<vmem>>, vector<1x16xf32>,
      %swap3A_106 = arith.index_cast %scan3A_100 : i32 to index
      %swap3A_107 = arith.constant 16 : index
      %swap3A_108 = tpu.vector_load %arg15[%swap3A_106, %swap3A_107] {strides = array<i32>} : memref<80x128xf32, #tpu.memory_space<vmem>>, vector<1x16xf32>,
      %swap3A_109 = vector.shape_cast %swap3A_108 : vector<1x16xf32> to vector<16xf32>
      %swap3A_110 = vector.shape_cast %broadcast_in_dim3A_47 : vector<16xf32> to vector<1x16xf32>
      tpu.vector_store %arg15[%swap3A_106, %swap3A_107], %swap3A_110 {strides = array<i32>} : memref<80x128xf32, #tpu.memory_space<vmem>>, vector<1x16xf32>,
      %swap3A_111 = arith.index_cast %scan3A_100 : i32 to index
      %swap3A_112 = arith.constant 32 : index
      %swap3A_113 = tpu.vector_load %arg15[%swap3A_111, %swap3A_112] {strides = array<i32>} : memref<80x128xf32, #tpu.memory_space<vmem>>, vector<1x16xf32>,
      %swap3A_114 = vector.shape_cast %swap3A_113 : vector<1x16xf32> to vector<16xf32>
      %swap3A_115 = vector.shape_cast %broadcast_in_dim3A_47 : vector<16xf32> to vector<1x16xf32>
      tpu.vector_store %arg15[%swap3A_111, %swap3A_112], %swap3A_115 {strides = array<i32>} : memref<80x128xf32, #tpu.memory_space<vmem>>, vector<1x16xf32>,
      %swap3A_116 = arith.index_cast %scan3A_100 : i32 to index
      %swap3A_117 = arith.constant 48 : index
      %swap3A_118 = tpu.vector_load %arg15[%swap3A_116, %swap3A_117] {strides = array<i32>} : memref<80x128xf32, #tpu.memory_space<vmem>>, vector<1x16xf32>,
      %swap3A_119 = vector.shape_cast %swap3A_118 : vector<1x16xf32> to vector<16xf32>
      %swap3A_120 = vector.shape_cast %broadcast_in_dim3A_47 : vector<16xf32> to vector<1x16xf32>
      tpu.vector_store %arg15[%swap3A_116, %swap3A_117], %swap3A_120 {strides = array<i32>} : memref<80x128xf32, #tpu.memory_space<vmem>>, vector<1x16xf32>,
      %swap3A_121 = arith.index_cast %scan3A_100 : i32 to index
      %swap3A_122 = arith.constant 64 : index
      %swap3A_123 = tpu.vector_load %arg15[%swap3A_121, %swap3A_122] {strides = array<i32>} : memref<80x128xf32, #tpu.memory_space<vmem>>, vector<1x16xf32>,
      %swap3A_124 = vector.shape_cast %swap3A_123 : vector<1x16xf32> to vector<16xf32>
      %swap3A_125 = vector.shape_cast %broadcast_in_dim3A_47 : vector<16xf32> to vector<1x16xf32>
      tpu.vector_store %arg15[%swap3A_121, %swap3A_122], %swap3A_125 {strides = array<i32>} : memref<80x128xf32, #tpu.memory_space<vmem>>, vector<1x16xf32>,
      %swap3A_126 = arith.index_cast %scan3A_100 : i32 to index
      %swap3A_127 = arith.constant 80 : index
      %swap3A_128 = tpu.vector_load %arg15[%swap3A_126, %swap3A_127] {strides = array<i32>} : memref<80x128xf32, #tpu.memory_space<vmem>>, vector<1x16xf32>,
      %swap3A_129 = vector.shape_cast %swap3A_128 : vector<1x16xf32> to vector<16xf32>
      %swap3A_130 = vector.shape_cast %broadcast_in_dim3A_47 : vector<16xf32> to vector<1x16xf32>
      tpu.vector_store %arg15[%swap3A_126, %swap3A_127], %swap3A_130 {strides = array<i32>} : memref<80x128xf32, #tpu.memory_space<vmem>>, vector<1x16xf32>,
      %swap3A_131 = arith.index_cast %scan3A_100 : i32 to index
      %swap3A_132 = arith.constant 96 : index
      %swap3A_133 = tpu.vector_load %arg15[%swap3A_131, %swap3A_132] {strides = array<i32>} : memref<80x128xf32, #tpu.memory_space<vmem>>, vector<1x16xf32>,
      %swap3A_134 = vector.shape_cast %swap3A_133 : vector<1x16xf32> to vector<16xf32>
      %swap3A_135 = vector.shape_cast %broadcast_in_dim3A_47 : vector<16xf32> to vector<1x16xf32>
      tpu.vector_store %arg15[%swap3A_131, %swap3A_132], %swap3A_135 {strides = array<i32>} : memref<80x128xf32, #tpu.memory_space<vmem>>, vector<1x16xf32>,
      %swap3A_136 = arith.index_cast %scan3A_100 : i32 to index
      %swap3A_137 = arith.constant 112 : index
      %swap3A_138 = tpu.vector_load %arg15[%swap3A_136, %swap3A_137] {strides = array<i32>} : memref<80x128xf32, #tpu.memory_space<vmem>>, vector<1x16xf32>,
      %swap3A_139 = vector.shape_cast %swap3A_138 : vector<1x16xf32> to vector<16xf32>
      %swap3A_140 = vector.shape_cast %broadcast_in_dim3A_47 : vector<16xf32> to vector<1x16xf32>
      tpu.vector_store %arg15[%swap3A_136, %swap3A_137], %swap3A_140 {strides = array<i32>} : memref<80x128xf32, #tpu.memory_space<vmem>>, vector<1x16xf32>,
      %scan3A_141 = arith.constant 0 : i32
      scf.yield %scan3A_141 : i32
    }
    %scan3A_54 = arith.constant 80 : i32
    %mul3A_55 = arith.constant 624 : i32
    %mul3A_56 = arith.muli %arg1, %mul3A_55 : i32
    %add3A_57 = arith.constant 0 : i32
    %add3A_58 = arith.addi %mul3A_56, %add3A_57 : i32
    "tpu.region"() ({
      %run_scoped3A = tpu.sem_alloc : memref<!tpu.dma_semaphore, #tpu.memory_space<semaphore_mem>>
      %dma_start3A = arith.constant 0 : i32
      %dma_start3A_100 = tpu.memref_slice %arg10[%add3A_58, %dma_start3A] : memref<10000x128xf32, #tpu.memory_space<vmem_shared>> -> memref<80x128xf32, #tpu.memory_space<vmem_shared>>
      %dma_start3A_101 = arith.constant 0 : i32
      %dma_start3A_102 = tpu.memref_slice %arg10[%add3A_58, %dma_start3A_101] : memref<10000x128xf32, #tpu.memory_space<vmem_shared>> -> memref<80x128xf32, #tpu.memory_space<vmem_shared>>
      tpu.enqueue_dma source(%arg15 : memref<80x128xf32, #tpu.memory_space<vmem>>) target(%dma_start3A_102 : memref<80x128xf32, #tpu.memory_space<vmem_shared>>) target_semaphore(%run_scoped3A : memref<!tpu.dma_semaphore, #tpu.memory_space<semaphore_mem>>)
      %dma_wait3A = arith.constant 0 : i32
      %dma_wait3A_103 = tpu.memref_slice %arg10[%add3A_58, %dma_wait3A] : memref<10000x128xf32, #tpu.memory_space<vmem_shared>> -> memref<80x128xf32, #tpu.memory_space<vmem_shared>>
      %dma_wait3A_104 = arith.constant 0 : i32
      %dma_wait3A_105 = tpu.memref_slice %arg10[%add3A_58, %dma_wait3A_104] : memref<10000x128xf32, #tpu.memory_space<vmem_shared>> -> memref<80x128xf32, #tpu.memory_space<vmem_shared>>
      tpu.wait_dma2 semaphore(%run_scoped3A : memref<!tpu.dma_semaphore, #tpu.memory_space<semaphore_mem>>) src(%arg15 : memref<80x128xf32, #tpu.memory_space<vmem>>) dst(%dma_wait3A_105 : memref<80x128xf32, #tpu.memory_space<vmem_shared>>)
      tpu.yield
    }) : () -> ()
    %add3A_59 = arith.constant 80 : i32
    %add3A_60 = arith.addi %mul3A_56, %add3A_59 : i32
    "tpu.region"() ({
      %run_scoped3A = tpu.sem_alloc : memref<!tpu.dma_semaphore, #tpu.memory_space<semaphore_mem>>
      %dma_start3A = arith.constant 0 : i32
      %dma_start3A_100 = tpu.memref_slice %arg10[%add3A_60, %dma_start3A] : memref<10000x128xf32, #tpu.memory_space<vmem_shared>> -> memref<80x128xf32, #tpu.memory_space<vmem_shared>>
      %dma_start3A_101 = arith.constant 0 : i32
      %dma_start3A_102 = tpu.memref_slice %arg10[%add3A_60, %dma_start3A_101] : memref<10000x128xf32, #tpu.memory_space<vmem_shared>> -> memref<80x128xf32, #tpu.memory_space<vmem_shared>>
      tpu.enqueue_dma source(%arg15 : memref<80x128xf32, #tpu.memory_space<vmem>>) target(%dma_start3A_102 : memref<80x128xf32, #tpu.memory_space<vmem_shared>>) target_semaphore(%run_scoped3A : memref<!tpu.dma_semaphore, #tpu.memory_space<semaphore_mem>>)
      %dma_wait3A = arith.constant 0 : i32
      %dma_wait3A_103 = tpu.memref_slice %arg10[%add3A_60, %dma_wait3A] : memref<10000x128xf32, #tpu.memory_space<vmem_shared>> -> memref<80x128xf32, #tpu.memory_space<vmem_shared>>
      %dma_wait3A_104 = arith.constant 0 : i32
      %dma_wait3A_105 = tpu.memref_slice %arg10[%add3A_60, %dma_wait3A_104] : memref<10000x128xf32, #tpu.memory_space<vmem_shared>> -> memref<80x128xf32, #tpu.memory_space<vmem_shared>>
      tpu.wait_dma2 semaphore(%run_scoped3A : memref<!tpu.dma_semaphore, #tpu.memory_space<semaphore_mem>>) src(%arg15 : memref<80x128xf32, #tpu.memory_space<vmem>>) dst(%dma_wait3A_105 : memref<80x128xf32, #tpu.memory_space<vmem_shared>>)
      tpu.yield
    }) : () -> ()
    %add3A_61 = arith.constant 160 : i32
    %add3A_62 = arith.addi %mul3A_56, %add3A_61 : i32
    "tpu.region"() ({
      %run_scoped3A = tpu.sem_alloc : memref<!tpu.dma_semaphore, #tpu.memory_space<semaphore_mem>>
      %dma_start3A = arith.constant 0 : i32
      %dma_start3A_100 = tpu.memref_slice %arg10[%add3A_62, %dma_start3A] : memref<10000x128xf32, #tpu.memory_space<vmem_shared>> -> memref<80x128xf32, #tpu.memory_space<vmem_shared>>
      %dma_start3A_101 = arith.constant 0 : i32
      %dma_start3A_102 = tpu.memref_slice %arg10[%add3A_62, %dma_start3A_101] : memref<10000x128xf32, #tpu.memory_space<vmem_shared>> -> memref<80x128xf32, #tpu.memory_space<vmem_shared>>
      tpu.enqueue_dma source(%arg15 : memref<80x128xf32, #tpu.memory_space<vmem>>) target(%dma_start3A_102 : memref<80x128xf32, #tpu.memory_space<vmem_shared>>) target_semaphore(%run_scoped3A : memref<!tpu.dma_semaphore, #tpu.memory_space<semaphore_mem>>)
      %dma_wait3A = arith.constant 0 : i32
      %dma_wait3A_103 = tpu.memref_slice %arg10[%add3A_62, %dma_wait3A] : memref<10000x128xf32, #tpu.memory_space<vmem_shared>> -> memref<80x128xf32, #tpu.memory_space<vmem_shared>>
      %dma_wait3A_104 = arith.constant 0 : i32
      %dma_wait3A_105 = tpu.memref_slice %arg10[%add3A_62, %dma_wait3A_104] : memref<10000x128xf32, #tpu.memory_space<vmem_shared>> -> memref<80x128xf32, #tpu.memory_space<vmem_shared>>
      tpu.wait_dma2 semaphore(%run_scoped3A : memref<!tpu.dma_semaphore, #tpu.memory_space<semaphore_mem>>) src(%arg15 : memref<80x128xf32, #tpu.memory_space<vmem>>) dst(%dma_wait3A_105 : memref<80x128xf32, #tpu.memory_space<vmem_shared>>)
      tpu.yield
    }) : () -> ()
    %add3A_63 = arith.constant 240 : i32
    %add3A_64 = arith.addi %mul3A_56, %add3A_63 : i32
    "tpu.region"() ({
      %run_scoped3A = tpu.sem_alloc : memref<!tpu.dma_semaphore, #tpu.memory_space<semaphore_mem>>
      %dma_start3A = arith.constant 0 : i32
      %dma_start3A_100 = tpu.memref_slice %arg10[%add3A_64, %dma_start3A] : memref<10000x128xf32, #tpu.memory_space<vmem_shared>> -> memref<80x128xf32, #tpu.memory_space<vmem_shared>>
      %dma_start3A_101 = arith.constant 0 : i32
      %dma_start3A_102 = tpu.memref_slice %arg10[%add3A_64, %dma_start3A_101] : memref<10000x128xf32, #tpu.memory_space<vmem_shared>> -> memref<80x128xf32, #tpu.memory_space<vmem_shared>>
      tpu.enqueue_dma source(%arg15 : memref<80x128xf32, #tpu.memory_space<vmem>>) target(%dma_start3A_102 : memref<80x128xf32, #tpu.memory_space<vmem_shared>>) target_semaphore(%run_scoped3A : memref<!tpu.dma_semaphore, #tpu.memory_space<semaphore_mem>>)
      %dma_wait3A = arith.constant 0 : i32
      %dma_wait3A_103 = tpu.memref_slice %arg10[%add3A_64, %dma_wait3A] : memref<10000x128xf32, #tpu.memory_space<vmem_shared>> -> memref<80x128xf32, #tpu.memory_space<vmem_shared>>
      %dma_wait3A_104 = arith.constant 0 : i32
      %dma_wait3A_105 = tpu.memref_slice %arg10[%add3A_64, %dma_wait3A_104] : memref<10000x128xf32, #tpu.memory_space<vmem_shared>> -> memref<80x128xf32, #tpu.memory_space<vmem_shared>>
      tpu.wait_dma2 semaphore(%run_scoped3A : memref<!tpu.dma_semaphore, #tpu.memory_space<semaphore_mem>>) src(%arg15 : memref<80x128xf32, #tpu.memory_space<vmem>>) dst(%dma_wait3A_105 : memref<80x128xf32, #tpu.memory_space<vmem_shared>>)
      tpu.yield
    }) : () -> ()
    %add3A_65 = arith.constant 320 : i32
    %add3A_66 = arith.addi %mul3A_56, %add3A_65 : i32
    "tpu.region"() ({
      %run_scoped3A = tpu.sem_alloc : memref<!tpu.dma_semaphore, #tpu.memory_space<semaphore_mem>>
      %dma_start3A = arith.constant 0 : i32
      %dma_start3A_100 = tpu.memref_slice %arg10[%add3A_66, %dma_start3A] : memref<10000x128xf32, #tpu.memory_space<vmem_shared>> -> memref<80x128xf32, #tpu.memory_space<vmem_shared>>
      %dma_start3A_101 = arith.constant 0 : i32
      %dma_start3A_102 = tpu.memref_slice %arg10[%add3A_66, %dma_start3A_101] : memref<10000x128xf32, #tpu.memory_space<vmem_shared>> -> memref<80x128xf32, #tpu.memory_space<vmem_shared>>
      tpu.enqueue_dma source(%arg15 : memref<80x128xf32, #tpu.memory_space<vmem>>) target(%dma_start3A_102 : memref<80x128xf32, #tpu.memory_space<vmem_shared>>) target_semaphore(%run_scoped3A : memref<!tpu.dma_semaphore, #tpu.memory_space<semaphore_mem>>)
      %dma_wait3A = arith.constant 0 : i32
      %dma_wait3A_103 = tpu.memref_slice %arg10[%add3A_66, %dma_wait3A] : memref<10000x128xf32, #tpu.memory_space<vmem_shared>> -> memref<80x128xf32, #tpu.memory_space<vmem_shared>>
      %dma_wait3A_104 = arith.constant 0 : i32
      %dma_wait3A_105 = tpu.memref_slice %arg10[%add3A_66, %dma_wait3A_104] : memref<10000x128xf32, #tpu.memory_space<vmem_shared>> -> memref<80x128xf32, #tpu.memory_space<vmem_shared>>
      tpu.wait_dma2 semaphore(%run_scoped3A : memref<!tpu.dma_semaphore, #tpu.memory_space<semaphore_mem>>) src(%arg15 : memref<80x128xf32, #tpu.memory_space<vmem>>) dst(%dma_wait3A_105 : memref<80x128xf32, #tpu.memory_space<vmem_shared>>)
      tpu.yield
    }) : () -> ()
    %add3A_67 = arith.constant 400 : i32
    %add3A_68 = arith.addi %mul3A_56, %add3A_67 : i32
    "tpu.region"() ({
      %run_scoped3A = tpu.sem_alloc : memref<!tpu.dma_semaphore, #tpu.memory_space<semaphore_mem>>
      %dma_start3A = arith.constant 0 : i32
      %dma_start3A_100 = tpu.memref_slice %arg10[%add3A_68, %dma_start3A] : memref<10000x128xf32, #tpu.memory_space<vmem_shared>> -> memref<80x128xf32, #tpu.memory_space<vmem_shared>>
      %dma_start3A_101 = arith.constant 0 : i32
      %dma_start3A_102 = tpu.memref_slice %arg10[%add3A_68, %dma_start3A_101] : memref<10000x128xf32, #tpu.memory_space<vmem_shared>> -> memref<80x128xf32, #tpu.memory_space<vmem_shared>>
      tpu.enqueue_dma source(%arg15 : memref<80x128xf32, #tpu.memory_space<vmem>>) target(%dma_start3A_102 : memref<80x128xf32, #tpu.memory_space<vmem_shared>>) target_semaphore(%run_scoped3A : memref<!tpu.dma_semaphore, #tpu.memory_space<semaphore_mem>>)
      %dma_wait3A = arith.constant 0 : i32
      %dma_wait3A_103 = tpu.memref_slice %arg10[%add3A_68, %dma_wait3A] : memref<10000x128xf32, #tpu.memory_space<vmem_shared>> -> memref<80x128xf32, #tpu.memory_space<vmem_shared>>
      %dma_wait3A_104 = arith.constant 0 : i32
      %dma_wait3A_105 = tpu.memref_slice %arg10[%add3A_68, %dma_wait3A_104] : memref<10000x128xf32, #tpu.memory_space<vmem_shared>> -> memref<80x128xf32, #tpu.memory_space<vmem_shared>>
      tpu.wait_dma2 semaphore(%run_scoped3A : memref<!tpu.dma_semaphore, #tpu.memory_space<semaphore_mem>>) src(%arg15 : memref<80x128xf32, #tpu.memory_space<vmem>>) dst(%dma_wait3A_105 : memref<80x128xf32, #tpu.memory_space<vmem_shared>>)
      tpu.yield
    }) : () -> ()
    %add3A_69 = arith.constant 480 : i32
    %add3A_70 = arith.addi %mul3A_56, %add3A_69 : i32
    "tpu.region"() ({
      %run_scoped3A = tpu.sem_alloc : memref<!tpu.dma_semaphore, #tpu.memory_space<semaphore_mem>>
      %dma_start3A = arith.constant 0 : i32
      %dma_start3A_100 = tpu.memref_slice %arg10[%add3A_70, %dma_start3A] : memref<10000x128xf32, #tpu.memory_space<vmem_shared>> -> memref<80x128xf32, #tpu.memory_space<vmem_shared>>
      %dma_start3A_101 = arith.constant 0 : i32
      %dma_start3A_102 = tpu.memref_slice %arg10[%add3A_70, %dma_start3A_101] : memref<10000x128xf32, #tpu.memory_space<vmem_shared>> -> memref<80x128xf32, #tpu.memory_space<vmem_shared>>
      tpu.enqueue_dma source(%arg15 : memref<80x128xf32, #tpu.memory_space<vmem>>) target(%dma_start3A_102 : memref<80x128xf32, #tpu.memory_space<vmem_shared>>) target_semaphore(%run_scoped3A : memref<!tpu.dma_semaphore, #tpu.memory_space<semaphore_mem>>)
      %dma_wait3A = arith.constant 0 : i32
      %dma_wait3A_103 = tpu.memref_slice %arg10[%add3A_70, %dma_wait3A] : memref<10000x128xf32, #tpu.memory_space<vmem_shared>> -> memref<80x128xf32, #tpu.memory_space<vmem_shared>>
      %dma_wait3A_104 = arith.constant 0 : i32
      %dma_wait3A_105 = tpu.memref_slice %arg10[%add3A_70, %dma_wait3A_104] : memref<10000x128xf32, #tpu.memory_space<vmem_shared>> -> memref<80x128xf32, #tpu.memory_space<vmem_shared>>
      tpu.wait_dma2 semaphore(%run_scoped3A : memref<!tpu.dma_semaphore, #tpu.memory_space<semaphore_mem>>) src(%arg15 : memref<80x128xf32, #tpu.memory_space<vmem>>) dst(%dma_wait3A_105 : memref<80x128xf32, #tpu.memory_space<vmem_shared>>)
      tpu.yield
    }) : () -> ()
    %add3A_71 = arith.constant 560 : i32
    %add3A_72 = arith.addi %mul3A_56, %add3A_71 : i32
    "tpu.region"() ({
      %run_scoped3A = tpu.sem_alloc : memref<!tpu.dma_semaphore, #tpu.memory_space<semaphore_mem>>
      %dma_start3A = arith.constant 0 : i32
      %dma_start3A_100 = arith.constant 0 : i32
      %dma_start3A_101 = tpu.memref_slice %arg15[%dma_start3A, %dma_start3A_100] : memref<80x128xf32, #tpu.memory_space<vmem>> -> memref<64x128xf32, #tpu.memory_space<vmem>>
      %dma_start3A_102 = arith.constant 0 : i32
      %dma_start3A_103 = tpu.memref_slice %arg10[%add3A_72, %dma_start3A_102] : memref<10000x128xf32, #tpu.memory_space<vmem_shared>> -> memref<64x128xf32, #tpu.memory_space<vmem_shared>>
      %dma_start3A_104 = arith.constant 0 : i32
      %dma_start3A_105 = tpu.memref_slice %arg10[%add3A_72, %dma_start3A_104] : memref<10000x128xf32, #tpu.memory_space<vmem_shared>> -> memref<64x128xf32, #tpu.memory_space<vmem_shared>>
      %dma_start3A_106 = arith.constant 0 : i32
      %dma_start3A_107 = arith.constant 0 : i32
      %dma_start3A_108 = tpu.memref_slice %arg15[%dma_start3A_106, %dma_start3A_107] : memref<80x128xf32, #tpu.memory_space<vmem>> -> memref<64x128xf32, #tpu.memory_space<vmem>>
      tpu.enqueue_dma source(%dma_start3A_108 : memref<64x128xf32, #tpu.memory_space<vmem>>) target(%dma_start3A_105 : memref<64x128xf32, #tpu.memory_space<vmem_shared>>) target_semaphore(%run_scoped3A : memref<!tpu.dma_semaphore, #tpu.memory_space<semaphore_mem>>)
      %dma_wait3A = arith.constant 0 : i32
      %dma_wait3A_109 = arith.constant 0 : i32
      %dma_wait3A_110 = tpu.memref_slice %arg15[%dma_wait3A, %dma_wait3A_109] : memref<80x128xf32, #tpu.memory_space<vmem>> -> memref<64x128xf32, #tpu.memory_space<vmem>>
      %dma_wait3A_111 = arith.constant 0 : i32
      %dma_wait3A_112 = tpu.memref_slice %arg10[%add3A_72, %dma_wait3A_111] : memref<10000x128xf32, #tpu.memory_space<vmem_shared>> -> memref<64x128xf32, #tpu.memory_space<vmem_shared>>
      %dma_wait3A_113 = arith.constant 0 : i32
      %dma_wait3A_114 = tpu.memref_slice %arg10[%add3A_72, %dma_wait3A_113] : memref<10000x128xf32, #tpu.memory_space<vmem_shared>> -> memref<64x128xf32, #tpu.memory_space<vmem_shared>>
      %dma_wait3A_115 = arith.constant 0 : i32
      %dma_wait3A_116 = arith.constant 0 : i32
      %dma_wait3A_117 = tpu.memref_slice %arg15[%dma_wait3A_115, %dma_wait3A_116] : memref<80x128xf32, #tpu.memory_space<vmem>> -> memref<64x128xf32, #tpu.memory_space<vmem>>
      tpu.wait_dma2 semaphore(%run_scoped3A : memref<!tpu.dma_semaphore, #tpu.memory_space<semaphore_mem>>) src(%dma_wait3A_117 : memref<64x128xf32, #tpu.memory_space<vmem>>) dst(%dma_wait3A_114 : memref<64x128xf32, #tpu.memory_space<vmem_shared>>)
      tpu.yield
    }) : () -> ()
    %eq3A_73 = arith.constant 15 : i32
    %eq3A_74 = arith.cmpi eq, %arg1, %eq3A_73 : i32
    %convert_element_type3A_75 = arith.extui %eq3A_74 : i1 to i32
    %cond3A_76 = arith.constant 0 : i32
    %cond3A_77 = arith.cmpi ne, %convert_element_type3A_75, %cond3A_76 : i32
    scf.if %cond3A_77 {
      "tpu.region"() ({
        %run_scoped3A = tpu.sem_alloc : memref<!tpu.dma_semaphore, #tpu.memory_space<semaphore_mem>>
        %dma_start3A = arith.constant 0 : i32
        %dma_start3A_100 = arith.constant 0 : i32
        %dma_start3A_101 = tpu.memref_slice %arg15[%dma_start3A, %dma_start3A_100] : memref<80x128xf32, #tpu.memory_space<vmem>> -> memref<16x128xf32, #tpu.memory_space<vmem>>
        %dma_start3A_102 = arith.constant 9984 : i32
        %dma_start3A_103 = arith.constant 0 : i32
        %dma_start3A_104 = tpu.memref_slice %arg10[%dma_start3A_102, %dma_start3A_103] : memref<10000x128xf32, #tpu.memory_space<vmem_shared>> -> memref<16x128xf32, #tpu.memory_space<vmem_shared>>
        %dma_start3A_105 = arith.constant 9984 : i32
        %dma_start3A_106 = arith.constant 0 : i32
        %dma_start3A_107 = tpu.memref_slice %arg10[%dma_start3A_105, %dma_start3A_106] : memref<10000x128xf32, #tpu.memory_space<vmem_shared>> -> memref<16x128xf32, #tpu.memory_space<vmem_shared>>
        %dma_start3A_108 = arith.constant 0 : i32
        %dma_start3A_109 = arith.constant 0 : i32
        %dma_start3A_110 = tpu.memref_slice %arg15[%dma_start3A_108, %dma_start3A_109] : memref<80x128xf32, #tpu.memory_space<vmem>> -> memref<16x128xf32, #tpu.memory_space<vmem>>
        tpu.enqueue_dma source(%dma_start3A_110 : memref<16x128xf32, #tpu.memory_space<vmem>>) target(%dma_start3A_107 : memref<16x128xf32, #tpu.memory_space<vmem_shared>>) target_semaphore(%run_scoped3A : memref<!tpu.dma_semaphore, #tpu.memory_space<semaphore_mem>>)
        %dma_wait3A = arith.constant 0 : i32
        %dma_wait3A_111 = arith.constant 0 : i32
        %dma_wait3A_112 = tpu.memref_slice %arg15[%dma_wait3A, %dma_wait3A_111] : memref<80x128xf32, #tpu.memory_space<vmem>> -> memref<16x128xf32, #tpu.memory_space<vmem>>
        %dma_wait3A_113 = arith.constant 9984 : i32
        %dma_wait3A_114 = arith.constant 0 : i32
        %dma_wait3A_115 = tpu.memref_slice %arg10[%dma_wait3A_113, %dma_wait3A_114] : memref<10000x128xf32, #tpu.memory_space<vmem_shared>> -> memref<16x128xf32, #tpu.memory_space<vmem_shared>>
        %dma_wait3A_116 = arith.constant 9984 : i32
        %dma_wait3A_117 = arith.constant 0 : i32
        %dma_wait3A_118 = tpu.memref_slice %arg10[%dma_wait3A_116, %dma_wait3A_117] : memref<10000x128xf32, #tpu.memory_space<vmem_shared>> -> memref<16x128xf32, #tpu.memory_space<vmem_shared>>
        %dma_wait3A_119 = arith.constant 0 : i32
        %dma_wait3A_120 = arith.constant 0 : i32
        %dma_wait3A_121 = tpu.memref_slice %arg15[%dma_wait3A_119, %dma_wait3A_120] : memref<80x128xf32, #tpu.memory_space<vmem>> -> memref<16x128xf32, #tpu.memory_space<vmem>>
        tpu.wait_dma2 semaphore(%run_scoped3A : memref<!tpu.dma_semaphore, #tpu.memory_space<semaphore_mem>>) src(%dma_wait3A_121 : memref<16x128xf32, #tpu.memory_space<vmem>>) dst(%dma_wait3A_118 : memref<16x128xf32, #tpu.memory_space<vmem_shared>>)
        tpu.yield
      }) : () -> ()
    } else {
    }
    %barrier3A_78 = arith.constant 0 : index
    tpu.barrier barrier_id(%barrier3A_78)
    %eq3A_79 = arith.constant 0 : i32
    %eq3A_80 = arith.cmpi eq, %arg0, %eq3A_79 : i32
    %convert_element_type3A_81 = arith.extui %eq3A_80 : i1 to i32
    %cond3A_82 = arith.constant 0 : i32
    %cond3A_83 = arith.cmpi ne, %convert_element_type3A_81, %cond3A_82 : i32
    scf.if %cond3A_83 {
      %mul3A_100 = arith.constant 20000 : i32
      %mul3A_101 = arith.muli %arg1, %mul3A_100 : i32
      %add3A_102 = arith.constant 320000 : i32
      %add3A_103 = arith.addi %add3A_102, %mul3A_101 : i32
      "tpu.region"() ({
        %run_scoped3A = tpu.sem_alloc : memref<!tpu.dma_semaphore, #tpu.memory_space<semaphore_mem>>
        %dma_start3A_113 = tpu.memref_slice %arg4[%add3A_103] : memref<640000xi32, #tpu.memory_space<hbm>> -> memref<80xi32, #tpu.memory_space<hbm>>
        %dma_start3A_114 = tpu.memref_slice %arg4[%add3A_103] : memref<640000xi32, #tpu.memory_space<hbm>> -> memref<80xi32, #tpu.memory_space<hbm>>
        tpu.enqueue_dma source(%dma_start3A_114 : memref<80xi32, #tpu.memory_space<hbm>>) target(%arg11 : memref<80xi32, #tpu.memory_space<vmem>>) target_semaphore(%run_scoped3A : memref<!tpu.dma_semaphore, #tpu.memory_space<semaphore_mem>>)
        %dma_wait3A = tpu.memref_slice %arg4[%add3A_103] : memref<640000xi32, #tpu.memory_space<hbm>> -> memref<80xi32, #tpu.memory_space<hbm>>
        %dma_wait3A_115 = tpu.memref_slice %arg4[%add3A_103] : memref<640000xi32, #tpu.memory_space<hbm>> -> memref<80xi32, #tpu.memory_space<hbm>>
        tpu.wait_dma2 semaphore(%run_scoped3A : memref<!tpu.dma_semaphore, #tpu.memory_space<semaphore_mem>>) src(%dma_wait3A_115 : memref<80xi32, #tpu.memory_space<hbm>>) dst(%arg11 : memref<80xi32, #tpu.memory_space<vmem>>)
        tpu.yield
      }) : () -> ()
      "tpu.region"() ({
        %run_scoped3A = tpu.sem_alloc : memref<!tpu.dma_semaphore, #tpu.memory_space<semaphore_mem>>
        %dma_start3A_113 = tpu.memref_slice %arg5[%add3A_103] : memref<640000xi32, #tpu.memory_space<hbm>> -> memref<80xi32, #tpu.memory_space<hbm>>
        %dma_start3A_114 = tpu.memref_slice %arg5[%add3A_103] : memref<640000xi32, #tpu.memory_space<hbm>> -> memref<80xi32, #tpu.memory_space<hbm>>
        tpu.enqueue_dma source(%dma_start3A_114 : memref<80xi32, #tpu.memory_space<hbm>>) target(%arg12 : memref<80xi32, #tpu.memory_space<vmem>>) target_semaphore(%run_scoped3A : memref<!tpu.dma_semaphore, #tpu.memory_space<semaphore_mem>>)
        %dma_wait3A = tpu.memref_slice %arg5[%add3A_103] : memref<640000xi32, #tpu.memory_space<hbm>> -> memref<80xi32, #tpu.memory_space<hbm>>
        %dma_wait3A_115 = tpu.memref_slice %arg5[%add3A_103] : memref<640000xi32, #tpu.memory_space<hbm>> -> memref<80xi32, #tpu.memory_space<hbm>>
        tpu.wait_dma2 semaphore(%run_scoped3A : memref<!tpu.dma_semaphore, #tpu.memory_space<semaphore_mem>>) src(%dma_wait3A_115 : memref<80xi32, #tpu.memory_space<hbm>>) dst(%arg12 : memref<80xi32, #tpu.memory_space<vmem>>)
        tpu.yield
      }) : () -> ()
      %dma_start3A = arith.constant 0 : i32
      %dma_start3A_104 = arith.constant 0 : i32
      %dma_start3A_105 = tpu.memref_slice %arg2[%dma_start3A, %dma_start3A_104] : memref<10000x128xf32, #tpu.memory_space<hbm>> -> memref<10000x128xf32, #tpu.memory_space<hbm>>
      tpu.enqueue_indirect_dma source(%dma_start3A_105 : memref<10000x128xf32, #tpu.memory_space<hbm>>) target(%arg15 : memref<80x128xf32, #tpu.memory_space<vmem>>) offsets(%arg11 : memref<80xi32, #tpu.memory_space<vmem>>) semaphore(%arg17 : memref<!tpu.dma_semaphore, #tpu.memory_space<semaphore_mem>>)
      %scan3A_106 = arith.constant 0 : i32
      %scan3A_107 = arith.constant 0 : i32
      %scan3A_108 = arith.constant 125 : i32
      %scan3A_109 = arith.addi %scan3A_107, %scan3A_108 : i32
      %scan3A_110 = arith.constant 1 : i32
      %scan3A_111 = scf.for %scan3A_113 = %scan3A_107 to %scan3A_109 step %scan3A_110 iter_args(%scan3A_114 = %scan3A_106) -> (i32)  : i32 {
        %mul3A_115 = arith.constant 2 : i32
        %mul3A_116 = arith.muli %mul3A_115, %scan3A_113 : i32
        %add3A_117 = arith.constant 1 : i32
        %add3A_118 = arith.addi %mul3A_116, %add3A_117 : i32
        %mul3A_119 = arith.constant 80 : i32
        %mul3A_120 = arith.muli %add3A_118, %mul3A_119 : i32
        %add3A_121 = arith.addi %add3A_103, %mul3A_120 : i32
        "tpu.region"() ({
          %run_scoped3A = tpu.sem_alloc : memref<!tpu.dma_semaphore, #tpu.memory_space<semaphore_mem>>
          %dma_start3A_137 = tpu.memref_slice %arg4[%add3A_121] : memref<640000xi32, #tpu.memory_space<hbm>> -> memref<80xi32, #tpu.memory_space<hbm>>
          %dma_start3A_138 = tpu.memref_slice %arg4[%add3A_121] : memref<640000xi32, #tpu.memory_space<hbm>> -> memref<80xi32, #tpu.memory_space<hbm>>
          tpu.enqueue_dma source(%dma_start3A_138 : memref<80xi32, #tpu.memory_space<hbm>>) target(%arg13 : memref<80xi32, #tpu.memory_space<vmem>>) target_semaphore(%run_scoped3A : memref<!tpu.dma_semaphore, #tpu.memory_space<semaphore_mem>>)
          %dma_wait3A_139 = tpu.memref_slice %arg4[%add3A_121] : memref<640000xi32, #tpu.memory_space<hbm>> -> memref<80xi32, #tpu.memory_space<hbm>>
          %dma_wait3A_140 = tpu.memref_slice %arg4[%add3A_121] : memref<640000xi32, #tpu.memory_space<hbm>> -> memref<80xi32, #tpu.memory_space<hbm>>
          tpu.wait_dma2 semaphore(%run_scoped3A : memref<!tpu.dma_semaphore, #tpu.memory_space<semaphore_mem>>) src(%dma_wait3A_140 : memref<80xi32, #tpu.memory_space<hbm>>) dst(%arg13 : memref<80xi32, #tpu.memory_space<vmem>>)
          tpu.yield
        }) : () -> ()
        "tpu.region"() ({
          %run_scoped3A = tpu.sem_alloc : memref<!tpu.dma_semaphore, #tpu.memory_space<semaphore_mem>>
          %dma_start3A_137 = tpu.memref_slice %arg5[%add3A_121] : memref<640000xi32, #tpu.memory_space<hbm>> -> memref<80xi32, #tpu.memory_space<hbm>>
          %dma_start3A_138 = tpu.memref_slice %arg5[%add3A_121] : memref<640000xi32, #tpu.memory_space<hbm>> -> memref<80xi32, #tpu.memory_space<hbm>>
          tpu.enqueue_dma source(%dma_start3A_138 : memref<80xi32, #tpu.memory_space<hbm>>) target(%arg14 : memref<80xi32, #tpu.memory_space<vmem>>) target_semaphore(%run_scoped3A : memref<!tpu.dma_semaphore, #tpu.memory_space<semaphore_mem>>)
          %dma_wait3A_139 = tpu.memref_slice %arg5[%add3A_121] : memref<640000xi32, #tpu.memory_space<hbm>> -> memref<80xi32, #tpu.memory_space<hbm>>
          %dma_wait3A_140 = tpu.memref_slice %arg5[%add3A_121] : memref<640000xi32, #tpu.memory_space<hbm>> -> memref<80xi32, #tpu.memory_space<hbm>>
          tpu.wait_dma2 semaphore(%run_scoped3A : memref<!tpu.dma_semaphore, #tpu.memory_space<semaphore_mem>>) src(%dma_wait3A_140 : memref<80xi32, #tpu.memory_space<hbm>>) dst(%arg14 : memref<80xi32, #tpu.memory_space<vmem>>)
          tpu.yield
        }) : () -> ()
        %dma_start3A_122 = arith.constant 0 : i32
        %dma_start3A_123 = arith.constant 0 : i32
        %dma_start3A_124 = tpu.memref_slice %arg2[%dma_start3A_122, %dma_start3A_123] : memref<10000x128xf32, #tpu.memory_space<hbm>> -> memref<10000x128xf32, #tpu.memory_space<hbm>>
        tpu.enqueue_indirect_dma source(%dma_start3A_124 : memref<10000x128xf32, #tpu.memory_space<hbm>>) target(%arg16 : memref<80x128xf32, #tpu.memory_space<vmem>>) offsets(%arg13 : memref<80xi32, #tpu.memory_space<vmem>>) semaphore(%arg18 : memref<!tpu.dma_semaphore, #tpu.memory_space<semaphore_mem>>)
        %dma_wait3A = arith.constant 0 : i32
        %dma_wait3A_125 = arith.constant 0 : i32
        %dma_wait3A_126 = tpu.memref_slice %arg2[%dma_wait3A, %dma_wait3A_125] : memref<10000x128xf32, #tpu.memory_space<hbm>> -> memref<10000x128xf32, #tpu.memory_space<hbm>>
        tpu.wait_indirect_dma semaphore(%arg17 : memref<!tpu.dma_semaphore, #tpu.memory_space<semaphore_mem>>) src(%dma_wait3A_126 : memref<10000x128xf32, #tpu.memory_space<hbm>>) dst(%arg15 : memref<80x128xf32, #tpu.memory_space<vmem>>)
        "tpu.region"() ({
          %run_scoped3A = tpu.sem_alloc : memref<!tpu.dma_semaphore, #tpu.memory_space<semaphore_mem>>
          %dma_start3A_137 = arith.constant 0 : i32
          %dma_start3A_138 = arith.constant 0 : i32
          %dma_start3A_139 = tpu.memref_slice %arg10[%dma_start3A_137, %dma_start3A_138] : memref<10000x128xf32, #tpu.memory_space<vmem_shared>> -> memref<10000x128xf32, #tpu.memory_space<vmem_shared>>
          tpu.enqueue_indirect_dma source(%arg15 : memref<80x128xf32, #tpu.memory_space<vmem>>) target(%dma_start3A_139 : memref<10000x128xf32, #tpu.memory_space<vmem_shared>>) offsets(%arg12 : memref<80xi32, #tpu.memory_space<vmem>>) semaphore(%run_scoped3A : memref<!tpu.dma_semaphore, #tpu.memory_space<semaphore_mem>>) {add = true}
          %dma_wait3A_140 = arith.constant 0 : i32
          %dma_wait3A_141 = arith.constant 0 : i32
          %dma_wait3A_142 = tpu.memref_slice %arg10[%dma_wait3A_140, %dma_wait3A_141] : memref<10000x128xf32, #tpu.memory_space<vmem_shared>> -> memref<10000x128xf32, #tpu.memory_space<vmem_shared>>
          tpu.wait_indirect_dma semaphore(%run_scoped3A : memref<!tpu.dma_semaphore, #tpu.memory_space<semaphore_mem>>) src(%arg15 : memref<80x128xf32, #tpu.memory_space<vmem>>) dst(%dma_wait3A_142 : memref<10000x128xf32, #tpu.memory_space<vmem_shared>>)
          tpu.yield
        }) : () -> ()
        %add3A_127 = arith.constant 1 : i32
        %add3A_128 = arith.addi %add3A_118, %add3A_127 : i32
        %lt3A = arith.constant 250 : i32
        %lt3A_129 = arith.cmpi slt, %add3A_128, %lt3A : i32
        %convert_element_type3A_130 = arith.extui %lt3A_129 : i1 to i32
        %cond3A_131 = arith.constant 0 : i32
        %cond3A_132 = arith.cmpi ne, %convert_element_type3A_130, %cond3A_131 : i32
        scf.if %cond3A_132 {
          %add3A_137 = arith.constant 1 : i32
          %add3A_138 = arith.addi %add3A_118, %add3A_137 : i32
          %mul3A_139 = arith.constant 80 : i32
          %mul3A_140 = arith.muli %add3A_138, %mul3A_139 : i32
          %add3A_141 = arith.addi %add3A_103, %mul3A_140 : i32
          "tpu.region"() ({
            %run_scoped3A = tpu.sem_alloc : memref<!tpu.dma_semaphore, #tpu.memory_space<semaphore_mem>>
            %dma_start3A_145 = tpu.memref_slice %arg4[%add3A_141] : memref<640000xi32, #tpu.memory_space<hbm>> -> memref<80xi32, #tpu.memory_space<hbm>>
            %dma_start3A_146 = tpu.memref_slice %arg4[%add3A_141] : memref<640000xi32, #tpu.memory_space<hbm>> -> memref<80xi32, #tpu.memory_space<hbm>>
            tpu.enqueue_dma source(%dma_start3A_146 : memref<80xi32, #tpu.memory_space<hbm>>) target(%arg11 : memref<80xi32, #tpu.memory_space<vmem>>) target_semaphore(%run_scoped3A : memref<!tpu.dma_semaphore, #tpu.memory_space<semaphore_mem>>)
            %dma_wait3A_147 = tpu.memref_slice %arg4[%add3A_141] : memref<640000xi32, #tpu.memory_space<hbm>> -> memref<80xi32, #tpu.memory_space<hbm>>
            %dma_wait3A_148 = tpu.memref_slice %arg4[%add3A_141] : memref<640000xi32, #tpu.memory_space<hbm>> -> memref<80xi32, #tpu.memory_space<hbm>>
            tpu.wait_dma2 semaphore(%run_scoped3A : memref<!tpu.dma_semaphore, #tpu.memory_space<semaphore_mem>>) src(%dma_wait3A_148 : memref<80xi32, #tpu.memory_space<hbm>>) dst(%arg11 : memref<80xi32, #tpu.memory_space<vmem>>)
            tpu.yield
          }) : () -> ()
          "tpu.region"() ({
            %run_scoped3A = tpu.sem_alloc : memref<!tpu.dma_semaphore, #tpu.memory_space<semaphore_mem>>
            %dma_start3A_145 = tpu.memref_slice %arg5[%add3A_141] : memref<640000xi32, #tpu.memory_space<hbm>> -> memref<80xi32, #tpu.memory_space<hbm>>
            %dma_start3A_146 = tpu.memref_slice %arg5[%add3A_141] : memref<640000xi32, #tpu.memory_space<hbm>> -> memref<80xi32, #tpu.memory_space<hbm>>
            tpu.enqueue_dma source(%dma_start3A_146 : memref<80xi32, #tpu.memory_space<hbm>>) target(%arg12 : memref<80xi32, #tpu.memory_space<vmem>>) target_semaphore(%run_scoped3A : memref<!tpu.dma_semaphore, #tpu.memory_space<semaphore_mem>>)
            %dma_wait3A_147 = tpu.memref_slice %arg5[%add3A_141] : memref<640000xi32, #tpu.memory_space<hbm>> -> memref<80xi32, #tpu.memory_space<hbm>>
            %dma_wait3A_148 = tpu.memref_slice %arg5[%add3A_141] : memref<640000xi32, #tpu.memory_space<hbm>> -> memref<80xi32, #tpu.memory_space<hbm>>
            tpu.wait_dma2 semaphore(%run_scoped3A : memref<!tpu.dma_semaphore, #tpu.memory_space<semaphore_mem>>) src(%dma_wait3A_148 : memref<80xi32, #tpu.memory_space<hbm>>) dst(%arg12 : memref<80xi32, #tpu.memory_space<vmem>>)
            tpu.yield
          }) : () -> ()
          %dma_start3A_142 = arith.constant 0 : i32
          %dma_start3A_143 = arith.constant 0 : i32
          %dma_start3A_144 = tpu.memref_slice %arg2[%dma_start3A_142, %dma_start3A_143] : memref<10000x128xf32, #tpu.memory_space<hbm>> -> memref<10000x128xf32, #tpu.memory_space<hbm>>
          tpu.enqueue_indirect_dma source(%dma_start3A_144 : memref<10000x128xf32, #tpu.memory_space<hbm>>) target(%arg15 : memref<80x128xf32, #tpu.memory_space<vmem>>) offsets(%arg11 : memref<80xi32, #tpu.memory_space<vmem>>) semaphore(%arg17 : memref<!tpu.dma_semaphore, #tpu.memory_space<semaphore_mem>>)
        } else {
        }
        %dma_wait3A_133 = arith.constant 0 : i32
        %dma_wait3A_134 = arith.constant 0 : i32
        %dma_wait3A_135 = tpu.memref_slice %arg2[%dma_wait3A_133, %dma_wait3A_134] : memref<10000x128xf32, #tpu.memory_space<hbm>> -> memref<10000x128xf32, #tpu.memory_space<hbm>>
        tpu.wait_indirect_dma semaphore(%arg18 : memref<!tpu.dma_semaphore, #tpu.memory_space<semaphore_mem>>) src(%dma_wait3A_135 : memref<10000x128xf32, #tpu.memory_space<hbm>>) dst(%arg16 : memref<80x128xf32, #tpu.memory_space<vmem>>)
        "tpu.region"() ({
          %run_scoped3A = tpu.sem_alloc : memref<!tpu.dma_semaphore, #tpu.memory_space<semaphore_mem>>
          %dma_start3A_137 = arith.constant 0 : i32
          %dma_start3A_138 = arith.constant 0 : i32
          %dma_start3A_139 = tpu.memref_slice %arg10[%dma_start3A_137, %dma_start3A_138] : memref<10000x128xf32, #tpu.memory_space<vmem_shared>> -> memref<10000x128xf32, #tpu.memory_space<vmem_shared>>
          tpu.enqueue_indirect_dma source(%arg16 : memref<80x128xf32, #tpu.memory_space<vmem>>) target(%dma_start3A_139 : memref<10000x128xf32, #tpu.memory_space<vmem_shared>>) offsets(%arg14 : memref<80xi32, #tpu.memory_space<vmem>>) semaphore(%run_scoped3A : memref<!tpu.dma_semaphore, #tpu.memory_space<semaphore_mem>>) {add = true}
          %dma_wait3A_140 = arith.constant 0 : i32
          %dma_wait3A_141 = arith.constant 0 : i32
          %dma_wait3A_142 = tpu.memref_slice %arg10[%dma_wait3A_140, %dma_wait3A_141] : memref<10000x128xf32, #tpu.memory_space<vmem_shared>> -> memref<10000x128xf32, #tpu.memory_space<vmem_shared>>
          tpu.wait_indirect_dma semaphore(%run_scoped3A : memref<!tpu.dma_semaphore, #tpu.memory_space<semaphore_mem>>) src(%arg16 : memref<80x128xf32, #tpu.memory_space<vmem>>) dst(%dma_wait3A_142 : memref<10000x128xf32, #tpu.memory_space<vmem_shared>>)
          tpu.yield
        }) : () -> ()
        %scan3A_136 = arith.constant 0 : i32
        scf.yield %scan3A_136 : i32
      }
      %scan3A_112 = arith.constant 125 : i32
    } else {
    }
    %eq3A_84 = arith.constant 1 : i32
    %eq3A_85 = arith.cmpi eq, %arg0, %eq3A_84 : i32
    %convert_element_type3A_86 = arith.extui %eq3A_85 : i1 to i32
    %cond3A_87 = arith.constant 0 : i32
    %cond3A_88 = arith.cmpi ne, %convert_element_type3A_86, %cond3A_87 : i32
    scf.if %cond3A_88 {
      %mul3A_100 = arith.constant 20000 : i32
      %mul3A_101 = arith.muli %arg1, %mul3A_100 : i32
      %add3A_102 = arith.constant 320000 : i32
      %add3A_103 = arith.addi %add3A_102, %mul3A_101 : i32
      "tpu.region"() ({
        %run_scoped3A = tpu.sem_alloc : memref<!tpu.dma_semaphore, #tpu.memory_space<semaphore_mem>>
        %dma_start3A_113 = tpu.memref_slice %arg4[%add3A_103] : memref<640000xi32, #tpu.memory_space<hbm>> -> memref<80xi32, #tpu.memory_space<hbm>>
        %dma_start3A_114 = tpu.memref_slice %arg4[%add3A_103] : memref<640000xi32, #tpu.memory_space<hbm>> -> memref<80xi32, #tpu.memory_space<hbm>>
        tpu.enqueue_dma source(%dma_start3A_114 : memref<80xi32, #tpu.memory_space<hbm>>) target(%arg11 : memref<80xi32, #tpu.memory_space<vmem>>) target_semaphore(%run_scoped3A : memref<!tpu.dma_semaphore, #tpu.memory_space<semaphore_mem>>)
        %dma_wait3A = tpu.memref_slice %arg4[%add3A_103] : memref<640000xi32, #tpu.memory_space<hbm>> -> memref<80xi32, #tpu.memory_space<hbm>>
        %dma_wait3A_115 = tpu.memref_slice %arg4[%add3A_103] : memref<640000xi32, #tpu.memory_space<hbm>> -> memref<80xi32, #tpu.memory_space<hbm>>
        tpu.wait_dma2 semaphore(%run_scoped3A : memref<!tpu.dma_semaphore, #tpu.memory_space<semaphore_mem>>) src(%dma_wait3A_115 : memref<80xi32, #tpu.memory_space<hbm>>) dst(%arg11 : memref<80xi32, #tpu.memory_space<vmem>>)
        tpu.yield
      }) : () -> ()
      "tpu.region"() ({
        %run_scoped3A = tpu.sem_alloc : memref<!tpu.dma_semaphore, #tpu.memory_space<semaphore_mem>>
        %dma_start3A_113 = tpu.memref_slice %arg5[%add3A_103] : memref<640000xi32, #tpu.memory_space<hbm>> -> memref<80xi32, #tpu.memory_space<hbm>>
        %dma_start3A_114 = tpu.memref_slice %arg5[%add3A_103] : memref<640000xi32, #tpu.memory_space<hbm>> -> memref<80xi32, #tpu.memory_space<hbm>>
        tpu.enqueue_dma source(%dma_start3A_114 : memref<80xi32, #tpu.memory_space<hbm>>) target(%arg12 : memref<80xi32, #tpu.memory_space<vmem>>) target_semaphore(%run_scoped3A : memref<!tpu.dma_semaphore, #tpu.memory_space<semaphore_mem>>)
        %dma_wait3A = tpu.memref_slice %arg5[%add3A_103] : memref<640000xi32, #tpu.memory_space<hbm>> -> memref<80xi32, #tpu.memory_space<hbm>>
        %dma_wait3A_115 = tpu.memref_slice %arg5[%add3A_103] : memref<640000xi32, #tpu.memory_space<hbm>> -> memref<80xi32, #tpu.memory_space<hbm>>
        tpu.wait_dma2 semaphore(%run_scoped3A : memref<!tpu.dma_semaphore, #tpu.memory_space<semaphore_mem>>) src(%dma_wait3A_115 : memref<80xi32, #tpu.memory_space<hbm>>) dst(%arg12 : memref<80xi32, #tpu.memory_space<vmem>>)
        tpu.yield
      }) : () -> ()
      %dma_start3A = arith.constant 0 : i32
      %dma_start3A_104 = arith.constant 0 : i32
      %dma_start3A_105 = tpu.memref_slice %arg3[%dma_start3A, %dma_start3A_104] : memref<10000x128xf32, #tpu.memory_space<hbm>> -> memref<10000x128xf32, #tpu.memory_space<hbm>>
      tpu.enqueue_indirect_dma source(%dma_start3A_105 : memref<10000x128xf32, #tpu.memory_space<hbm>>) target(%arg15 : memref<80x128xf32, #tpu.memory_space<vmem>>) offsets(%arg11 : memref<80xi32, #tpu.memory_space<vmem>>) semaphore(%arg17 : memref<!tpu.dma_semaphore, #tpu.memory_space<semaphore_mem>>)
      %scan3A_106 = arith.constant 0 : i32
      %scan3A_107 = arith.constant 0 : i32
      %scan3A_108 = arith.constant 125 : i32
      %scan3A_109 = arith.addi %scan3A_107, %scan3A_108 : i32
      %scan3A_110 = arith.constant 1 : i32
      %scan3A_111 = scf.for %scan3A_113 = %scan3A_107 to %scan3A_109 step %scan3A_110 iter_args(%scan3A_114 = %scan3A_106) -> (i32)  : i32 {
        %mul3A_115 = arith.constant 2 : i32
        %mul3A_116 = arith.muli %mul3A_115, %scan3A_113 : i32
        %add3A_117 = arith.constant 1 : i32
        %add3A_118 = arith.addi %mul3A_116, %add3A_117 : i32
        %mul3A_119 = arith.constant 80 : i32
        %mul3A_120 = arith.muli %add3A_118, %mul3A_119 : i32
        %add3A_121 = arith.addi %add3A_103, %mul3A_120 : i32
        "tpu.region"() ({
          %run_scoped3A = tpu.sem_alloc : memref<!tpu.dma_semaphore, #tpu.memory_space<semaphore_mem>>
          %dma_start3A_137 = tpu.memref_slice %arg4[%add3A_121] : memref<640000xi32, #tpu.memory_space<hbm>> -> memref<80xi32, #tpu.memory_space<hbm>>
          %dma_start3A_138 = tpu.memref_slice %arg4[%add3A_121] : memref<640000xi32, #tpu.memory_space<hbm>> -> memref<80xi32, #tpu.memory_space<hbm>>
          tpu.enqueue_dma source(%dma_start3A_138 : memref<80xi32, #tpu.memory_space<hbm>>) target(%arg13 : memref<80xi32, #tpu.memory_space<vmem>>) target_semaphore(%run_scoped3A : memref<!tpu.dma_semaphore, #tpu.memory_space<semaphore_mem>>)
          %dma_wait3A_139 = tpu.memref_slice %arg4[%add3A_121] : memref<640000xi32, #tpu.memory_space<hbm>> -> memref<80xi32, #tpu.memory_space<hbm>>
          %dma_wait3A_140 = tpu.memref_slice %arg4[%add3A_121] : memref<640000xi32, #tpu.memory_space<hbm>> -> memref<80xi32, #tpu.memory_space<hbm>>
          tpu.wait_dma2 semaphore(%run_scoped3A : memref<!tpu.dma_semaphore, #tpu.memory_space<semaphore_mem>>) src(%dma_wait3A_140 : memref<80xi32, #tpu.memory_space<hbm>>) dst(%arg13 : memref<80xi32, #tpu.memory_space<vmem>>)
          tpu.yield
        }) : () -> ()
        "tpu.region"() ({
          %run_scoped3A = tpu.sem_alloc : memref<!tpu.dma_semaphore, #tpu.memory_space<semaphore_mem>>
          %dma_start3A_137 = tpu.memref_slice %arg5[%add3A_121] : memref<640000xi32, #tpu.memory_space<hbm>> -> memref<80xi32, #tpu.memory_space<hbm>>
          %dma_start3A_138 = tpu.memref_slice %arg5[%add3A_121] : memref<640000xi32, #tpu.memory_space<hbm>> -> memref<80xi32, #tpu.memory_space<hbm>>
          tpu.enqueue_dma source(%dma_start3A_138 : memref<80xi32, #tpu.memory_space<hbm>>) target(%arg14 : memref<80xi32, #tpu.memory_space<vmem>>) target_semaphore(%run_scoped3A : memref<!tpu.dma_semaphore, #tpu.memory_space<semaphore_mem>>)
          %dma_wait3A_139 = tpu.memref_slice %arg5[%add3A_121] : memref<640000xi32, #tpu.memory_space<hbm>> -> memref<80xi32, #tpu.memory_space<hbm>>
          %dma_wait3A_140 = tpu.memref_slice %arg5[%add3A_121] : memref<640000xi32, #tpu.memory_space<hbm>> -> memref<80xi32, #tpu.memory_space<hbm>>
          tpu.wait_dma2 semaphore(%run_scoped3A : memref<!tpu.dma_semaphore, #tpu.memory_space<semaphore_mem>>) src(%dma_wait3A_140 : memref<80xi32, #tpu.memory_space<hbm>>) dst(%arg14 : memref<80xi32, #tpu.memory_space<vmem>>)
          tpu.yield
        }) : () -> ()
        %dma_start3A_122 = arith.constant 0 : i32
        %dma_start3A_123 = arith.constant 0 : i32
        %dma_start3A_124 = tpu.memref_slice %arg3[%dma_start3A_122, %dma_start3A_123] : memref<10000x128xf32, #tpu.memory_space<hbm>> -> memref<10000x128xf32, #tpu.memory_space<hbm>>
        tpu.enqueue_indirect_dma source(%dma_start3A_124 : memref<10000x128xf32, #tpu.memory_space<hbm>>) target(%arg16 : memref<80x128xf32, #tpu.memory_space<vmem>>) offsets(%arg13 : memref<80xi32, #tpu.memory_space<vmem>>) semaphore(%arg18 : memref<!tpu.dma_semaphore, #tpu.memory_space<semaphore_mem>>)
        %dma_wait3A = arith.constant 0 : i32
        %dma_wait3A_125 = arith.constant 0 : i32
        %dma_wait3A_126 = tpu.memref_slice %arg3[%dma_wait3A, %dma_wait3A_125] : memref<10000x128xf32, #tpu.memory_space<hbm>> -> memref<10000x128xf32, #tpu.memory_space<hbm>>
        tpu.wait_indirect_dma semaphore(%arg17 : memref<!tpu.dma_semaphore, #tpu.memory_space<semaphore_mem>>) src(%dma_wait3A_126 : memref<10000x128xf32, #tpu.memory_space<hbm>>) dst(%arg15 : memref<80x128xf32, #tpu.memory_space<vmem>>)
        "tpu.region"() ({
          %run_scoped3A = tpu.sem_alloc : memref<!tpu.dma_semaphore, #tpu.memory_space<semaphore_mem>>
          %dma_start3A_137 = arith.constant 0 : i32
          %dma_start3A_138 = arith.constant 0 : i32
          %dma_start3A_139 = tpu.memref_slice %arg10[%dma_start3A_137, %dma_start3A_138] : memref<10000x128xf32, #tpu.memory_space<vmem_shared>> -> memref<10000x128xf32, #tpu.memory_space<vmem_shared>>
          tpu.enqueue_indirect_dma source(%arg15 : memref<80x128xf32, #tpu.memory_space<vmem>>) target(%dma_start3A_139 : memref<10000x128xf32, #tpu.memory_space<vmem_shared>>) offsets(%arg12 : memref<80xi32, #tpu.memory_space<vmem>>) semaphore(%run_scoped3A : memref<!tpu.dma_semaphore, #tpu.memory_space<semaphore_mem>>) {add = true}
          %dma_wait3A_140 = arith.constant 0 : i32
          %dma_wait3A_141 = arith.constant 0 : i32
          %dma_wait3A_142 = tpu.memref_slice %arg10[%dma_wait3A_140, %dma_wait3A_141] : memref<10000x128xf32, #tpu.memory_space<vmem_shared>> -> memref<10000x128xf32, #tpu.memory_space<vmem_shared>>
          tpu.wait_indirect_dma semaphore(%run_scoped3A : memref<!tpu.dma_semaphore, #tpu.memory_space<semaphore_mem>>) src(%arg15 : memref<80x128xf32, #tpu.memory_space<vmem>>) dst(%dma_wait3A_142 : memref<10000x128xf32, #tpu.memory_space<vmem_shared>>)
          tpu.yield
        }) : () -> ()
        %add3A_127 = arith.constant 1 : i32
        %add3A_128 = arith.addi %add3A_118, %add3A_127 : i32
        %lt3A = arith.constant 250 : i32
        %lt3A_129 = arith.cmpi slt, %add3A_128, %lt3A : i32
        %convert_element_type3A_130 = arith.extui %lt3A_129 : i1 to i32
        %cond3A_131 = arith.constant 0 : i32
        %cond3A_132 = arith.cmpi ne, %convert_element_type3A_130, %cond3A_131 : i32
        scf.if %cond3A_132 {
          %add3A_137 = arith.constant 1 : i32
          %add3A_138 = arith.addi %add3A_118, %add3A_137 : i32
          %mul3A_139 = arith.constant 80 : i32
          %mul3A_140 = arith.muli %add3A_138, %mul3A_139 : i32
          %add3A_141 = arith.addi %add3A_103, %mul3A_140 : i32
          "tpu.region"() ({
            %run_scoped3A = tpu.sem_alloc : memref<!tpu.dma_semaphore, #tpu.memory_space<semaphore_mem>>
            %dma_start3A_145 = tpu.memref_slice %arg4[%add3A_141] : memref<640000xi32, #tpu.memory_space<hbm>> -> memref<80xi32, #tpu.memory_space<hbm>>
            %dma_start3A_146 = tpu.memref_slice %arg4[%add3A_141] : memref<640000xi32, #tpu.memory_space<hbm>> -> memref<80xi32, #tpu.memory_space<hbm>>
            tpu.enqueue_dma source(%dma_start3A_146 : memref<80xi32, #tpu.memory_space<hbm>>) target(%arg11 : memref<80xi32, #tpu.memory_space<vmem>>) target_semaphore(%run_scoped3A : memref<!tpu.dma_semaphore, #tpu.memory_space<semaphore_mem>>)
            %dma_wait3A_147 = tpu.memref_slice %arg4[%add3A_141] : memref<640000xi32, #tpu.memory_space<hbm>> -> memref<80xi32, #tpu.memory_space<hbm>>
            %dma_wait3A_148 = tpu.memref_slice %arg4[%add3A_141] : memref<640000xi32, #tpu.memory_space<hbm>> -> memref<80xi32, #tpu.memory_space<hbm>>
            tpu.wait_dma2 semaphore(%run_scoped3A : memref<!tpu.dma_semaphore, #tpu.memory_space<semaphore_mem>>) src(%dma_wait3A_148 : memref<80xi32, #tpu.memory_space<hbm>>) dst(%arg11 : memref<80xi32, #tpu.memory_space<vmem>>)
            tpu.yield
          }) : () -> ()
          "tpu.region"() ({
            %run_scoped3A = tpu.sem_alloc : memref<!tpu.dma_semaphore, #tpu.memory_space<semaphore_mem>>
            %dma_start3A_145 = tpu.memref_slice %arg5[%add3A_141] : memref<640000xi32, #tpu.memory_space<hbm>> -> memref<80xi32, #tpu.memory_space<hbm>>
            %dma_start3A_146 = tpu.memref_slice %arg5[%add3A_141] : memref<640000xi32, #tpu.memory_space<hbm>> -> memref<80xi32, #tpu.memory_space<hbm>>
            tpu.enqueue_dma source(%dma_start3A_146 : memref<80xi32, #tpu.memory_space<hbm>>) target(%arg12 : memref<80xi32, #tpu.memory_space<vmem>>) target_semaphore(%run_scoped3A : memref<!tpu.dma_semaphore, #tpu.memory_space<semaphore_mem>>)
            %dma_wait3A_147 = tpu.memref_slice %arg5[%add3A_141] : memref<640000xi32, #tpu.memory_space<hbm>> -> memref<80xi32, #tpu.memory_space<hbm>>
            %dma_wait3A_148 = tpu.memref_slice %arg5[%add3A_141] : memref<640000xi32, #tpu.memory_space<hbm>> -> memref<80xi32, #tpu.memory_space<hbm>>
            tpu.wait_dma2 semaphore(%run_scoped3A : memref<!tpu.dma_semaphore, #tpu.memory_space<semaphore_mem>>) src(%dma_wait3A_148 : memref<80xi32, #tpu.memory_space<hbm>>) dst(%arg12 : memref<80xi32, #tpu.memory_space<vmem>>)
            tpu.yield
          }) : () -> ()
          %dma_start3A_142 = arith.constant 0 : i32
          %dma_start3A_143 = arith.constant 0 : i32
          %dma_start3A_144 = tpu.memref_slice %arg3[%dma_start3A_142, %dma_start3A_143] : memref<10000x128xf32, #tpu.memory_space<hbm>> -> memref<10000x128xf32, #tpu.memory_space<hbm>>
          tpu.enqueue_indirect_dma source(%dma_start3A_144 : memref<10000x128xf32, #tpu.memory_space<hbm>>) target(%arg15 : memref<80x128xf32, #tpu.memory_space<vmem>>) offsets(%arg11 : memref<80xi32, #tpu.memory_space<vmem>>) semaphore(%arg17 : memref<!tpu.dma_semaphore, #tpu.memory_space<semaphore_mem>>)
        } else {
        }
        %dma_wait3A_133 = arith.constant 0 : i32
        %dma_wait3A_134 = arith.constant 0 : i32
        %dma_wait3A_135 = tpu.memref_slice %arg3[%dma_wait3A_133, %dma_wait3A_134] : memref<10000x128xf32, #tpu.memory_space<hbm>> -> memref<10000x128xf32, #tpu.memory_space<hbm>>
        tpu.wait_indirect_dma semaphore(%arg18 : memref<!tpu.dma_semaphore, #tpu.memory_space<semaphore_mem>>) src(%dma_wait3A_135 : memref<10000x128xf32, #tpu.memory_space<hbm>>) dst(%arg16 : memref<80x128xf32, #tpu.memory_space<vmem>>)
        "tpu.region"() ({
          %run_scoped3A = tpu.sem_alloc : memref<!tpu.dma_semaphore, #tpu.memory_space<semaphore_mem>>
          %dma_start3A_137 = arith.constant 0 : i32
          %dma_start3A_138 = arith.constant 0 : i32
          %dma_start3A_139 = tpu.memref_slice %arg10[%dma_start3A_137, %dma_start3A_138] : memref<10000x128xf32, #tpu.memory_space<vmem_shared>> -> memref<10000x128xf32, #tpu.memory_space<vmem_shared>>
          tpu.enqueue_indirect_dma source(%arg16 : memref<80x128xf32, #tpu.memory_space<vmem>>) target(%dma_start3A_139 : memref<10000x128xf32, #tpu.memory_space<vmem_shared>>) offsets(%arg14 : memref<80xi32, #tpu.memory_space<vmem>>) semaphore(%run_scoped3A : memref<!tpu.dma_semaphore, #tpu.memory_space<semaphore_mem>>) {add = true}
          %dma_wait3A_140 = arith.constant 0 : i32
          %dma_wait3A_141 = arith.constant 0 : i32
          %dma_wait3A_142 = tpu.memref_slice %arg10[%dma_wait3A_140, %dma_wait3A_141] : memref<10000x128xf32, #tpu.memory_space<vmem_shared>> -> memref<10000x128xf32, #tpu.memory_space<vmem_shared>>
          tpu.wait_indirect_dma semaphore(%run_scoped3A : memref<!tpu.dma_semaphore, #tpu.memory_space<semaphore_mem>>) src(%arg16 : memref<80x128xf32, #tpu.memory_space<vmem>>) dst(%dma_wait3A_142 : memref<10000x128xf32, #tpu.memory_space<vmem_shared>>)
          tpu.yield
        }) : () -> ()
        %scan3A_136 = arith.constant 0 : i32
        scf.yield %scan3A_136 : i32
      }
      %scan3A_112 = arith.constant 125 : i32
    } else {
    }
    %barrier3A_89 = arith.constant 0 : index
    tpu.barrier barrier_id(%barrier3A_89)
    %eq3A_90 = arith.constant 0 : i32
    %eq3A_91 = arith.cmpi eq, %arg0, %eq3A_90 : i32
    %convert_element_type3A_92 = arith.extui %eq3A_91 : i1 to i32
    %cond3A_93 = arith.constant 0 : i32
    %cond3A_94 = arith.cmpi ne, %convert_element_type3A_92, %cond3A_93 : i32
    scf.if %cond3A_94 {
      %mul3A_100 = arith.constant 624 : i32
      %mul3A_101 = arith.muli %arg1, %mul3A_100 : i32
      "tpu.region"() ({
        %run_scoped3A = tpu.sem_alloc : memref<!tpu.dma_semaphore, #tpu.memory_space<semaphore_mem>>
        %dma_start3A = arith.constant 0 : i32
        %dma_start3A_107 = tpu.memref_slice %arg8[%mul3A_101, %dma_start3A] : memref<10000x128xf32, #tpu.memory_space<hbm>> -> memref<624x128xf32, #tpu.memory_space<hbm>>
        %dma_start3A_108 = arith.constant 0 : i32
        %dma_start3A_109 = tpu.memref_slice %arg10[%mul3A_101, %dma_start3A_108] : memref<10000x128xf32, #tpu.memory_space<vmem_shared>> -> memref<624x128xf32, #tpu.memory_space<vmem_shared>>
        tpu.enqueue_dma source(%dma_start3A_109 : memref<624x128xf32, #tpu.memory_space<vmem_shared>>) target(%dma_start3A_107 : memref<624x128xf32, #tpu.memory_space<hbm>>) target_semaphore(%run_scoped3A : memref<!tpu.dma_semaphore, #tpu.memory_space<semaphore_mem>>)
        %dma_wait3A = arith.constant 0 : i32
        %dma_wait3A_110 = tpu.memref_slice %arg8[%mul3A_101, %dma_wait3A] : memref<10000x128xf32, #tpu.memory_space<hbm>> -> memref<624x128xf32, #tpu.memory_space<hbm>>
        %dma_wait3A_111 = arith.constant 0 : i32
        %dma_wait3A_112 = tpu.memref_slice %arg10[%mul3A_101, %dma_wait3A_111] : memref<10000x128xf32, #tpu.memory_space<vmem_shared>> -> memref<624x128xf32, #tpu.memory_space<vmem_shared>>
        tpu.wait_dma2 semaphore(%run_scoped3A : memref<!tpu.dma_semaphore, #tpu.memory_space<semaphore_mem>>) src(%dma_wait3A_112 : memref<624x128xf32, #tpu.memory_space<vmem_shared>>) dst(%dma_wait3A_110 : memref<624x128xf32, #tpu.memory_space<hbm>>)
        tpu.yield
      }) : () -> ()
      %eq3A_102 = arith.constant 15 : i32
      %eq3A_103 = arith.cmpi eq, %arg1, %eq3A_102 : i32
      %convert_element_type3A_104 = arith.extui %eq3A_103 : i1 to i32
      %cond3A_105 = arith.constant 0 : i32
      %cond3A_106 = arith.cmpi ne, %convert_element_type3A_104, %cond3A_105 : i32
      scf.if %cond3A_106 {
        "tpu.region"() ({
          %run_scoped3A = tpu.sem_alloc : memref<!tpu.dma_semaphore, #tpu.memory_space<semaphore_mem>>
          %dma_start3A = arith.constant 9984 : i32
          %dma_start3A_107 = arith.constant 0 : i32
          %dma_start3A_108 = tpu.memref_slice %arg8[%dma_start3A, %dma_start3A_107] : memref<10000x128xf32, #tpu.memory_space<hbm>> -> memref<16x128xf32, #tpu.memory_space<hbm>>
          %dma_start3A_109 = arith.constant 9984 : i32
          %dma_start3A_110 = arith.constant 0 : i32
          %dma_start3A_111 = tpu.memref_slice %arg10[%dma_start3A_109, %dma_start3A_110] : memref<10000x128xf32, #tpu.memory_space<vmem_shared>> -> memref<16x128xf32, #tpu.memory_space<vmem_shared>>
          tpu.enqueue_dma source(%dma_start3A_111 : memref<16x128xf32, #tpu.memory_space<vmem_shared>>) target(%dma_start3A_108 : memref<16x128xf32, #tpu.memory_space<hbm>>) target_semaphore(%run_scoped3A : memref<!tpu.dma_semaphore, #tpu.memory_space<semaphore_mem>>)
          %dma_wait3A = arith.constant 9984 : i32
          %dma_wait3A_112 = arith.constant 0 : i32
          %dma_wait3A_113 = tpu.memref_slice %arg8[%dma_wait3A, %dma_wait3A_112] : memref<10000x128xf32, #tpu.memory_space<hbm>> -> memref<16x128xf32, #tpu.memory_space<hbm>>
          %dma_wait3A_114 = arith.constant 9984 : i32
          %dma_wait3A_115 = arith.constant 0 : i32
          %dma_wait3A_116 = tpu.memref_slice %arg10[%dma_wait3A_114, %dma_wait3A_115] : memref<10000x128xf32, #tpu.memory_space<vmem_shared>> -> memref<16x128xf32, #tpu.memory_space<vmem_shared>>
          tpu.wait_dma2 semaphore(%run_scoped3A : memref<!tpu.dma_semaphore, #tpu.memory_space<semaphore_mem>>) src(%dma_wait3A_116 : memref<16x128xf32, #tpu.memory_space<vmem_shared>>) dst(%dma_wait3A_113 : memref<16x128xf32, #tpu.memory_space<hbm>>)
          tpu.yield
        }) : () -> ()
      } else {
      }
    } else {
    }
    %eq3A_95 = arith.constant 1 : i32
    %eq3A_96 = arith.cmpi eq, %arg0, %eq3A_95 : i32
    %convert_element_type3A_97 = arith.extui %eq3A_96 : i1 to i32
    %cond3A_98 = arith.constant 0 : i32
    %cond3A_99 = arith.cmpi ne, %convert_element_type3A_97, %cond3A_98 : i32
    scf.if %cond3A_99 {
      %mul3A_100 = arith.constant 624 : i32
      %mul3A_101 = arith.muli %arg1, %mul3A_100 : i32
      "tpu.region"() ({
        %run_scoped3A = tpu.sem_alloc : memref<!tpu.dma_semaphore, #tpu.memory_space<semaphore_mem>>
        %dma_start3A = arith.constant 0 : i32
        %dma_start3A_107 = tpu.memref_slice %arg9[%mul3A_101, %dma_start3A] : memref<10000x128xf32, #tpu.memory_space<hbm>> -> memref<624x128xf32, #tpu.memory_space<hbm>>
        %dma_start3A_108 = arith.constant 0 : i32
        %dma_start3A_109 = tpu.memref_slice %arg10[%mul3A_101, %dma_start3A_108] : memref<10000x128xf32, #tpu.memory_space<vmem_shared>> -> memref<624x128xf32, #tpu.memory_space<vmem_shared>>
        tpu.enqueue_dma source(%dma_start3A_109 : memref<624x128xf32, #tpu.memory_space<vmem_shared>>) target(%dma_start3A_107 : memref<624x128xf32, #tpu.memory_space<hbm>>) target_semaphore(%run_scoped3A : memref<!tpu.dma_semaphore, #tpu.memory_space<semaphore_mem>>)
        %dma_wait3A = arith.constant 0 : i32
        %dma_wait3A_110 = tpu.memref_slice %arg9[%mul3A_101, %dma_wait3A] : memref<10000x128xf32, #tpu.memory_space<hbm>> -> memref<624x128xf32, #tpu.memory_space<hbm>>
        %dma_wait3A_111 = arith.constant 0 : i32
        %dma_wait3A_112 = tpu.memref_slice %arg10[%mul3A_101, %dma_wait3A_111] : memref<10000x128xf32, #tpu.memory_space<vmem_shared>> -> memref<624x128xf32, #tpu.memory_space<vmem_shared>>
        tpu.wait_dma2 semaphore(%run_scoped3A : memref<!tpu.dma_semaphore, #tpu.memory_space<semaphore_mem>>) src(%dma_wait3A_112 : memref<624x128xf32, #tpu.memory_space<vmem_shared>>) dst(%dma_wait3A_110 : memref<624x128xf32, #tpu.memory_space<hbm>>)
        tpu.yield
      }) : () -> ()
      %eq3A_102 = arith.constant 15 : i32
      %eq3A_103 = arith.cmpi eq, %arg1, %eq3A_102 : i32
      %convert_element_type3A_104 = arith.extui %eq3A_103 : i1 to i32
      %cond3A_105 = arith.constant 0 : i32
      %cond3A_106 = arith.cmpi ne, %convert_element_type3A_104, %cond3A_105 : i32
      scf.if %cond3A_106 {
        "tpu.region"() ({
          %run_scoped3A = tpu.sem_alloc : memref<!tpu.dma_semaphore, #tpu.memory_space<semaphore_mem>>
          %dma_start3A = arith.constant 9984 : i32
          %dma_start3A_107 = arith.constant 0 : i32
          %dma_start3A_108 = tpu.memref_slice %arg9[%dma_start3A, %dma_start3A_107] : memref<10000x128xf32, #tpu.memory_space<hbm>> -> memref<16x128xf32, #tpu.memory_space<hbm>>
          %dma_start3A_109 = arith.constant 9984 : i32
          %dma_start3A_110 = arith.constant 0 : i32
          %dma_start3A_111 = tpu.memref_slice %arg10[%dma_start3A_109, %dma_start3A_110] : memref<10000x128xf32, #tpu.memory_space<vmem_shared>> -> memref<16x128xf32, #tpu.memory_space<vmem_shared>>
          tpu.enqueue_dma source(%dma_start3A_111 : memref<16x128xf32, #tpu.memory_space<vmem_shared>>) target(%dma_start3A_108 : memref<16x128xf32, #tpu.memory_space<hbm>>) target_semaphore(%run_scoped3A : memref<!tpu.dma_semaphore, #tpu.memory_space<semaphore_mem>>)
          %dma_wait3A = arith.constant 9984 : i32
          %dma_wait3A_112 = arith.constant 0 : i32
          %dma_wait3A_113 = tpu.memref_slice %arg9[%dma_wait3A, %dma_wait3A_112] : memref<10000x128xf32, #tpu.memory_space<hbm>> -> memref<16x128xf32, #tpu.memory_space<hbm>>
          %dma_wait3A_114 = arith.constant 9984 : i32
          %dma_wait3A_115 = arith.constant 0 : i32
          %dma_wait3A_116 = tpu.memref_slice %arg10[%dma_wait3A_114, %dma_wait3A_115] : memref<10000x128xf32, #tpu.memory_space<vmem_shared>> -> memref<16x128xf32, #tpu.memory_space<vmem_shared>>
          tpu.wait_dma2 semaphore(%run_scoped3A : memref<!tpu.dma_semaphore, #tpu.memory_space<semaphore_mem>>) src(%dma_wait3A_116 : memref<16x128xf32, #tpu.memory_space<vmem_shared>>) dst(%dma_wait3A_113 : memref<16x128xf32, #tpu.memory_space<hbm>>)
          tpu.yield
        }) : () -> ()
      } else {
      }
    } else {
    }
    return
  }
}

module attributes {stable_mosaic.version = 14 : i64} {
  func.func @_tc_a_body(%arg0: i32, %arg1: memref<1000x128xf32, #tpu.memory_space<vmem>>, %arg2: memref<1000x128xf32, #tpu.memory_space<vmem>>, %arg3: memref<1000x128xf32, #tpu.memory_space<vmem>>, %arg4: memref<1000x128xf32, #tpu.memory_space<vmem>>, %arg5: memref<1000x128xf32, #tpu.memory_space<vmem>>, %arg6: memref<128x256xf32, #tpu.memory_space<vmem>>, %arg7: memref<128x256xf32, #tpu.memory_space<vmem>>, %arg8: memref<128x256xf32, #tpu.memory_space<vmem>>, %arg9: memref<128x256xf32, #tpu.memory_space<vmem>>, %arg10: memref<1x256xf32, #tpu.memory_space<vmem>>, %arg11: memref<1000x128xf32, #tpu.memory_space<vmem>>, %arg12: memref<1000x128xf32, #tpu.memory_space<vmem>>) attributes {dimension_semantics = [#tpu.dimension_semantics<arbitrary>], iteration_bounds = array<i64: 10>, scalar_prefetch = 0 : i64, scratch_operands = 0 : i64, tpu.core_type = #tpu.core_type<tc>, window_params = [{transform_indices = @transform_0, window_bounds = array<i64: 1000, 128>}, {transform_indices = @transform_1, window_bounds = array<i64: 1000, 128>}, {transform_indices = @transform_2, window_bounds = array<i64: 1000, 128>}, {transform_indices = @transform_3, window_bounds = array<i64: 1000, 128>}, {transform_indices = @transform_4, window_bounds = array<i64: 1000, 128>}, {pipeline_mode = #tpu.pipeline_mode<synchronous>, transform_indices = @transform_5, window_bounds = array<i64: 128, 256>}, {pipeline_mode = #tpu.pipeline_mode<synchronous>, transform_indices = @transform_6, window_bounds = array<i64: 128, 256>}, {pipeline_mode = #tpu.pipeline_mode<synchronous>, transform_indices = @transform_7, window_bounds = array<i64: 128, 256>}, {pipeline_mode = #tpu.pipeline_mode<synchronous>, transform_indices = @transform_8, window_bounds = array<i64: 128, 256>}, {pipeline_mode = #tpu.pipeline_mode<synchronous>, transform_indices = @transform_9, window_bounds = array<i64: 1, 256>}, {transform_indices = @transform_10, window_bounds = array<i64: 1000, 128>}, {transform_indices = @transform_11, window_bounds = array<i64: 1000, 128>}]} {
    %get3A = arith.constant 0 : index
    %get3A_0 = arith.constant 0 : index
    %get3A_1 = vector.load %arg1[%get3A, %get3A_0] : memref<1000x128xf32, #tpu.memory_space<vmem>>, vector<1000x128xf32>
    %get3A_2 = arith.constant 0 : index
    %get3A_3 = arith.constant 0 : index
    %get3A_4 = vector.load %arg2[%get3A_2, %get3A_3] : memref<1000x128xf32, #tpu.memory_space<vmem>>, vector<1000x1xf32>
    %max3A = arith.constant 1.000000e+00 : f32
    %max3A_5 = vector.broadcast %max3A : f32 to vector<1000x1xf32>
    %max3A_6 = arith.maximumf %get3A_4, %max3A_5 : vector<1000x1xf32>
    %div3A = vector.broadcast %max3A_6 : vector<1000x1xf32> to vector<1000x128xf32>
    %div3A_7 = arith.divf %get3A_1, %div3A : vector<1000x128xf32>
    %get3A_8 = arith.constant 0 : index
    %get3A_9 = arith.constant 0 : index
    %get3A_10 = vector.load %arg3[%get3A_8, %get3A_9] : memref<1000x128xf32, #tpu.memory_space<vmem>>, vector<1000x128xf32>
    %get3A_11 = arith.constant 0 : index
    %get3A_12 = arith.constant 0 : index
    %get3A_13 = vector.load %arg4[%get3A_11, %get3A_12] : memref<1000x128xf32, #tpu.memory_space<vmem>>, vector<1000x1xf32>
    %max3A_14 = arith.constant 1.000000e+00 : f32
    %max3A_15 = vector.broadcast %max3A_14 : f32 to vector<1000x1xf32>
    %max3A_16 = arith.maximumf %get3A_13, %max3A_15 : vector<1000x1xf32>
    %div3A_17 = vector.broadcast %max3A_16 : vector<1000x1xf32> to vector<1000x128xf32>
    %div3A_18 = arith.divf %get3A_10, %div3A_17 : vector<1000x128xf32>
    %get3A_19 = arith.constant 0 : index
    %get3A_20 = arith.constant 0 : index
    %get3A_21 = vector.load %arg6[%get3A_19, %get3A_20] : memref<128x256xf32, #tpu.memory_space<vmem>>, vector<128x256xf32>
    %dot_general3A = arith.constant dense<0.000000e+00> : vector<1000x256xf32>
    %dot_general3A_22 = tpu.matmul %div3A_7, %get3A_21, %dot_general3A {dimension_numbers = #tpu.dot_dimension_numbers<[1], [0], [0], [1], [0, 0, 1, 1], [], []>, transpose_lhs_hint = false} : vector<1000x128xf32>, vector<128x256xf32>, vector<1000x256xf32> -> vector<1000x256xf32>
    %get3A_23 = arith.constant 0 : index
    %get3A_24 = arith.constant 0 : index
    %get3A_25 = vector.load %arg8[%get3A_23, %get3A_24] : memref<128x256xf32, #tpu.memory_space<vmem>>, vector<128x256xf32>
    %dot_general3A_26 = arith.constant dense<0.000000e+00> : vector<1000x256xf32>
    %dot_general3A_27 = tpu.matmul %div3A_18, %get3A_25, %dot_general3A_26 {dimension_numbers = #tpu.dot_dimension_numbers<[1], [0], [0], [1], [0, 0, 1, 1], [], []>, transpose_lhs_hint = false} : vector<1000x128xf32>, vector<128x256xf32>, vector<1000x256xf32> -> vector<1000x256xf32>
    %add3A = arith.addf %dot_general3A_22, %dot_general3A_27 : vector<1000x256xf32>
    %get3A_28 = arith.constant 0 : index
    %get3A_29 = arith.constant 0 : index
    %get3A_30 = vector.load %arg5[%get3A_28, %get3A_29] : memref<1000x128xf32, #tpu.memory_space<vmem>>, vector<1000x128xf32>
    %get3A_31 = arith.constant 0 : index
    %get3A_32 = arith.constant 0 : index
    %get3A_33 = vector.load %arg7[%get3A_31, %get3A_32] : memref<128x256xf32, #tpu.memory_space<vmem>>, vector<128x256xf32>
    %get3A_34 = arith.constant 0 : index
    %get3A_35 = arith.constant 0 : index
    %get3A_36 = vector.load %arg9[%get3A_34, %get3A_35] : memref<128x256xf32, #tpu.memory_space<vmem>>, vector<128x256xf32>
    %add3A_37 = arith.addf %get3A_33, %get3A_36 : vector<128x256xf32>
    %dot_general3A_38 = arith.constant dense<0.000000e+00> : vector<1000x256xf32>
    %dot_general3A_39 = tpu.matmul %get3A_30, %add3A_37, %dot_general3A_38 {dimension_numbers = #tpu.dot_dimension_numbers<[1], [0], [0], [1], [0, 0, 1, 1], [], []>, transpose_lhs_hint = false} : vector<1000x128xf32>, vector<128x256xf32>, vector<1000x256xf32> -> vector<1000x256xf32>
    %add3A_40 = arith.addf %add3A, %dot_general3A_39 : vector<1000x256xf32>
    %get3A_41 = arith.constant 0 : index
    %get3A_42 = arith.constant 0 : index
    %get3A_43 = vector.load %arg10[%get3A_41, %get3A_42] : memref<1x256xf32, #tpu.memory_space<vmem>>, vector<1x256xf32>
    %add3A_44 = vector.broadcast %get3A_43 : vector<1x256xf32> to vector<1000x256xf32>
    %add3A_45 = arith.addf %add3A_40, %add3A_44 : vector<1000x256xf32>
    %max3A_46 = arith.constant 0.000000e+00 : f32
    %max3A_47 = vector.broadcast %max3A_46 : f32 to vector<1000x256xf32>
    %max3A_48 = arith.maximumf %add3A_45, %max3A_47 : vector<1000x256xf32>
    %slice3A = vector.extract_strided_slice %max3A_48 {offsets = [0, 0], sizes = [1000, 128], strides = [1, 1]} : vector<1000x256xf32> to vector<1000x128xf32>
    %swap3A = arith.constant 0 : index
    %swap3A_49 = arith.constant 0 : index
    %swap3A_50 = vector.load %arg11[%swap3A, %swap3A_49] : memref<1000x128xf32, #tpu.memory_space<vmem>>, vector<1000x128xf32>
    tpu.vector_store %arg11[%swap3A, %swap3A_49], %slice3A {strides = array<i32>} : memref<1000x128xf32, #tpu.memory_space<vmem>>, vector<1000x128xf32>,
    %slice3A_51 = vector.extract_strided_slice %max3A_48 {offsets = [0, 128], sizes = [1000, 128], strides = [1, 1]} : vector<1000x256xf32> to vector<1000x128xf32>
    %swap3A_52 = arith.constant 0 : index
    %swap3A_53 = arith.constant 0 : index
    %swap3A_54 = vector.load %arg12[%swap3A_52, %swap3A_53] : memref<1000x128xf32, #tpu.memory_space<vmem>>, vector<1000x128xf32>
    tpu.vector_store %arg12[%swap3A_52, %swap3A_53], %slice3A_51 {strides = array<i32>} : memref<1000x128xf32, #tpu.memory_space<vmem>>, vector<1000x128xf32>,
    return
  }
  func.func @transform_0(%arg0: i32) -> (i32, i32) {
    %c0_i32 = arith.constant 0 : i32
    %c0_i32_0 = arith.constant 0 : i32
    return %arg0, %c0_i32 : i32, i32
  }
  func.func @transform_1(%arg0: i32) -> (i32, i32) {
    %c0_i32 = arith.constant 0 : i32
    %c0_i32_0 = arith.constant 0 : i32
    return %arg0, %c0_i32 : i32, i32
  }
  func.func @transform_2(%arg0: i32) -> (i32, i32) {
    %c0_i32 = arith.constant 0 : i32
    %c0_i32_0 = arith.constant 0 : i32
    return %arg0, %c0_i32 : i32, i32
  }
  func.func @transform_3(%arg0: i32) -> (i32, i32) {
    %c0_i32 = arith.constant 0 : i32
    %c0_i32_0 = arith.constant 0 : i32
    return %arg0, %c0_i32 : i32, i32
  }
  func.func @transform_4(%arg0: i32) -> (i32, i32) {
    %c0_i32 = arith.constant 0 : i32
    %c0_i32_0 = arith.constant 0 : i32
    return %arg0, %c0_i32 : i32, i32
  }
  func.func @transform_5(%arg0: i32) -> (i32, i32) {
    %c0_i32 = arith.constant 0 : i32
    %c0_i32_0 = arith.constant 0 : i32
    %c0_i32_1 = arith.constant 0 : i32
    return %c0_i32, %c0_i32_0 : i32, i32
  }
  func.func @transform_6(%arg0: i32) -> (i32, i32) {
    %c0_i32 = arith.constant 0 : i32
    %c0_i32_0 = arith.constant 0 : i32
    %c0_i32_1 = arith.constant 0 : i32
    return %c0_i32, %c0_i32_0 : i32, i32
  }
  func.func @transform_7(%arg0: i32) -> (i32, i32) {
    %c0_i32 = arith.constant 0 : i32
    %c0_i32_0 = arith.constant 0 : i32
    %c0_i32_1 = arith.constant 0 : i32
    return %c0_i32, %c0_i32_0 : i32, i32
  }
  func.func @transform_8(%arg0: i32) -> (i32, i32) {
    %c0_i32 = arith.constant 0 : i32
    %c0_i32_0 = arith.constant 0 : i32
    %c0_i32_1 = arith.constant 0 : i32
    return %c0_i32, %c0_i32_0 : i32, i32
  }
  func.func @transform_9(%arg0: i32) -> (i32, i32) {
    %c0_i32 = arith.constant 0 : i32
    %c0_i32_0 = arith.constant 0 : i32
    %c0_i32_1 = arith.constant 0 : i32
    return %c0_i32, %c0_i32_0 : i32, i32
  }
  func.func @transform_10(%arg0: i32) -> (i32, i32) {
    %c0_i32 = arith.constant 0 : i32
    %c0_i32_0 = arith.constant 0 : i32
    return %arg0, %c0_i32 : i32, i32
  }
  func.func @transform_11(%arg0: i32) -> (i32, i32) {
    %c0_i32 = arith.constant 0 : i32
    %c0_i32_0 = arith.constant 0 : i32
    return %arg0, %c0_i32 : i32, i32
  }
}

module attributes {stable_mosaic.version = 14 : i64} {
  func.func @_tc_b_body(%arg0: i32, %arg1: memref<1000x128xf32, #tpu.memory_space<vmem>>, %arg2: memref<1000x128xf32, #tpu.memory_space<vmem>>, %arg3: memref<1000x128xf32, #tpu.memory_space<vmem>>, %arg4: memref<1000x128xf32, #tpu.memory_space<vmem>>, %arg5: memref<1000x128xf32, #tpu.memory_space<vmem>>, %arg6: memref<1000x128xf32, #tpu.memory_space<vmem>>, %arg7: memref<1000x128xf32, #tpu.memory_space<vmem>>, %arg8: memref<1000x128xf32, #tpu.memory_space<vmem>>, %arg9: memref<256x256xf32, #tpu.memory_space<vmem>>, %arg10: memref<256x256xf32, #tpu.memory_space<vmem>>, %arg11: memref<256x256xf32, #tpu.memory_space<vmem>>, %arg12: memref<256x256xf32, #tpu.memory_space<vmem>>, %arg13: memref<1x256xf32, #tpu.memory_space<vmem>>, %arg14: memref<256x128xf32, #tpu.memory_space<vmem>>, %arg15: memref<1x128xf32, #tpu.memory_space<vmem>>, %arg16: memref<1000x128xf32, #tpu.memory_space<vmem>>) attributes {dimension_semantics = [#tpu.dimension_semantics<arbitrary>], iteration_bounds = array<i64: 10>, scalar_prefetch = 0 : i64, scratch_operands = 0 : i64, tpu.core_type = #tpu.core_type<tc>, window_params = [{transform_indices = @transform_0, window_bounds = array<i64: 1000, 128>}, {transform_indices = @transform_1, window_bounds = array<i64: 1000, 128>}, {transform_indices = @transform_2, window_bounds = array<i64: 1000, 128>}, {transform_indices = @transform_3, window_bounds = array<i64: 1000, 128>}, {transform_indices = @transform_4, window_bounds = array<i64: 1000, 128>}, {transform_indices = @transform_5, window_bounds = array<i64: 1000, 128>}, {transform_indices = @transform_6, window_bounds = array<i64: 1000, 128>}, {transform_indices = @transform_7, window_bounds = array<i64: 1000, 128>}, {pipeline_mode = #tpu.pipeline_mode<synchronous>, transform_indices = @transform_8, window_bounds = array<i64: 256, 256>}, {pipeline_mode = #tpu.pipeline_mode<synchronous>, transform_indices = @transform_9, window_bounds = array<i64: 256, 256>}, {pipeline_mode = #tpu.pipeline_mode<synchronous>, transform_indices = @transform_10, window_bounds = array<i64: 256, 256>}, {pipeline_mode = #tpu.pipeline_mode<synchronous>, transform_indices = @transform_11, window_bounds = array<i64: 256, 256>}, {pipeline_mode = #tpu.pipeline_mode<synchronous>, transform_indices = @transform_12, window_bounds = array<i64: 1, 256>}, {pipeline_mode = #tpu.pipeline_mode<synchronous>, transform_indices = @transform_13, window_bounds = array<i64: 256, 128>}, {pipeline_mode = #tpu.pipeline_mode<synchronous>, transform_indices = @transform_14, window_bounds = array<i64: 1, 128>}, {transform_indices = @transform_15, window_bounds = array<i64: 1000, 128>}]} {
    %get3A = arith.constant 0 : index
    %get3A_0 = arith.constant 0 : index
    %get3A_1 = vector.load %arg5[%get3A, %get3A_0] : memref<1000x128xf32, #tpu.memory_space<vmem>>, vector<1000x1xf32>
    %max3A = arith.constant 1.000000e+00 : f32
    %max3A_2 = vector.broadcast %max3A : f32 to vector<1000x1xf32>
    %max3A_3 = arith.maximumf %get3A_1, %max3A_2 : vector<1000x1xf32>
    %div3A = arith.constant 1.000000e+00 : f32
    %div3A_4 = vector.broadcast %div3A : f32 to vector<1000x1xf32>
    %div3A_5 = arith.divf %div3A_4, %max3A_3 : vector<1000x1xf32>
    %get3A_6 = arith.constant 0 : index
    %get3A_7 = arith.constant 0 : index
    %get3A_8 = vector.load %arg6[%get3A_6, %get3A_7] : memref<1000x128xf32, #tpu.memory_space<vmem>>, vector<1000x1xf32>
    %max3A_9 = arith.constant 1.000000e+00 : f32
    %max3A_10 = vector.broadcast %max3A_9 : f32 to vector<1000x1xf32>
    %max3A_11 = arith.maximumf %get3A_8, %max3A_10 : vector<1000x1xf32>
    %div3A_12 = arith.constant 1.000000e+00 : f32
    %div3A_13 = vector.broadcast %div3A_12 : f32 to vector<1000x1xf32>
    %div3A_14 = arith.divf %div3A_13, %max3A_11 : vector<1000x1xf32>
    %get3A_15 = arith.constant 0 : index
    %get3A_16 = arith.constant 0 : index
    %get3A_17 = vector.load %arg1[%get3A_15, %get3A_16] : memref<1000x128xf32, #tpu.memory_space<vmem>>, vector<1000x128xf32>
    %mul3A = vector.broadcast %div3A_5 : vector<1000x1xf32> to vector<1000x128xf32>
    %mul3A_18 = arith.mulf %get3A_17, %mul3A : vector<1000x128xf32>
    %get3A_19 = arith.constant 0 : index
    %get3A_20 = arith.constant 0 : index
    %get3A_21 = vector.load %arg2[%get3A_19, %get3A_20] : memref<1000x128xf32, #tpu.memory_space<vmem>>, vector<1000x128xf32>
    %mul3A_22 = vector.broadcast %div3A_5 : vector<1000x1xf32> to vector<1000x128xf32>
    %mul3A_23 = arith.mulf %get3A_21, %mul3A_22 : vector<1000x128xf32>
    %concatenate3A = tpu.concatenate %mul3A_18, %mul3A_23 in 1 : vector<1000x128xf32>, vector<1000x128xf32> -> vector<1000x256xf32>
    %get3A_24 = arith.constant 0 : index
    %get3A_25 = arith.constant 0 : index
    %get3A_26 = vector.load %arg3[%get3A_24, %get3A_25] : memref<1000x128xf32, #tpu.memory_space<vmem>>, vector<1000x128xf32>
    %mul3A_27 = vector.broadcast %div3A_14 : vector<1000x1xf32> to vector<1000x128xf32>
    %mul3A_28 = arith.mulf %get3A_26, %mul3A_27 : vector<1000x128xf32>
    %get3A_29 = arith.constant 0 : index
    %get3A_30 = arith.constant 0 : index
    %get3A_31 = vector.load %arg4[%get3A_29, %get3A_30] : memref<1000x128xf32, #tpu.memory_space<vmem>>, vector<1000x128xf32>
    %mul3A_32 = vector.broadcast %div3A_14 : vector<1000x1xf32> to vector<1000x128xf32>
    %mul3A_33 = arith.mulf %get3A_31, %mul3A_32 : vector<1000x128xf32>
    %concatenate3A_34 = tpu.concatenate %mul3A_28, %mul3A_33 in 1 : vector<1000x128xf32>, vector<1000x128xf32> -> vector<1000x256xf32>
    %get3A_35 = arith.constant 0 : index
    %get3A_36 = arith.constant 0 : index
    %get3A_37 = vector.load %arg7[%get3A_35, %get3A_36] : memref<1000x128xf32, #tpu.memory_space<vmem>>, vector<1000x128xf32>
    %get3A_38 = arith.constant 0 : index
    %get3A_39 = arith.constant 0 : index
    %get3A_40 = vector.load %arg8[%get3A_38, %get3A_39] : memref<1000x128xf32, #tpu.memory_space<vmem>>, vector<1000x128xf32>
    %concatenate3A_41 = tpu.concatenate %get3A_37, %get3A_40 in 1 : vector<1000x128xf32>, vector<1000x128xf32> -> vector<1000x256xf32>
    %get3A_42 = arith.constant 0 : index
    %get3A_43 = arith.constant 0 : index
    %get3A_44 = vector.load %arg9[%get3A_42, %get3A_43] : memref<256x256xf32, #tpu.memory_space<vmem>>, vector<256x256xf32>
    %dot_general3A = arith.constant dense<0.000000e+00> : vector<1000x256xf32>
    %dot_general3A_45 = tpu.matmul %concatenate3A, %get3A_44, %dot_general3A {dimension_numbers = #tpu.dot_dimension_numbers<[1], [0], [0], [1], [0, 0, 1, 1], [], []>, transpose_lhs_hint = false} : vector<1000x256xf32>, vector<256x256xf32>, vector<1000x256xf32> -> vector<1000x256xf32>
    %get3A_46 = arith.constant 0 : index
    %get3A_47 = arith.constant 0 : index
    %get3A_48 = vector.load %arg11[%get3A_46, %get3A_47] : memref<256x256xf32, #tpu.memory_space<vmem>>, vector<256x256xf32>
    %dot_general3A_49 = arith.constant dense<0.000000e+00> : vector<1000x256xf32>
    %dot_general3A_50 = tpu.matmul %concatenate3A_34, %get3A_48, %dot_general3A_49 {dimension_numbers = #tpu.dot_dimension_numbers<[1], [0], [0], [1], [0, 0, 1, 1], [], []>, transpose_lhs_hint = false} : vector<1000x256xf32>, vector<256x256xf32>, vector<1000x256xf32> -> vector<1000x256xf32>
    %add3A = arith.addf %dot_general3A_45, %dot_general3A_50 : vector<1000x256xf32>
    %get3A_51 = arith.constant 0 : index
    %get3A_52 = arith.constant 0 : index
    %get3A_53 = vector.load %arg10[%get3A_51, %get3A_52] : memref<256x256xf32, #tpu.memory_space<vmem>>, vector<256x256xf32>
    %get3A_54 = arith.constant 0 : index
    %get3A_55 = arith.constant 0 : index
    %get3A_56 = vector.load %arg12[%get3A_54, %get3A_55] : memref<256x256xf32, #tpu.memory_space<vmem>>, vector<256x256xf32>
    %add3A_57 = arith.addf %get3A_53, %get3A_56 : vector<256x256xf32>
    %dot_general3A_58 = arith.constant dense<0.000000e+00> : vector<1000x256xf32>
    %dot_general3A_59 = tpu.matmul %concatenate3A_41, %add3A_57, %dot_general3A_58 {dimension_numbers = #tpu.dot_dimension_numbers<[1], [0], [0], [1], [0, 0, 1, 1], [], []>, transpose_lhs_hint = false} : vector<1000x256xf32>, vector<256x256xf32>, vector<1000x256xf32> -> vector<1000x256xf32>
    %add3A_60 = arith.addf %add3A, %dot_general3A_59 : vector<1000x256xf32>
    %get3A_61 = arith.constant 0 : index
    %get3A_62 = arith.constant 0 : index
    %get3A_63 = vector.load %arg13[%get3A_61, %get3A_62] : memref<1x256xf32, #tpu.memory_space<vmem>>, vector<1x256xf32>
    %add3A_64 = vector.broadcast %get3A_63 : vector<1x256xf32> to vector<1000x256xf32>
    %add3A_65 = arith.addf %add3A_60, %add3A_64 : vector<1000x256xf32>
    %max3A_66 = arith.constant 0.000000e+00 : f32
    %max3A_67 = vector.broadcast %max3A_66 : f32 to vector<1000x256xf32>
    %max3A_68 = arith.maximumf %add3A_65, %max3A_67 : vector<1000x256xf32>
    %get3A_69 = arith.constant 0 : index
    %get3A_70 = arith.constant 0 : index
    %get3A_71 = vector.load %arg14[%get3A_69, %get3A_70] : memref<256x128xf32, #tpu.memory_space<vmem>>, vector<256x128xf32>
    %dot_general3A_72 = arith.constant dense<0.000000e+00> : vector<1000x128xf32>
    %dot_general3A_73 = tpu.matmul %max3A_68, %get3A_71, %dot_general3A_72 {dimension_numbers = #tpu.dot_dimension_numbers<[1], [0], [0], [1], [0, 0, 1, 1], [], []>, transpose_lhs_hint = false} : vector<1000x256xf32>, vector<256x128xf32>, vector<1000x128xf32> -> vector<1000x128xf32>
    %get3A_74 = arith.constant 0 : index
    %get3A_75 = arith.constant 0 : index
    %get3A_76 = vector.load %arg15[%get3A_74, %get3A_75] : memref<1x128xf32, #tpu.memory_space<vmem>>, vector<1x128xf32>
    %add3A_77 = vector.broadcast %get3A_76 : vector<1x128xf32> to vector<1000x128xf32>
    %add3A_78 = arith.addf %dot_general3A_73, %add3A_77 : vector<1000x128xf32>
    %swap3A = arith.constant 0 : index
    %swap3A_79 = arith.constant 0 : index
    %swap3A_80 = vector.load %arg16[%swap3A, %swap3A_79] : memref<1000x128xf32, #tpu.memory_space<vmem>>, vector<1000x128xf32>
    tpu.vector_store %arg16[%swap3A, %swap3A_79], %add3A_78 {strides = array<i32>} : memref<1000x128xf32, #tpu.memory_space<vmem>>, vector<1000x128xf32>,
    return
  }
  func.func @transform_0(%arg0: i32) -> (i32, i32) {
    %c0_i32 = arith.constant 0 : i32
    %c0_i32_0 = arith.constant 0 : i32
    return %arg0, %c0_i32 : i32, i32
  }
  func.func @transform_1(%arg0: i32) -> (i32, i32) {
    %c0_i32 = arith.constant 0 : i32
    %c0_i32_0 = arith.constant 0 : i32
    return %arg0, %c0_i32 : i32, i32
  }
  func.func @transform_2(%arg0: i32) -> (i32, i32) {
    %c0_i32 = arith.constant 0 : i32
    %c0_i32_0 = arith.constant 0 : i32
    return %arg0, %c0_i32 : i32, i32
  }
  func.func @transform_3(%arg0: i32) -> (i32, i32) {
    %c0_i32 = arith.constant 0 : i32
    %c0_i32_0 = arith.constant 0 : i32
    return %arg0, %c0_i32 : i32, i32
  }
  func.func @transform_4(%arg0: i32) -> (i32, i32) {
    %c0_i32 = arith.constant 0 : i32
    %c0_i32_0 = arith.constant 0 : i32
    return %arg0, %c0_i32 : i32, i32
  }
  func.func @transform_5(%arg0: i32) -> (i32, i32) {
    %c0_i32 = arith.constant 0 : i32
    %c0_i32_0 = arith.constant 0 : i32
    return %arg0, %c0_i32 : i32, i32
  }
  func.func @transform_6(%arg0: i32) -> (i32, i32) {
    %c0_i32 = arith.constant 0 : i32
    %c0_i32_0 = arith.constant 0 : i32
    return %arg0, %c0_i32 : i32, i32
  }
  func.func @transform_7(%arg0: i32) -> (i32, i32) {
    %c0_i32 = arith.constant 0 : i32
    %c0_i32_0 = arith.constant 0 : i32
    return %arg0, %c0_i32 : i32, i32
  }
  func.func @transform_8(%arg0: i32) -> (i32, i32) {
    %c0_i32 = arith.constant 0 : i32
    %c0_i32_0 = arith.constant 0 : i32
    %c0_i32_1 = arith.constant 0 : i32
    return %c0_i32, %c0_i32_0 : i32, i32
  }
  func.func @transform_9(%arg0: i32) -> (i32, i32) {
    %c0_i32 = arith.constant 0 : i32
    %c0_i32_0 = arith.constant 0 : i32
    %c0_i32_1 = arith.constant 0 : i32
    return %c0_i32, %c0_i32_0 : i32, i32
  }
  func.func @transform_10(%arg0: i32) -> (i32, i32) {
    %c0_i32 = arith.constant 0 : i32
    %c0_i32_0 = arith.constant 0 : i32
    %c0_i32_1 = arith.constant 0 : i32
    return %c0_i32, %c0_i32_0 : i32, i32
  }
  func.func @transform_11(%arg0: i32) -> (i32, i32) {
    %c0_i32 = arith.constant 0 : i32
    %c0_i32_0 = arith.constant 0 : i32
    %c0_i32_1 = arith.constant 0 : i32
    return %c0_i32, %c0_i32_0 : i32, i32
  }
  func.func @transform_12(%arg0: i32) -> (i32, i32) {
    %c0_i32 = arith.constant 0 : i32
    %c0_i32_0 = arith.constant 0 : i32
    %c0_i32_1 = arith.constant 0 : i32
    return %c0_i32, %c0_i32_0 : i32, i32
  }
  func.func @transform_13(%arg0: i32) -> (i32, i32) {
    %c0_i32 = arith.constant 0 : i32
    %c0_i32_0 = arith.constant 0 : i32
    %c0_i32_1 = arith.constant 0 : i32
    return %c0_i32, %c0_i32_0 : i32, i32
  }
  func.func @transform_14(%arg0: i32) -> (i32, i32) {
    %c0_i32 = arith.constant 0 : i32
    %c0_i32_0 = arith.constant 0 : i32
    %c0_i32_1 = arith.constant 0 : i32
    return %c0_i32, %c0_i32_0 : i32, i32
  }
  func.func @transform_15(%arg0: i32) -> (i32, i32) {
    %c0_i32 = arith.constant 0 : i32
    %c0_i32_0 = arith.constant 0 : i32
    return %arg0, %c0_i32 : i32, i32
  }
}

module attributes {stable_mosaic.version = 14 : i64} {
  func.func @_tc_c_body(%arg0: i32, %arg1: memref<1000x128xf32, #tpu.memory_space<vmem>>, %arg2: memref<1000x128xf32, #tpu.memory_space<vmem>>, %arg3: memref<1000x128xf32, #tpu.memory_space<vmem>>, %arg4: memref<1000x128xf32, #tpu.memory_space<vmem>>, %arg5: memref<1x128xf32, #tpu.memory_space<vmem>>, %arg6: memref<1x128xf32, #tpu.memory_space<vmem>>, %arg7: memref<128x128xf32, #tpu.memory_space<vmem>>, %arg8: memref<1x128xf32, #tpu.memory_space<vmem>>, %arg9: memref<1x128xf32, #tpu.memory_space<vmem>>, %arg10: memref<1x128xf32, #tpu.memory_space<vmem>>, %arg11: memref<128x128xf32, #tpu.memory_space<vmem>>, %arg12: memref<1x128xf32, #tpu.memory_space<vmem>>, %arg13: memref<128x64xf32, #tpu.memory_space<vmem>>, %arg14: memref<1x64xf32, #tpu.memory_space<vmem>>, %arg15: memref<1x64xf32, #tpu.memory_space<vmem>>, %arg16: memref<1x64xf32, #tpu.memory_space<vmem>>, %arg17: memref<1x64xf32, #tpu.memory_space<vmem>>, %arg18: memref<1x64xf32, #tpu.memory_space<vmem>>, %arg19: memref<64x3xf32, #tpu.memory_space<vmem>>, %arg20: memref<1x3xf32, #tpu.memory_space<vmem>>, %arg21: memref<1000x3xf32, #tpu.memory_space<vmem>>) attributes {dimension_semantics = [#tpu.dimension_semantics<arbitrary>], iteration_bounds = array<i64: 10>, scalar_prefetch = 0 : i64, scratch_operands = 0 : i64, tpu.core_type = #tpu.core_type<tc>, window_params = [{transform_indices = @transform_0, window_bounds = array<i64: 1000, 128>}, {transform_indices = @transform_1, window_bounds = array<i64: 1000, 128>}, {transform_indices = @transform_2, window_bounds = array<i64: 1000, 128>}, {transform_indices = @transform_3, window_bounds = array<i64: 1000, 128>}, {pipeline_mode = #tpu.pipeline_mode<synchronous>, transform_indices = @transform_4, window_bounds = array<i64: 1, 128>}, {pipeline_mode = #tpu.pipeline_mode<synchronous>, transform_indices = @transform_5, window_bounds = array<i64: 1, 128>}, {pipeline_mode = #tpu.pipeline_mode<synchronous>, transform_indices = @transform_6, window_bounds = array<i64: 128, 128>}, {pipeline_mode = #tpu.pipeline_mode<synchronous>, transform_indices = @transform_7, window_bounds = array<i64: 1, 128>}, {pipeline_mode = #tpu.pipeline_mode<synchronous>, transform_indices = @transform_8, window_bounds = array<i64: 1, 128>}, {pipeline_mode = #tpu.pipeline_mode<synchronous>, transform_indices = @transform_9, window_bounds = array<i64: 1, 128>}, {pipeline_mode = #tpu.pipeline_mode<synchronous>, transform_indices = @transform_10, window_bounds = array<i64: 128, 128>}, {pipeline_mode = #tpu.pipeline_mode<synchronous>, transform_indices = @transform_11, window_bounds = array<i64: 1, 128>}, {pipeline_mode = #tpu.pipeline_mode<synchronous>, transform_indices = @transform_12, window_bounds = array<i64: 128, 64>}, {pipeline_mode = #tpu.pipeline_mode<synchronous>, transform_indices = @transform_13, window_bounds = array<i64: 1, 64>}, {pipeline_mode = #tpu.pipeline_mode<synchronous>, transform_indices = @transform_14, window_bounds = array<i64: 1, 64>}, {pipeline_mode = #tpu.pipeline_mode<synchronous>, transform_indices = @transform_15, window_bounds = array<i64: 1, 64>}, {pipeline_mode = #tpu.pipeline_mode<synchronous>, transform_indices = @transform_16, window_bounds = array<i64: 1, 64>}, {pipeline_mode = #tpu.pipeline_mode<synchronous>, transform_indices = @transform_17, window_bounds = array<i64: 1, 64>}, {pipeline_mode = #tpu.pipeline_mode<synchronous>, transform_indices = @transform_18, window_bounds = array<i64: 64, 3>}, {pipeline_mode = #tpu.pipeline_mode<synchronous>, transform_indices = @transform_19, window_bounds = array<i64: 1, 3>}, {transform_indices = @transform_20, window_bounds = array<i64: 1000, 3>}]} {
    %get3A = arith.constant 0 : index
    %get3A_0 = arith.constant 0 : index
    %get3A_1 = vector.load %arg1[%get3A, %get3A_0] : memref<1000x128xf32, #tpu.memory_space<vmem>>, vector<1000x128xf32>
    %get3A_2 = arith.constant 0 : index
    %get3A_3 = arith.constant 0 : index
    %get3A_4 = vector.load %arg2[%get3A_2, %get3A_3] : memref<1000x128xf32, #tpu.memory_space<vmem>>, vector<1000x128xf32>
    %add3A = arith.addf %get3A_1, %get3A_4 : vector<1000x128xf32>
    %get3A_5 = arith.constant 0 : index
    %get3A_6 = arith.constant 0 : index
    %get3A_7 = vector.load %arg4[%get3A_5, %get3A_6] : memref<1000x128xf32, #tpu.memory_space<vmem>>, vector<1000x128xf32>
    %add3A_8 = arith.addf %add3A, %get3A_7 : vector<1000x128xf32>
    %get3A_9 = arith.constant 0 : index
    %get3A_10 = arith.constant 0 : index
    %get3A_11 = vector.load %arg3[%get3A_9, %get3A_10] : memref<1000x128xf32, #tpu.memory_space<vmem>>, vector<1000x1xf32>
    %max3A = arith.constant 1.000000e+00 : f32
    %max3A_12 = vector.broadcast %max3A : f32 to vector<1000x1xf32>
    %max3A_13 = arith.maximumf %get3A_11, %max3A_12 : vector<1000x1xf32>
    %div3A = vector.broadcast %max3A_13 : vector<1000x1xf32> to vector<1000x128xf32>
    %div3A_14 = arith.divf %add3A_8, %div3A : vector<1000x128xf32>
    %get3A_15 = arith.constant 0 : index
    %get3A_16 = arith.constant 0 : index
    %get3A_17 = vector.load %arg5[%get3A_15, %get3A_16] : memref<1x128xf32, #tpu.memory_space<vmem>>, vector<1x128xf32>
    %get3A_18 = arith.constant 0 : index
    %get3A_19 = arith.constant 0 : index
    %get3A_20 = vector.load %arg6[%get3A_18, %get3A_19] : memref<1x128xf32, #tpu.memory_space<vmem>>, vector<1x128xf32>
    %reduce_sum3A = arith.constant dense<0.000000e+00> : vector<1000xf32>
    %reduce_sum3A_21 = vector.multi_reduction <add>, %div3A_14, %reduce_sum3A [1] : vector<1000x128xf32> to vector<1000xf32>
    %broadcast_in_dim3A = vector.shape_cast %reduce_sum3A_21 : vector<1000xf32> to vector<1000x1xf32>
    %div3A_22 = arith.constant 1.280000e+02 : f32
    %div3A_23 = vector.broadcast %div3A_22 : f32 to vector<1000x1xf32>
    %div3A_24 = arith.divf %broadcast_in_dim3A, %div3A_23 : vector<1000x1xf32>
    %jit3A = arith.constant 0 : i32
    %reduce_sum3A_25 = arith.constant dense<0.000000e+00> : vector<1000xf32>
    %reduce_sum3A_26 = vector.multi_reduction <add>, %div3A_14, %reduce_sum3A_25 [1] : vector<1000x128xf32> to vector<1000xf32>
    %broadcast_in_dim3A_27 = vector.shape_cast %reduce_sum3A_26 : vector<1000xf32> to vector<1000x1xf32>
    %div3A_28 = arith.constant 1.280000e+02 : f32
    %div3A_29 = vector.broadcast %div3A_28 : f32 to vector<1000x1xf32>
    %div3A_30 = arith.divf %broadcast_in_dim3A_27, %div3A_29 : vector<1000x1xf32>
    %sub3A = vector.broadcast %div3A_30 : vector<1000x1xf32> to vector<1000x128xf32>
    %sub3A_31 = arith.subf %div3A_14, %sub3A : vector<1000x128xf32>
    %square3A = arith.mulf %sub3A_31, %sub3A_31 : vector<1000x128xf32>
    %convert_element_type3A = arith.sitofp %jit3A : i32 to f32
    %sub3A_32 = arith.constant 1.280000e+02 : f32
    %sub3A_33 = arith.subf %sub3A_32, %convert_element_type3A : f32
    %reduce_sum3A_34 = arith.constant dense<0.000000e+00> : vector<1000xf32>
    %reduce_sum3A_35 = vector.multi_reduction <add>, %square3A, %reduce_sum3A_34 [1] : vector<1000x128xf32> to vector<1000xf32>
    %broadcast_in_dim3A_36 = vector.shape_cast %reduce_sum3A_35 : vector<1000xf32> to vector<1000x1xf32>
    %div3A_37 = vector.broadcast %sub3A_33 : f32 to vector<1000x1xf32>
    %div3A_38 = arith.divf %broadcast_in_dim3A_36, %div3A_37 : vector<1000x1xf32>
    %gt3A = arith.constant 0.000000e+00 : f32
    %gt3A_39 = arith.cmpf ogt, %sub3A_33, %gt3A : f32
    %jit3A_40 = arith.constant 0x7FC00000 : f32
    %broadcast_in_dim3A_41 = vector.broadcast %jit3A_40 : f32 to vector<1000x1xf32>
    %select_n3A = arith.select %gt3A_39, %div3A_38, %broadcast_in_dim3A_41 : vector<1000x1xf32>
    %sub3A_42 = vector.broadcast %div3A_24 : vector<1000x1xf32> to vector<1000x128xf32>
    %sub3A_43 = arith.subf %div3A_14, %sub3A_42 : vector<1000x128xf32>
    %add3A_44 = arith.constant 9.99999974E-6 : f32
    %add3A_45 = vector.broadcast %add3A_44 : f32 to vector<1000x1xf32>
    %add3A_46 = arith.addf %select_n3A, %add3A_45 : vector<1000x1xf32>
    %sqrt3A = math.sqrt %add3A_46 : vector<1000x1xf32>
    %div3A_47 = vector.broadcast %sqrt3A : vector<1000x1xf32> to vector<1000x128xf32>
    %div3A_48 = arith.divf %sub3A_43, %div3A_47 : vector<1000x128xf32>
    %mul3A = vector.broadcast %get3A_17 : vector<1x128xf32> to vector<1000x128xf32>
    %mul3A_49 = arith.mulf %div3A_48, %mul3A : vector<1000x128xf32>
    %add3A_50 = vector.broadcast %get3A_20 : vector<1x128xf32> to vector<1000x128xf32>
    %add3A_51 = arith.addf %mul3A_49, %add3A_50 : vector<1000x128xf32>
    %get3A_52 = arith.constant 0 : index
    %get3A_53 = arith.constant 0 : index
    %get3A_54 = vector.load %arg7[%get3A_52, %get3A_53] : memref<128x128xf32, #tpu.memory_space<vmem>>, vector<128x128xf32>
    %dot_general3A = arith.constant dense<0.000000e+00> : vector<1000x128xf32>
    %dot_general3A_55 = tpu.matmul %add3A_51, %get3A_54, %dot_general3A {dimension_numbers = #tpu.dot_dimension_numbers<[1], [0], [0], [1], [0, 0, 1, 1], [], []>, transpose_lhs_hint = false} : vector<1000x128xf32>, vector<128x128xf32>, vector<1000x128xf32> -> vector<1000x128xf32>
    %get3A_56 = arith.constant 0 : index
    %get3A_57 = arith.constant 0 : index
    %get3A_58 = vector.load %arg8[%get3A_56, %get3A_57] : memref<1x128xf32, #tpu.memory_space<vmem>>, vector<1x128xf32>
    %add3A_59 = vector.broadcast %get3A_58 : vector<1x128xf32> to vector<1000x128xf32>
    %add3A_60 = arith.addf %dot_general3A_55, %add3A_59 : vector<1000x128xf32>
    %max3A_61 = arith.constant 0.000000e+00 : f32
    %max3A_62 = vector.broadcast %max3A_61 : f32 to vector<1000x128xf32>
    %max3A_63 = arith.maximumf %add3A_60, %max3A_62 : vector<1000x128xf32>
    %get3A_64 = arith.constant 0 : index
    %get3A_65 = arith.constant 0 : index
    %get3A_66 = vector.load %arg9[%get3A_64, %get3A_65] : memref<1x128xf32, #tpu.memory_space<vmem>>, vector<1x128xf32>
    %get3A_67 = arith.constant 0 : index
    %get3A_68 = arith.constant 0 : index
    %get3A_69 = vector.load %arg10[%get3A_67, %get3A_68] : memref<1x128xf32, #tpu.memory_space<vmem>>, vector<1x128xf32>
    %reduce_sum3A_70 = arith.constant dense<0.000000e+00> : vector<1000xf32>
    %reduce_sum3A_71 = vector.multi_reduction <add>, %max3A_63, %reduce_sum3A_70 [1] : vector<1000x128xf32> to vector<1000xf32>
    %broadcast_in_dim3A_72 = vector.shape_cast %reduce_sum3A_71 : vector<1000xf32> to vector<1000x1xf32>
    %div3A_73 = arith.constant 1.280000e+02 : f32
    %div3A_74 = vector.broadcast %div3A_73 : f32 to vector<1000x1xf32>
    %div3A_75 = arith.divf %broadcast_in_dim3A_72, %div3A_74 : vector<1000x1xf32>
    %jit3A_76 = arith.constant 0 : i32
    %reduce_sum3A_77 = arith.constant dense<0.000000e+00> : vector<1000xf32>
    %reduce_sum3A_78 = vector.multi_reduction <add>, %max3A_63, %reduce_sum3A_77 [1] : vector<1000x128xf32> to vector<1000xf32>
    %broadcast_in_dim3A_79 = vector.shape_cast %reduce_sum3A_78 : vector<1000xf32> to vector<1000x1xf32>
    %div3A_80 = arith.constant 1.280000e+02 : f32
    %div3A_81 = vector.broadcast %div3A_80 : f32 to vector<1000x1xf32>
    %div3A_82 = arith.divf %broadcast_in_dim3A_79, %div3A_81 : vector<1000x1xf32>
    %sub3A_83 = vector.broadcast %div3A_82 : vector<1000x1xf32> to vector<1000x128xf32>
    %sub3A_84 = arith.subf %max3A_63, %sub3A_83 : vector<1000x128xf32>
    %square3A_85 = arith.mulf %sub3A_84, %sub3A_84 : vector<1000x128xf32>
    %convert_element_type3A_86 = arith.sitofp %jit3A_76 : i32 to f32
    %sub3A_87 = arith.constant 1.280000e+02 : f32
    %sub3A_88 = arith.subf %sub3A_87, %convert_element_type3A_86 : f32
    %reduce_sum3A_89 = arith.constant dense<0.000000e+00> : vector<1000xf32>
    %reduce_sum3A_90 = vector.multi_reduction <add>, %square3A_85, %reduce_sum3A_89 [1] : vector<1000x128xf32> to vector<1000xf32>
    %broadcast_in_dim3A_91 = vector.shape_cast %reduce_sum3A_90 : vector<1000xf32> to vector<1000x1xf32>
    %div3A_92 = vector.broadcast %sub3A_88 : f32 to vector<1000x1xf32>
    %div3A_93 = arith.divf %broadcast_in_dim3A_91, %div3A_92 : vector<1000x1xf32>
    %gt3A_94 = arith.constant 0.000000e+00 : f32
    %gt3A_95 = arith.cmpf ogt, %sub3A_88, %gt3A_94 : f32
    %jit3A_96 = arith.constant 0x7FC00000 : f32
    %broadcast_in_dim3A_97 = vector.broadcast %jit3A_96 : f32 to vector<1000x1xf32>
    %select_n3A_98 = arith.select %gt3A_95, %div3A_93, %broadcast_in_dim3A_97 : vector<1000x1xf32>
    %sub3A_99 = vector.broadcast %div3A_75 : vector<1000x1xf32> to vector<1000x128xf32>
    %sub3A_100 = arith.subf %max3A_63, %sub3A_99 : vector<1000x128xf32>
    %add3A_101 = arith.constant 9.99999974E-6 : f32
    %add3A_102 = vector.broadcast %add3A_101 : f32 to vector<1000x1xf32>
    %add3A_103 = arith.addf %select_n3A_98, %add3A_102 : vector<1000x1xf32>
    %sqrt3A_104 = math.sqrt %add3A_103 : vector<1000x1xf32>
    %div3A_105 = vector.broadcast %sqrt3A_104 : vector<1000x1xf32> to vector<1000x128xf32>
    %div3A_106 = arith.divf %sub3A_100, %div3A_105 : vector<1000x128xf32>
    %mul3A_107 = vector.broadcast %get3A_66 : vector<1x128xf32> to vector<1000x128xf32>
    %mul3A_108 = arith.mulf %div3A_106, %mul3A_107 : vector<1000x128xf32>
    %add3A_109 = vector.broadcast %get3A_69 : vector<1x128xf32> to vector<1000x128xf32>
    %add3A_110 = arith.addf %mul3A_108, %add3A_109 : vector<1000x128xf32>
    %get3A_111 = arith.constant 0 : index
    %get3A_112 = arith.constant 0 : index
    %get3A_113 = vector.load %arg11[%get3A_111, %get3A_112] : memref<128x128xf32, #tpu.memory_space<vmem>>, vector<128x128xf32>
    %dot_general3A_114 = arith.constant dense<0.000000e+00> : vector<1000x128xf32>
    %dot_general3A_115 = tpu.matmul %add3A_110, %get3A_113, %dot_general3A_114 {dimension_numbers = #tpu.dot_dimension_numbers<[1], [0], [0], [1], [0, 0, 1, 1], [], []>, transpose_lhs_hint = false} : vector<1000x128xf32>, vector<128x128xf32>, vector<1000x128xf32> -> vector<1000x128xf32>
    %get3A_116 = arith.constant 0 : index
    %get3A_117 = arith.constant 0 : index
    %get3A_118 = vector.load %arg12[%get3A_116, %get3A_117] : memref<1x128xf32, #tpu.memory_space<vmem>>, vector<1x128xf32>
    %add3A_119 = vector.broadcast %get3A_118 : vector<1x128xf32> to vector<1000x128xf32>
    %add3A_120 = arith.addf %dot_general3A_115, %add3A_119 : vector<1000x128xf32>
    %get3A_121 = arith.constant 0 : index
    %get3A_122 = arith.constant 0 : index
    %get3A_123 = vector.load %arg13[%get3A_121, %get3A_122] : memref<128x64xf32, #tpu.memory_space<vmem>>, vector<128x64xf32>
    %dot_general3A_124 = arith.constant dense<0.000000e+00> : vector<1000x64xf32>
    %dot_general3A_125 = tpu.matmul %add3A_120, %get3A_123, %dot_general3A_124 {dimension_numbers = #tpu.dot_dimension_numbers<[1], [0], [0], [1], [0, 0, 1, 1], [], []>, transpose_lhs_hint = false} : vector<1000x128xf32>, vector<128x64xf32>, vector<1000x64xf32> -> vector<1000x64xf32>
    %get3A_126 = arith.constant 0 : index
    %get3A_127 = arith.constant 0 : index
    %get3A_128 = vector.load %arg14[%get3A_126, %get3A_127] : memref<1x64xf32, #tpu.memory_space<vmem>>, vector<1x64xf32>
    %add3A_129 = vector.broadcast %get3A_128 : vector<1x64xf32> to vector<1000x64xf32>
    %add3A_130 = arith.addf %dot_general3A_125, %add3A_129 : vector<1000x64xf32>
    %max3A_131 = arith.constant 0.000000e+00 : f32
    %max3A_132 = vector.broadcast %max3A_131 : f32 to vector<1000x64xf32>
    %max3A_133 = arith.maximumf %add3A_130, %max3A_132 : vector<1000x64xf32>
    %get3A_134 = arith.constant 0 : index
    %get3A_135 = arith.constant 0 : index
    %get3A_136 = vector.load %arg17[%get3A_134, %get3A_135] : memref<1x64xf32, #tpu.memory_space<vmem>>, vector<1x64xf32>
    %sub3A_137 = vector.broadcast %get3A_136 : vector<1x64xf32> to vector<1000x64xf32>
    %sub3A_138 = arith.subf %max3A_133, %sub3A_137 : vector<1000x64xf32>
    %get3A_139 = arith.constant 0 : index
    %get3A_140 = arith.constant 0 : index
    %get3A_141 = vector.load %arg18[%get3A_139, %get3A_140] : memref<1x64xf32, #tpu.memory_space<vmem>>, vector<1x64xf32>
    %add3A_142 = arith.constant 9.99999974E-6 : f32
    %add3A_143 = vector.broadcast %add3A_142 : f32 to vector<1x64xf32>
    %add3A_144 = arith.addf %get3A_141, %add3A_143 : vector<1x64xf32>
    %sqrt3A_145 = math.sqrt %add3A_144 : vector<1x64xf32>
    %div3A_146 = vector.broadcast %sqrt3A_145 : vector<1x64xf32> to vector<1000x64xf32>
    %div3A_147 = arith.divf %sub3A_138, %div3A_146 : vector<1000x64xf32>
    %get3A_148 = arith.constant 0 : index
    %get3A_149 = arith.constant 0 : index
    %get3A_150 = vector.load %arg15[%get3A_148, %get3A_149] : memref<1x64xf32, #tpu.memory_space<vmem>>, vector<1x64xf32>
    %mul3A_151 = vector.broadcast %get3A_150 : vector<1x64xf32> to vector<1000x64xf32>
    %mul3A_152 = arith.mulf %div3A_147, %mul3A_151 : vector<1000x64xf32>
    %get3A_153 = arith.constant 0 : index
    %get3A_154 = arith.constant 0 : index
    %get3A_155 = vector.load %arg16[%get3A_153, %get3A_154] : memref<1x64xf32, #tpu.memory_space<vmem>>, vector<1x64xf32>
    %add3A_156 = vector.broadcast %get3A_155 : vector<1x64xf32> to vector<1000x64xf32>
    %add3A_157 = arith.addf %mul3A_152, %add3A_156 : vector<1000x64xf32>
    %get3A_158 = arith.constant 0 : index
    %get3A_159 = arith.constant 0 : index
    %get3A_160 = vector.load %arg19[%get3A_158, %get3A_159] : memref<64x3xf32, #tpu.memory_space<vmem>>, vector<64x3xf32>
    %dot_general3A_161 = arith.constant dense<0.000000e+00> : vector<1000x3xf32>
    %dot_general3A_162 = tpu.matmul %add3A_157, %get3A_160, %dot_general3A_161 {dimension_numbers = #tpu.dot_dimension_numbers<[1], [0], [0], [1], [0, 0, 1, 1], [], []>, transpose_lhs_hint = false} : vector<1000x64xf32>, vector<64x3xf32>, vector<1000x3xf32> -> vector<1000x3xf32>
    %get3A_163 = arith.constant 0 : index
    %get3A_164 = arith.constant 0 : index
    %get3A_165 = vector.load %arg20[%get3A_163, %get3A_164] : memref<1x3xf32, #tpu.memory_space<vmem>>, vector<1x3xf32>
    %add3A_166 = vector.broadcast %get3A_165 : vector<1x3xf32> to vector<1000x3xf32>
    %add3A_167 = arith.addf %dot_general3A_162, %add3A_166 : vector<1000x3xf32>
    %reduce_max3A = arith.constant dense<0xFF800000> : vector<1000xf32>
    %reduce_max3A_168 = vector.multi_reduction <maximumf>, %add3A_167, %reduce_max3A [1] : vector<1000x3xf32> to vector<1000xf32>
    %broadcast_in_dim3A_169 = vector.shape_cast %reduce_max3A_168 : vector<1000xf32> to vector<1000x1xf32>
    %sub3A_170 = vector.broadcast %broadcast_in_dim3A_169 : vector<1000x1xf32> to vector<1000x3xf32>
    %sub3A_171 = arith.subf %add3A_167, %sub3A_170 : vector<1000x3xf32>
    %exp3A = math.exp %sub3A_171 : vector<1000x3xf32>
    %reduce_sum3A_172 = arith.constant dense<0.000000e+00> : vector<1000xf32>
    %reduce_sum3A_173 = vector.multi_reduction <add>, %exp3A, %reduce_sum3A_172 [1] : vector<1000x3xf32> to vector<1000xf32>
    %broadcast_in_dim3A_174 = vector.shape_cast %reduce_sum3A_173 : vector<1000xf32> to vector<1000x1xf32>
    %div3A_175 = vector.broadcast %broadcast_in_dim3A_174 : vector<1000x1xf32> to vector<1000x3xf32>
    %div3A_176 = arith.divf %exp3A, %div3A_175 : vector<1000x3xf32>
    %swap3A = arith.constant 0 : index
    %swap3A_177 = arith.constant 0 : index
    %swap3A_178 = vector.load %arg21[%swap3A, %swap3A_177] : memref<1000x3xf32, #tpu.memory_space<vmem>>, vector<1000x3xf32>
    tpu.vector_store %arg21[%swap3A, %swap3A_177], %div3A_176 {strides = array<i32>} : memref<1000x3xf32, #tpu.memory_space<vmem>>, vector<1000x3xf32>,
    return
  }
  func.func @transform_0(%arg0: i32) -> (i32, i32) {
    %c0_i32 = arith.constant 0 : i32
    %c0_i32_0 = arith.constant 0 : i32
    return %arg0, %c0_i32 : i32, i32
  }
  func.func @transform_1(%arg0: i32) -> (i32, i32) {
    %c0_i32 = arith.constant 0 : i32
    %c0_i32_0 = arith.constant 0 : i32
    return %arg0, %c0_i32 : i32, i32
  }
  func.func @transform_2(%arg0: i32) -> (i32, i32) {
    %c0_i32 = arith.constant 0 : i32
    %c0_i32_0 = arith.constant 0 : i32
    return %arg0, %c0_i32 : i32, i32
  }
  func.func @transform_3(%arg0: i32) -> (i32, i32) {
    %c0_i32 = arith.constant 0 : i32
    %c0_i32_0 = arith.constant 0 : i32
    return %arg0, %c0_i32 : i32, i32
  }
  func.func @transform_4(%arg0: i32) -> (i32, i32) {
    %c0_i32 = arith.constant 0 : i32
    %c0_i32_0 = arith.constant 0 : i32
    %c0_i32_1 = arith.constant 0 : i32
    return %c0_i32, %c0_i32_0 : i32, i32
  }
  func.func @transform_5(%arg0: i32) -> (i32, i32) {
    %c0_i32 = arith.constant 0 : i32
    %c0_i32_0 = arith.constant 0 : i32
    %c0_i32_1 = arith.constant 0 : i32
    return %c0_i32, %c0_i32_0 : i32, i32
  }
  func.func @transform_6(%arg0: i32) -> (i32, i32) {
    %c0_i32 = arith.constant 0 : i32
    %c0_i32_0 = arith.constant 0 : i32
    %c0_i32_1 = arith.constant 0 : i32
    return %c0_i32, %c0_i32_0 : i32, i32
  }
  func.func @transform_7(%arg0: i32) -> (i32, i32) {
    %c0_i32 = arith.constant 0 : i32
    %c0_i32_0 = arith.constant 0 : i32
    %c0_i32_1 = arith.constant 0 : i32
    return %c0_i32, %c0_i32_0 : i32, i32
  }
  func.func @transform_8(%arg0: i32) -> (i32, i32) {
    %c0_i32 = arith.constant 0 : i32
    %c0_i32_0 = arith.constant 0 : i32
    %c0_i32_1 = arith.constant 0 : i32
    return %c0_i32, %c0_i32_0 : i32, i32
  }
  func.func @transform_9(%arg0: i32) -> (i32, i32) {
    %c0_i32 = arith.constant 0 : i32
    %c0_i32_0 = arith.constant 0 : i32
    %c0_i32_1 = arith.constant 0 : i32
    return %c0_i32, %c0_i32_0 : i32, i32
  }
  func.func @transform_10(%arg0: i32) -> (i32, i32) {
    %c0_i32 = arith.constant 0 : i32
    %c0_i32_0 = arith.constant 0 : i32
    %c0_i32_1 = arith.constant 0 : i32
    return %c0_i32, %c0_i32_0 : i32, i32
  }
  func.func @transform_11(%arg0: i32) -> (i32, i32) {
    %c0_i32 = arith.constant 0 : i32
    %c0_i32_0 = arith.constant 0 : i32
    %c0_i32_1 = arith.constant 0 : i32
    return %c0_i32, %c0_i32_0 : i32, i32
  }
  func.func @transform_12(%arg0: i32) -> (i32, i32) {
    %c0_i32 = arith.constant 0 : i32
    %c0_i32_0 = arith.constant 0 : i32
    %c0_i32_1 = arith.constant 0 : i32
    return %c0_i32, %c0_i32_0 : i32, i32
  }
  func.func @transform_13(%arg0: i32) -> (i32, i32) {
    %c0_i32 = arith.constant 0 : i32
    %c0_i32_0 = arith.constant 0 : i32
    %c0_i32_1 = arith.constant 0 : i32
    return %c0_i32, %c0_i32_0 : i32, i32
  }
  func.func @transform_14(%arg0: i32) -> (i32, i32) {
    %c0_i32 = arith.constant 0 : i32
    %c0_i32_0 = arith.constant 0 : i32
    %c0_i32_1 = arith.constant 0 : i32
    return %c0_i32, %c0_i32_0 : i32, i32
  }
  func.func @transform_15(%arg0: i32) -> (i32, i32) {
    %c0_i32 = arith.constant 0 : i32
    %c0_i32_0 = arith.constant 0 : i32
    %c0_i32_1 = arith.constant 0 : i32
    return %c0_i32, %c0_i32_0 : i32, i32
  }
  func.func @transform_16(%arg0: i32) -> (i32, i32) {
    %c0_i32 = arith.constant 0 : i32
    %c0_i32_0 = arith.constant 0 : i32
    %c0_i32_1 = arith.constant 0 : i32
    return %c0_i32, %c0_i32_0 : i32, i32
  }
  func.func @transform_17(%arg0: i32) -> (i32, i32) {
    %c0_i32 = arith.constant 0 : i32
    %c0_i32_0 = arith.constant 0 : i32
    %c0_i32_1 = arith.constant 0 : i32
    return %c0_i32, %c0_i32_0 : i32, i32
  }
  func.func @transform_18(%arg0: i32) -> (i32, i32) {
    %c0_i32 = arith.constant 0 : i32
    %c0_i32_0 = arith.constant 0 : i32
    %c0_i32_1 = arith.constant 0 : i32
    return %c0_i32, %c0_i32_0 : i32, i32
  }
  func.func @transform_19(%arg0: i32) -> (i32, i32) {
    %c0_i32 = arith.constant 0 : i32
    %c0_i32_0 = arith.constant 0 : i32
    %c0_i32_1 = arith.constant 0 : i32
    return %c0_i32, %c0_i32_0 : i32, i32
  }
  func.func @transform_20(%arg0: i32) -> (i32, i32) {
    %c0_i32 = arith.constant 0 : i32
    %c0_i32_0 = arith.constant 0 : i32
    return %arg0, %c0_i32 : i32, i32
  }
}

</mosaic_0001>

<sc_bundles>
// kernel: kernel.11.cloned.1.call-start
scs
__scs_entry_jumppad:
0x0: {  	(pc) =	sbr.rel $0x88, $3  }
0x1: {  	(tag) =	ssettag $0x0;
	lr =	simm.s32 $0x1  }
0x2: {  	[smem:$0x3F80] =	sst lr;
	_ =	strace $0xD0000000  }
0x3: {  	_ = 	snop  }
0x4: {  	_ = 	snop  }
0x5: {  	_ = 	snop  }
0x6: {  	_ = 	snop  }
0x7: {  	_ = 	snop  }
__scs_overlays_trampoline_lowered:
0x8: {  	[smem:$0x3F8F] =	sst s0  }
0x9: {  	[smem:$0x3F90] =	sst s1  }
0xa: {  	[smem:$0x3F91] =	sst s2  }
0xb: {  	[smem:$0x3F92] =	sst s3  }
0xc: {  	[smem:$0x3F93] =	sst s4  }
0xd: {  	[smem:$0x3F94] =	sst s5  }
0xe: {  	[smem:$0x3F95] =	sst s6  }
0xf: {  	[smem:$0x3F96] =	sst s7  }
0x10: {  	[smem:$0x3F97] =	sst s8  }
0x11: {  	[smem:$0x3F98] =	sst s9;
	s0 =	simm.s32 @!p0 $0x0  }
0x12: {  	s1 =	sld [smem:$0x3F7E];
	s0 =	simm.s32 @p0 $0x1  }
0x13: {  	[smem:$0x3F99] =	sst s0;
	s0 =	simm.s32 @!p1 $0x0  }
0x14: {  	s2 =	sld [smem:$0x3F7D];
	s0 =	simm.s32 @p1 $0x1  }
0x15: {  	[smem:$0x3F9A] =	sst s0;
	s0 =	simm.s32 @!p2 $0x0  }
0x16: {  	s3 =	sld [smem:$0x3FDB];
	s0 =	simm.s32 @p2 $0x1  }
0x17: {  	s4 =	simm.s32 $0x1BF5;
	[smem:$0x3F9C] =	sst s0  }
0x18: {  	s0 =	sld [smem:$0x3F7F];
	_ =	swait.ge [sflag:s4], $0x0  }
0x19: {  	s7 =	sld [smem:$0x3F80]  }
0x1a: {  	s8 =	sadd.s32 $0xFFFFE003, lr  }
0x1b: {  	s9 =	sadd.s32 $0xFFFFFEF7, lr;
	s5 =	simm.s32 $0xFFFFFFFF;
	p2 =	slt.u32 s8, $0xFFFFF086  }
0x1c: {  	p1 =	slt.u32 s9, $0xF7A;
	s5 =	simm.s32 @!p2 $0x0  }
0x1d: {  	s5 =	simm.s32 @p1 $0x1;
	p0 =	seq.s32 s7, s2  }
0x1e: {  	s7 =	smul.u32 @!p0 $0xF7A, s2;
	p2 =	seq.s32 @!p0 s5, $0x0  }
0x1f: {  	s9 =	smul.u32 $0xF7A, s1;
	s8 =	simm.s32 @!p0 $0x1BF5;
	p2 =	por !p2, p0  }
0x20: {  	[sflag:s8] =	ssyncset.s32 @!p0 $0xFFFFF086;
	s6 =	sadd.s32 @!p0 s3, s7;
	s7 =	simm.s32 @!p0 $0x108  }
0x21: {  	s3 =	sadd.s32 s3, s9;
	s6 =	sadd.s32 @!p0 $0x88, s6;
	s7 =	simm.s32 @p2 $0x1082  }
0x22: {  	[simem:s7], [sflag:s8] =	dma.local @!p0 [hbm:s6], $0xF7A  }
0x23: {  	s9 =	sor.u32 $0xD0000000, s2;
	s6 =	simm.s32 $0x108;
	_ =	swait.ge @!p0 [sflag:s8], $0x0  }
0x24: {  	s3 =	sadd.s32 $0x88, s3;
	s6 =	simm.s32 @!p1 $0x1082;
	[sflag:s4] =	ssyncset.s32 $0xFFFFF086  }
0x25: {  	[simem:s6], [sflag:s4] =	dma.local [hbm:s3], $0xF7A  }
0x26: {  	[smem:$0x3F80] =	sst s1;
	(tag) =	ssettag s2;
	_ =	strace s9  }
0x27: {  	s1 =	sld [smem:$0x3F90]  }
0x28: {  	s2 =	sld [smem:$0x3F91]  }
0x29: {  	s4 =	sld [smem:$0x3F93]  }
0x2a: {  	p0 =	seq.s32 s5, $0x0;
	s5 =	sld [smem:$0x3F94]  }
0x2b: {  	s6 =	sld [smem:$0x3F95]  }
0x2c: {  	s7 =	sld [smem:$0x3F96]  }
0x2d: {  	s3 =	simm.s32 $0x108;
	s8 =	sld [smem:$0x3F97]  }
0x2e: {  	s3 =	simm.s32 @!p0 $0x1082;
	s9 =	sld [smem:$0x3F98]  }
0x2f: {  	lr =	sadd.s32 s0, s3;
	s0 =	sld [smem:$0x3F8F]  }
0x30: {  	s3 =	sld [smem:$0x3F92]  }
0x31: {  	[smem:$0x3F9B] =	sst s10  }
0x32: {  	s10 =	sld [smem:$0x3F99];
	_ =	sdelay $0x3  }
0x33: {  	p0 =	seq.s32 s10, $0x1;
	s10 =	sld [smem:$0x3F9B];
	_ =	sdelay $0x3  }
0x34: {  	[smem:$0x3F9B] =	sst s10  }
0x35: {  	s10 =	sld [smem:$0x3F9A];
	_ =	sdelay $0x3  }
0x36: {  	p1 =	seq.s32 s10, $0x1;
	s10 =	sld [smem:$0x3F9B];
	_ =	sdelay $0x3  }
0x37: {  	[smem:$0x3F9B] =	sst s10  }
0x38: {  	s10 =	sld [smem:$0x3F9C]  }
0x39: {  	_ = 	snop;
	(pc) =	sbr.ind lr, $3  }
0x3a: {  	_ = 	snop  }
0x3b: {  	_ = 	snop  }
0x3c: {  	p2 =	seq.s32 s10, $0x1;
	s10 =	sld [smem:$0x3F9B]  }
0x3d: {  	_ =	shalt  }
0x3e: {  	_ =	shalt  }
0x3f: {  	_ =	shalt  }
0x40: {  	_ =	shalt  }
0x41: {  	_ =	shalt  }
0x42: {  	_ =	shalt  }
0x43: {  	_ =	shalt  }
0x44: {  	_ =	shalt  }
0x45: {  	_ =	shalt  }
0x46: {  	_ =	shalt  }
0x47: {  	_ =	shalt  }
0x48: {  	_ =	shalt  }
0x49: {  	_ =	shalt  }
0x4a: {  	_ =	shalt  }
0x4b: {  	_ =	shalt  }
0x4c: {  	_ =	shalt  }
0x4d: {  	_ =	shalt  }
0x4e: {  	_ =	shalt  }
0x4f: {  	_ =	shalt  }
0x50: {  	_ =	shalt  }
0x51: {  	_ =	shalt  }
0x52: {  	_ =	shalt  }
0x53: {  	_ =	shalt  }
0x54: {  	_ =	shalt  }
0x55: {  	_ =	shalt  }
0x56: {  	_ =	shalt  }
0x57: {  	_ =	shalt  }
0x58: {  	_ =	shalt  }
0x59: {  	_ =	shalt  }
0x5a: {  	_ =	shalt  }
0x5b: {  	_ =	shalt  }
0x5c: {  	_ =	shalt  }
0x5d: {  	_ =	shalt  }
0x5e: {  	_ =	shalt  }
0x5f: {  	_ =	shalt  }
0x60: {  	_ =	shalt  }
0x61: {  	_ =	shalt  }
0x62: {  	_ =	shalt  }
0x63: {  	_ =	shalt  }
0x64: {  	_ =	shalt  }
0x65: {  	_ =	shalt  }
0x66: {  	_ =	shalt  }
0x67: {  	_ =	shalt  }
0x68: {  	_ =	shalt  }
0x69: {  	_ =	shalt  }
0x6a: {  	_ =	shalt  }
0x6b: {  	_ =	shalt  }
0x6c: {  	_ =	shalt  }
0x6d: {  	_ =	shalt  }
0x6e: {  	_ =	shalt  }
0x6f: {  	_ =	shalt  }
0x70: {  	_ =	shalt  }
0x71: {  	_ =	shalt  }
0x72: {  	_ =	shalt  }
0x73: {  	_ =	shalt  }
0x74: {  	_ =	shalt  }
0x75: {  	_ =	shalt  }
0x76: {  	_ =	shalt  }
0x77: {  	_ =	shalt  }
0x78: {  	_ =	shalt  }
0x79: {  	_ =	shalt  }
0x7a: {  	_ =	shalt  }
0x7b: {  	_ =	shalt  }
0x7c: {  	_ =	shalt  }
0x7d: {  	_ =	shalt  }
0x7e: {  	_ =	shalt  }
0x7f: {  	_ =	shalt  }
0x80: {  	_ =	shalt  }
0x81: {  	_ =	shalt  }
0x82: {  	_ =	shalt  }
0x83: {  	_ =	shalt  }
0x84: {  	_ =	shalt  }
0x85: {  	_ =	shalt  }
0x86: {  	_ =	shalt  }
0x87: {  	_ =	shalt  }
.Lfunc_end0:
.L_simem_size_0:
called_computation.1_lowered:
.L_overlay_start_0:
0x88: {  	s2 =	sld [smem:$0x3FD9]  }
0x89: {  	s3 =	sld [smem:$0x3FFE];
	_ =	sdelay $0x1  }
0x8a: {  	s1 =	srdreg.scid  }
0x8b: {  	s0 =	sand.u32 $0x1, s1  }
0x8c: {  	s16 =	sshll.u32 s0, $0xA;
	s2 =	sadd.s32 s3, s2  }
0x8d: {  	s2 =	sadd.s32 s2, s16  }
0x8e: {  	[smem:$0x3FA7] =	sst s2  }
0x8f: {  	_ = 	snop  }
0x90: {  	(tm) =	ssettm $0x1  }
0x91: {  	s17 =	sld [smem:$0x3FFB];
	_ =	sdelay $0x3  }
0x92: {  	_ =	strace s17  }
0x93: {  	s2 =	sld [smem:$0x3FFC];
	_ =	sdelay $0x3  }
0x94: {  	_ =	strace s2  }
0x95: {  	s2 =	sld [smem:$0x3FFD];
	_ =	sdelay $0x3  }
0x96: {  	_ =	strace s2  }
0x97: {  	_ =	strace $0x8FFFFFFF  }
0x98: {  	s18 =	sld [smem:$0x3FDB];
	_ =	sdelay $0x1  }
0x99: {  	s19 =	simm.s32 $_scs_section_size  }
0x9a: {  	s4 =	simm.s32 $_size__tile_overlayer_lowered;
	s5 =	simm.s32 $_tile_overlayer_lowered  }
0x9b: {  	s22 =	simm.s32 $0x1BFF;
	s21 =	sshll.u32 s5, $0x1;
	s2 =	sadd.s32 s19, s18  }
0x9c: {  	s6 =	simm.s32 $0x0;
	s20 =	sshll.u32 s4, $0x1;
	s4 =	sadd.s32 s21, s2  }
0x9d: {  	[timem:s6], [sflag:s22] =	dma.local [hbm:s4], s20  }
0x9e: {  	_ =	swait.ge [sflag:s22], s20  }
0x9f: {  	s3 =	ssub.s32 $0x0, s20;
	[sflag:s22] =	ssyncset.done $0x0  }
0xa0: {  	[sflag:s22] =	ssyncadd.s32 s3;
	_ =	sdelay $0x1  }
0xa1: {  	s23 =	simm.s32 $0x1B8B  }
0xa2: {  	_ =	swait.ge [sflag:s23], $0x1  }
0xa3: {  	[sflag:s23] =	ssyncset.done $0x0  }
0xa4: {  	s25 =	simm.s32 $0x1B8E;
	s24 =	sld [smem:$0x3FFE];
	[sflag:s23] =	ssyncadd.s32 $0xFFFFFFFF  }
0xa5: {  	s26 =	simm.s32 $execute0_lowered;
	[smem:$0x3FD2] =	sst s25  }
0xa6: {  	s4 =	sshll.u32 s26, $0x1;
	_ =	strace $0x80000049;
	[dreg:$0x1] =	wrdreg $0xFFFFFFFF  }
0xa7: {  	s28 =	simm.s32 $_size_execute0_lowered;
	s2 =	sadd.s32 s2, s4;
	[dreg:$0x0] =	wrdreg $0x0  }
0xa8: {  	s4 =	sshll.u32 s28, $0x1;
	[dreg:$0x2] =	wrdreg s2  }
0xa9: {  	[dreg:$0x3] =	wrdreg s4  }
0xaa: {  	[dreg:$0x4] =	wrdreg $0xC0  }
0xab: {  	_ =	task [dreg:s6], $0x5FFFF  }
0xac: {  	[dreg:$0x1] =	wrdreg $0xFFFFFFFF  }
0xad: {  	[dreg:$0x0] =	wrdreg $0x60  }
0xae: {  	[dreg:$0x2] =	wrdreg s24  }
0xaf: {  	[dreg:$0x3] =	wrdreg $0x0  }
0xb0: {  	[dreg:$0x4] =	wrdreg $0x9  }
0xb1: {  	_ =	task.clear_ibuf [dreg:s6], $0x5FFFF;
	_ =	strace $0x90000049  }
0xb2: {  	s29 =	simm.s32 $0x9;
	_ =	strace $0x8000004B  }
0xb3: {  	_ =	swait.ge [sflag:s29], $0x1  }
0xb4: {  	[sflag:s29] =	ssyncadd.s32 $0xFFFFFFFF  }
0xb5: {  	_ =	strace $0x9000004B  }
0xb6: {  	_ =	sfence  }
0xb7: {  	s30 =	sld [smem:$0x0];
	_ =	sdelay $0x2  }
0xb8: {  	s31 =	sshll.u32 s1, $0xD;
	s1 =	sshrl.u32 s1, $0x2  }
0xb9: {  	s3 =	sand.u32 $0x4000, s31;
	s1 =	sadd.s32 s1, s30  }
0xba: {  	s0 =	sor.u32 s3, s0;
	s1 =	sshll.u32 s1, $0x11  }
0xbb: {  	s0 =	sor.u32 s1, s0  }
0xbc: {  	s0 =	sadd.s32 $0x8F2B, s0  }
0xbd: {  	[sflag:s0] =	ssyncadd.remote.s32 $0x1  }
0xbe: {  	_ =	sfence.sel $0xFFFF  }
0xbf: {  	[dreg:$0x0] =	wrdreg $0xFFFFFFFF;
	(pc) =	sbr.abs _section_cstart, $3  }
0xc0: {  	[dreg:$0x1] =	wrdreg $0xFFFFFFFF  }
0xc1: {  	_ =	task.clear_ibuf [dreg:s6], $0x2FFFF;
	_ =	strace $0x9FFFFFFF  }
0xc2: {  	(tm) =	ssettm $0x7FFFFFFF  }
0xc3: {  	_ =	shalt  }
tec
execute0_lowered:
.L_overlay_start_1:
0x0: {  	(tag) =	ssettag $0x1  }
0x1: {  	s0 =	rddreg [dreg:$0x0]  }
0x2: {  	s1 =	rddreg [dreg:$0x1];
	s2 =	simm.s32 $0x0;
	s7 =	srdreg.scid  }
0x3: {  	s4 =	stileid.u32;
	[smem:$0x7FF] =	sst s2;
	s3 =	sadd.s32 $0x41800, s0  }
0x4: {  	s5 =	sadd.s32 $0x68A00, s0;
	s6 =	sadd.s32 $0x1A400, s0;
	s8 =	sadd.s32 $0x2DE00, s0  }
0x5: {  	s7 =	sand.u32 $0x1, s7;
	s10 =	smul.u32 $0x4E000, s4;
	s13 =	sadd.s32 $0x105200, s0  }
0x6: {  	s14 =	sadd.s32 $0xDE000, s0;
	s12 =	smul.u32 $0x4E20, s4;
	s15 =	sadd.s32 $0x12C400, s0  }
0x7: {  	s16 =	sadd.s32 $0x153600, s0;
	_ =	strace $0x8000004A;
	[dreg:$0x4] =	wrdreg s13  }
0x8: {  	s19 =	smul.u32 $0x9C4, s4;
	p1 =	sne.s32 s4, $0xF;
	[dreg:$0x3] =	wrdreg s14  }
0x9: {  	p2 =	seq.s32 s4, $0xF;
	s9 =	ssub.s32 $0x2, s7;
	[dreg:$0x6] =	wrdreg s16  }
0xa: {  	p0 =	sne.s32 s7, $0x0;
	[dreg:$0x5] =	wrdreg s15;
	s7 =	simm.s32 $0x13900  }
0xb: {  	s11 =	sshrl.u32 s9, $0x1;
	s23 =	sshrl.u32 s10, $0x2;
	s24 =	sshrl.u32 s12, $0x3  }
0xc: {  	s12 =	smul.u32 $0x2700, s4;
	s20 =	sadd.s32 s19, s8;
	s0 =	ssub.s32 s9, s11  }
0xd: {  	s10 =	sadd.s32 s23, s1;
	s25 =	sadd.s32 s6, s24;
	s26 =	sadd.s32 $0x9C40, s24  }
0xe: {  	s17 =	sadd.s32 s8, s24;
	s18 =	sadd.s32 $0x9BA, s24;
	[dreg:$0x7] =	wrdreg s25  }
0xf: {  	s22 =	sadd.s32 $0xA5FA, s24;
	[dreg:$0x8] =	wrdreg s17;
	s13 =	sadd.s32 s13, s12  }
0x10: {  	s17 =	sadd.s32 s6, s26;
	s9 =	sadd.s32 s8, s26;
	[dreg:$0x9] =	wrdreg s13  }
0x11: {  	s21 =	sadd.s32 s6, s18;
	s11 =	sadd.s32 s6, s22;
	[dreg:$0xa] =	wrdreg s17  }
0x12: {  	s23 =	sadd.s32 s14, s12;
	s24 =	sadd.s32 s16, s12;
	[dreg:$0xb] =	wrdreg s9  }
0x13: {  	s25 =	sadd.s32 s15, s12;
	s0 =	smax.u32 s0, $0x1;
	[dreg:$0xc] =	wrdreg s21  }
0x14: {  	s26 =	sadd.s32 $0x2800, s10;
	s28 =	sadd.s32 $0x5000, s10;
	[dreg:$0xe] =	wrdreg s11  }
0x15: {  	s29 =	sadd.s32 $0x7800, s10;
	s30 =	sadd.s32 $0xA000, s10;
	[dreg:$0x10] =	wrdreg s23  }
0x16: {  	s31 =	sadd.s32 $0xC800, s10;
	s12 =	simm.s32 $0x16280;
	[dreg:$0x11] =	wrdreg s24  }
0x17: {  	s14 =	simm.s32 $0x1;
	s15 =	simm.s32 $0x2;
	[dreg:$0x12] =	wrdreg s25  }
0x18: {  	s16 =	simm.s32 $0x0;
	s9 =	sadd.s32 s8, s18;
	[dreg:$0x13] =	wrdreg s0  }
.Ltmp0:
0x19: {  	s21 =	sadd.s32 s19, s6;
	[dreg:$0x14] =	wrdreg s26;
	(pc) =	sbr.rel .LBB2_1-.Ltmp0, $4  }
0x1a: {  	s0 =	sadd.s32 $0xF000, s10;
	s13 =	sadd.s32 $0x11800, s10;
	s23 =	simm.s32 $0x13A80  }
0x1b: {  	s24 =	simm.s32 $0x3;
	s6 =	simm.s32 $0x13880;
	s11 =	simm.s32 $0x13A00  }
0x1c: {  	[dreg:$0xd] =	wrdreg s9;
	s9 =	sadd.s32 s8, s22;
	s22 =	sadd.s32 $0x138000, s1  }
0x1d: {  	v0 =	vimm.f32 $0.0e+00;
	s8 =	simm.s32 $0x50;
	[dreg:$0xf] =	wrdreg s9;
	s9 =	simm.s32 $0x13980  }
.LBB2_20:
0x1e: {  	s4 =	sadd.s32 $0x27000, s18;
	s26 =	sshrl.u32 s22, $0x3  }
0x1f: {  	[hbm:s4], [sflag:s17] =	dma.local [spmem:s26], $0x100  }
0x20: {  	_ =	swait.ge [sflag:s24], $0x100  }
0x21: {  	[sflag:s24] =	ssyncset.done $0x0  }
0x22: {  	[sflag:s24] =	ssyncadd.s32 $0xFFFFFF00  }
.LBB2_21:
0x23: {  	s16 =	sadd.s32 $0x1, s16;
	s4 =	rddreg [dreg:$0x13]  }
0x24: {  	p3 =	sne.s32 s16, s4  }
.Ltmp1:
0x25: {  	_ = 	snop;
	(pc) =	sbr.rel @!p3 .LBB2_22-.Ltmp1, $1  }
0x26: {  	_ =	sdelay $0x3  }
.LBB2_1:
0x27: {  	s17 =	simm.s32 $0x0;
	s18 =	simm.s32 $0x200  }
.LBB2_2:
0x28: {  	p3 =	sne.s32 s18, $0x9E00;
	[tilespmem:s17+$0x13AF0] =	vst v0  }
0x29: {  	[tilespmem:s17+$0x13A80] =	vst v0  }
0x2a: {  	[tilespmem:s17+$0x13A90] =	vst v0  }
.Ltmp2:
0x2b: {  	[tilespmem:s17+$0x13AA0] =	vst v0;
	(pc) =	sbr.rel @p3 .LBB2_2-.Ltmp2, $4  }
0x2c: {  	[tilespmem:s17+$0x13AB0] =	vst v0  }
0x2d: {  	[tilespmem:s17+$0x13AC0] =	vst v0  }
0x2e: {  	[tilespmem:s17+$0x13AD0] =	vst v0  }
0x2f: {  	[tilespmem:s17+$0x13AE0] =	vst v0;
	s17 =	sshra.s32 s18, $0x2;
	s18 =	sadd.s32 $0x200, s18  }
0x30: {  	[tilespmem:s17+$0x13AF0] =	vst v0  }
0x31: {  	[tilespmem:s17+$0x13A80] =	vst v0  }
0x32: {  	[tilespmem:s17+$0x13A90] =	vst v0  }
0x33: {  	[tilespmem:s17+$0x13AA0] =	vst v0  }
0x34: {  	[tilespmem:s17+$0x13AB0] =	vst v0  }
0x35: {  	[tilespmem:s17+$0x13AC0] =	vst v0  }
0x36: {  	[tilespmem:s17+$0x13AD0] =	vst v0  }
0x37: {  	[tilespmem:s17+$0x13AE0] =	vst v0  }
0x38: {  	[spmem:s10] =	stream.linear.scatter [tilespmem:s23], [sflag:$0x3], $0x2800, $0x38;
	[tilespmem:$0x18A80] =	vst v63  }
0x39: {  	_ =	swait.ge [sflag:s24], $0x2800  }
0x3a: {  	[sflag:s24] =	ssyncset.done $0x0  }
0x3b: {  	s4 =	rddreg [dreg:$0x14];
	[sflag:s24] =	ssyncadd.s32 $0xFFFFD800  }
0x3c: {  	[spmem:s4] =	stream.linear.scatter [tilespmem:s23], [sflag:$0x3], $0x2800, $0x38;
	[tilespmem:$0x18A80] =	vst v63  }
0x3d: {  	_ =	swait.ge [sflag:s24], $0x2800  }
0x3e: {  	[sflag:s24] =	ssyncset.done $0x0  }
0x3f: {  	[sflag:s24] =	ssyncadd.s32 $0xFFFFD800  }
0x40: {  	[spmem:s28] =	stream.linear.scatter [tilespmem:s23], [sflag:$0x3], $0x2800, $0x38;
	[tilespmem:$0x18A80] =	vst v63  }
0x41: {  	_ =	swait.ge [sflag:s24], $0x2800  }
0x42: {  	[sflag:s24] =	ssyncset.done $0x0  }
0x43: {  	[sflag:s24] =	ssyncadd.s32 $0xFFFFD800  }
0x44: {  	[spmem:s29] =	stream.linear.scatter [tilespmem:s23], [sflag:$0x3], $0x2800, $0x38;
	[tilespmem:$0x18A80] =	vst v63  }
0x45: {  	_ =	swait.ge [sflag:s24], $0x2800  }
0x46: {  	[sflag:s24] =	ssyncset.done $0x0  }
0x47: {  	[sflag:s24] =	ssyncadd.s32 $0xFFFFD800  }
0x48: {  	[spmem:s30] =	stream.linear.scatter [tilespmem:s23], [sflag:$0x3], $0x2800, $0x38;
	[tilespmem:$0x18A80] =	vst v63  }
0x49: {  	_ =	swait.ge [sflag:s24], $0x2800  }
0x4a: {  	[sflag:s24] =	ssyncset.done $0x0  }
0x4b: {  	[sflag:s24] =	ssyncadd.s32 $0xFFFFD800  }
0x4c: {  	[spmem:s31] =	stream.linear.scatter [tilespmem:s23], [sflag:$0x3], $0x2800, $0x38;
	[tilespmem:$0x18A80] =	vst v63  }
0x4d: {  	_ =	swait.ge [sflag:s24], $0x2800  }
0x4e: {  	[sflag:s24] =	ssyncset.done $0x0  }
0x4f: {  	[sflag:s24] =	ssyncadd.s32 $0xFFFFD800  }
0x50: {  	[spmem:s0] =	stream.linear.scatter [tilespmem:s23], [sflag:$0x3], $0x2800, $0x38;
	[tilespmem:$0x18A80] =	vst v63  }
0x51: {  	_ =	swait.ge [sflag:s24], $0x2800  }
0x52: {  	[sflag:s24] =	ssyncset.done $0x0  }
0x53: {  	[sflag:s24] =	ssyncadd.s32 $0xFFFFD800  }
0x54: {  	[spmem:s13] =	stream.linear.scatter [tilespmem:s23], [sflag:$0x3], $0x2000, $0x38;
	[tilespmem:$0x18A80] =	vst v63  }
0x55: {  	_ =	swait.ge [sflag:s24], $0x2000  }
0x56: {  	[sflag:s24] =	ssyncset.done $0x0  }
0x57: {  	s17 =	simm.s32 @!p1 $0x13A80;
	[sflag:s24] =	ssyncadd.s32 $0xFFFFE000  }
0x58: {  	[spmem:s22] =	stream.linear.scatter @!p1 [tilespmem:s17], [sflag:$0x3], $0x800, $0x38;
	[tilespmem:$0x18A80] =	vst v63  }
0x59: {  	s17 =	simm.s32 @!p1 $0x3  }
0x5a: {  	_ =	swait.ge @!p1 [sflag:s17], $0x800  }
0x5b: {  	[sflag:s17] =	ssyncset.done @!p1 $0x0  }
0x5c: {  	[sflag:s17] =	ssyncadd.s32 @!p1 $0xFFFFF800  }
0x5d: {  	[bflag:$0x0] =	sbarrier.arrive $0xFFFF  }
0x5e: {  	s25 =	rddreg [dreg:$0x7]  }
0x5f: {  	[tilespmem:s6], [sflag:$0x3] =	stream.linear.gather [hbm4b:s25+s2], $0x50, $0x38;
	[tilespmem:$0x18A80] =	vst v63  }
0x60: {  	_ =	swait.ge [sflag:s24], $0x50  }
0x61: {  	[sflag:s24] =	ssyncset.done $0x0  }
.Ltmp3:
0x62: {  	s26 =	rddreg [dreg:$0x8];
	[sflag:s24] =	ssyncadd.s32 $0xFFFFFFB0;
	(pc) =	sbr.rel @p0 .LBB2_7-.Ltmp3, $4  }
0x63: {  	[tilespmem:s7], [sflag:$0x3] =	stream.linear.gather [hbm4b:s26+s2], $0x50, $0x38;
	[tilespmem:$0x18A80] =	vst v63  }
0x64: {  	_ =	swait.ge [sflag:s24], $0x50  }
0x65: {  	[sflag:s24] =	ssyncset.done $0x0  }
0x66: {  	[sflag:s24] =	ssyncadd.s32 $0xFFFFFFB0  }
0x67: {  	[tilespmem:s23], [sflag:$0x1] =	stream.indirect.gather [hbm4b:s3+s8], $0x80, s6, s8, $0xb8;
	[tilespmem:$0x18A80] =	vst v63  }
0x68: {  	s17 =	sadd.s32 $0xFFFFF650, s21  }
0x69: {  	s18 =	sadd.s32 $0x9BA, s17  }
0x6a: {  	[tilespmem:s9], [sflag:$0x3] =	stream.linear.gather [hbm4b:s18+s2], $0x50, $0x38;
	[tilespmem:$0x18A80] =	vst v63  }
0x6b: {  	_ =	swait.ge [sflag:s24], $0x50  }
0x6c: {  	s25 =	sadd.s32 $0xFFFFF650, s20;
	[sflag:s24] =	ssyncset.done $0x0  }
0x6d: {  	s19 =	sadd.s32 $0x9BA, s25;
	[sflag:s24] =	ssyncadd.s32 $0xFFFFFFB0  }
0x6e: {  	[tilespmem:s11], [sflag:$0x3] =	stream.linear.gather [hbm4b:s19+s2], $0x50, $0x38;
	[tilespmem:$0x18A80] =	vst v63  }
0x6f: {  	_ =	swait.ge [sflag:s24], $0x50  }
0x70: {  	[sflag:s24] =	ssyncset.done $0x0  }
0x71: {  	[sflag:s24] =	ssyncadd.s32 $0xFFFFFFB0  }
0x72: {  	[tilespmem:s12], [sflag:$0x2] =	stream.indirect.gather [hbm4b:s3+s8], $0x80, s9, s8, $0xb8;
	[tilespmem:$0x18A80] =	vst v63  }
0x73: {  	_ =	swait.ge [sflag:s14], $0x2800  }
0x74: {  	[sflag:s14] =	ssyncset.done $0x0  }
0x75: {  	[sflag:s14] =	ssyncadd.s32 $0xFFFFD800  }
0x76: {  	[spmem:s1] =	stream.indirect.scatter.add.f32 [tilespmem:s23], [sflag:$0x3], $0x80, s7, s8, $0xb8;
	[tilespmem:$0x18A80] =	vst v63  }
0x77: {  	_ =	swait.ge [sflag:s24], $0x2800  }
0x78: {  	[sflag:s24] =	ssyncset.done $0x0  }
0x79: {  	s17 =	sadd.s32 $0x9C4, s17;
	[sflag:s24] =	ssyncadd.s32 $0xFFFFD800  }
0x7a: {  	[tilespmem:s6], [sflag:$0x3] =	stream.linear.gather [hbm4b:s17+s2], $0x50, $0x38;
	[tilespmem:$0x18A80] =	vst v63  }
0x7b: {  	_ =	swait.ge [sflag:s24], $0x50  }
0x7c: {  	[sflag:s24] =	ssyncset.done $0x0  }
0x7d: {  	s26 =	sadd.s32 $0x9C4, s25;
	[sflag:s24] =	ssyncadd.s32 $0xFFFFFFB0  }
0x7e: {  	[tilespmem:s7], [sflag:$0x3] =	stream.linear.gather [hbm4b:s26+s2], $0x50, $0x38;
	[tilespmem:$0x18A80] =	vst v63  }
0x7f: {  	_ =	swait.ge [sflag:s24], $0x50  }
0x80: {  	[sflag:s24] =	ssyncset.done $0x0  }
0x81: {  	[sflag:s24] =	ssyncadd.s32 $0xFFFFFFB0  }
0x82: {  	[tilespmem:s23], [sflag:$0x1] =	stream.indirect.gather [hbm4b:s3+s8], $0x80, s6, s8, $0xb8;
	[tilespmem:$0x18A80] =	vst v63  }
0x83: {  	_ =	swait.ge [sflag:s15], $0x2800  }
0x84: {  	[sflag:s15] =	ssyncset.done $0x0  }
0x85: {  	[sflag:s15] =	ssyncadd.s32 $0xFFFFD800  }
0x86: {  	[spmem:s1] =	stream.indirect.scatter.add.f32 [tilespmem:s12], [sflag:$0x3], $0x80, s11, s8, $0xb8;
	[tilespmem:$0x18A80] =	vst v63  }
0x87: {  	s18 =	simm.s32 $0xFFFFF678;
	_ =	swait.ge [sflag:s24], $0x2800  }
0x88: {  	s19 =	sadd.s32 $0xFFFFF664, s21;
	s17 =	simm.s32 $0xFFFFF664;
	[sflag:s24] =	ssyncset.done $0x0  }
.LBB2_5:
0x89: {  	s4 =	sadd.s32 $0x9BA, s19  }
0x8a: {  	[sflag:s24] =	ssyncadd.s32 $0xFFFFD800;
	s26 =	smov.u32 s18;
	s25 =	sadd.s32 $0x14, s18  }
0x8b: {  	[tilespmem:s9], [sflag:$0x3] =	stream.linear.gather [hbm4b:s4+s2], $0x50, $0x38;
	[tilespmem:$0x18A80] =	vst v63  }
0x8c: {  	p3 =	sne.s32 s18, $0xFFFFFFEC;
	_ =	swait.ge [sflag:s24], $0x50  }
0x8d: {  	s4 =	sadd.s32 s17, s20;
	s17 =	smov.u32 s26;
	[sflag:s24] =	ssyncset.done $0x0  }
0x8e: {  	s18 =	sadd.s32 $0x9BA, s4;
	[sflag:s24] =	ssyncadd.s32 $0xFFFFFFB0  }
0x8f: {  	[tilespmem:s11], [sflag:$0x3] =	stream.linear.gather [hbm4b:s18+s2], $0x50, $0x38;
	[tilespmem:$0x18A80] =	vst v63  }
0x90: {  	_ =	swait.ge [sflag:s24], $0x50  }
0x91: {  	[sflag:s24] =	ssyncset.done $0x0  }
0x92: {  	[sflag:s24] =	ssyncadd.s32 $0xFFFFFFB0  }
0x93: {  	[tilespmem:s12], [sflag:$0x2] =	stream.indirect.gather [hbm4b:s3+s8], $0x80, s9, s8, $0xb8;
	[tilespmem:$0x18A80] =	vst v63  }
0x94: {  	_ =	swait.ge [sflag:s14], $0x2800  }
0x95: {  	[sflag:s14] =	ssyncset.done $0x0  }
0x96: {  	[sflag:s14] =	ssyncadd.s32 $0xFFFFD800  }
0x97: {  	[spmem:s1] =	stream.indirect.scatter.add.f32 [tilespmem:s23], [sflag:$0x3], $0x80, s7, s8, $0xb8;
	[tilespmem:$0x18A80] =	vst v63  }
0x98: {  	_ =	swait.ge [sflag:s24], $0x2800  }
0x99: {  	[sflag:s24] =	ssyncset.done $0x0  }
0x9a: {  	s18 =	sadd.s32 $0x9C4, s19;
	[sflag:s24] =	ssyncadd.s32 $0xFFFFD800  }
0x9b: {  	[tilespmem:s6], [sflag:$0x3] =	stream.linear.gather [hbm4b:s18+s2], $0x50, $0x38;
	[tilespmem:$0x18A80] =	vst v63  }
0x9c: {  	_ =	swait.ge [sflag:s24], $0x50  }
0x9d: {  	[sflag:s24] =	ssyncset.done $0x0  }
0x9e: {  	s4 =	sadd.s32 $0x9C4, s4;
	[sflag:s24] =	ssyncadd.s32 $0xFFFFFFB0  }
0x9f: {  	[tilespmem:s7], [sflag:$0x3] =	stream.linear.gather [hbm4b:s4+s2], $0x50, $0x38;
	[tilespmem:$0x18A80] =	vst v63  }
0xa0: {  	_ =	swait.ge [sflag:s24], $0x50  }
0xa1: {  	[sflag:s24] =	ssyncset.done $0x0  }
0xa2: {  	[sflag:s24] =	ssyncadd.s32 $0xFFFFFFB0  }
0xa3: {  	[tilespmem:s23], [sflag:$0x1] =	stream.indirect.gather [hbm4b:s3+s8], $0x80, s6, s8, $0xb8;
	[tilespmem:$0x18A80] =	vst v63  }
0xa4: {  	_ =	swait.ge [sflag:s15], $0x2800  }
.Ltmp4:
0xa5: {  	[sflag:s15] =	ssyncset.done $0x0;
	(pc) =	sbr.rel @p3 .LBB2_5-.Ltmp4, $4  }
0xa6: {  	[sflag:s15] =	ssyncadd.s32 $0xFFFFD800  }
0xa7: {  	[spmem:s1] =	stream.indirect.scatter.add.f32 [tilespmem:s12], [sflag:$0x3], $0x80, s11, s8, $0xb8;
	[tilespmem:$0x18A80] =	vst v63  }
0xa8: {  	_ =	swait.ge [sflag:s24], $0x2800  }
0xa9: {  	s19 =	sadd.s32 s17, s21;
	s18 =	smov.u32 s25;
	[sflag:s24] =	ssyncset.done $0x0  }
0xaa: {  	s4 =	sadd.s32 $0x9BA, s19;
	[sflag:s24] =	ssyncadd.s32 $0xFFFFD800  }
0xab: {  	[tilespmem:s9], [sflag:$0x3] =	stream.linear.gather [hbm4b:s4+s2], $0x50, $0x38;
	[tilespmem:$0x18A80] =	vst v63  }
0xac: {  	_ =	swait.ge [sflag:s24], $0x50  }
0xad: {  	s25 =	sadd.s32 s17, s20;
	[sflag:s24] =	ssyncset.done $0x0  }
0xae: {  	s17 =	sadd.s32 $0x9BA, s25;
	[sflag:s24] =	ssyncadd.s32 $0xFFFFFFB0  }
0xaf: {  	[tilespmem:s11], [sflag:$0x3] =	stream.linear.gather [hbm4b:s17+s2], $0x50, $0x38;
	[tilespmem:$0x18A80] =	vst v63  }
0xb0: {  	_ =	swait.ge [sflag:s24], $0x50  }
0xb1: {  	[sflag:s24] =	ssyncset.done $0x0  }
0xb2: {  	[sflag:s24] =	ssyncadd.s32 $0xFFFFFFB0  }
0xb3: {  	[tilespmem:s12], [sflag:$0x2] =	stream.indirect.gather [hbm4b:s3+s8], $0x80, s9, s8, $0xb8;
	[tilespmem:$0x18A80] =	vst v63  }
0xb4: {  	_ =	swait.ge [sflag:s14], $0x2800  }
0xb5: {  	[sflag:s14] =	ssyncset.done $0x0  }
0xb6: {  	[sflag:s14] =	ssyncadd.s32 $0xFFFFD800  }
0xb7: {  	[spmem:s1] =	stream.indirect.scatter.add.f32 [tilespmem:s23], [sflag:$0x3], $0x80, s7, s8, $0xb8;
	[tilespmem:$0x18A80] =	vst v63  }
0xb8: {  	_ =	swait.ge [sflag:s24], $0x2800  }
0xb9: {  	[sflag:s24] =	ssyncset.done $0x0  }
0xba: {  	s26 =	sadd.s32 $0x9C4, s19;
	[sflag:s24] =	ssyncadd.s32 $0xFFFFD800  }
0xbb: {  	[tilespmem:s6], [sflag:$0x3] =	stream.linear.gather [hbm4b:s26+s2], $0x50, $0x38;
	[tilespmem:$0x18A80] =	vst v63  }
0xbc: {  	_ =	swait.ge [sflag:s24], $0x50  }
0xbd: {  	[sflag:s24] =	ssyncset.done $0x0  }
0xbe: {  	s4 =	sadd.s32 $0x9C4, s25;
	[sflag:s24] =	ssyncadd.s32 $0xFFFFFFB0  }
0xbf: {  	[tilespmem:s7], [sflag:$0x3] =	stream.linear.gather [hbm4b:s4+s2], $0x50, $0x38;
	[tilespmem:$0x18A80] =	vst v63  }
0xc0: {  	_ =	swait.ge [sflag:s24], $0x50  }
0xc1: {  	[sflag:s24] =	ssyncset.done $0x0  }
0xc2: {  	[sflag:s24] =	ssyncadd.s32 $0xFFFFFFB0  }
0xc3: {  	[tilespmem:s23], [sflag:$0x1] =	stream.indirect.gather [hbm4b:s3+s8], $0x80, s6, s8, $0xb8;
	[tilespmem:$0x18A80] =	vst v63  }
0xc4: {  	_ =	swait.ge [sflag:s15], $0x2800  }
0xc5: {  	[sflag:s15] =	ssyncset.done $0x0  }
0xc6: {  	[sflag:s15] =	ssyncadd.s32 $0xFFFFD800  }
0xc7: {  	[spmem:s1] =	stream.indirect.scatter.add.f32 [tilespmem:s12], [sflag:$0x3], $0x80, s11, s8, $0xb8;
	[tilespmem:$0x18A80] =	vst v63  }
0xc8: {  	_ =	swait.ge [sflag:s24], $0x2800  }
0xc9: {  	[sflag:s24] =	ssyncset.done $0x0  }
0xca: {  	s18 =	rddreg [dreg:$0xc];
	[sflag:s24] =	ssyncadd.s32 $0xFFFFD800  }
0xcb: {  	[tilespmem:s9], [sflag:$0x3] =	stream.linear.gather [hbm4b:s18+s2], $0x50, $0x38;
	[tilespmem:$0x18A80] =	vst v63  }
0xcc: {  	_ =	swait.ge [sflag:s24], $0x50  }
0xcd: {  	[sflag:s24] =	ssyncset.done $0x0  }
0xce: {  	s19 =	rddreg [dreg:$0xd];
	[sflag:s24] =	ssyncadd.s32 $0xFFFFFFB0  }
0xcf: {  	[tilespmem:s11], [sflag:$0x3] =	stream.linear.gather [hbm4b:s19+s2], $0x50, $0x38;
	[tilespmem:$0x18A80] =	vst v63  }
0xd0: {  	_ =	swait.ge [sflag:s24], $0x50  }
0xd1: {  	[sflag:s24] =	ssyncset.done $0x0  }
0xd2: {  	[sflag:s24] =	ssyncadd.s32 $0xFFFFFFB0  }
0xd3: {  	[tilespmem:s12], [sflag:$0x2] =	stream.indirect.gather [hbm4b:s3+s8], $0x80, s9, s8, $0xb8;
	[tilespmem:$0x18A80] =	vst v63  }
0xd4: {  	_ =	swait.ge [sflag:s14], $0x2800  }
0xd5: {  	[sflag:s14] =	ssyncset.done $0x0  }
0xd6: {  	[sflag:s14] =	ssyncadd.s32 $0xFFFFD800  }
0xd7: {  	[spmem:s1] =	stream.indirect.scatter.add.f32 [tilespmem:s23], [sflag:$0x3], $0x80, s7, s8, $0xb8;
	[tilespmem:$0x18A80] =	vst v63  }
0xd8: {  	_ =	swait.ge [sflag:s24], $0x2800  }
0xd9: {  	[sflag:s24] =	ssyncset.done $0x0  }
0xda: {  	[sflag:s24] =	ssyncadd.s32 $0xFFFFD800  }
0xdb: {  	_ =	swait.ge [sflag:s15], $0x2800  }
0xdc: {  	[sflag:s15] =	ssyncset.done $0x0  }
0xdd: {  	[sflag:s15] =	ssyncadd.s32 $0xFFFFD800  }
0xde: {  	[spmem:s1] =	stream.indirect.scatter.add.f32 [tilespmem:s12], [sflag:$0x3], $0x80, s11, s8, $0xb8;
	[tilespmem:$0x18A80] =	vst v63  }
0xdf: {  	_ =	swait.ge [sflag:s24], $0x2800  }
0xe0: {  	[sflag:s24] =	ssyncset.done $0x0  }
0xe1: {  	s25 =	stileid.u32;
	[sflag:s24] =	ssyncadd.s32 $0xFFFFD800  }
0xe2: {  	s26 =	sshrl.u32 s10, $0x3;
	s4 =	sshll.u32 s25, $0x6;
	[bflag:$0x0] =	sbarrier.arrive $0xFFFF  }
.Ltmp5:
0xe3: {  	s17 =	sor.u32 $0x1C03, s4;
	s18 =	rddreg [dreg:$0x10];
	(pc) =	sbr.rel @!p2 .LBB2_11-.Ltmp5, $4  }
0xe4: {  	[hbm:s18], [sflag:s17] =	dma.local [spmem:s26], $0x2700  }
0xe5: {  	_ =	swait.ge [sflag:s24], $0x2700  }
0xe6: {  	[sflag:s24] =	ssyncset.done $0x0  }
0xe7: {  	s18 =	rddreg [dreg:$0x3];
	[sflag:s24] =	ssyncadd.s32 $0xFFFFD900  }
.LBB2_10:
0xe8: {  	s4 =	sadd.s32 $0x27000, s18;
	s26 =	sshrl.u32 s22, $0x3  }
0xe9: {  	[hbm:s4], [sflag:s17] =	dma.local [spmem:s26], $0x100  }
0xea: {  	_ =	swait.ge [sflag:s24], $0x100  }
0xeb: {  	[sflag:s24] =	ssyncset.done $0x0  }
0xec: {  	[sflag:s24] =	ssyncadd.s32 $0xFFFFFF00  }
.LBB2_11:
0xed: {  	s17 =	simm.s32 $0x0;
	s18 =	simm.s32 $0x200  }
.LBB2_12:
0xee: {  	p3 =	sne.s32 s18, $0x9E00;
	[tilespmem:s17+$0x13AF0] =	vst v0  }
0xef: {  	[tilespmem:s17+$0x13A80] =	vst v0  }
0xf0: {  	[tilespmem:s17+$0x13A90] =	vst v0  }
.Ltmp6:
0xf1: {  	[tilespmem:s17+$0x13AA0] =	vst v0;
	(pc) =	sbr.rel @p3 .LBB2_12-.Ltmp6, $4  }
0xf2: {  	[tilespmem:s17+$0x13AB0] =	vst v0  }
0xf3: {  	[tilespmem:s17+$0x13AC0] =	vst v0  }
0xf4: {  	[tilespmem:s17+$0x13AD0] =	vst v0  }
0xf5: {  	[tilespmem:s17+$0x13AE0] =	vst v0;
	s17 =	sshra.s32 s18, $0x2;
	s18 =	sadd.s32 $0x200, s18  }
0xf6: {  	[tilespmem:s17+$0x13AF0] =	vst v0  }
0xf7: {  	[tilespmem:s17+$0x13A80] =	vst v0  }
0xf8: {  	[tilespmem:s17+$0x13A90] =	vst v0  }
0xf9: {  	[tilespmem:s17+$0x13AA0] =	vst v0  }
0xfa: {  	[tilespmem:s17+$0x13AB0] =	vst v0  }
0xfb: {  	[tilespmem:s17+$0x13AC0] =	vst v0  }
0xfc: {  	[tilespmem:s17+$0x13AD0] =	vst v0  }
0xfd: {  	[tilespmem:s17+$0x13AE0] =	vst v0  }
0xfe: {  	[spmem:s10] =	stream.linear.scatter [tilespmem:s23], [sflag:$0x3], $0x2800, $0x38;
	[tilespmem:$0x18A80] =	vst v63  }
0xff: {  	_ =	swait.ge [sflag:s24], $0x2800  }
0x100: {  	[sflag:s24] =	ssyncset.done $0x0  }
0x101: {  	s4 =	rddreg [dreg:$0x14];
	[sflag:s24] =	ssyncadd.s32 $0xFFFFD800  }
0x102: {  	[spmem:s4] =	stream.linear.scatter [tilespmem:s23], [sflag:$0x3], $0x2800, $0x38;
	[tilespmem:$0x18A80] =	vst v63  }
0x103: {  	_ =	swait.ge [sflag:s24], $0x2800  }
0x104: {  	[sflag:s24] =	ssyncset.done $0x0  }
0x105: {  	[sflag:s24] =	ssyncadd.s32 $0xFFFFD800  }
0x106: {  	[spmem:s28] =	stream.linear.scatter [tilespmem:s23], [sflag:$0x3], $0x2800, $0x38;
	[tilespmem:$0x18A80] =	vst v63  }
0x107: {  	_ =	swait.ge [sflag:s24], $0x2800  }
0x108: {  	[sflag:s24] =	ssyncset.done $0x0  }
0x109: {  	[sflag:s24] =	ssyncadd.s32 $0xFFFFD800  }
0x10a: {  	[spmem:s29] =	stream.linear.scatter [tilespmem:s23], [sflag:$0x3], $0x2800, $0x38;
	[tilespmem:$0x18A80] =	vst v63  }
0x10b: {  	_ =	swait.ge [sflag:s24], $0x2800  }
0x10c: {  	[sflag:s24] =	ssyncset.done $0x0  }
0x10d: {  	[sflag:s24] =	ssyncadd.s32 $0xFFFFD800  }
0x10e: {  	[spmem:s30] =	stream.linear.scatter [tilespmem:s23], [sflag:$0x3], $0x2800, $0x38;
	[tilespmem:$0x18A80] =	vst v63  }
0x10f: {  	_ =	swait.ge [sflag:s24], $0x2800  }
0x110: {  	[sflag:s24] =	ssyncset.done $0x0  }
0x111: {  	[sflag:s24] =	ssyncadd.s32 $0xFFFFD800  }
0x112: {  	[spmem:s31] =	stream.linear.scatter [tilespmem:s23], [sflag:$0x3], $0x2800, $0x38;
	[tilespmem:$0x18A80] =	vst v63  }
0x113: {  	_ =	swait.ge [sflag:s24], $0x2800  }
0x114: {  	[sflag:s24] =	ssyncset.done $0x0  }
0x115: {  	[sflag:s24] =	ssyncadd.s32 $0xFFFFD800  }
0x116: {  	[spmem:s0] =	stream.linear.scatter [tilespmem:s23], [sflag:$0x3], $0x2800, $0x38;
	[tilespmem:$0x18A80] =	vst v63  }
0x117: {  	_ =	swait.ge [sflag:s24], $0x2800  }
0x118: {  	[sflag:s24] =	ssyncset.done $0x0  }
0x119: {  	[sflag:s24] =	ssyncadd.s32 $0xFFFFD800  }
0x11a: {  	[spmem:s13] =	stream.linear.scatter [tilespmem:s23], [sflag:$0x3], $0x2000, $0x38;
	[tilespmem:$0x18A80] =	vst v63  }
0x11b: {  	_ =	swait.ge [sflag:s24], $0x2000  }
0x11c: {  	[sflag:s24] =	ssyncset.done $0x0  }
0x11d: {  	s4 =	simm.s32 @!p1 $0x13A80;
	[sflag:s24] =	ssyncadd.s32 $0xFFFFE000  }
0x11e: {  	[spmem:s22] =	stream.linear.scatter @!p1 [tilespmem:s4], [sflag:$0x3], $0x800, $0x38;
	[tilespmem:$0x18A80] =	vst v63  }
0x11f: {  	s4 =	simm.s32 @!p1 $0x3  }
0x120: {  	_ =	swait.ge @!p1 [sflag:s4], $0x800  }
0x121: {  	[sflag:s4] =	ssyncset.done @!p1 $0x0  }
0x122: {  	[sflag:s4] =	ssyncadd.s32 @!p1 $0xFFFFF800  }
0x123: {  	[bflag:$0x0] =	sbarrier.arrive $0xFFFF  }
0x124: {  	s25 =	rddreg [dreg:$0xa]  }
0x125: {  	[tilespmem:s6], [sflag:$0x3] =	stream.linear.gather [hbm4b:s25+s2], $0x50, $0x38;
	[tilespmem:$0x18A80] =	vst v63  }
0x126: {  	_ =	swait.ge [sflag:s24], $0x50  }
0x127: {  	[sflag:s24] =	ssyncset.done $0x0  }
.Ltmp7:
0x128: {  	s26 =	rddreg [dreg:$0xb];
	[sflag:s24] =	ssyncadd.s32 $0xFFFFFFB0;
	(pc) =	sbr.rel @p0 .LBB2_17-.Ltmp7, $4  }
0x129: {  	[tilespmem:s7], [sflag:$0x3] =	stream.linear.gather [hbm4b:s26+s2], $0x50, $0x38;
	[tilespmem:$0x18A80] =	vst v63  }
0x12a: {  	_ =	swait.ge [sflag:s24], $0x50  }
0x12b: {  	[sflag:s24] =	ssyncset.done $0x0  }
0x12c: {  	[sflag:s24] =	ssyncadd.s32 $0xFFFFFFB0  }
0x12d: {  	[tilespmem:s23], [sflag:$0x1] =	stream.indirect.gather [hbm4b:s3+s8], $0x80, s6, s8, $0xb8;
	[tilespmem:$0x18A80] =	vst v63  }
0x12e: {  	s4 =	sadd.s32 $0xFFFFF650, s21  }
0x12f: {  	s17 =	sadd.s32 $0xA5FA, s4  }
0x130: {  	[tilespmem:s9], [sflag:$0x3] =	stream.linear.gather [hbm4b:s17+s2], $0x50, $0x38;
	[tilespmem:$0x18A80] =	vst v63  }
0x131: {  	_ =	swait.ge [sflag:s24], $0x50  }
0x132: {  	s25 =	sadd.s32 $0xFFFFF650, s20;
	[sflag:s24] =	ssyncset.done $0x0  }
0x133: {  	s18 =	sadd.s32 $0xA5FA, s25;
	[sflag:s24] =	ssyncadd.s32 $0xFFFFFFB0  }
0x134: {  	[tilespmem:s11], [sflag:$0x3] =	stream.linear.gather [hbm4b:s18+s2], $0x50, $0x38;
	[tilespmem:$0x18A80] =	vst v63  }
0x135: {  	_ =	swait.ge [sflag:s24], $0x50  }
0x136: {  	[sflag:s24] =	ssyncset.done $0x0  }
0x137: {  	[sflag:s24] =	ssyncadd.s32 $0xFFFFFFB0  }
0x138: {  	[tilespmem:s12], [sflag:$0x2] =	stream.indirect.gather [hbm4b:s3+s8], $0x80, s9, s8, $0xb8;
	[tilespmem:$0x18A80] =	vst v63  }
0x139: {  	_ =	swait.ge [sflag:s14], $0x2800  }
0x13a: {  	[sflag:s14] =	ssyncset.done $0x0  }
0x13b: {  	[sflag:s14] =	ssyncadd.s32 $0xFFFFD800  }
0x13c: {  	[spmem:s1] =	stream.indirect.scatter.add.f32 [tilespmem:s23], [sflag:$0x3], $0x80, s7, s8, $0xb8;
	[tilespmem:$0x18A80] =	vst v63  }
0x13d: {  	_ =	swait.ge [sflag:s24], $0x2800  }
0x13e: {  	[sflag:s24] =	ssyncset.done $0x0  }
0x13f: {  	s4 =	sadd.s32 $0xA604, s4;
	[sflag:s24] =	ssyncadd.s32 $0xFFFFD800  }
0x140: {  	[tilespmem:s6], [sflag:$0x3] =	stream.linear.gather [hbm4b:s4+s2], $0x50, $0x38;
	[tilespmem:$0x18A80] =	vst v63  }
0x141: {  	_ =	swait.ge [sflag:s24], $0x50  }
0x142: {  	[sflag:s24] =	ssyncset.done $0x0  }
0x143: {  	s26 =	sadd.s32 $0xA604, s25;
	[sflag:s24] =	ssyncadd.s32 $0xFFFFFFB0  }
0x144: {  	[tilespmem:s7], [sflag:$0x3] =	stream.linear.gather [hbm4b:s26+s2], $0x50, $0x38;
	[tilespmem:$0x18A80] =	vst v63  }
0x145: {  	_ =	swait.ge [sflag:s24], $0x50  }
0x146: {  	[sflag:s24] =	ssyncset.done $0x0  }
0x147: {  	[sflag:s24] =	ssyncadd.s32 $0xFFFFFFB0  }
0x148: {  	[tilespmem:s23], [sflag:$0x1] =	stream.indirect.gather [hbm4b:s3+s8], $0x80, s6, s8, $0xb8;
	[tilespmem:$0x18A80] =	vst v63  }
0x149: {  	_ =	swait.ge [sflag:s15], $0x2800  }
0x14a: {  	[sflag:s15] =	ssyncset.done $0x0  }
0x14b: {  	[sflag:s15] =	ssyncadd.s32 $0xFFFFD800  }
0x14c: {  	[spmem:s1] =	stream.indirect.scatter.add.f32 [tilespmem:s12], [sflag:$0x3], $0x80, s11, s8, $0xb8;
	[tilespmem:$0x18A80] =	vst v63  }
0x14d: {  	s19 =	sadd.s32 $0xFFFFF664, s21;
	_ =	swait.ge [sflag:s24], $0x2800  }
0x14e: {  	s25 =	simm.s32 $0xFFFFF678;
	s17 =	simm.s32 $0xFFFFF664;
	[sflag:s24] =	ssyncset.done $0x0  }
.LBB2_15:
0x14f: {  	s4 =	sadd.s32 $0xA5FA, s19  }
0x150: {  	[sflag:s24] =	ssyncadd.s32 $0xFFFFD800;
	s26 =	smov.u32 s25;
	s18 =	sadd.s32 $0x14, s25  }
0x151: {  	[tilespmem:s9], [sflag:$0x3] =	stream.linear.gather [hbm4b:s4+s2], $0x50, $0x38;
	[tilespmem:$0x18A80] =	vst v63  }
0x152: {  	p3 =	sne.s32 s25, $0xFFFFFFEC;
	_ =	swait.ge [sflag:s24], $0x50  }
0x153: {  	s4 =	sadd.s32 s17, s20;
	s17 =	smov.u32 s26;
	[sflag:s24] =	ssyncset.done $0x0  }
0x154: {  	s25 =	sadd.s32 $0xA5FA, s4;
	[sflag:s24] =	ssyncadd.s32 $0xFFFFFFB0  }
0x155: {  	[tilespmem:s11], [sflag:$0x3] =	stream.linear.gather [hbm4b:s25+s2], $0x50, $0x38;
	[tilespmem:$0x18A80] =	vst v63  }
0x156: {  	_ =	swait.ge [sflag:s24], $0x50  }
0x157: {  	[sflag:s24] =	ssyncset.done $0x0  }
0x158: {  	[sflag:s24] =	ssyncadd.s32 $0xFFFFFFB0  }
0x159: {  	[tilespmem:s12], [sflag:$0x2] =	stream.indirect.gather [hbm4b:s3+s8], $0x80, s9, s8, $0xb8;
	[tilespmem:$0x18A80] =	vst v63  }
0x15a: {  	_ =	swait.ge [sflag:s14], $0x2800  }
0x15b: {  	[sflag:s14] =	ssyncset.done $0x0  }
0x15c: {  	[sflag:s14] =	ssyncadd.s32 $0xFFFFD800  }
0x15d: {  	[spmem:s1] =	stream.indirect.scatter.add.f32 [tilespmem:s23], [sflag:$0x3], $0x80, s7, s8, $0xb8;
	[tilespmem:$0x18A80] =	vst v63  }
0x15e: {  	_ =	swait.ge [sflag:s24], $0x2800  }
0x15f: {  	[sflag:s24] =	ssyncset.done $0x0  }
0x160: {  	s19 =	sadd.s32 $0xA604, s19;
	[sflag:s24] =	ssyncadd.s32 $0xFFFFD800  }
0x161: {  	[tilespmem:s6], [sflag:$0x3] =	stream.linear.gather [hbm4b:s19+s2], $0x50, $0x38;
	[tilespmem:$0x18A80] =	vst v63  }
0x162: {  	_ =	swait.ge [sflag:s24], $0x50  }
0x163: {  	[sflag:s24] =	ssyncset.done $0x0  }
0x164: {  	s4 =	sadd.s32 $0xA604, s4;
	[sflag:s24] =	ssyncadd.s32 $0xFFFFFFB0  }
0x165: {  	[tilespmem:s7], [sflag:$0x3] =	stream.linear.gather [hbm4b:s4+s2], $0x50, $0x38;
	[tilespmem:$0x18A80] =	vst v63  }
0x166: {  	_ =	swait.ge [sflag:s24], $0x50  }
0x167: {  	[sflag:s24] =	ssyncset.done $0x0  }
0x168: {  	[sflag:s24] =	ssyncadd.s32 $0xFFFFFFB0  }
0x169: {  	[tilespmem:s23], [sflag:$0x1] =	stream.indirect.gather [hbm4b:s3+s8], $0x80, s6, s8, $0xb8;
	[tilespmem:$0x18A80] =	vst v63  }
0x16a: {  	_ =	swait.ge [sflag:s15], $0x2800  }
.Ltmp8:
0x16b: {  	[sflag:s15] =	ssyncset.done $0x0;
	(pc) =	sbr.rel @p3 .LBB2_15-.Ltmp8, $4  }
0x16c: {  	[sflag:s15] =	ssyncadd.s32 $0xFFFFD800  }
0x16d: {  	[spmem:s1] =	stream.indirect.scatter.add.f32 [tilespmem:s12], [sflag:$0x3], $0x80, s11, s8, $0xb8;
	[tilespmem:$0x18A80] =	vst v63  }
0x16e: {  	_ =	swait.ge [sflag:s24], $0x2800  }
0x16f: {  	s25 =	smov.u32 s18;
	s19 =	sadd.s32 s17, s21;
	[sflag:s24] =	ssyncset.done $0x0  }
0x170: {  	s4 =	sadd.s32 $0xA5FA, s19;
	[sflag:s24] =	ssyncadd.s32 $0xFFFFD800  }
0x171: {  	[tilespmem:s9], [sflag:$0x3] =	stream.linear.gather [hbm4b:s4+s2], $0x50, $0x38;
	[tilespmem:$0x18A80] =	vst v63  }
0x172: {  	_ =	swait.ge [sflag:s24], $0x50  }
0x173: {  	s25 =	sadd.s32 s17, s20;
	[sflag:s24] =	ssyncset.done $0x0  }
0x174: {  	s17 =	sadd.s32 $0xA5FA, s25;
	[sflag:s24] =	ssyncadd.s32 $0xFFFFFFB0  }
0x175: {  	[tilespmem:s11], [sflag:$0x3] =	stream.linear.gather [hbm4b:s17+s2], $0x50, $0x38;
	[tilespmem:$0x18A80] =	vst v63  }
0x176: {  	_ =	swait.ge [sflag:s24], $0x50  }
0x177: {  	[sflag:s24] =	ssyncset.done $0x0  }
0x178: {  	[sflag:s24] =	ssyncadd.s32 $0xFFFFFFB0  }
0x179: {  	[tilespmem:s12], [sflag:$0x2] =	stream.indirect.gather [hbm4b:s3+s8], $0x80, s9, s8, $0xb8;
	[tilespmem:$0x18A80] =	vst v63  }
0x17a: {  	_ =	swait.ge [sflag:s14], $0x2800  }
0x17b: {  	[sflag:s14] =	ssyncset.done $0x0  }
0x17c: {  	[sflag:s14] =	ssyncadd.s32 $0xFFFFD800  }
0x17d: {  	[spmem:s1] =	stream.indirect.scatter.add.f32 [tilespmem:s23], [sflag:$0x3], $0x80, s7, s8, $0xb8;
	[tilespmem:$0x18A80] =	vst v63  }
0x17e: {  	_ =	swait.ge [sflag:s24], $0x2800  }
0x17f: {  	[sflag:s24] =	ssyncset.done $0x0  }
0x180: {  	s26 =	sadd.s32 $0xA604, s19;
	[sflag:s24] =	ssyncadd.s32 $0xFFFFD800  }
0x181: {  	[tilespmem:s6], [sflag:$0x3] =	stream.linear.gather [hbm4b:s26+s2], $0x50, $0x38;
	[tilespmem:$0x18A80] =	vst v63  }
0x182: {  	_ =	swait.ge [sflag:s24], $0x50  }
0x183: {  	[sflag:s24] =	ssyncset.done $0x0  }
0x184: {  	s4 =	sadd.s32 $0xA604, s25;
	[sflag:s24] =	ssyncadd.s32 $0xFFFFFFB0  }
0x185: {  	[tilespmem:s7], [sflag:$0x3] =	stream.linear.gather [hbm4b:s4+s2], $0x50, $0x38;
	[tilespmem:$0x18A80] =	vst v63  }
0x186: {  	_ =	swait.ge [sflag:s24], $0x50  }
0x187: {  	[sflag:s24] =	ssyncset.done $0x0  }
0x188: {  	[sflag:s24] =	ssyncadd.s32 $0xFFFFFFB0  }
0x189: {  	[tilespmem:s23], [sflag:$0x1] =	stream.indirect.gather [hbm4b:s3+s8], $0x80, s6, s8, $0xb8;
	[tilespmem:$0x18A80] =	vst v63  }
0x18a: {  	_ =	swait.ge [sflag:s15], $0x2800  }
0x18b: {  	[sflag:s15] =	ssyncset.done $0x0  }
0x18c: {  	[sflag:s15] =	ssyncadd.s32 $0xFFFFD800  }
0x18d: {  	[spmem:s1] =	stream.indirect.scatter.add.f32 [tilespmem:s12], [sflag:$0x3], $0x80, s11, s8, $0xb8;
	[tilespmem:$0x18A80] =	vst v63  }
0x18e: {  	_ =	swait.ge [sflag:s24], $0x2800  }
0x18f: {  	[sflag:s24] =	ssyncset.done $0x0  }
0x190: {  	s18 =	rddreg [dreg:$0xe];
	[sflag:s24] =	ssyncadd.s32 $0xFFFFD800  }
0x191: {  	[tilespmem:s9], [sflag:$0x3] =	stream.linear.gather [hbm4b:s18+s2], $0x50, $0x38;
	[tilespmem:$0x18A80] =	vst v63  }
0x192: {  	_ =	swait.ge [sflag:s24], $0x50  }
0x193: {  	[sflag:s24] =	ssyncset.done $0x0  }
0x194: {  	s19 =	rddreg [dreg:$0xf];
	[sflag:s24] =	ssyncadd.s32 $0xFFFFFFB0  }
0x195: {  	[tilespmem:s11], [sflag:$0x3] =	stream.linear.gather [hbm4b:s19+s2], $0x50, $0x38;
	[tilespmem:$0x18A80] =	vst v63  }
0x196: {  	_ =	swait.ge [sflag:s24], $0x50  }
0x197: {  	[sflag:s24] =	ssyncset.done $0x0  }
0x198: {  	[sflag:s24] =	ssyncadd.s32 $0xFFFFFFB0  }
0x199: {  	[tilespmem:s12], [sflag:$0x2] =	stream.indirect.gather [hbm4b:s3+s8], $0x80, s9, s8, $0xb8;
	[tilespmem:$0x18A80] =	vst v63  }
0x19a: {  	_ =	swait.ge [sflag:s14], $0x2800  }
0x19b: {  	[sflag:s14] =	ssyncset.done $0x0  }
0x19c: {  	[sflag:s14] =	ssyncadd.s32 $0xFFFFD800  }
0x19d: {  	[spmem:s1] =	stream.indirect.scatter.add.f32 [tilespmem:s23], [sflag:$0x3], $0x80, s7, s8, $0xb8;
	[tilespmem:$0x18A80] =	vst v63  }
0x19e: {  	_ =	swait.ge [sflag:s24], $0x2800  }
0x19f: {  	[sflag:s24] =	ssyncset.done $0x0  }
0x1a0: {  	[sflag:s24] =	ssyncadd.s32 $0xFFFFD800  }
0x1a1: {  	_ =	swait.ge [sflag:s15], $0x2800  }
0x1a2: {  	[sflag:s15] =	ssyncset.done $0x0  }
0x1a3: {  	[sflag:s15] =	ssyncadd.s32 $0xFFFFD800  }
0x1a4: {  	[spmem:s1] =	stream.indirect.scatter.add.f32 [tilespmem:s12], [sflag:$0x3], $0x80, s11, s8, $0xb8;
	[tilespmem:$0x18A80] =	vst v63  }
0x1a5: {  	_ =	swait.ge [sflag:s24], $0x2800  }
0x1a6: {  	[sflag:s24] =	ssyncset.done $0x0  }
0x1a7: {  	s25 =	stileid.u32;
	[sflag:s24] =	ssyncadd.s32 $0xFFFFD800  }
0x1a8: {  	s4 =	sshll.u32 s25, $0x6;
	[bflag:$0x0] =	sbarrier.arrive $0xFFFF  }
0x1a9: {  	s26 =	sshrl.u32 s10, $0x3;
	s17 =	sor.u32 $0x1C03, s4;
	s18 =	rddreg [dreg:$0x12]  }
0x1aa: {  	[hbm:s18], [sflag:s17] =	dma.local [spmem:s26], $0x2700  }
.Ltmp9:
0x1ab: {  	_ = 	snop;
	(pc) =	sbr.rel @p2 .LBB2_20-.Ltmp9, $4  }
.Ltmp10:
0x1ac: {  	_ = 	snop;
	(pc) =	sbr.rel @!p2 .LBB2_21-.Ltmp10, $4  }
0x1ad: {  	_ =	swait.ge [sflag:s24], $0x2700  }
0x1ae: {  	[sflag:s24] =	ssyncset.done $0x0  }
0x1af: {  	s18 =	rddreg [dreg:$0x5];
	[sflag:s24] =	ssyncadd.s32 $0xFFFFD900  }
0x1b0: {  	_ = 	snop  }
.LBB2_7:
0x1b1: {  	[tilespmem:s23], [sflag:$0x1] =	stream.indirect.gather [hbm4b:s5+s8], $0x80, s6, s8, $0xb8;
	[tilespmem:$0x18A80] =	vst v63  }
0x1b2: {  	s4 =	sadd.s32 $0xFFFFF650, s21  }
0x1b3: {  	s17 =	sadd.s32 $0x9BA, s4  }
0x1b4: {  	[tilespmem:s9], [sflag:$0x3] =	stream.linear.gather [hbm4b:s17+s2], $0x50, $0x38;
	[tilespmem:$0x18A80] =	vst v63  }
0x1b5: {  	_ =	swait.ge [sflag:s24], $0x50  }
0x1b6: {  	s25 =	sadd.s32 $0xFFFFF650, s20;
	[sflag:s24] =	ssyncset.done $0x0  }
0x1b7: {  	s18 =	sadd.s32 $0x9BA, s25;
	[sflag:s24] =	ssyncadd.s32 $0xFFFFFFB0  }
0x1b8: {  	[tilespmem:s11], [sflag:$0x3] =	stream.linear.gather [hbm4b:s18+s2], $0x50, $0x38;
	[tilespmem:$0x18A80] =	vst v63  }
0x1b9: {  	_ =	swait.ge [sflag:s24], $0x50  }
0x1ba: {  	[sflag:s24] =	ssyncset.done $0x0  }
0x1bb: {  	[sflag:s24] =	ssyncadd.s32 $0xFFFFFFB0  }
0x1bc: {  	[tilespmem:s12], [sflag:$0x2] =	stream.indirect.gather [hbm4b:s5+s8], $0x80, s9, s8, $0xb8;
	[tilespmem:$0x18A80] =	vst v63  }
0x1bd: {  	_ =	swait.ge [sflag:s14], $0x2800  }
0x1be: {  	[sflag:s14] =	ssyncset.done $0x0  }
0x1bf: {  	[sflag:s14] =	ssyncadd.s32 $0xFFFFD800  }
0x1c0: {  	[spmem:s1] =	stream.indirect.scatter.add.f32 [tilespmem:s23], [sflag:$0x3], $0x80, s7, s8, $0xb8;
	[tilespmem:$0x18A80] =	vst v63  }
0x1c1: {  	_ =	swait.ge [sflag:s24], $0x2800  }
0x1c2: {  	[sflag:s24] =	ssyncset.done $0x0  }
0x1c3: {  	s4 =	sadd.s32 $0x9C4, s4;
	[sflag:s24] =	ssyncadd.s32 $0xFFFFD800  }
0x1c4: {  	[tilespmem:s6], [sflag:$0x3] =	stream.linear.gather [hbm4b:s4+s2], $0x50, $0x38;
	[tilespmem:$0x18A80] =	vst v63  }
0x1c5: {  	_ =	swait.ge [sflag:s24], $0x50  }
0x1c6: {  	[sflag:s24] =	ssyncset.done $0x0  }
0x1c7: {  	s26 =	sadd.s32 $0x9C4, s25;
	[sflag:s24] =	ssyncadd.s32 $0xFFFFFFB0  }
0x1c8: {  	[tilespmem:s7], [sflag:$0x3] =	stream.linear.gather [hbm4b:s26+s2], $0x50, $0x38;
	[tilespmem:$0x18A80] =	vst v63  }
0x1c9: {  	_ =	swait.ge [sflag:s24], $0x50  }
0x1ca: {  	[sflag:s24] =	ssyncset.done $0x0  }
0x1cb: {  	[sflag:s24] =	ssyncadd.s32 $0xFFFFFFB0  }
0x1cc: {  	[tilespmem:s23], [sflag:$0x1] =	stream.indirect.gather [hbm4b:s5+s8], $0x80, s6, s8, $0xb8;
	[tilespmem:$0x18A80] =	vst v63  }
0x1cd: {  	_ =	swait.ge [sflag:s15], $0x2800  }
0x1ce: {  	[sflag:s15] =	ssyncset.done $0x0  }
0x1cf: {  	[sflag:s15] =	ssyncadd.s32 $0xFFFFD800  }
0x1d0: {  	[spmem:s1] =	stream.indirect.scatter.add.f32 [tilespmem:s12], [sflag:$0x3], $0x80, s11, s8, $0xb8;
	[tilespmem:$0x18A80] =	vst v63  }
0x1d1: {  	s19 =	sadd.s32 $0xFFFFF664, s21;
	_ =	swait.ge [sflag:s24], $0x2800  }
0x1d2: {  	s25 =	simm.s32 $0xFFFFF678;
	s17 =	simm.s32 $0xFFFFF664;
	[sflag:s24] =	ssyncset.done $0x0  }
.LBB2_8:
0x1d3: {  	s4 =	sadd.s32 $0x9BA, s19  }
0x1d4: {  	[sflag:s24] =	ssyncadd.s32 $0xFFFFD800;
	s26 =	smov.u32 s25;
	s18 =	sadd.s32 $0x14, s25  }
0x1d5: {  	[tilespmem:s9], [sflag:$0x3] =	stream.linear.gather [hbm4b:s4+s2], $0x50, $0x38;
	[tilespmem:$0x18A80] =	vst v63  }
0x1d6: {  	p3 =	sne.s32 s25, $0xFFFFFFEC;
	_ =	swait.ge [sflag:s24], $0x50  }
0x1d7: {  	s4 =	sadd.s32 s17, s20;
	s17 =	smov.u32 s26;
	[sflag:s24] =	ssyncset.done $0x0  }
0x1d8: {  	s25 =	sadd.s32 $0x9BA, s4;
	[sflag:s24] =	ssyncadd.s32 $0xFFFFFFB0  }
0x1d9: {  	[tilespmem:s11], [sflag:$0x3] =	stream.linear.gather [hbm4b:s25+s2], $0x50, $0x38;
	[tilespmem:$0x18A80] =	vst v63  }
0x1da: {  	_ =	swait.ge [sflag:s24], $0x50  }
0x1db: {  	[sflag:s24] =	ssyncset.done $0x0  }
0x1dc: {  	[sflag:s24] =	ssyncadd.s32 $0xFFFFFFB0  }
0x1dd: {  	[tilespmem:s12], [sflag:$0x2] =	stream.indirect.gather [hbm4b:s5+s8], $0x80, s9, s8, $0xb8;
	[tilespmem:$0x18A80] =	vst v63  }
0x1de: {  	_ =	swait.ge [sflag:s14], $0x2800  }
0x1df: {  	[sflag:s14] =	ssyncset.done $0x0  }
0x1e0: {  	[sflag:s14] =	ssyncadd.s32 $0xFFFFD800  }
0x1e1: {  	[spmem:s1] =	stream.indirect.scatter.add.f32 [tilespmem:s23], [sflag:$0x3], $0x80, s7, s8, $0xb8;
	[tilespmem:$0x18A80] =	vst v63  }
0x1e2: {  	_ =	swait.ge [sflag:s24], $0x2800  }
0x1e3: {  	[sflag:s24] =	ssyncset.done $0x0  }
0x1e4: {  	s19 =	sadd.s32 $0x9C4, s19;
	[sflag:s24] =	ssyncadd.s32 $0xFFFFD800  }
0x1e5: {  	[tilespmem:s6], [sflag:$0x3] =	stream.linear.gather [hbm4b:s19+s2], $0x50, $0x38;
	[tilespmem:$0x18A80] =	vst v63  }
0x1e6: {  	_ =	swait.ge [sflag:s24], $0x50  }
0x1e7: {  	[sflag:s24] =	ssyncset.done $0x0  }
0x1e8: {  	s4 =	sadd.s32 $0x9C4, s4;
	[sflag:s24] =	ssyncadd.s32 $0xFFFFFFB0  }
0x1e9: {  	[tilespmem:s7], [sflag:$0x3] =	stream.linear.gather [hbm4b:s4+s2], $0x50, $0x38;
	[tilespmem:$0x18A80] =	vst v63  }
0x1ea: {  	_ =	swait.ge [sflag:s24], $0x50  }
0x1eb: {  	[sflag:s24] =	ssyncset.done $0x0  }
0x1ec: {  	[sflag:s24] =	ssyncadd.s32 $0xFFFFFFB0  }
0x1ed: {  	[tilespmem:s23], [sflag:$0x1] =	stream.indirect.gather [hbm4b:s5+s8], $0x80, s6, s8, $0xb8;
	[tilespmem:$0x18A80] =	vst v63  }
0x1ee: {  	_ =	swait.ge [sflag:s15], $0x2800  }
.Ltmp11:
0x1ef: {  	[sflag:s15] =	ssyncset.done $0x0;
	(pc) =	sbr.rel @p3 .LBB2_8-.Ltmp11, $4  }
0x1f0: {  	[sflag:s15] =	ssyncadd.s32 $0xFFFFD800  }
0x1f1: {  	[spmem:s1] =	stream.indirect.scatter.add.f32 [tilespmem:s12], [sflag:$0x3], $0x80, s11, s8, $0xb8;
	[tilespmem:$0x18A80] =	vst v63  }
0x1f2: {  	_ =	swait.ge [sflag:s24], $0x2800  }
0x1f3: {  	s25 =	smov.u32 s18;
	s19 =	sadd.s32 s17, s21;
	[sflag:s24] =	ssyncset.done $0x0  }
0x1f4: {  	s4 =	sadd.s32 $0x9BA, s19;
	[sflag:s24] =	ssyncadd.s32 $0xFFFFD800  }
0x1f5: {  	[tilespmem:s9], [sflag:$0x3] =	stream.linear.gather [hbm4b:s4+s2], $0x50, $0x38;
	[tilespmem:$0x18A80] =	vst v63  }
0x1f6: {  	_ =	swait.ge [sflag:s24], $0x50  }
0x1f7: {  	s25 =	sadd.s32 s17, s20;
	[sflag:s24] =	ssyncset.done $0x0  }
0x1f8: {  	s17 =	sadd.s32 $0x9BA, s25;
	[sflag:s24] =	ssyncadd.s32 $0xFFFFFFB0  }
0x1f9: {  	[tilespmem:s11], [sflag:$0x3] =	stream.linear.gather [hbm4b:s17+s2], $0x50, $0x38;
	[tilespmem:$0x18A80] =	vst v63  }
0x1fa: {  	_ =	swait.ge [sflag:s24], $0x50  }
0x1fb: {  	[sflag:s24] =	ssyncset.done $0x0  }
0x1fc: {  	[sflag:s24] =	ssyncadd.s32 $0xFFFFFFB0  }
0x1fd: {  	[tilespmem:s12], [sflag:$0x2] =	stream.indirect.gather [hbm4b:s5+s8], $0x80, s9, s8, $0xb8;
	[tilespmem:$0x18A80] =	vst v63  }
0x1fe: {  	_ =	swait.ge [sflag:s14], $0x2800  }
0x1ff: {  	[sflag:s14] =	ssyncset.done $0x0  }
0x200: {  	[sflag:s14] =	ssyncadd.s32 $0xFFFFD800  }
0x201: {  	[spmem:s1] =	stream.indirect.scatter.add.f32 [tilespmem:s23], [sflag:$0x3], $0x80, s7, s8, $0xb8;
	[tilespmem:$0x18A80] =	vst v63  }
0x202: {  	_ =	swait.ge [sflag:s24], $0x2800  }
0x203: {  	[sflag:s24] =	ssyncset.done $0x0  }
0x204: {  	s26 =	sadd.s32 $0x9C4, s19;
	[sflag:s24] =	ssyncadd.s32 $0xFFFFD800  }
0x205: {  	[tilespmem:s6], [sflag:$0x3] =	stream.linear.gather [hbm4b:s26+s2], $0x50, $0x38;
	[tilespmem:$0x18A80] =	vst v63  }
0x206: {  	_ =	swait.ge [sflag:s24], $0x50  }
0x207: {  	[sflag:s24] =	ssyncset.done $0x0  }
0x208: {  	s4 =	sadd.s32 $0x9C4, s25;
	[sflag:s24] =	ssyncadd.s32 $0xFFFFFFB0  }
0x209: {  	[tilespmem:s7], [sflag:$0x3] =	stream.linear.gather [hbm4b:s4+s2], $0x50, $0x38;
	[tilespmem:$0x18A80] =	vst v63  }
0x20a: {  	_ =	swait.ge [sflag:s24], $0x50  }
0x20b: {  	[sflag:s24] =	ssyncset.done $0x0  }
0x20c: {  	[sflag:s24] =	ssyncadd.s32 $0xFFFFFFB0  }
0x20d: {  	[tilespmem:s23], [sflag:$0x1] =	stream.indirect.gather [hbm4b:s5+s8], $0x80, s6, s8, $0xb8;
	[tilespmem:$0x18A80] =	vst v63  }
0x20e: {  	_ =	swait.ge [sflag:s15], $0x2800  }
0x20f: {  	[sflag:s15] =	ssyncset.done $0x0  }
0x210: {  	[sflag:s15] =	ssyncadd.s32 $0xFFFFD800  }
0x211: {  	[spmem:s1] =	stream.indirect.scatter.add.f32 [tilespmem:s12], [sflag:$0x3], $0x80, s11, s8, $0xb8;
	[tilespmem:$0x18A80] =	vst v63  }
0x212: {  	_ =	swait.ge [sflag:s24], $0x2800  }
0x213: {  	[sflag:s24] =	ssyncset.done $0x0  }
0x214: {  	s18 =	rddreg [dreg:$0xc];
	[sflag:s24] =	ssyncadd.s32 $0xFFFFD800  }
0x215: {  	[tilespmem:s9], [sflag:$0x3] =	stream.linear.gather [hbm4b:s18+s2], $0x50, $0x38;
	[tilespmem:$0x18A80] =	vst v63  }
0x216: {  	_ =	swait.ge [sflag:s24], $0x50  }
0x217: {  	[sflag:s24] =	ssyncset.done $0x0  }
0x218: {  	s19 =	rddreg [dreg:$0xd];
	[sflag:s24] =	ssyncadd.s32 $0xFFFFFFB0  }
0x219: {  	[tilespmem:s11], [sflag:$0x3] =	stream.linear.gather [hbm4b:s19+s2], $0x50, $0x38;
	[tilespmem:$0x18A80] =	vst v63  }
0x21a: {  	_ =	swait.ge [sflag:s24], $0x50  }
0x21b: {  	[sflag:s24] =	ssyncset.done $0x0  }
0x21c: {  	[sflag:s24] =	ssyncadd.s32 $0xFFFFFFB0  }
0x21d: {  	[tilespmem:s12], [sflag:$0x2] =	stream.indirect.gather [hbm4b:s5+s8], $0x80, s9, s8, $0xb8;
	[tilespmem:$0x18A80] =	vst v63  }
0x21e: {  	_ =	swait.ge [sflag:s14], $0x2800  }
0x21f: {  	[sflag:s14] =	ssyncset.done $0x0  }
0x220: {  	[sflag:s14] =	ssyncadd.s32 $0xFFFFD800  }
0x221: {  	[spmem:s1] =	stream.indirect.scatter.add.f32 [tilespmem:s23], [sflag:$0x3], $0x80, s7, s8, $0xb8;
	[tilespmem:$0x18A80] =	vst v63  }
0x222: {  	_ =	swait.ge [sflag:s24], $0x2800  }
0x223: {  	[sflag:s24] =	ssyncset.done $0x0  }
0x224: {  	[sflag:s24] =	ssyncadd.s32 $0xFFFFD800  }
0x225: {  	_ =	swait.ge [sflag:s15], $0x2800  }
0x226: {  	[sflag:s15] =	ssyncset.done $0x0  }
0x227: {  	[sflag:s15] =	ssyncadd.s32 $0xFFFFD800  }
0x228: {  	[spmem:s1] =	stream.indirect.scatter.add.f32 [tilespmem:s12], [sflag:$0x3], $0x80, s11, s8, $0xb8;
	[tilespmem:$0x18A80] =	vst v63  }
0x229: {  	_ =	swait.ge [sflag:s24], $0x2800  }
0x22a: {  	[sflag:s24] =	ssyncset.done $0x0  }
0x22b: {  	s25 =	stileid.u32;
	[sflag:s24] =	ssyncadd.s32 $0xFFFFD800  }
0x22c: {  	s4 =	sshll.u32 s25, $0x6;
	[bflag:$0x0] =	sbarrier.arrive $0xFFFF  }
0x22d: {  	s26 =	sshrl.u32 s10, $0x3;
	s17 =	sor.u32 $0x1C03, s4;
	s18 =	rddreg [dreg:$0x9]  }
0x22e: {  	[hbm:s18], [sflag:s17] =	dma.local [spmem:s26], $0x2700  }
.Ltmp12:
0x22f: {  	_ = 	snop;
	(pc) =	sbr.rel @p1 .LBB2_11-.Ltmp12, $4  }
.Ltmp13:
0x230: {  	_ = 	snop;
	(pc) =	sbr.rel @!p1 .LBB2_10-.Ltmp13, $4  }
0x231: {  	_ =	swait.ge [sflag:s24], $0x2700  }
0x232: {  	[sflag:s24] =	ssyncset.done $0x0  }
0x233: {  	s18 =	rddreg [dreg:$0x4];
	[sflag:s24] =	ssyncadd.s32 $0xFFFFD900  }
0x234: {  	_ = 	snop  }
.LBB2_17:
0x235: {  	[tilespmem:s23], [sflag:$0x1] =	stream.indirect.gather [hbm4b:s5+s8], $0x80, s6, s8, $0xb8;
	[tilespmem:$0x18A80] =	vst v63  }
0x236: {  	s4 =	sadd.s32 $0xFFFFF650, s21  }
0x237: {  	s17 =	sadd.s32 $0xA5FA, s4  }
0x238: {  	[tilespmem:s9], [sflag:$0x3] =	stream.linear.gather [hbm4b:s17+s2], $0x50, $0x38;
	[tilespmem:$0x18A80] =	vst v63  }
0x239: {  	_ =	swait.ge [sflag:s24], $0x50  }
0x23a: {  	s25 =	sadd.s32 $0xFFFFF650, s20;
	[sflag:s24] =	ssyncset.done $0x0  }
0x23b: {  	s18 =	sadd.s32 $0xA5FA, s25;
	[sflag:s24] =	ssyncadd.s32 $0xFFFFFFB0  }
0x23c: {  	[tilespmem:s11], [sflag:$0x3] =	stream.linear.gather [hbm4b:s18+s2], $0x50, $0x38;
	[tilespmem:$0x18A80] =	vst v63  }
0x23d: {  	_ =	swait.ge [sflag:s24], $0x50  }
0x23e: {  	[sflag:s24] =	ssyncset.done $0x0  }
0x23f: {  	[sflag:s24] =	ssyncadd.s32 $0xFFFFFFB0  }
0x240: {  	[tilespmem:s12], [sflag:$0x2] =	stream.indirect.gather [hbm4b:s5+s8], $0x80, s9, s8, $0xb8;
	[tilespmem:$0x18A80] =	vst v63  }
0x241: {  	_ =	swait.ge [sflag:s14], $0x2800  }
0x242: {  	[sflag:s14] =	ssyncset.done $0x0  }
0x243: {  	[sflag:s14] =	ssyncadd.s32 $0xFFFFD800  }
0x244: {  	[spmem:s1] =	stream.indirect.scatter.add.f32 [tilespmem:s23], [sflag:$0x3], $0x80, s7, s8, $0xb8;
	[tilespmem:$0x18A80] =	vst v63  }
0x245: {  	_ =	swait.ge [sflag:s24], $0x2800  }
0x246: {  	[sflag:s24] =	ssyncset.done $0x0  }
0x247: {  	s4 =	sadd.s32 $0xA604, s4;
	[sflag:s24] =	ssyncadd.s32 $0xFFFFD800  }
0x248: {  	[tilespmem:s6], [sflag:$0x3] =	stream.linear.gather [hbm4b:s4+s2], $0x50, $0x38;
	[tilespmem:$0x18A80] =	vst v63  }
0x249: {  	_ =	swait.ge [sflag:s24], $0x50  }
0x24a: {  	[sflag:s24] =	ssyncset.done $0x0  }
0x24b: {  	s26 =	sadd.s32 $0xA604, s25;
	[sflag:s24] =	ssyncadd.s32 $0xFFFFFFB0  }
0x24c: {  	[tilespmem:s7], [sflag:$0x3] =	stream.linear.gather [hbm4b:s26+s2], $0x50, $0x38;
	[tilespmem:$0x18A80] =	vst v63  }
0x24d: {  	_ =	swait.ge [sflag:s24], $0x50  }
0x24e: {  	[sflag:s24] =	ssyncset.done $0x0  }
0x24f: {  	[sflag:s24] =	ssyncadd.s32 $0xFFFFFFB0  }
0x250: {  	[tilespmem:s23], [sflag:$0x1] =	stream.indirect.gather [hbm4b:s5+s8], $0x80, s6, s8, $0xb8;
	[tilespmem:$0x18A80] =	vst v63  }
0x251: {  	_ =	swait.ge [sflag:s15], $0x2800  }
0x252: {  	[sflag:s15] =	ssyncset.done $0x0  }
0x253: {  	[sflag:s15] =	ssyncadd.s32 $0xFFFFD800  }
0x254: {  	[spmem:s1] =	stream.indirect.scatter.add.f32 [tilespmem:s12], [sflag:$0x3], $0x80, s11, s8, $0xb8;
	[tilespmem:$0x18A80] =	vst v63  }
0x255: {  	s19 =	sadd.s32 $0xFFFFF664, s21;
	_ =	swait.ge [sflag:s24], $0x2800  }
0x256: {  	s25 =	simm.s32 $0xFFFFF678;
	s17 =	simm.s32 $0xFFFFF664;
	[sflag:s24] =	ssyncset.done $0x0  }
.LBB2_18:
0x257: {  	s4 =	sadd.s32 $0xA5FA, s19  }
0x258: {  	[sflag:s24] =	ssyncadd.s32 $0xFFFFD800;
	s26 =	smov.u32 s25;
	s18 =	sadd.s32 $0x14, s25  }
0x259: {  	[tilespmem:s9], [sflag:$0x3] =	stream.linear.gather [hbm4b:s4+s2], $0x50, $0x38;
	[tilespmem:$0x18A80] =	vst v63  }
0x25a: {  	p3 =	sne.s32 s25, $0xFFFFFFEC;
	_ =	swait.ge [sflag:s24], $0x50  }
0x25b: {  	s4 =	sadd.s32 s17, s20;
	s17 =	smov.u32 s26;
	[sflag:s24] =	ssyncset.done $0x0  }
0x25c: {  	s25 =	sadd.s32 $0xA5FA, s4;
	[sflag:s24] =	ssyncadd.s32 $0xFFFFFFB0  }
0x25d: {  	[tilespmem:s11], [sflag:$0x3] =	stream.linear.gather [hbm4b:s25+s2], $0x50, $0x38;
	[tilespmem:$0x18A80] =	vst v63  }
0x25e: {  	_ =	swait.ge [sflag:s24], $0x50  }
0x25f: {  	[sflag:s24] =	ssyncset.done $0x0  }
0x260: {  	[sflag:s24] =	ssyncadd.s32 $0xFFFFFFB0  }
0x261: {  	[tilespmem:s12], [sflag:$0x2] =	stream.indirect.gather [hbm4b:s5+s8], $0x80, s9, s8, $0xb8;
	[tilespmem:$0x18A80] =	vst v63  }
0x262: {  	_ =	swait.ge [sflag:s14], $0x2800  }
0x263: {  	[sflag:s14] =	ssyncset.done $0x0  }
0x264: {  	[sflag:s14] =	ssyncadd.s32 $0xFFFFD800  }
0x265: {  	[spmem:s1] =	stream.indirect.scatter.add.f32 [tilespmem:s23], [sflag:$0x3], $0x80, s7, s8, $0xb8;
	[tilespmem:$0x18A80] =	vst v63  }
0x266: {  	_ =	swait.ge [sflag:s24], $0x2800  }
0x267: {  	[sflag:s24] =	ssyncset.done $0x0  }
0x268: {  	s19 =	sadd.s32 $0xA604, s19;
	[sflag:s24] =	ssyncadd.s32 $0xFFFFD800  }
0x269: {  	[tilespmem:s6], [sflag:$0x3] =	stream.linear.gather [hbm4b:s19+s2], $0x50, $0x38;
	[tilespmem:$0x18A80] =	vst v63  }
0x26a: {  	_ =	swait.ge [sflag:s24], $0x50  }
0x26b: {  	[sflag:s24] =	ssyncset.done $0x0  }
0x26c: {  	s4 =	sadd.s32 $0xA604, s4;
	[sflag:s24] =	ssyncadd.s32 $0xFFFFFFB0  }
0x26d: {  	[tilespmem:s7], [sflag:$0x3] =	stream.linear.gather [hbm4b:s4+s2], $0x50, $0x38;
	[tilespmem:$0x18A80] =	vst v63  }
0x26e: {  	_ =	swait.ge [sflag:s24], $0x50  }
0x26f: {  	[sflag:s24] =	ssyncset.done $0x0  }
0x270: {  	[sflag:s24] =	ssyncadd.s32 $0xFFFFFFB0  }
0x271: {  	[tilespmem:s23], [sflag:$0x1] =	stream.indirect.gather [hbm4b:s5+s8], $0x80, s6, s8, $0xb8;
	[tilespmem:$0x18A80] =	vst v63  }
0x272: {  	_ =	swait.ge [sflag:s15], $0x2800  }
.Ltmp14:
0x273: {  	[sflag:s15] =	ssyncset.done $0x0;
	(pc) =	sbr.rel @p3 .LBB2_18-.Ltmp14, $4  }
0x274: {  	[sflag:s15] =	ssyncadd.s32 $0xFFFFD800  }
0x275: {  	[spmem:s1] =	stream.indirect.scatter.add.f32 [tilespmem:s12], [sflag:$0x3], $0x80, s11, s8, $0xb8;
	[tilespmem:$0x18A80] =	vst v63  }
0x276: {  	_ =	swait.ge [sflag:s24], $0x2800  }
0x277: {  	s25 =	smov.u32 s18;
	s19 =	sadd.s32 s17, s21;
	[sflag:s24] =	ssyncset.done $0x0  }
0x278: {  	s4 =	sadd.s32 $0xA5FA, s19;
	[sflag:s24] =	ssyncadd.s32 $0xFFFFD800  }
0x279: {  	[tilespmem:s9], [sflag:$0x3] =	stream.linear.gather [hbm4b:s4+s2], $0x50, $0x38;
	[tilespmem:$0x18A80] =	vst v63  }
0x27a: {  	_ =	swait.ge [sflag:s24], $0x50  }
0x27b: {  	s25 =	sadd.s32 s17, s20;
	[sflag:s24] =	ssyncset.done $0x0  }
0x27c: {  	s17 =	sadd.s32 $0xA5FA, s25;
	[sflag:s24] =	ssyncadd.s32 $0xFFFFFFB0  }
0x27d: {  	[tilespmem:s11], [sflag:$0x3] =	stream.linear.gather [hbm4b:s17+s2], $0x50, $0x38;
	[tilespmem:$0x18A80] =	vst v63  }
0x27e: {  	_ =	swait.ge [sflag:s24], $0x50  }
0x27f: {  	[sflag:s24] =	ssyncset.done $0x0  }
0x280: {  	[sflag:s24] =	ssyncadd.s32 $0xFFFFFFB0  }
0x281: {  	[tilespmem:s12], [sflag:$0x2] =	stream.indirect.gather [hbm4b:s5+s8], $0x80, s9, s8, $0xb8;
	[tilespmem:$0x18A80] =	vst v63  }
0x282: {  	_ =	swait.ge [sflag:s14], $0x2800  }
0x283: {  	[sflag:s14] =	ssyncset.done $0x0  }
0x284: {  	[sflag:s14] =	ssyncadd.s32 $0xFFFFD800  }
0x285: {  	[spmem:s1] =	stream.indirect.scatter.add.f32 [tilespmem:s23], [sflag:$0x3], $0x80, s7, s8, $0xb8;
	[tilespmem:$0x18A80] =	vst v63  }
0x286: {  	_ =	swait.ge [sflag:s24], $0x2800  }
0x287: {  	[sflag:s24] =	ssyncset.done $0x0  }
0x288: {  	s26 =	sadd.s32 $0xA604, s19;
	[sflag:s24] =	ssyncadd.s32 $0xFFFFD800  }
0x289: {  	[tilespmem:s6], [sflag:$0x3] =	stream.linear.gather [hbm4b:s26+s2], $0x50, $0x38;
	[tilespmem:$0x18A80] =	vst v63  }
0x28a: {  	_ =	swait.ge [sflag:s24], $0x50  }
0x28b: {  	[sflag:s24] =	ssyncset.done $0x0  }
0x28c: {  	s4 =	sadd.s32 $0xA604, s25;
	[sflag:s24] =	ssyncadd.s32 $0xFFFFFFB0  }
0x28d: {  	[tilespmem:s7], [sflag:$0x3] =	stream.linear.gather [hbm4b:s4+s2], $0x50, $0x38;
	[tilespmem:$0x18A80] =	vst v63  }
0x28e: {  	_ =	swait.ge [sflag:s24], $0x50  }
0x28f: {  	[sflag:s24] =	ssyncset.done $0x0  }
0x290: {  	[sflag:s24] =	ssyncadd.s32 $0xFFFFFFB0  }
0x291: {  	[tilespmem:s23], [sflag:$0x1] =	stream.indirect.gather [hbm4b:s5+s8], $0x80, s6, s8, $0xb8;
	[tilespmem:$0x18A80] =	vst v63  }
0x292: {  	_ =	swait.ge [sflag:s15], $0x2800  }
0x293: {  	[sflag:s15] =	ssyncset.done $0x0  }
0x294: {  	[sflag:s15] =	ssyncadd.s32 $0xFFFFD800  }
0x295: {  	[spmem:s1] =	stream.indirect.scatter.add.f32 [tilespmem:s12], [sflag:$0x3], $0x80, s11, s8, $0xb8;
	[tilespmem:$0x18A80] =	vst v63  }
0x296: {  	_ =	swait.ge [sflag:s24], $0x2800  }
0x297: {  	[sflag:s24] =	ssyncset.done $0x0  }
0x298: {  	s18 =	rddreg [dreg:$0xe];
	[sflag:s24] =	ssyncadd.s32 $0xFFFFD800  }
0x299: {  	[tilespmem:s9], [sflag:$0x3] =	stream.linear.gather [hbm4b:s18+s2], $0x50, $0x38;
	[tilespmem:$0x18A80] =	vst v63  }
0x29a: {  	_ =	swait.ge [sflag:s24], $0x50  }
0x29b: {  	[sflag:s24] =	ssyncset.done $0x0  }
0x29c: {  	s19 =	rddreg [dreg:$0xf];
	[sflag:s24] =	ssyncadd.s32 $0xFFFFFFB0  }
0x29d: {  	[tilespmem:s11], [sflag:$0x3] =	stream.linear.gather [hbm4b:s19+s2], $0x50, $0x38;
	[tilespmem:$0x18A80] =	vst v63  }
0x29e: {  	_ =	swait.ge [sflag:s24], $0x50  }
0x29f: {  	[sflag:s24] =	ssyncset.done $0x0  }
0x2a0: {  	[sflag:s24] =	ssyncadd.s32 $0xFFFFFFB0  }
0x2a1: {  	[tilespmem:s12], [sflag:$0x2] =	stream.indirect.gather [hbm4b:s5+s8], $0x80, s9, s8, $0xb8;
	[tilespmem:$0x18A80] =	vst v63  }
0x2a2: {  	_ =	swait.ge [sflag:s14], $0x2800  }
0x2a3: {  	[sflag:s14] =	ssyncset.done $0x0  }
0x2a4: {  	[sflag:s14] =	ssyncadd.s32 $0xFFFFD800  }
0x2a5: {  	[spmem:s1] =	stream.indirect.scatter.add.f32 [tilespmem:s23], [sflag:$0x3], $0x80, s7, s8, $0xb8;
	[tilespmem:$0x18A80] =	vst v63  }
0x2a6: {  	_ =	swait.ge [sflag:s24], $0x2800  }
0x2a7: {  	[sflag:s24] =	ssyncset.done $0x0  }
0x2a8: {  	[sflag:s24] =	ssyncadd.s32 $0xFFFFD800  }
0x2a9: {  	_ =	swait.ge [sflag:s15], $0x2800  }
0x2aa: {  	[sflag:s15] =	ssyncset.done $0x0  }
0x2ab: {  	[sflag:s15] =	ssyncadd.s32 $0xFFFFD800  }
0x2ac: {  	[spmem:s1] =	stream.indirect.scatter.add.f32 [tilespmem:s12], [sflag:$0x3], $0x80, s11, s8, $0xb8;
	[tilespmem:$0x18A80] =	vst v63  }
0x2ad: {  	_ =	swait.ge [sflag:s24], $0x2800  }
0x2ae: {  	[sflag:s24] =	ssyncset.done $0x0  }
0x2af: {  	s25 =	stileid.u32;
	[sflag:s24] =	ssyncadd.s32 $0xFFFFD800  }
0x2b0: {  	s4 =	sshll.u32 s25, $0x6;
	[bflag:$0x0] =	sbarrier.arrive $0xFFFF  }
0x2b1: {  	s26 =	sshrl.u32 s10, $0x3;
	s17 =	sor.u32 $0x1C03, s4;
	s18 =	rddreg [dreg:$0x11]  }
0x2b2: {  	[hbm:s18], [sflag:s17] =	dma.local [spmem:s26], $0x2700  }
.Ltmp15:
0x2b3: {  	_ = 	snop;
	(pc) =	sbr.rel @p1 .LBB2_21-.Ltmp15, $4  }
.Ltmp16:
0x2b4: {  	_ = 	snop;
	(pc) =	sbr.rel @!p1 .LBB2_20-.Ltmp16, $4  }
0x2b5: {  	_ =	swait.ge [sflag:s24], $0x2700  }
0x2b6: {  	[sflag:s24] =	ssyncset.done $0x0  }
0x2b7: {  	s18 =	rddreg [dreg:$0x6];
	[sflag:s24] =	ssyncadd.s32 $0xFFFFD900  }
0x2b8: {  	_ = 	snop  }
.LBB2_22:
0x2b9: {  	_ =	sfence.sel $0x180000  }
0x2ba: {  	[bflag:$0x0] =	sbarrier.arrive $0xFFFF  }
0x2bb: {  	_ =	strace $0x9000004A  }
0x2bc: {  	s0 =	stileid.u32;
	[bflag:$0x2] =	sbarrier.arrive $0xFFFF  }
0x2bd: {  	p0 =	sne.s32 s0, $0x0;
	s0 =	rddreg [dreg:$0x2]  }
0x2be: {  	s0 =	sadd.s32 @!p0 $0x100000, s0  }
0x2bf: {  	[sflag:s0] =	ssyncadd.tile.s32 @!p0 $0x1;
	_ =	shalt  }
.Lfunc_end2:
_tile_overlayer_lowered:
.L_overlay_start_2:
0x2c0: {  	(tag) =	ssettag $0x2  }
0x2c1: {  	s0 =	rddreg [dreg:$0x0];
	s2 =	stileid.u32  }
0x2c2: {  	s1 =	rddreg [dreg:$0x1];
	p0 =	sne.s32 s2, $0x0  }
0x2c3: {  	s3 =	rddreg [dreg:$0x2];
	[bflag:$0x3] =	sbarrier.arrive $0xFFFF;
	s2 =	simm.s32 @!p0 $0x1C03  }
0x2c4: {  	[timem:s3], [sflag:s2] =	dma.local @!p0 [hbm:s0], s1  }
0x2c5: {  	s0 =	simm.s32 @!p0 $0x3  }
0x2c6: {  	_ =	swait.ge @!p0 [sflag:s0], s1  }
0x2c7: {  	s1 =	ssub.s32 @!p0 $0x0, s1;
	[sflag:s0] =	ssyncset.done @!p0 $0x0  }
0x2c8: {  	[sflag:s0] =	ssyncadd.s32 @!p0 s1  }
0x2c9: {  	[bflag:$0x3] =	sbarrier.arrive $0xFFFF  }
0x2ca: {  	_ =	shalt  }

// kernel: kernel.14.cloned.1.call-start
scs
__scs_entry_jumppad:
0x0: {  	(pc) =	sbr.rel $0x88, $3  }
0x1: {  	(tag) =	ssettag $0x0;
	lr =	simm.s32 $0x1  }
0x2: {  	[smem:$0x3F80] =	sst lr;
	_ =	strace $0xD0000000  }
0x3: {  	_ = 	snop  }
0x4: {  	_ = 	snop  }
0x5: {  	_ = 	snop  }
0x6: {  	_ = 	snop  }
0x7: {  	_ = 	snop  }
__scs_overlays_trampoline_lowered:
0x8: {  	[smem:$0x3F8F] =	sst s0  }
0x9: {  	[smem:$0x3F90] =	sst s1  }
0xa: {  	[smem:$0x3F91] =	sst s2  }
0xb: {  	[smem:$0x3F92] =	sst s3  }
0xc: {  	[smem:$0x3F93] =	sst s4  }
0xd: {  	[smem:$0x3F94] =	sst s5  }
0xe: {  	[smem:$0x3F95] =	sst s6  }
0xf: {  	[smem:$0x3F96] =	sst s7  }
0x10: {  	[smem:$0x3F97] =	sst s8  }
0x11: {  	[smem:$0x3F98] =	sst s9;
	s0 =	simm.s32 @!p0 $0x0  }
0x12: {  	s1 =	sld [smem:$0x3F7E];
	s0 =	simm.s32 @p0 $0x1  }
0x13: {  	[smem:$0x3F99] =	sst s0;
	s0 =	simm.s32 @!p1 $0x0  }
0x14: {  	s2 =	sld [smem:$0x3F7D];
	s0 =	simm.s32 @p1 $0x1  }
0x15: {  	[smem:$0x3F9A] =	sst s0;
	s0 =	simm.s32 @!p2 $0x0  }
0x16: {  	s3 =	sld [smem:$0x3FDB];
	s0 =	simm.s32 @p2 $0x1  }
0x17: {  	s4 =	simm.s32 $0x1BF5;
	[smem:$0x3F9C] =	sst s0  }
0x18: {  	s0 =	sld [smem:$0x3F7F];
	_ =	swait.ge [sflag:s4], $0x0  }
0x19: {  	s7 =	sld [smem:$0x3F80]  }
0x1a: {  	s8 =	sadd.s32 $0xFFFFE003, lr  }
0x1b: {  	s9 =	sadd.s32 $0xFFFFFEF7, lr;
	s5 =	simm.s32 $0xFFFFFFFF;
	p2 =	slt.u32 s8, $0xFFFFF086  }
0x1c: {  	p1 =	slt.u32 s9, $0xF7A;
	s5 =	simm.s32 @!p2 $0x0  }
0x1d: {  	s5 =	simm.s32 @p1 $0x1;
	p0 =	seq.s32 s7, s2  }
0x1e: {  	s7 =	smul.u32 @!p0 $0xF7A, s2;
	p2 =	seq.s32 @!p0 s5, $0x0  }
0x1f: {  	s9 =	smul.u32 $0xF7A, s1;
	s8 =	simm.s32 @!p0 $0x1BF5;
	p2 =	por !p2, p0  }
0x20: {  	[sflag:s8] =	ssyncset.s32 @!p0 $0xFFFFF086;
	s6 =	sadd.s32 @!p0 s3, s7;
	s7 =	simm.s32 @!p0 $0x108  }
0x21: {  	s3 =	sadd.s32 s3, s9;
	s6 =	sadd.s32 @!p0 $0x88, s6;
	s7 =	simm.s32 @p2 $0x1082  }
0x22: {  	[simem:s7], [sflag:s8] =	dma.local @!p0 [hbm:s6], $0xF7A  }
0x23: {  	s9 =	sor.u32 $0xD0000000, s2;
	s6 =	simm.s32 $0x108;
	_ =	swait.ge @!p0 [sflag:s8], $0x0  }
0x24: {  	s3 =	sadd.s32 $0x88, s3;
	s6 =	simm.s32 @!p1 $0x1082;
	[sflag:s4] =	ssyncset.s32 $0xFFFFF086  }
0x25: {  	[simem:s6], [sflag:s4] =	dma.local [hbm:s3], $0xF7A  }
0x26: {  	[smem:$0x3F80] =	sst s1;
	(tag) =	ssettag s2;
	_ =	strace s9  }
0x27: {  	s1 =	sld [smem:$0x3F90]  }
0x28: {  	s2 =	sld [smem:$0x3F91]  }
0x29: {  	s4 =	sld [smem:$0x3F93]  }
0x2a: {  	p0 =	seq.s32 s5, $0x0;
	s5 =	sld [smem:$0x3F94]  }
0x2b: {  	s6 =	sld [smem:$0x3F95]  }
0x2c: {  	s7 =	sld [smem:$0x3F96]  }
0x2d: {  	s3 =	simm.s32 $0x108;
	s8 =	sld [smem:$0x3F97]  }
0x2e: {  	s3 =	simm.s32 @!p0 $0x1082;
	s9 =	sld [smem:$0x3F98]  }
0x2f: {  	lr =	sadd.s32 s0, s3;
	s0 =	sld [smem:$0x3F8F]  }
0x30: {  	s3 =	sld [smem:$0x3F92]  }
0x31: {  	[smem:$0x3F9B] =	sst s10  }
0x32: {  	s10 =	sld [smem:$0x3F99];
	_ =	sdelay $0x3  }
0x33: {  	p0 =	seq.s32 s10, $0x1;
	s10 =	sld [smem:$0x3F9B];
	_ =	sdelay $0x3  }
0x34: {  	[smem:$0x3F9B] =	sst s10  }
0x35: {  	s10 =	sld [smem:$0x3F9A];
	_ =	sdelay $0x3  }
0x36: {  	p1 =	seq.s32 s10, $0x1;
	s10 =	sld [smem:$0x3F9B];
	_ =	sdelay $0x3  }
0x37: {  	[smem:$0x3F9B] =	sst s10  }
0x38: {  	s10 =	sld [smem:$0x3F9C]  }
0x39: {  	_ = 	snop;
	(pc) =	sbr.ind lr, $3  }
0x3a: {  	_ = 	snop  }
0x3b: {  	_ = 	snop  }
0x3c: {  	p2 =	seq.s32 s10, $0x1;
	s10 =	sld [smem:$0x3F9B]  }
0x3d: {  	_ =	shalt  }
0x3e: {  	_ =	shalt  }
0x3f: {  	_ =	shalt  }
0x40: {  	_ =	shalt  }
0x41: {  	_ =	shalt  }
0x42: {  	_ =	shalt  }
0x43: {  	_ =	shalt  }
0x44: {  	_ =	shalt  }
0x45: {  	_ =	shalt  }
0x46: {  	_ =	shalt  }
0x47: {  	_ =	shalt  }
0x48: {  	_ =	shalt  }
0x49: {  	_ =	shalt  }
0x4a: {  	_ =	shalt  }
0x4b: {  	_ =	shalt  }
0x4c: {  	_ =	shalt  }
0x4d: {  	_ =	shalt  }
0x4e: {  	_ =	shalt  }
0x4f: {  	_ =	shalt  }
0x50: {  	_ =	shalt  }
0x51: {  	_ =	shalt  }
0x52: {  	_ =	shalt  }
0x53: {  	_ =	shalt  }
0x54: {  	_ =	shalt  }
0x55: {  	_ =	shalt  }
0x56: {  	_ =	shalt  }
0x57: {  	_ =	shalt  }
0x58: {  	_ =	shalt  }
0x59: {  	_ =	shalt  }
0x5a: {  	_ =	shalt  }
0x5b: {  	_ =	shalt  }
0x5c: {  	_ =	shalt  }
0x5d: {  	_ =	shalt  }
0x5e: {  	_ =	shalt  }
0x5f: {  	_ =	shalt  }
0x60: {  	_ =	shalt  }
0x61: {  	_ =	shalt  }
0x62: {  	_ =	shalt  }
0x63: {  	_ =	shalt  }
0x64: {  	_ =	shalt  }
0x65: {  	_ =	shalt  }
0x66: {  	_ =	shalt  }
0x67: {  	_ =	shalt  }
0x68: {  	_ =	shalt  }
0x69: {  	_ =	shalt  }
0x6a: {  	_ =	shalt  }
0x6b: {  	_ =	shalt  }
0x6c: {  	_ =	shalt  }
0x6d: {  	_ =	shalt  }
0x6e: {  	_ =	shalt  }
0x6f: {  	_ =	shalt  }
0x70: {  	_ =	shalt  }
0x71: {  	_ =	shalt  }
0x72: {  	_ =	shalt  }
0x73: {  	_ =	shalt  }
0x74: {  	_ =	shalt  }
0x75: {  	_ =	shalt  }
0x76: {  	_ =	shalt  }
0x77: {  	_ =	shalt  }
0x78: {  	_ =	shalt  }
0x79: {  	_ =	shalt  }
0x7a: {  	_ =	shalt  }
0x7b: {  	_ =	shalt  }
0x7c: {  	_ =	shalt  }
0x7d: {  	_ =	shalt  }
0x7e: {  	_ =	shalt  }
0x7f: {  	_ =	shalt  }
0x80: {  	_ =	shalt  }
0x81: {  	_ =	shalt  }
0x82: {  	_ =	shalt  }
0x83: {  	_ =	shalt  }
0x84: {  	_ =	shalt  }
0x85: {  	_ =	shalt  }
0x86: {  	_ =	shalt  }
0x87: {  	_ =	shalt  }
.Lfunc_end0:
.L_simem_size_0:
called_computation.2_lowered:
.L_overlay_start_0:
0x88: {  	s2 =	sld [smem:$0x3FD9]  }
0x89: {  	s3 =	sld [smem:$0x3FFE];
	_ =	sdelay $0x1  }
0x8a: {  	s1 =	srdreg.scid  }
0x8b: {  	s0 =	sand.u32 $0x1, s1  }
0x8c: {  	s16 =	sshll.u32 s0, $0xA;
	s2 =	sadd.s32 s3, s2  }
0x8d: {  	s2 =	sadd.s32 s2, s16  }
0x8e: {  	[smem:$0x3FA7] =	sst s2  }
0x8f: {  	_ = 	snop  }
0x90: {  	(tm) =	ssettm $0x1  }
0x91: {  	s17 =	sld [smem:$0x3FFB];
	_ =	sdelay $0x3  }
0x92: {  	_ =	strace s17  }
0x93: {  	s2 =	sld [smem:$0x3FFC];
	_ =	sdelay $0x3  }
0x94: {  	_ =	strace s2  }
0x95: {  	s2 =	sld [smem:$0x3FFD];
	_ =	sdelay $0x3  }
0x96: {  	_ =	strace s2  }
0x97: {  	_ =	strace $0x8FFFFFFF  }
0x98: {  	s18 =	sld [smem:$0x3FDB];
	_ =	sdelay $0x1  }
0x99: {  	s19 =	simm.s32 $_scs_section_size  }
0x9a: {  	s4 =	simm.s32 $_size__tile_overlayer_lowered;
	s5 =	simm.s32 $_tile_overlayer_lowered  }
0x9b: {  	s22 =	simm.s32 $0x1BFF;
	s21 =	sshll.u32 s5, $0x1;
	s2 =	sadd.s32 s19, s18  }
0x9c: {  	s6 =	simm.s32 $0x0;
	s20 =	sshll.u32 s4, $0x1;
	s4 =	sadd.s32 s21, s2  }
0x9d: {  	[timem:s6], [sflag:s22] =	dma.local [hbm:s4], s20  }
0x9e: {  	_ =	swait.ge [sflag:s22], s20  }
0x9f: {  	s3 =	ssub.s32 $0x0, s20;
	[sflag:s22] =	ssyncset.done $0x0  }
0xa0: {  	[sflag:s22] =	ssyncadd.s32 s3;
	_ =	sdelay $0x1  }
0xa1: {  	s23 =	simm.s32 $0x1B8B  }
0xa2: {  	_ =	swait.ge [sflag:s23], $0x1  }
0xa3: {  	[sflag:s23] =	ssyncset.done $0x0  }
0xa4: {  	s25 =	simm.s32 $0x1B8E;
	s24 =	sld [smem:$0x3FFE];
	[sflag:s23] =	ssyncadd.s32 $0xFFFFFFFF  }
0xa5: {  	s26 =	simm.s32 $execute0_lowered;
	[smem:$0x3FD2] =	sst s25  }
0xa6: {  	s4 =	sshll.u32 s26, $0x1;
	_ =	strace $0x8000004C;
	[dreg:$0x1] =	wrdreg $0xFFFFFFFF  }
0xa7: {  	s28 =	simm.s32 $_size_execute0_lowered;
	s2 =	sadd.s32 s2, s4;
	[dreg:$0x0] =	wrdreg $0x0  }
0xa8: {  	s4 =	sshll.u32 s28, $0x1;
	[dreg:$0x2] =	wrdreg s2  }
0xa9: {  	[dreg:$0x3] =	wrdreg s4  }
0xaa: {  	[dreg:$0x4] =	wrdreg $0xC0  }
0xab: {  	_ =	task [dreg:s6], $0x5FFFF  }
0xac: {  	[dreg:$0x1] =	wrdreg $0xFFFFFFFF  }
0xad: {  	[dreg:$0x0] =	wrdreg $0x60  }
0xae: {  	[dreg:$0x2] =	wrdreg s24  }
0xaf: {  	[dreg:$0x3] =	wrdreg $0x0  }
0xb0: {  	[dreg:$0x4] =	wrdreg $0x9  }
0xb1: {  	_ =	task.clear_ibuf [dreg:s6], $0x5FFFF;
	_ =	strace $0x9000004C  }
0xb2: {  	s29 =	simm.s32 $0x9;
	_ =	strace $0x8000004E  }
0xb3: {  	_ =	swait.ge [sflag:s29], $0x1  }
0xb4: {  	[sflag:s29] =	ssyncadd.s32 $0xFFFFFFFF  }
0xb5: {  	_ =	strace $0x9000004E  }
0xb6: {  	_ =	sfence  }
0xb7: {  	s30 =	sld [smem:$0x0];
	_ =	sdelay $0x2  }
0xb8: {  	s31 =	sshll.u32 s1, $0xD;
	s1 =	sshrl.u32 s1, $0x2  }
0xb9: {  	s3 =	sand.u32 $0x4000, s31;
	s1 =	sadd.s32 s1, s30  }
0xba: {  	s0 =	sor.u32 s3, s0;
	s1 =	sshll.u32 s1, $0x11  }
0xbb: {  	s0 =	sor.u32 s1, s0  }
0xbc: {  	s0 =	sadd.s32 $0x8F2B, s0  }
0xbd: {  	[sflag:s0] =	ssyncadd.remote.s32 $0x1  }
0xbe: {  	_ =	sfence.sel $0xFFFF  }
0xbf: {  	[dreg:$0x0] =	wrdreg $0xFFFFFFFF;
	(pc) =	sbr.abs _section_cstart, $3  }
0xc0: {  	[dreg:$0x1] =	wrdreg $0xFFFFFFFF  }
0xc1: {  	_ =	task.clear_ibuf [dreg:s6], $0x2FFFF;
	_ =	strace $0x9FFFFFFF  }
0xc2: {  	(tm) =	ssettm $0x7FFFFFFF  }
0xc3: {  	_ =	shalt  }
tec
execute0_lowered:
.L_overlay_start_1:
0x0: {  	(tag) =	ssettag $0x1  }
0x1: {  	s0 =	rddreg [dreg:$0x0]  }
0x2: {  	s1 =	rddreg [dreg:$0x1];
	s2 =	simm.s32 $0x0;
	s3 =	srdreg.scid  }
0x3: {  	s11 =	stileid.u32;
	s28 =	simm.s32 $0x3;
	s29 =	simm.s32 $0x13880  }
0x4: {  	s30 =	simm.s32 $0x13900;
	s31 =	simm.s32 $0x50;
	[smem:$0x7FF] =	sst s2  }
0x5: {  	s4 =	sadd.s32 $0x1A400, s0;
	s5 =	sadd.s32 $0x10600, s0;
	s7 =	smul.u32 $0x4E000, s11  }
0x6: {  	s3 =	sand.u32 $0x1, s3;
	s6 =	sadd.s32 $0x6800, s0;
	s18 =	smul.u32 $0x2710, s11  }
0x7: {  	s12 =	sadd.s32 $0x41600, s0;
	s13 =	sadd.s32 $0x68800, s0;
	s22 =	smul.u32 $0x2700, s11  }
0x8: {  	p1 =	sne.s32 s11, $0xF;
	p2 =	seq.s32 s11, $0xF;
	_ =	strace $0x8000004D  }
0x9: {  	s8 =	ssub.s32 $0x2, s3;
	s15 =	smul.u32 $0x27100, s3;
	[dreg:$0x3] =	wrdreg s12  }
0xa: {  	p0 =	seq.s32 s3, $0x1;
	[dreg:$0x4] =	wrdreg s13;
	s3 =	simm.s32 $0x0  }
0xb: {  	s14 =	sshrl.u32 s8, $0x1;
	s7 =	sshrl.u32 s7, $0x2;
	s23 =	sadd.s32 s12, s22  }
0xc: {  	s24 =	sadd.s32 s13, s22;
	s0 =	ssub.s32 s8, s14;
	[dreg:$0xb] =	wrdreg s23  }
0xd: {  	s9 =	sadd.s32 s7, s1;
	s7 =	sadd.s32 s18, s15;
	[dreg:$0xc] =	wrdreg s24  }
0xe: {  	s16 =	sadd.s32 $0x2800, s9;
	s17 =	sadd.s32 $0x5000, s9;
	s10 =	sadd.s32 $0x7800, s9  }
0xf: {  	s19 =	sadd.s32 $0xA000, s9;
	s20 =	sadd.s32 $0xC800, s9;
	[dreg:$0x5] =	wrdreg s16  }
0x10: {  	s21 =	sadd.s32 $0xF000, s9;
	s8 =	sshrl.u32 s7, $0x3;
	[dreg:$0x6] =	wrdreg s17  }
0x11: {  	s25 =	sadd.s32 $0x50, s7;
	s22 =	smax.u32 s0, $0x1;
	[dreg:$0x7] =	wrdreg s10  }
0x12: {  	s23 =	sadd.s32 $0xA0, s7;
	s0 =	simm.s32 $0x13980;
	[dreg:$0x8] =	wrdreg s19  }
.Ltmp0:
0x13: {  	s7 =	simm.s32 $0x13A00;
	[dreg:$0x9] =	wrdreg s20;
	(pc) =	sbr.rel .LBB2_1-.Ltmp0, $4  }
0x14: {  	[dreg:$0xa] =	wrdreg s21;
	s16 =	sadd.s32 $0x11800, s9;
	s17 =	sadd.s32 $0x138000, s1  }
0x15: {  	s18 =	sadd.s32 s5, s8;
	s19 =	sadd.s32 s6, s8;
	s26 =	sshrl.u32 s25, $0x3  }
0x16: {  	s20 =	simm.s32 $0x16280;
	s21 =	simm.s32 $0x1;
	s8 =	simm.s32 $0x2  }
0x17: {  	v0 =	vimm.f32 $0.0e+00;
	s24 =	sadd.s32 s26, s6;
	s25 =	sadd.s32 s26, s5;
	s26 =	simm.s32 $0x13A80  }
.LBB2_8:
0x18: {  	s11 =	sadd.s32 $0x27000, s11;
	s12 =	sshrl.u32 s17, $0x3  }
0x19: {  	[hbm:s11], [sflag:s10] =	dma.local [spmem:s12], $0x100  }
0x1a: {  	_ =	swait.ge [sflag:s28], $0x100  }
0x1b: {  	[sflag:s28] =	ssyncset.done $0x0  }
0x1c: {  	[sflag:s28] =	ssyncadd.s32 $0xFFFFFF00  }
.LBB2_9:
0x1d: {  	s3 =	sadd.s32 $0x1, s3  }
0x1e: {  	p3 =	sne.s32 s3, s22  }
.Ltmp1:
0x1f: {  	_ = 	snop;
	(pc) =	sbr.rel @!p3 .LBB2_10-.Ltmp1, $1  }
0x20: {  	_ =	sdelay $0x3  }
.LBB2_1:
0x21: {  	s10 =	simm.s32 $0x0;
	s11 =	simm.s32 $0x200  }
.LBB2_2:
0x22: {  	p3 =	sne.s32 s11, $0x9E00;
	[tilespmem:s10+$0x13AF0] =	vst v0  }
0x23: {  	[tilespmem:s10+$0x13A80] =	vst v0  }
0x24: {  	[tilespmem:s10+$0x13A90] =	vst v0  }
.Ltmp2:
0x25: {  	[tilespmem:s10+$0x13AA0] =	vst v0;
	(pc) =	sbr.rel @p3 .LBB2_2-.Ltmp2, $4  }
0x26: {  	[tilespmem:s10+$0x13AB0] =	vst v0  }
0x27: {  	[tilespmem:s10+$0x13AC0] =	vst v0  }
0x28: {  	[tilespmem:s10+$0x13AD0] =	vst v0  }
0x29: {  	[tilespmem:s10+$0x13AE0] =	vst v0;
	s10 =	sshra.s32 s11, $0x2;
	s11 =	sadd.s32 $0x200, s11  }
0x2a: {  	[tilespmem:s10+$0x13AF0] =	vst v0  }
0x2b: {  	[tilespmem:s10+$0x13A80] =	vst v0  }
0x2c: {  	[tilespmem:s10+$0x13A90] =	vst v0  }
0x2d: {  	[tilespmem:s10+$0x13AA0] =	vst v0  }
0x2e: {  	[tilespmem:s10+$0x13AB0] =	vst v0  }
0x2f: {  	[tilespmem:s10+$0x13AC0] =	vst v0  }
0x30: {  	[tilespmem:s10+$0x13AD0] =	vst v0  }
0x31: {  	[tilespmem:s10+$0x13AE0] =	vst v0  }
0x32: {  	[spmem:s9] =	stream.linear.scatter [tilespmem:s26], [sflag:$0x3], $0x2800, $0x38;
	[tilespmem:$0x18A80] =	vst v63  }
0x33: {  	_ =	swait.ge [sflag:s28], $0x2800  }
0x34: {  	[sflag:s28] =	ssyncset.done $0x0  }
0x35: {  	s11 =	rddreg [dreg:$0x5];
	[sflag:s28] =	ssyncadd.s32 $0xFFFFD800  }
0x36: {  	[spmem:s11] =	stream.linear.scatter [tilespmem:s26], [sflag:$0x3], $0x2800, $0x38;
	[tilespmem:$0x18A80] =	vst v63  }
0x37: {  	_ =	swait.ge [sflag:s28], $0x2800  }
0x38: {  	[sflag:s28] =	ssyncset.done $0x0  }
0x39: {  	s12 =	rddreg [dreg:$0x6];
	[sflag:s28] =	ssyncadd.s32 $0xFFFFD800  }
0x3a: {  	[spmem:s12] =	stream.linear.scatter [tilespmem:s26], [sflag:$0x3], $0x2800, $0x38;
	[tilespmem:$0x18A80] =	vst v63  }
0x3b: {  	_ =	swait.ge [sflag:s28], $0x2800  }
0x3c: {  	[sflag:s28] =	ssyncset.done $0x0  }
0x3d: {  	s13 =	rddreg [dreg:$0x7];
	[sflag:s28] =	ssyncadd.s32 $0xFFFFD800  }
0x3e: {  	[spmem:s13] =	stream.linear.scatter [tilespmem:s26], [sflag:$0x3], $0x2800, $0x38;
	[tilespmem:$0x18A80] =	vst v63  }
0x3f: {  	_ =	swait.ge [sflag:s28], $0x2800  }
0x40: {  	[sflag:s28] =	ssyncset.done $0x0  }
0x41: {  	s14 =	rddreg [dreg:$0x8];
	[sflag:s28] =	ssyncadd.s32 $0xFFFFD800  }
0x42: {  	[spmem:s14] =	stream.linear.scatter [tilespmem:s26], [sflag:$0x3], $0x2800, $0x38;
	[tilespmem:$0x18A80] =	vst v63  }
0x43: {  	_ =	swait.ge [sflag:s28], $0x2800  }
0x44: {  	[sflag:s28] =	ssyncset.done $0x0  }
0x45: {  	s15 =	rddreg [dreg:$0x9];
	[sflag:s28] =	ssyncadd.s32 $0xFFFFD800  }
0x46: {  	[spmem:s15] =	stream.linear.scatter [tilespmem:s26], [sflag:$0x3], $0x2800, $0x38;
	[tilespmem:$0x18A80] =	vst v63  }
0x47: {  	_ =	swait.ge [sflag:s28], $0x2800  }
0x48: {  	[sflag:s28] =	ssyncset.done $0x0  }
0x49: {  	s11 =	rddreg [dreg:$0xa];
	[sflag:s28] =	ssyncadd.s32 $0xFFFFD800  }
0x4a: {  	[spmem:s11] =	stream.linear.scatter [tilespmem:s26], [sflag:$0x3], $0x2800, $0x38;
	[tilespmem:$0x18A80] =	vst v63  }
0x4b: {  	_ =	swait.ge [sflag:s28], $0x2800  }
0x4c: {  	[sflag:s28] =	ssyncset.done $0x0  }
0x4d: {  	[sflag:s28] =	ssyncadd.s32 $0xFFFFD800  }
0x4e: {  	[spmem:s16] =	stream.linear.scatter [tilespmem:s26], [sflag:$0x3], $0x2000, $0x38;
	[tilespmem:$0x18A80] =	vst v63  }
0x4f: {  	_ =	swait.ge [sflag:s28], $0x2000  }
0x50: {  	[sflag:s28] =	ssyncset.done $0x0  }
0x51: {  	s10 =	simm.s32 @!p1 $0x13A80;
	[sflag:s28] =	ssyncadd.s32 $0xFFFFE000  }
0x52: {  	[spmem:s17] =	stream.linear.scatter @!p1 [tilespmem:s10], [sflag:$0x3], $0x800, $0x38;
	[tilespmem:$0x18A80] =	vst v63  }
0x53: {  	s10 =	simm.s32 @!p1 $0x3  }
0x54: {  	_ =	swait.ge @!p1 [sflag:s10], $0x800  }
0x55: {  	[sflag:s10] =	ssyncset.done @!p1 $0x0  }
0x56: {  	[sflag:s10] =	ssyncadd.s32 @!p1 $0xFFFFF800  }
0x57: {  	s12 =	simm.s32 $0x0;
	[bflag:$0x0] =	sbarrier.arrive $0xFFFF  }
0x58: {  	[tilespmem:s29], [sflag:$0x3] =	stream.linear.gather [hbm4b:s18+s12], $0x50, $0x38;
	[tilespmem:$0x18A80] =	vst v63  }
0x59: {  	_ =	swait.ge [sflag:s28], $0x50  }
0x5a: {  	[sflag:s28] =	ssyncset.done $0x0  }
0x5b: {  	[sflag:s28] =	ssyncadd.s32 $0xFFFFFFB0  }
0x5c: {  	[tilespmem:s30], [sflag:$0x3] =	stream.linear.gather [hbm4b:s19+s12], $0x50, $0x38;
	[tilespmem:$0x18A80] =	vst v63  }
0x5d: {  	_ =	swait.ge [sflag:s28], $0x50  }
0x5e: {  	[sflag:s28] =	ssyncset.done $0x0  }
0x5f: {  	[sflag:s28] =	ssyncadd.s32 $0xFFFFFFB0  }
0x60: {  	[tilespmem:s26], [sflag:$0x1] =	stream.indirect.gather [hbm4b:s4+s31], $0x80, s29, s31, $0xb8;
	[tilespmem:$0x18A80] =	vst v63  }
0x61: {  	s13 =	sadd.s32 $0x0, s25  }
0x62: {  	[tilespmem:s0], [sflag:$0x3] =	stream.linear.gather [hbm4b:s13+s2], $0x50, $0x38;
	[tilespmem:$0x18A80] =	vst v63  }
0x63: {  	_ =	swait.ge [sflag:s28], $0x50  }
0x64: {  	[sflag:s28] =	ssyncset.done $0x0  }
0x65: {  	s14 =	sadd.s32 $0x0, s24;
	[sflag:s28] =	ssyncadd.s32 $0xFFFFFFB0  }
0x66: {  	[tilespmem:s7], [sflag:$0x3] =	stream.linear.gather [hbm4b:s14+s2], $0x50, $0x38;
	[tilespmem:$0x18A80] =	vst v63  }
0x67: {  	_ =	swait.ge [sflag:s28], $0x50  }
0x68: {  	[sflag:s28] =	ssyncset.done $0x0  }
0x69: {  	[sflag:s28] =	ssyncadd.s32 $0xFFFFFFB0  }
0x6a: {  	[tilespmem:s20], [sflag:$0x2] =	stream.indirect.gather [hbm4b:s4+s31], $0x80, s0, s31, $0xb8;
	[tilespmem:$0x18A80] =	vst v63  }
0x6b: {  	_ =	swait.ge [sflag:s21], $0x2800  }
0x6c: {  	[sflag:s21] =	ssyncset.done $0x0  }
0x6d: {  	[sflag:s21] =	ssyncadd.s32 $0xFFFFD800  }
0x6e: {  	[spmem:s1] =	stream.indirect.scatter.add.f32 [tilespmem:s26], [sflag:$0x3], $0x80, s30, s31, $0xb8;
	[tilespmem:$0x18A80] =	vst v63  }
0x6f: {  	_ =	swait.ge [sflag:s28], $0x2800  }
0x70: {  	s15 =	sshrl.u32 s23, $0x3;
	[sflag:s28] =	ssyncset.done $0x0  }
0x71: {  	s11 =	sadd.s32 s5, s15;
	[sflag:s28] =	ssyncadd.s32 $0xFFFFD800  }
0x72: {  	[tilespmem:s29], [sflag:$0x3] =	stream.linear.gather [hbm4b:s11+s2], $0x50, $0x38;
	[tilespmem:$0x18A80] =	vst v63  }
0x73: {  	_ =	swait.ge [sflag:s28], $0x50  }
0x74: {  	[sflag:s28] =	ssyncset.done $0x0  }
0x75: {  	s10 =	sadd.s32 s6, s15;
	[sflag:s28] =	ssyncadd.s32 $0xFFFFFFB0  }
0x76: {  	[tilespmem:s30], [sflag:$0x3] =	stream.linear.gather [hbm4b:s10+s2], $0x50, $0x38;
	[tilespmem:$0x18A80] =	vst v63  }
0x77: {  	_ =	swait.ge [sflag:s28], $0x50  }
0x78: {  	[sflag:s28] =	ssyncset.done $0x0  }
0x79: {  	[sflag:s28] =	ssyncadd.s32 $0xFFFFFFB0  }
0x7a: {  	[tilespmem:s26], [sflag:$0x1] =	stream.indirect.gather [hbm4b:s4+s31], $0x80, s29, s31, $0xb8;
	[tilespmem:$0x18A80] =	vst v63  }
0x7b: {  	_ =	swait.ge [sflag:s8], $0x2800  }
0x7c: {  	[sflag:s8] =	ssyncset.done $0x0  }
0x7d: {  	[sflag:s8] =	ssyncadd.s32 $0xFFFFD800  }
0x7e: {  	[spmem:s1] =	stream.indirect.scatter.add.f32 [tilespmem:s20], [sflag:$0x3], $0x80, s7, s31, $0xb8;
	[tilespmem:$0x18A80] =	vst v63  }
0x7f: {  	s12 =	simm.s32 $0x28;
	_ =	swait.ge [sflag:s28], $0x2800  }
0x80: {  	s11 =	simm.s32 $0x14;
	s10 =	sadd.s32 $0xA0, s23;
	[sflag:s28] =	ssyncset.done $0x0  }
.LBB2_4:
0x81: {  	s14 =	sadd.s32 s11, s25  }
0x82: {  	[sflag:s28] =	ssyncadd.s32 $0xFFFFD800;
	s15 =	smov.u32 s12;
	s13 =	sadd.s32 $0x14, s12  }
0x83: {  	[tilespmem:s0], [sflag:$0x3] =	stream.linear.gather [hbm4b:s14+s2], $0x50, $0x38;
	[tilespmem:$0x18A80] =	vst v63  }
0x84: {  	p3 =	sne.s32 s12, $0x4C4;
	_ =	swait.ge [sflag:s28], $0x50  }
0x85: {  	[sflag:s28] =	ssyncset.done $0x0  }
0x86: {  	s12 =	sadd.s32 s11, s24;
	s11 =	smov.u32 s15;
	[sflag:s28] =	ssyncadd.s32 $0xFFFFFFB0  }
0x87: {  	[tilespmem:s7], [sflag:$0x3] =	stream.linear.gather [hbm4b:s12+s2], $0x50, $0x38;
	[tilespmem:$0x18A80] =	vst v63  }
0x88: {  	_ =	swait.ge [sflag:s28], $0x50  }
0x89: {  	[sflag:s28] =	ssyncset.done $0x0  }
0x8a: {  	[sflag:s28] =	ssyncadd.s32 $0xFFFFFFB0  }
0x8b: {  	[tilespmem:s20], [sflag:$0x2] =	stream.indirect.gather [hbm4b:s4+s31], $0x80, s0, s31, $0xb8;
	[tilespmem:$0x18A80] =	vst v63  }
0x8c: {  	_ =	swait.ge [sflag:s21], $0x2800  }
0x8d: {  	[sflag:s21] =	ssyncset.done $0x0  }
0x8e: {  	[sflag:s21] =	ssyncadd.s32 $0xFFFFD800  }
0x8f: {  	[spmem:s1] =	stream.indirect.scatter.add.f32 [tilespmem:s26], [sflag:$0x3], $0x80, s30, s31, $0xb8;
	[tilespmem:$0x18A80] =	vst v63  }
0x90: {  	_ =	swait.ge [sflag:s28], $0x2800  }
0x91: {  	s12 =	sshrl.u32 s10, $0x3;
	[sflag:s28] =	ssyncset.done $0x0  }
0x92: {  	s14 =	sadd.s32 s5, s12;
	[sflag:s28] =	ssyncadd.s32 $0xFFFFD800  }
0x93: {  	[tilespmem:s29], [sflag:$0x3] =	stream.linear.gather [hbm4b:s14+s2], $0x50, $0x38;
	[tilespmem:$0x18A80] =	vst v63  }
0x94: {  	_ =	swait.ge [sflag:s28], $0x50  }
0x95: {  	[sflag:s28] =	ssyncset.done $0x0  }
0x96: {  	s12 =	sadd.s32 s6, s12;
	[sflag:s28] =	ssyncadd.s32 $0xFFFFFFB0  }
0x97: {  	[tilespmem:s30], [sflag:$0x3] =	stream.linear.gather [hbm4b:s12+s2], $0x50, $0x38;
	[tilespmem:$0x18A80] =	vst v63  }
0x98: {  	_ =	swait.ge [sflag:s28], $0x50  }
0x99: {  	[sflag:s28] =	ssyncset.done $0x0  }
0x9a: {  	[sflag:s28] =	ssyncadd.s32 $0xFFFFFFB0  }
0x9b: {  	[tilespmem:s26], [sflag:$0x1] =	stream.indirect.gather [hbm4b:s4+s31], $0x80, s29, s31, $0xb8;
	[tilespmem:$0x18A80] =	vst v63  }
0x9c: {  	_ =	swait.ge [sflag:s8], $0x2800  }
.Ltmp3:
0x9d: {  	[sflag:s8] =	ssyncset.done $0x0;
	(pc) =	sbr.rel @p3 .LBB2_4-.Ltmp3, $4  }
0x9e: {  	[sflag:s8] =	ssyncadd.s32 $0xFFFFD800  }
0x9f: {  	[spmem:s1] =	stream.indirect.scatter.add.f32 [tilespmem:s20], [sflag:$0x3], $0x80, s7, s31, $0xb8;
	[tilespmem:$0x18A80] =	vst v63  }
0xa0: {  	_ =	swait.ge [sflag:s28], $0x2800  }
0xa1: {  	s10 =	sadd.s32 $0xA0, s10;
	s12 =	smov.u32 s13;
	[sflag:s28] =	ssyncset.done $0x0  }
0xa2: {  	s12 =	sadd.s32 s11, s25;
	[sflag:s28] =	ssyncadd.s32 $0xFFFFD800  }
0xa3: {  	[tilespmem:s0], [sflag:$0x3] =	stream.linear.gather [hbm4b:s12+s2], $0x50, $0x38;
	[tilespmem:$0x18A80] =	vst v63  }
0xa4: {  	_ =	swait.ge [sflag:s28], $0x50  }
0xa5: {  	[sflag:s28] =	ssyncset.done $0x0  }
0xa6: {  	s13 =	sadd.s32 s11, s24;
	[sflag:s28] =	ssyncadd.s32 $0xFFFFFFB0  }
0xa7: {  	[tilespmem:s7], [sflag:$0x3] =	stream.linear.gather [hbm4b:s13+s2], $0x50, $0x38;
	[tilespmem:$0x18A80] =	vst v63  }
0xa8: {  	_ =	swait.ge [sflag:s28], $0x50  }
0xa9: {  	[sflag:s28] =	ssyncset.done $0x0  }
0xaa: {  	[sflag:s28] =	ssyncadd.s32 $0xFFFFFFB0  }
0xab: {  	[tilespmem:s20], [sflag:$0x2] =	stream.indirect.gather [hbm4b:s4+s31], $0x80, s0, s31, $0xb8;
	[tilespmem:$0x18A80] =	vst v63  }
0xac: {  	_ =	swait.ge [sflag:s21], $0x2800  }
0xad: {  	[sflag:s21] =	ssyncset.done $0x0  }
0xae: {  	[sflag:s21] =	ssyncadd.s32 $0xFFFFD800  }
0xaf: {  	[spmem:s1] =	stream.indirect.scatter.add.f32 [tilespmem:s26], [sflag:$0x3], $0x80, s30, s31, $0xb8;
	[tilespmem:$0x18A80] =	vst v63  }
0xb0: {  	_ =	swait.ge [sflag:s28], $0x2800  }
0xb1: {  	s10 =	sshrl.u32 s10, $0x3;
	[sflag:s28] =	ssyncset.done $0x0  }
0xb2: {  	s14 =	sadd.s32 s5, s10;
	[sflag:s28] =	ssyncadd.s32 $0xFFFFD800  }
0xb3: {  	[tilespmem:s29], [sflag:$0x3] =	stream.linear.gather [hbm4b:s14+s2], $0x50, $0x38;
	[tilespmem:$0x18A80] =	vst v63  }
0xb4: {  	_ =	swait.ge [sflag:s28], $0x50  }
0xb5: {  	[sflag:s28] =	ssyncset.done $0x0  }
0xb6: {  	s10 =	sadd.s32 s6, s10;
	[sflag:s28] =	ssyncadd.s32 $0xFFFFFFB0  }
0xb7: {  	[tilespmem:s30], [sflag:$0x3] =	stream.linear.gather [hbm4b:s10+s2], $0x50, $0x38;
	[tilespmem:$0x18A80] =	vst v63  }
0xb8: {  	_ =	swait.ge [sflag:s28], $0x50  }
0xb9: {  	[sflag:s28] =	ssyncset.done $0x0  }
0xba: {  	[sflag:s28] =	ssyncadd.s32 $0xFFFFFFB0  }
0xbb: {  	[tilespmem:s26], [sflag:$0x1] =	stream.indirect.gather [hbm4b:s4+s31], $0x80, s29, s31, $0xb8;
	[tilespmem:$0x18A80] =	vst v63  }
0xbc: {  	_ =	swait.ge [sflag:s8], $0x2800  }
0xbd: {  	[sflag:s8] =	ssyncset.done $0x0  }
0xbe: {  	[sflag:s8] =	ssyncadd.s32 $0xFFFFD800  }
0xbf: {  	[spmem:s1] =	stream.indirect.scatter.add.f32 [tilespmem:s20], [sflag:$0x3], $0x80, s7, s31, $0xb8;
	[tilespmem:$0x18A80] =	vst v63  }
0xc0: {  	_ =	swait.ge [sflag:s28], $0x2800  }
0xc1: {  	[sflag:s28] =	ssyncset.done $0x0  }
0xc2: {  	[sflag:s28] =	ssyncadd.s32 $0xFFFFD800  }
0xc3: {  	_ =	swait.ge [sflag:s21], $0x2800  }
0xc4: {  	[sflag:s21] =	ssyncset.done $0x0  }
0xc5: {  	[sflag:s21] =	ssyncadd.s32 $0xFFFFD800  }
0xc6: {  	[spmem:s1] =	stream.indirect.scatter.add.f32 [tilespmem:s26], [sflag:$0x3], $0x80, s30, s31, $0xb8;
	[tilespmem:$0x18A80] =	vst v63  }
.Ltmp4:
0xc7: {  	_ =	swait.ge [sflag:s28], $0x2800;
	(pc) =	sbr.rel @!p0 .LBB2_6-.Ltmp4, $4  }
0xc8: {  	[sflag:s28] =	ssyncset.done $0x0  }
0xc9: {  	s15 =	stileid.u32;
	[sflag:s28] =	ssyncadd.s32 $0xFFFFD800  }
0xca: {  	s12 =	sshll.u32 s15, $0x6;
	[bflag:$0x0] =	sbarrier.arrive $0xFFFF  }
0xcb: {  	s11 =	sshrl.u32 s9, $0x3;
	s10 =	sor.u32 $0x1C03, s12  }
0xcc: {  	s10 =	sor.u32 $0x1C03, s12;
	s15 =	rddreg [dreg:$0xc]  }
0xcd: {  	[hbm:s15], [sflag:s10] =	dma.local [spmem:s11], $0x2700  }
.Ltmp5:
0xce: {  	_ = 	snop;
	(pc) =	sbr.rel @p1 .LBB2_9-.Ltmp5, $4  }
.Ltmp6:
0xcf: {  	_ = 	snop;
	(pc) =	sbr.rel @!p1 .LBB2_8-.Ltmp6, $4  }
0xd0: {  	_ =	swait.ge [sflag:s28], $0x2700  }
0xd1: {  	[sflag:s28] =	ssyncset.done $0x0  }
0xd2: {  	s11 =	rddreg [dreg:$0x4];
	[sflag:s28] =	ssyncadd.s32 $0xFFFFD900  }
0xd3: {  	_ = 	snop  }
.LBB2_6:
0xd4: {  	s12 =	rddreg [dreg:$0xb]  }
0xd5: {  	[hbm:s12], [sflag:s10] =	dma.local [spmem:s11], $0x2700  }
.Ltmp7:
0xd6: {  	_ = 	snop;
	(pc) =	sbr.rel @p2 .LBB2_8-.Ltmp7, $4  }
.Ltmp8:
0xd7: {  	_ = 	snop;
	(pc) =	sbr.rel @!p2 .LBB2_9-.Ltmp8, $4  }
0xd8: {  	_ =	swait.ge [sflag:s28], $0x2700  }
0xd9: {  	[sflag:s28] =	ssyncset.done $0x0  }
0xda: {  	s11 =	rddreg [dreg:$0x3];
	[sflag:s28] =	ssyncadd.s32 $0xFFFFD900  }
0xdb: {  	_ = 	snop  }
.LBB2_10:
0xdc: {  	_ =	sfence.sel $0x180000  }
0xdd: {  	[bflag:$0x0] =	sbarrier.arrive $0xFFFF  }
0xde: {  	_ =	strace $0x9000004D  }
0xdf: {  	s0 =	stileid.u32;
	[bflag:$0x2] =	sbarrier.arrive $0xFFFF  }
0xe0: {  	p0 =	sne.s32 s0, $0x0;
	s0 =	rddreg [dreg:$0x2]  }
0xe1: {  	s0 =	sadd.s32 @!p0 $0x100000, s0  }
0xe2: {  	[sflag:s0] =	ssyncadd.tile.s32 @!p0 $0x1;
	_ =	shalt  }
.Lfunc_end2:
_tile_overlayer_lowered:
.L_overlay_start_2:
0xe3: {  	(tag) =	ssettag $0x2  }
0xe4: {  	s0 =	rddreg [dreg:$0x0];
	s2 =	stileid.u32  }
0xe5: {  	s1 =	rddreg [dreg:$0x1];
	p0 =	sne.s32 s2, $0x0  }
0xe6: {  	s3 =	rddreg [dreg:$0x2];
	[bflag:$0x3] =	sbarrier.arrive $0xFFFF;
	s2 =	simm.s32 @!p0 $0x1C03  }
0xe7: {  	[timem:s3], [sflag:s2] =	dma.local @!p0 [hbm:s0], s1  }
0xe8: {  	s0 =	simm.s32 @!p0 $0x3  }
0xe9: {  	_ =	swait.ge @!p0 [sflag:s0], s1  }
0xea: {  	s1 =	ssub.s32 @!p0 $0x0, s1;
	[sflag:s0] =	ssyncset.done @!p0 $0x0  }
0xeb: {  	[sflag:s0] =	ssyncadd.s32 @!p0 s1  }
0xec: {  	[bflag:$0x3] =	sbarrier.arrive $0xFFFF  }
0xed: {  	_ =	shalt  }

// kernel: kernel.8.cloned.1.call-start
scs
__scs_entry_jumppad:
0x0: {  	(pc) =	sbr.rel $0x88, $3  }
0x1: {  	(tag) =	ssettag $0x0;
	lr =	simm.s32 $0x1  }
0x2: {  	[smem:$0x3F80] =	sst lr;
	_ =	strace $0xD0000000  }
0x3: {  	_ = 	snop  }
0x4: {  	_ = 	snop  }
0x5: {  	_ = 	snop  }
0x6: {  	_ = 	snop  }
0x7: {  	_ = 	snop  }
__scs_overlays_trampoline_lowered:
0x8: {  	[smem:$0x3F8F] =	sst s0  }
0x9: {  	[smem:$0x3F90] =	sst s1  }
0xa: {  	[smem:$0x3F91] =	sst s2  }
0xb: {  	[smem:$0x3F92] =	sst s3  }
0xc: {  	[smem:$0x3F93] =	sst s4  }
0xd: {  	[smem:$0x3F94] =	sst s5  }
0xe: {  	[smem:$0x3F95] =	sst s6  }
0xf: {  	[smem:$0x3F96] =	sst s7  }
0x10: {  	[smem:$0x3F97] =	sst s8  }
0x11: {  	[smem:$0x3F98] =	sst s9;
	s0 =	simm.s32 @!p0 $0x0  }
0x12: {  	s1 =	sld [smem:$0x3F7E];
	s0 =	simm.s32 @p0 $0x1  }
0x13: {  	[smem:$0x3F99] =	sst s0;
	s0 =	simm.s32 @!p1 $0x0  }
0x14: {  	s2 =	sld [smem:$0x3F7D];
	s0 =	simm.s32 @p1 $0x1  }
0x15: {  	[smem:$0x3F9A] =	sst s0;
	s0 =	simm.s32 @!p2 $0x0  }
0x16: {  	s3 =	sld [smem:$0x3FDB];
	s0 =	simm.s32 @p2 $0x1  }
0x17: {  	s4 =	simm.s32 $0x1BF5;
	[smem:$0x3F9C] =	sst s0  }
0x18: {  	s0 =	sld [smem:$0x3F7F];
	_ =	swait.ge [sflag:s4], $0x0  }
0x19: {  	s7 =	sld [smem:$0x3F80]  }
0x1a: {  	s8 =	sadd.s32 $0xFFFFE003, lr  }
0x1b: {  	s9 =	sadd.s32 $0xFFFFFEF7, lr;
	s5 =	simm.s32 $0xFFFFFFFF;
	p2 =	slt.u32 s8, $0xFFFFF086  }
0x1c: {  	p1 =	slt.u32 s9, $0xF7A;
	s5 =	simm.s32 @!p2 $0x0  }
0x1d: {  	s5 =	simm.s32 @p1 $0x1;
	p0 =	seq.s32 s7, s2  }
0x1e: {  	s7 =	smul.u32 @!p0 $0xF7A, s2;
	p2 =	seq.s32 @!p0 s5, $0x0  }
0x1f: {  	s9 =	smul.u32 $0xF7A, s1;
	s8 =	simm.s32 @!p0 $0x1BF5;
	p2 =	por !p2, p0  }
0x20: {  	[sflag:s8] =	ssyncset.s32 @!p0 $0xFFFFF086;
	s6 =	sadd.s32 @!p0 s3, s7;
	s7 =	simm.s32 @!p0 $0x108  }
0x21: {  	s3 =	sadd.s32 s3, s9;
	s6 =	sadd.s32 @!p0 $0x88, s6;
	s7 =	simm.s32 @p2 $0x1082  }
0x22: {  	[simem:s7], [sflag:s8] =	dma.local @!p0 [hbm:s6], $0xF7A  }
0x23: {  	s9 =	sor.u32 $0xD0000000, s2;
	s6 =	simm.s32 $0x108;
	_ =	swait.ge @!p0 [sflag:s8], $0x0  }
0x24: {  	s3 =	sadd.s32 $0x88, s3;
	s6 =	simm.s32 @!p1 $0x1082;
	[sflag:s4] =	ssyncset.s32 $0xFFFFF086  }
0x25: {  	[simem:s6], [sflag:s4] =	dma.local [hbm:s3], $0xF7A  }
0x26: {  	[smem:$0x3F80] =	sst s1;
	(tag) =	ssettag s2;
	_ =	strace s9  }
0x27: {  	s1 =	sld [smem:$0x3F90]  }
0x28: {  	s2 =	sld [smem:$0x3F91]  }
0x29: {  	s4 =	sld [smem:$0x3F93]  }
0x2a: {  	p0 =	seq.s32 s5, $0x0;
	s5 =	sld [smem:$0x3F94]  }
0x2b: {  	s6 =	sld [smem:$0x3F95]  }
0x2c: {  	s7 =	sld [smem:$0x3F96]  }
0x2d: {  	s3 =	simm.s32 $0x108;
	s8 =	sld [smem:$0x3F97]  }
0x2e: {  	s3 =	simm.s32 @!p0 $0x1082;
	s9 =	sld [smem:$0x3F98]  }
0x2f: {  	lr =	sadd.s32 s0, s3;
	s0 =	sld [smem:$0x3F8F]  }
0x30: {  	s3 =	sld [smem:$0x3F92]  }
0x31: {  	[smem:$0x3F9B] =	sst s10  }
0x32: {  	s10 =	sld [smem:$0x3F99];
	_ =	sdelay $0x3  }
0x33: {  	p0 =	seq.s32 s10, $0x1;
	s10 =	sld [smem:$0x3F9B];
	_ =	sdelay $0x3  }
0x34: {  	[smem:$0x3F9B] =	sst s10  }
0x35: {  	s10 =	sld [smem:$0x3F9A];
	_ =	sdelay $0x3  }
0x36: {  	p1 =	seq.s32 s10, $0x1;
	s10 =	sld [smem:$0x3F9B];
	_ =	sdelay $0x3  }
0x37: {  	[smem:$0x3F9B] =	sst s10  }
0x38: {  	s10 =	sld [smem:$0x3F9C]  }
0x39: {  	_ = 	snop;
	(pc) =	sbr.ind lr, $3  }
0x3a: {  	_ = 	snop  }
0x3b: {  	_ = 	snop  }
0x3c: {  	p2 =	seq.s32 s10, $0x1;
	s10 =	sld [smem:$0x3F9B]  }
0x3d: {  	_ =	shalt  }
0x3e: {  	_ =	shalt  }
0x3f: {  	_ =	shalt  }
0x40: {  	_ =	shalt  }
0x41: {  	_ =	shalt  }
0x42: {  	_ =	shalt  }
0x43: {  	_ =	shalt  }
0x44: {  	_ =	shalt  }
0x45: {  	_ =	shalt  }
0x46: {  	_ =	shalt  }
0x47: {  	_ =	shalt  }
0x48: {  	_ =	shalt  }
0x49: {  	_ =	shalt  }
0x4a: {  	_ =	shalt  }
0x4b: {  	_ =	shalt  }
0x4c: {  	_ =	shalt  }
0x4d: {  	_ =	shalt  }
0x4e: {  	_ =	shalt  }
0x4f: {  	_ =	shalt  }
0x50: {  	_ =	shalt  }
0x51: {  	_ =	shalt  }
0x52: {  	_ =	shalt  }
0x53: {  	_ =	shalt  }
0x54: {  	_ =	shalt  }
0x55: {  	_ =	shalt  }
0x56: {  	_ =	shalt  }
0x57: {  	_ =	shalt  }
0x58: {  	_ =	shalt  }
0x59: {  	_ =	shalt  }
0x5a: {  	_ =	shalt  }
0x5b: {  	_ =	shalt  }
0x5c: {  	_ =	shalt  }
0x5d: {  	_ =	shalt  }
0x5e: {  	_ =	shalt  }
0x5f: {  	_ =	shalt  }
0x60: {  	_ =	shalt  }
0x61: {  	_ =	shalt  }
0x62: {  	_ =	shalt  }
0x63: {  	_ =	shalt  }
0x64: {  	_ =	shalt  }
0x65: {  	_ =	shalt  }
0x66: {  	_ =	shalt  }
0x67: {  	_ =	shalt  }
0x68: {  	_ =	shalt  }
0x69: {  	_ =	shalt  }
0x6a: {  	_ =	shalt  }
0x6b: {  	_ =	shalt  }
0x6c: {  	_ =	shalt  }
0x6d: {  	_ =	shalt  }
0x6e: {  	_ =	shalt  }
0x6f: {  	_ =	shalt  }
0x70: {  	_ =	shalt  }
0x71: {  	_ =	shalt  }
0x72: {  	_ =	shalt  }
0x73: {  	_ =	shalt  }
0x74: {  	_ =	shalt  }
0x75: {  	_ =	shalt  }
0x76: {  	_ =	shalt  }
0x77: {  	_ =	shalt  }
0x78: {  	_ =	shalt  }
0x79: {  	_ =	shalt  }
0x7a: {  	_ =	shalt  }
0x7b: {  	_ =	shalt  }
0x7c: {  	_ =	shalt  }
0x7d: {  	_ =	shalt  }
0x7e: {  	_ =	shalt  }
0x7f: {  	_ =	shalt  }
0x80: {  	_ =	shalt  }
0x81: {  	_ =	shalt  }
0x82: {  	_ =	shalt  }
0x83: {  	_ =	shalt  }
0x84: {  	_ =	shalt  }
0x85: {  	_ =	shalt  }
0x86: {  	_ =	shalt  }
0x87: {  	_ =	shalt  }
.Lfunc_end0:
.L_simem_size_0:
called_computation_lowered:
.L_overlay_start_0:
0x88: {  	s2 =	sld [smem:$0x3FD9]  }
0x89: {  	s3 =	sld [smem:$0x3FFE];
	_ =	sdelay $0x1  }
0x8a: {  	s1 =	srdreg.scid  }
0x8b: {  	s0 =	sand.u32 $0x1, s1  }
0x8c: {  	s17 =	sshll.u32 s0, $0xA;
	s2 =	sadd.s32 s3, s2  }
0x8d: {  	s2 =	sadd.s32 s2, s17  }
0x8e: {  	[smem:$0x3FA7] =	sst s2  }
0x8f: {  	_ = 	snop  }
0x90: {  	s2 =	sld [smem:$0x3FC9];
	(tm) =	ssettm $0x1  }
0x91: {  	s18 =	sld [smem:$0x3FFB];
	_ =	sdelay $0x3  }
0x92: {  	_ =	strace s18  }
0x93: {  	s3 =	sld [smem:$0x3FFC];
	_ =	sdelay $0x3  }
0x94: {  	_ =	strace s3  }
0x95: {  	s3 =	sld [smem:$0x3FFD];
	_ =	sdelay $0x3  }
0x96: {  	_ =	strace s3  }
0x97: {  	_ =	strace $0x8FFFFFFF  }
0x98: {  	s19 =	sld [smem:$0x3FDB];
	_ =	sdelay $0x1  }
0x99: {  	s4 =	simm.s32 $_scs_section_size  }
0x9a: {  	s5 =	simm.s32 $_size__tile_overlayer_lowered;
	s6 =	simm.s32 $_tile_overlayer_lowered  }
0x9b: {  	s22 =	simm.s32 $0x1BFF;
	s21 =	sshll.u32 s6, $0x1;
	s3 =	sadd.s32 s4, s19  }
0x9c: {  	s7 =	simm.s32 $0x0;
	s20 =	sshll.u32 s5, $0x1;
	s5 =	sadd.s32 s21, s3  }
0x9d: {  	[timem:s7], [sflag:s22] =	dma.local [hbm:s5], s20  }
0x9e: {  	_ =	swait.ge [sflag:s22], s20  }
0x9f: {  	s4 =	ssub.s32 $0x0, s20;
	[sflag:s22] =	ssyncset.done $0x0  }
0xa0: {  	[sflag:s22] =	ssyncadd.s32 s4;
	_ =	sdelay $0x1  }
0xa1: {  	s23 =	simm.s32 $0x1B8B  }
0xa2: {  	_ =	swait.ge [sflag:s23], $0x1  }
0xa3: {  	[sflag:s23] =	ssyncset.done $0x0  }
0xa4: {  	s25 =	simm.s32 $0x1B8E;
	s24 =	sld [smem:$0x3FFE];
	[sflag:s23] =	ssyncadd.s32 $0xFFFFFFFF  }
0xa5: {  	s26 =	simm.s32 $execute0_lowered;
	[smem:$0x3FD2] =	sst s25  }
0xa6: {  	s5 =	sshll.u32 s26, $0x1;
	_ =	strace $0x80000046;
	[dreg:$0x1] =	wrdreg $0xFFFFFFFF  }
0xa7: {  	s28 =	simm.s32 $_size_execute0_lowered;
	s3 =	sadd.s32 s3, s5;
	[dreg:$0x0] =	wrdreg $0x0  }
0xa8: {  	s5 =	sshll.u32 s28, $0x1;
	[dreg:$0x2] =	wrdreg s3  }
0xa9: {  	[dreg:$0x3] =	wrdreg s5  }
0xaa: {  	[dreg:$0x4] =	wrdreg $0xC0  }
0xab: {  	_ =	task [dreg:s7], $0x5FFFF  }
0xac: {  	[dreg:$0x1] =	wrdreg $0xFFFFFFFF  }
0xad: {  	[dreg:$0x0] =	wrdreg $0x60  }
0xae: {  	[dreg:$0x2] =	wrdreg s2  }
0xaf: {  	[dreg:$0x3] =	wrdreg s24  }
0xb0: {  	[dreg:$0x4] =	wrdreg $0x0  }
0xb1: {  	[dreg:$0x5] =	wrdreg $0x9  }
0xb2: {  	_ =	task.clear_ibuf [dreg:s7], $0x6FFFF;
	_ =	strace $0x90000046  }
0xb3: {  	s29 =	simm.s32 $0x9;
	_ =	strace $0x80000048  }
0xb4: {  	_ =	swait.ge [sflag:s29], $0x1  }
0xb5: {  	[sflag:s29] =	ssyncadd.s32 $0xFFFFFFFF  }
0xb6: {  	_ =	strace $0x90000048  }
0xb7: {  	_ =	sfence  }
0xb8: {  	s30 =	sld [smem:$0x0];
	_ =	sdelay $0x2  }
0xb9: {  	s31 =	sshll.u32 s1, $0xD;
	s1 =	sshrl.u32 s1, $0x2  }
0xba: {  	s3 =	sand.u32 $0x4000, s31;
	s1 =	sadd.s32 s1, s30  }
0xbb: {  	s0 =	sor.u32 s3, s0;
	s1 =	sshll.u32 s1, $0x11  }
0xbc: {  	s0 =	sor.u32 s1, s0  }
0xbd: {  	s0 =	sadd.s32 $0x8F2B, s0  }
0xbe: {  	[sflag:s0] =	ssyncadd.remote.s32 $0x1  }
0xbf: {  	_ =	sfence.sel $0xFFFF  }
0xc0: {  	[dreg:$0x0] =	wrdreg $0xFFFFFFFF;
	(pc) =	sbr.abs _section_cstart, $3  }
0xc1: {  	[dreg:$0x1] =	wrdreg $0xFFFFFFFF  }
0xc2: {  	_ =	task.clear_ibuf [dreg:s7], $0x2FFFF;
	_ =	strace $0x9FFFFFFF  }
0xc3: {  	(tm) =	ssettm $0x7FFFFFFF  }
tec
execute0_lowered:
.L_overlay_start_1:
0x0: {  	(tag) =	ssettag $0x1  }
0x1: {  	s1 =	rddreg [dreg:$0x0]  }
0x2: {  	s0 =	rddreg [dreg:$0x1]  }
0x3: {  	s2 =	rddreg [dreg:$0x2]  }
0x4: {  	s3 =	simm.s32 $0x0;
	s4 =	srdreg.scid;
	s12 =	stileid.u32  }
0x5: {  	[smem:$0x7FF] =	sst s3;
	s5 =	sadd.s32 $0x1A400, s0;
	s6 =	sadd.s32 $0x2DE00, s0  }
0x6: {  	s4 =	sand.u32 $0x1, s4;
	s7 =	smul.u32 $0x4E000, s12;
	s13 =	sadd.s32 $0x41800, s0  }
0x7: {  	s14 =	sadd.s32 $0x68A00, s0;
	s15 =	sadd.s32 $0xB6E00, s0;
	s10 =	smul.u32 $0x4E20, s12  }
0x8: {  	s16 =	sadd.s32 $0x8FC00, s0;
	_ =	strace $0x80000047;
	[dreg:$0x5] =	wrdreg s14  }
0x9: {  	s17 =	smul.u32 $0x2700, s12;
	p1 =	sne.s32 s12, $0xF;
	[dreg:$0x4] =	wrdreg s13  }
0xa: {  	p2 =	seq.s32 s12, $0xF;
	s8 =	smul.u32 $0x4E200, s4;
	[dreg:$0x7] =	wrdreg s16  }
0xb: {  	s9 =	ssub.s32 $0x2, s4;
	[dreg:$0x6] =	wrdreg s15;
	p0 =	sne.s32 s4, $0x0  }
0xc: {  	s4 =	simm.s32 $0x1;
	s25 =	sshrl.u32 s9, $0x1;
	s7 =	sshrl.u32 s7, $0x2  }
0xd: {  	s21 =	sadd.s32 s14, s17;
	s22 =	sadd.s32 s13, s17;
	s23 =	sadd.s32 s16, s17  }
0xe: {  	s16 =	simm.s32 $0x13A80;
	s14 =	simm.s32 $0x2;
	[dreg:$0xc] =	wrdreg s21  }
0xf: {  	s0 =	ssub.s32 s9, s25;
	s11 =	sadd.s32 s7, s2;
	[dreg:$0xd] =	wrdreg s22  }
0x10: {  	s7 =	sadd.s32 s10, s8;
	[dreg:$0xe] =	wrdreg s23;
	s9 =	sadd.s32 s15, s17  }
0x11: {  	s17 =	simm.s32 $0x3;
	s10 =	simm.s32 $0x16280;
	s26 =	sadd.s32 $0x2800, s11  }
0x12: {  	s28 =	sshrl.u32 s7, $0x3;
	s18 =	sadd.s32 $0x5000, s11;
	[dreg:$0xf] =	wrdreg s9  }
0x13: {  	s0 =	smax.u32 s0, $0x1;
	s25 =	sadd.s32 $0x50, s7;
	s23 =	sadd.s32 $0xA0, s7  }
0x14: {  	s29 =	sadd.s32 $0xC800, s11;
	s30 =	sadd.s32 $0xF000, s11;
	[dreg:$0x8] =	wrdreg s26  }
0x15: {  	s31 =	sadd.s32 $0x11800, s11;
	s7 =	simm.s32 $0x50;
	[dreg:$0x9] =	wrdreg s18  }
0x16: {  	s9 =	simm.s32 $0x13A00;
	s19 =	sadd.s32 s5, s28;
	[dreg:$0x10] =	wrdreg s0  }
0x17: {  	s20 =	sadd.s32 s6, s28;
	s24 =	sadd.s32 $0x9BA, s28;
	[dreg:$0xa] =	wrdreg s19  }
0x18: {  	s26 =	sadd.s32 $0x7800, s11;
	s28 =	sadd.s32 $0xA000, s11;
	[dreg:$0xb] =	wrdreg s20  }
.Ltmp0:
0x19: {  	s18 =	simm.s32 $0x13880;
	[dreg:$0x13] =	wrdreg s26;
	(pc) =	sbr.rel .LBB2_1-.Ltmp0, $4  }
0x1a: {  	s8 =	sadd.s32 s5, s24;
	s0 =	sadd.s32 s6, s24;
	[dreg:$0x14] =	wrdreg s28  }
0x1b: {  	s19 =	simm.s32 $0x13900;
	s20 =	simm.s32 $0x0;
	[dreg:$0x11] =	wrdreg s8  }
0x1c: {  	[dreg:$0x12] =	wrdreg s0;
	s0 =	sshrl.u32 s25, $0x3;
	s8 =	simm.s32 $0x13980  }
0x1d: {  	v0 =	vimm.f32 $0.0e+00;
	v1 =	vimm.f32 $1.000000000e+00;
	s24 =	sadd.s32 s0, s6;
	s25 =	sadd.s32 s0, s5;
	s0 =	sadd.s32 $0x138000, s2  }
.LBB2_18:
0x1e: {  	s13 =	sadd.s32 $0x27000, s13;
	s15 =	sshrl.u32 s0, $0x3  }
0x1f: {  	[hbm:s13], [sflag:s12] =	dma.local [spmem:s15], $0x100  }
0x20: {  	_ =	swait.ge [sflag:s17], $0x100  }
0x21: {  	[sflag:s17] =	ssyncset.done $0x0  }
0x22: {  	[sflag:s17] =	ssyncadd.s32 $0xFFFFFF00  }
.LBB2_19:
0x23: {  	s20 =	sadd.s32 $0x1, s20;
	s12 =	rddreg [dreg:$0x10]  }
0x24: {  	p3 =	sne.s32 s20, s12  }
.Ltmp1:
0x25: {  	_ = 	snop;
	(pc) =	sbr.rel @!p3 .LBB2_20-.Ltmp1, $1  }
0x26: {  	_ =	sdelay $0x3  }
.LBB2_1:
0x27: {  	s12 =	simm.s32 $0x0;
	s13 =	simm.s32 $0x200  }
.LBB2_2:
0x28: {  	p3 =	sne.s32 s13, $0x9E00;
	[tilespmem:s12+$0x13AF0] =	vst v0  }
0x29: {  	[tilespmem:s12+$0x13A80] =	vst v0  }
0x2a: {  	[tilespmem:s12+$0x13A90] =	vst v0  }
.Ltmp2:
0x2b: {  	[tilespmem:s12+$0x13AA0] =	vst v0;
	(pc) =	sbr.rel @p3 .LBB2_2-.Ltmp2, $4  }
0x2c: {  	[tilespmem:s12+$0x13AB0] =	vst v0  }
0x2d: {  	[tilespmem:s12+$0x13AC0] =	vst v0  }
0x2e: {  	[tilespmem:s12+$0x13AD0] =	vst v0  }
0x2f: {  	[tilespmem:s12+$0x13AE0] =	vst v0;
	s12 =	sshra.s32 s13, $0x2;
	s13 =	sadd.s32 $0x200, s13  }
0x30: {  	[tilespmem:s12+$0x13AF0] =	vst v0  }
0x31: {  	[tilespmem:s12+$0x13A80] =	vst v0  }
0x32: {  	[tilespmem:s12+$0x13A90] =	vst v0  }
0x33: {  	[tilespmem:s12+$0x13AA0] =	vst v0  }
0x34: {  	[tilespmem:s12+$0x13AB0] =	vst v0  }
0x35: {  	[tilespmem:s12+$0x13AC0] =	vst v0  }
0x36: {  	[tilespmem:s12+$0x13AD0] =	vst v0  }
0x37: {  	[tilespmem:s12+$0x13AE0] =	vst v0  }
0x38: {  	[spmem:s11] =	stream.linear.scatter [tilespmem:s16], [sflag:$0x3], $0x2800, $0x38;
	[tilespmem:$0x18A80] =	vst v63  }
0x39: {  	_ =	swait.ge [sflag:s17], $0x2800  }
0x3a: {  	[sflag:s17] =	ssyncset.done $0x0  }
0x3b: {  	s15 =	rddreg [dreg:$0x8];
	[sflag:s17] =	ssyncadd.s32 $0xFFFFD800  }
0x3c: {  	[spmem:s15] =	stream.linear.scatter [tilespmem:s16], [sflag:$0x3], $0x2800, $0x38;
	[tilespmem:$0x18A80] =	vst v63  }
0x3d: {  	_ =	swait.ge [sflag:s17], $0x2800  }
0x3e: {  	[sflag:s17] =	ssyncset.done $0x0  }
0x3f: {  	s21 =	rddreg [dreg:$0x9];
	[sflag:s17] =	ssyncadd.s32 $0xFFFFD800  }
0x40: {  	[spmem:s21] =	stream.linear.scatter [tilespmem:s16], [sflag:$0x3], $0x2800, $0x38;
	[tilespmem:$0x18A80] =	vst v63  }
0x41: {  	_ =	swait.ge [sflag:s17], $0x2800  }
0x42: {  	[sflag:s17] =	ssyncset.done $0x0  }
0x43: {  	s22 =	rddreg [dreg:$0x13];
	[sflag:s17] =	ssyncadd.s32 $0xFFFFD800  }
0x44: {  	[spmem:s22] =	stream.linear.scatter [tilespmem:s16], [sflag:$0x3], $0x2800, $0x38;
	[tilespmem:$0x18A80] =	vst v63  }
0x45: {  	_ =	swait.ge [sflag:s17], $0x2800  }
0x46: {  	[sflag:s17] =	ssyncset.done $0x0  }
0x47: {  	s26 =	rddreg [dreg:$0x14];
	[sflag:s17] =	ssyncadd.s32 $0xFFFFD800  }
0x48: {  	[spmem:s26] =	stream.linear.scatter [tilespmem:s16], [sflag:$0x3], $0x2800, $0x38;
	[tilespmem:$0x18A80] =	vst v63  }
0x49: {  	_ =	swait.ge [sflag:s17], $0x2800  }
0x4a: {  	[sflag:s17] =	ssyncset.done $0x0  }
0x4b: {  	[sflag:s17] =	ssyncadd.s32 $0xFFFFD800  }
0x4c: {  	[spmem:s29] =	stream.linear.scatter [tilespmem:s16], [sflag:$0x3], $0x2800, $0x38;
	[tilespmem:$0x18A80] =	vst v63  }
0x4d: {  	_ =	swait.ge [sflag:s17], $0x2800  }
0x4e: {  	[sflag:s17] =	ssyncset.done $0x0  }
0x4f: {  	[sflag:s17] =	ssyncadd.s32 $0xFFFFD800  }
0x50: {  	[spmem:s30] =	stream.linear.scatter [tilespmem:s16], [sflag:$0x3], $0x2800, $0x38;
	[tilespmem:$0x18A80] =	vst v63  }
0x51: {  	_ =	swait.ge [sflag:s17], $0x2800  }
0x52: {  	[sflag:s17] =	ssyncset.done $0x0  }
0x53: {  	[sflag:s17] =	ssyncadd.s32 $0xFFFFD800  }
0x54: {  	[spmem:s31] =	stream.linear.scatter [tilespmem:s16], [sflag:$0x3], $0x2000, $0x38;
	[tilespmem:$0x18A80] =	vst v63  }
0x55: {  	_ =	swait.ge [sflag:s17], $0x2000  }
0x56: {  	[sflag:s17] =	ssyncset.done $0x0  }
0x57: {  	s12 =	simm.s32 @!p1 $0x13A80;
	[sflag:s17] =	ssyncadd.s32 $0xFFFFE000  }
0x58: {  	[spmem:s0] =	stream.linear.scatter @!p1 [tilespmem:s12], [sflag:$0x3], $0x800, $0x38;
	[tilespmem:$0x18A80] =	vst v63  }
0x59: {  	s12 =	simm.s32 @!p1 $0x3  }
0x5a: {  	_ =	swait.ge @!p1 [sflag:s12], $0x800  }
0x5b: {  	[sflag:s12] =	ssyncset.done @!p1 $0x0  }
0x5c: {  	[sflag:s12] =	ssyncadd.s32 @!p1 $0xFFFFF800  }
0x5d: {  	[bflag:$0x0] =	sbarrier.arrive $0xFFFF  }
0x5e: {  	s28 =	simm.s32 $0x0;
	s13 =	rddreg [dreg:$0xa]  }
0x5f: {  	[tilespmem:s18], [sflag:$0x3] =	stream.linear.gather [hbm4b:s13+s28], $0x50, $0x38;
	[tilespmem:$0x18A80] =	vst v63  }
0x60: {  	_ =	swait.ge [sflag:s17], $0x50  }
0x61: {  	[sflag:s17] =	ssyncset.done $0x0  }
0x62: {  	s15 =	rddreg [dreg:$0xb];
	[sflag:s17] =	ssyncadd.s32 $0xFFFFFFB0  }
0x63: {  	[tilespmem:s19], [sflag:$0x3] =	stream.linear.gather [hbm4b:s15+s28], $0x50, $0x38;
	[tilespmem:$0x18A80] =	vst v63  }
0x64: {  	_ =	swait.ge [sflag:s17], $0x50  }
0x65: {  	[sflag:s17] =	ssyncset.done $0x0  }
0x66: {  	[sflag:s17] =	ssyncadd.s32 $0xFFFFFFB0  }
0x67: {  	[tilespmem:s16], [sflag:$0x1] =	stream.indirect.gather [hbm4b:s1+s7], $0x80, s18, s7, $0xb8;
	[tilespmem:$0x18A80] =	vst v63  }
0x68: {  	s21 =	sadd.s32 $0x0, s25  }
0x69: {  	[tilespmem:s8], [sflag:$0x3] =	stream.linear.gather [hbm4b:s21+s3], $0x50, $0x38;
	[tilespmem:$0x18A80] =	vst v63  }
0x6a: {  	_ =	swait.ge [sflag:s17], $0x50  }
0x6b: {  	[sflag:s17] =	ssyncset.done $0x0  }
0x6c: {  	s22 =	sadd.s32 $0x0, s24;
	[sflag:s17] =	ssyncadd.s32 $0xFFFFFFB0  }
0x6d: {  	[tilespmem:s9], [sflag:$0x3] =	stream.linear.gather [hbm4b:s22+s3], $0x50, $0x38;
	[tilespmem:$0x18A80] =	vst v63  }
0x6e: {  	_ =	swait.ge [sflag:s17], $0x50  }
0x6f: {  	[sflag:s17] =	ssyncset.done $0x0  }
0x70: {  	[sflag:s17] =	ssyncadd.s32 $0xFFFFFFB0  }
0x71: {  	[tilespmem:s10], [sflag:$0x2] =	stream.indirect.gather [hbm4b:s1+s7], $0x80, s8, s7, $0xb8;
	[tilespmem:$0x18A80] =	vst v63  }
0x72: {  	_ =	swait.ge [sflag:s4], $0x2800  }
0x73: {  	[sflag:s4] =	ssyncset.done $0x0  }
0x74: {  	[sflag:s4] =	ssyncadd.s32 $0xFFFFD800  }
0x75: {  	[spmem:s2] =	stream.indirect.scatter.add.f32 [tilespmem:s16], [sflag:$0x3], $0x80, s19, s7, $0xb8;
	[tilespmem:$0x18A80] =	vst v63  }
0x76: {  	_ =	swait.ge [sflag:s17], $0x2800  }
0x77: {  	s26 =	sshrl.u32 s23, $0x3;
	[sflag:s17] =	ssyncset.done $0x0  }
0x78: {  	s28 =	sadd.s32 s5, s26;
	[sflag:s17] =	ssyncadd.s32 $0xFFFFD800  }
0x79: {  	[tilespmem:s18], [sflag:$0x3] =	stream.linear.gather [hbm4b:s28+s3], $0x50, $0x38;
	[tilespmem:$0x18A80] =	vst v63  }
0x7a: {  	_ =	swait.ge [sflag:s17], $0x50  }
0x7b: {  	[sflag:s17] =	ssyncset.done $0x0  }
0x7c: {  	s21 =	sadd.s32 s6, s26;
	[sflag:s17] =	ssyncadd.s32 $0xFFFFFFB0  }
0x7d: {  	[tilespmem:s19], [sflag:$0x3] =	stream.linear.gather [hbm4b:s21+s3], $0x50, $0x38;
	[tilespmem:$0x18A80] =	vst v63  }
0x7e: {  	_ =	swait.ge [sflag:s17], $0x50  }
0x7f: {  	[sflag:s17] =	ssyncset.done $0x0  }
0x80: {  	[sflag:s17] =	ssyncadd.s32 $0xFFFFFFB0  }
0x81: {  	[tilespmem:s16], [sflag:$0x1] =	stream.indirect.gather [hbm4b:s1+s7], $0x80, s18, s7, $0xb8;
	[tilespmem:$0x18A80] =	vst v63  }
0x82: {  	_ =	swait.ge [sflag:s14], $0x2800  }
0x83: {  	[sflag:s14] =	ssyncset.done $0x0  }
0x84: {  	[sflag:s14] =	ssyncadd.s32 $0xFFFFD800  }
0x85: {  	[spmem:s2] =	stream.indirect.scatter.add.f32 [tilespmem:s10], [sflag:$0x3], $0x80, s9, s7, $0xb8;
	[tilespmem:$0x18A80] =	vst v63  }
0x86: {  	s12 =	sadd.s32 $0xA0, s23;
	_ =	swait.ge [sflag:s17], $0x2800  }
0x87: {  	s13 =	simm.s32 $0x14;
	s22 =	simm.s32 $0x28;
	[sflag:s17] =	ssyncset.done $0x0  }
.LBB2_4:
0x88: {  	s26 =	sadd.s32 s13, s25  }
0x89: {  	[sflag:s17] =	ssyncadd.s32 $0xFFFFD800;
	s28 =	smov.u32 s22;
	s15 =	sadd.s32 $0x14, s22  }
0x8a: {  	[tilespmem:s8], [sflag:$0x3] =	stream.linear.gather [hbm4b:s26+s3], $0x50, $0x38;
	[tilespmem:$0x18A80] =	vst v63  }
0x8b: {  	p3 =	sne.s32 s22, $0x99C;
	_ =	swait.ge [sflag:s17], $0x50  }
0x8c: {  	[sflag:s17] =	ssyncset.done $0x0  }
0x8d: {  	s22 =	sadd.s32 s13, s24;
	s13 =	smov.u32 s28;
	[sflag:s17] =	ssyncadd.s32 $0xFFFFFFB0  }
0x8e: {  	[tilespmem:s9], [sflag:$0x3] =	stream.linear.gather [hbm4b:s22+s3], $0x50, $0x38;
	[tilespmem:$0x18A80] =	vst v63  }
0x8f: {  	_ =	swait.ge [sflag:s17], $0x50  }
0x90: {  	[sflag:s17] =	ssyncset.done $0x0  }
0x91: {  	[sflag:s17] =	ssyncadd.s32 $0xFFFFFFB0  }
0x92: {  	[tilespmem:s10], [sflag:$0x2] =	stream.indirect.gather [hbm4b:s1+s7], $0x80, s8, s7, $0xb8;
	[tilespmem:$0x18A80] =	vst v63  }
0x93: {  	_ =	swait.ge [sflag:s4], $0x2800  }
0x94: {  	[sflag:s4] =	ssyncset.done $0x0  }
0x95: {  	[sflag:s4] =	ssyncadd.s32 $0xFFFFD800  }
0x96: {  	[spmem:s2] =	stream.indirect.scatter.add.f32 [tilespmem:s16], [sflag:$0x3], $0x80, s19, s7, $0xb8;
	[tilespmem:$0x18A80] =	vst v63  }
0x97: {  	_ =	swait.ge [sflag:s17], $0x2800  }
0x98: {  	s22 =	sshrl.u32 s12, $0x3;
	[sflag:s17] =	ssyncset.done $0x0  }
0x99: {  	s26 =	sadd.s32 s5, s22;
	[sflag:s17] =	ssyncadd.s32 $0xFFFFD800  }
0x9a: {  	[tilespmem:s18], [sflag:$0x3] =	stream.linear.gather [hbm4b:s26+s3], $0x50, $0x38;
	[tilespmem:$0x18A80] =	vst v63  }
0x9b: {  	_ =	swait.ge [sflag:s17], $0x50  }
0x9c: {  	[sflag:s17] =	ssyncset.done $0x0  }
0x9d: {  	s22 =	sadd.s32 s6, s22;
	[sflag:s17] =	ssyncadd.s32 $0xFFFFFFB0  }
0x9e: {  	[tilespmem:s19], [sflag:$0x3] =	stream.linear.gather [hbm4b:s22+s3], $0x50, $0x38;
	[tilespmem:$0x18A80] =	vst v63  }
0x9f: {  	_ =	swait.ge [sflag:s17], $0x50  }
0xa0: {  	[sflag:s17] =	ssyncset.done $0x0  }
0xa1: {  	[sflag:s17] =	ssyncadd.s32 $0xFFFFFFB0  }
0xa2: {  	[tilespmem:s16], [sflag:$0x1] =	stream.indirect.gather [hbm4b:s1+s7], $0x80, s18, s7, $0xb8;
	[tilespmem:$0x18A80] =	vst v63  }
0xa3: {  	_ =	swait.ge [sflag:s14], $0x2800  }
.Ltmp3:
0xa4: {  	[sflag:s14] =	ssyncset.done $0x0;
	(pc) =	sbr.rel @p3 .LBB2_4-.Ltmp3, $4  }
0xa5: {  	[sflag:s14] =	ssyncadd.s32 $0xFFFFD800  }
0xa6: {  	[spmem:s2] =	stream.indirect.scatter.add.f32 [tilespmem:s10], [sflag:$0x3], $0x80, s9, s7, $0xb8;
	[tilespmem:$0x18A80] =	vst v63  }
0xa7: {  	_ =	swait.ge [sflag:s17], $0x2800  }
0xa8: {  	s12 =	sadd.s32 $0xA0, s12;
	s22 =	smov.u32 s15;
	[sflag:s17] =	ssyncset.done $0x0  }
0xa9: {  	s15 =	sadd.s32 s13, s25;
	[sflag:s17] =	ssyncadd.s32 $0xFFFFD800  }
0xaa: {  	[tilespmem:s8], [sflag:$0x3] =	stream.linear.gather [hbm4b:s15+s3], $0x50, $0x38;
	[tilespmem:$0x18A80] =	vst v63  }
0xab: {  	_ =	swait.ge [sflag:s17], $0x50  }
0xac: {  	[sflag:s17] =	ssyncset.done $0x0  }
0xad: {  	s28 =	sadd.s32 s13, s24;
	[sflag:s17] =	ssyncadd.s32 $0xFFFFFFB0  }
0xae: {  	[tilespmem:s9], [sflag:$0x3] =	stream.linear.gather [hbm4b:s28+s3], $0x50, $0x38;
	[tilespmem:$0x18A80] =	vst v63  }
0xaf: {  	_ =	swait.ge [sflag:s17], $0x50  }
0xb0: {  	[sflag:s17] =	ssyncset.done $0x0  }
0xb1: {  	[sflag:s17] =	ssyncadd.s32 $0xFFFFFFB0  }
0xb2: {  	[tilespmem:s10], [sflag:$0x2] =	stream.indirect.gather [hbm4b:s1+s7], $0x80, s8, s7, $0xb8;
	[tilespmem:$0x18A80] =	vst v63  }
0xb3: {  	_ =	swait.ge [sflag:s4], $0x2800  }
0xb4: {  	[sflag:s4] =	ssyncset.done $0x0  }
0xb5: {  	[sflag:s4] =	ssyncadd.s32 $0xFFFFD800  }
0xb6: {  	[spmem:s2] =	stream.indirect.scatter.add.f32 [tilespmem:s16], [sflag:$0x3], $0x80, s19, s7, $0xb8;
	[tilespmem:$0x18A80] =	vst v63  }
0xb7: {  	_ =	swait.ge [sflag:s17], $0x2800  }
0xb8: {  	s12 =	sshrl.u32 s12, $0x3;
	[sflag:s17] =	ssyncset.done $0x0  }
0xb9: {  	s15 =	sadd.s32 s5, s12;
	[sflag:s17] =	ssyncadd.s32 $0xFFFFD800  }
0xba: {  	[tilespmem:s18], [sflag:$0x3] =	stream.linear.gather [hbm4b:s15+s3], $0x50, $0x38;
	[tilespmem:$0x18A80] =	vst v63  }
0xbb: {  	_ =	swait.ge [sflag:s17], $0x50  }
0xbc: {  	[sflag:s17] =	ssyncset.done $0x0  }
0xbd: {  	s12 =	sadd.s32 s6, s12;
	[sflag:s17] =	ssyncadd.s32 $0xFFFFFFB0  }
0xbe: {  	[tilespmem:s19], [sflag:$0x3] =	stream.linear.gather [hbm4b:s12+s3], $0x50, $0x38;
	[tilespmem:$0x18A80] =	vst v63  }
0xbf: {  	_ =	swait.ge [sflag:s17], $0x50  }
0xc0: {  	[sflag:s17] =	ssyncset.done $0x0  }
0xc1: {  	[sflag:s17] =	ssyncadd.s32 $0xFFFFFFB0  }
0xc2: {  	[tilespmem:s16], [sflag:$0x1] =	stream.indirect.gather [hbm4b:s1+s7], $0x80, s18, s7, $0xb8;
	[tilespmem:$0x18A80] =	vst v63  }
0xc3: {  	_ =	swait.ge [sflag:s14], $0x2800  }
0xc4: {  	[sflag:s14] =	ssyncset.done $0x0  }
0xc5: {  	[sflag:s14] =	ssyncadd.s32 $0xFFFFD800  }
0xc6: {  	[spmem:s2] =	stream.indirect.scatter.add.f32 [tilespmem:s10], [sflag:$0x3], $0x80, s9, s7, $0xb8;
	[tilespmem:$0x18A80] =	vst v63  }
0xc7: {  	_ =	swait.ge [sflag:s17], $0x2800  }
0xc8: {  	[sflag:s17] =	ssyncset.done $0x0  }
0xc9: {  	s22 =	rddreg [dreg:$0x11];
	[sflag:s17] =	ssyncadd.s32 $0xFFFFD800  }
0xca: {  	[tilespmem:s8], [sflag:$0x3] =	stream.linear.gather [hbm4b:s22+s3], $0x50, $0x38;
	[tilespmem:$0x18A80] =	vst v63  }
0xcb: {  	_ =	swait.ge [sflag:s17], $0x50  }
0xcc: {  	[sflag:s17] =	ssyncset.done $0x0  }
0xcd: {  	s26 =	rddreg [dreg:$0x12];
	[sflag:s17] =	ssyncadd.s32 $0xFFFFFFB0  }
0xce: {  	[tilespmem:s9], [sflag:$0x3] =	stream.linear.gather [hbm4b:s26+s3], $0x50, $0x38;
	[tilespmem:$0x18A80] =	vst v63  }
0xcf: {  	_ =	swait.ge [sflag:s17], $0x50  }
0xd0: {  	[sflag:s17] =	ssyncset.done $0x0  }
0xd1: {  	[sflag:s17] =	ssyncadd.s32 $0xFFFFFFB0  }
0xd2: {  	[tilespmem:s10], [sflag:$0x2] =	stream.indirect.gather [hbm4b:s1+s7], $0x80, s8, s7, $0xb8;
	[tilespmem:$0x18A80] =	vst v63  }
0xd3: {  	_ =	swait.ge [sflag:s4], $0x2800  }
0xd4: {  	[sflag:s4] =	ssyncset.done $0x0  }
0xd5: {  	[sflag:s4] =	ssyncadd.s32 $0xFFFFD800  }
0xd6: {  	[spmem:s2] =	stream.indirect.scatter.add.f32 [tilespmem:s16], [sflag:$0x3], $0x80, s19, s7, $0xb8;
	[tilespmem:$0x18A80] =	vst v63  }
0xd7: {  	_ =	swait.ge [sflag:s17], $0x2800  }
0xd8: {  	[sflag:s17] =	ssyncset.done $0x0  }
0xd9: {  	[sflag:s17] =	ssyncadd.s32 $0xFFFFD800  }
0xda: {  	_ =	swait.ge [sflag:s14], $0x2800  }
0xdb: {  	[sflag:s14] =	ssyncset.done $0x0  }
0xdc: {  	[sflag:s14] =	ssyncadd.s32 $0xFFFFD800  }
0xdd: {  	[spmem:s2] =	stream.indirect.scatter.add.f32 [tilespmem:s10], [sflag:$0x3], $0x80, s9, s7, $0xb8;
	[tilespmem:$0x18A80] =	vst v63  }
.Ltmp4:
0xde: {  	_ =	swait.ge [sflag:s17], $0x2800;
	(pc) =	sbr.rel @p0 .LBB2_7-.Ltmp4, $4  }
0xdf: {  	[sflag:s17] =	ssyncset.done $0x0  }
0xe0: {  	s28 =	stileid.u32;
	[sflag:s17] =	ssyncadd.s32 $0xFFFFD800  }
0xe1: {  	s12 =	sshll.u32 s28, $0x6;
	[bflag:$0x0] =	sbarrier.arrive $0xFFFF  }
0xe2: {  	s13 =	sshrl.u32 s11, $0x3;
	s15 =	sor.u32 $0x1C03, s12  }
0xe3: {  	s15 =	sor.u32 $0x1C03, s12;
	s22 =	rddreg [dreg:$0xd]  }
0xe4: {  	[hbm:s22], [sflag:s15] =	dma.local [spmem:s13], $0x2700  }
.Ltmp5:
0xe5: {  	_ = 	snop;
	(pc) =	sbr.rel @p2 .LBB2_8-.Ltmp5, $4  }
.Ltmp6:
0xe6: {  	_ = 	snop;
	(pc) =	sbr.rel @!p2 .LBB2_9-.Ltmp6, $4  }
0xe7: {  	_ =	swait.ge [sflag:s17], $0x2700  }
0xe8: {  	[sflag:s17] =	ssyncset.done $0x0  }
0xe9: {  	s22 =	rddreg [dreg:$0x4];
	[sflag:s17] =	ssyncadd.s32 $0xFFFFD900  }
0xea: {  	_ = 	snop  }
.LBB2_7:
.Ltmp7:
0xeb: {  	s22 =	rddreg [dreg:$0xc];
	(pc) =	sbr.rel @p1 .LBB2_9-.Ltmp7, $4  }
0xec: {  	[hbm:s22], [sflag:s15] =	dma.local [spmem:s13], $0x2700  }
0xed: {  	_ =	swait.ge [sflag:s17], $0x2700  }
0xee: {  	[sflag:s17] =	ssyncset.done $0x0  }
0xef: {  	s22 =	rddreg [dreg:$0x5];
	[sflag:s17] =	ssyncadd.s32 $0xFFFFD900  }
.LBB2_8:
0xf0: {  	s22 =	sadd.s32 $0x27000, s22;
	s26 =	sshrl.u32 s0, $0x3  }
0xf1: {  	[hbm:s22], [sflag:s15] =	dma.local [spmem:s26], $0x100  }
0xf2: {  	_ =	swait.ge [sflag:s17], $0x100  }
0xf3: {  	[sflag:s17] =	ssyncset.done $0x0  }
0xf4: {  	[sflag:s17] =	ssyncadd.s32 $0xFFFFFF00  }
.LBB2_9:
0xf5: {  	s15 =	simm.s32 $0x0;
	s22 =	simm.s32 $0x200  }
.LBB2_10:
0xf6: {  	p3 =	sne.s32 s22, $0x9E00;
	[tilespmem:s15+$0x13AF0] =	vst v0  }
0xf7: {  	[tilespmem:s15+$0x13A80] =	vst v0  }
0xf8: {  	[tilespmem:s15+$0x13A90] =	vst v0  }
.Ltmp8:
0xf9: {  	[tilespmem:s15+$0x13AA0] =	vst v0;
	(pc) =	sbr.rel @p3 .LBB2_10-.Ltmp8, $4  }
0xfa: {  	[tilespmem:s15+$0x13AB0] =	vst v0  }
0xfb: {  	[tilespmem:s15+$0x13AC0] =	vst v0  }
0xfc: {  	[tilespmem:s15+$0x13AD0] =	vst v0  }
0xfd: {  	[tilespmem:s15+$0x13AE0] =	vst v0;
	s15 =	sshra.s32 s22, $0x2;
	s22 =	sadd.s32 $0x200, s22  }
0xfe: {  	[tilespmem:s15+$0x13AF0] =	vst v0  }
0xff: {  	[tilespmem:s15+$0x13A80] =	vst v0  }
0x100: {  	[tilespmem:s15+$0x13A90] =	vst v0  }
0x101: {  	[tilespmem:s15+$0x13AA0] =	vst v0  }
0x102: {  	[tilespmem:s15+$0x13AB0] =	vst v0  }
0x103: {  	[tilespmem:s15+$0x13AC0] =	vst v0  }
0x104: {  	[tilespmem:s15+$0x13AD0] =	vst v0  }
0x105: {  	[tilespmem:s15+$0x13AE0] =	vst v0  }
0x106: {  	[spmem:s11] =	stream.linear.scatter [tilespmem:s16], [sflag:$0x3], $0x2800, $0x38;
	[tilespmem:$0x18A80] =	vst v63  }
0x107: {  	_ =	swait.ge [sflag:s17], $0x2800  }
0x108: {  	[sflag:s17] =	ssyncset.done $0x0  }
0x109: {  	s28 =	rddreg [dreg:$0x8];
	[sflag:s17] =	ssyncadd.s32 $0xFFFFD800  }
0x10a: {  	[spmem:s28] =	stream.linear.scatter [tilespmem:s16], [sflag:$0x3], $0x2800, $0x38;
	[tilespmem:$0x18A80] =	vst v63  }
0x10b: {  	_ =	swait.ge [sflag:s17], $0x2800  }
0x10c: {  	[sflag:s17] =	ssyncset.done $0x0  }
0x10d: {  	s22 =	rddreg [dreg:$0x9];
	[sflag:s17] =	ssyncadd.s32 $0xFFFFD800  }
0x10e: {  	[spmem:s22] =	stream.linear.scatter [tilespmem:s16], [sflag:$0x3], $0x2800, $0x38;
	[tilespmem:$0x18A80] =	vst v63  }
0x10f: {  	_ =	swait.ge [sflag:s17], $0x2800  }
0x110: {  	[sflag:s17] =	ssyncset.done $0x0  }
0x111: {  	s26 =	rddreg [dreg:$0x13];
	[sflag:s17] =	ssyncadd.s32 $0xFFFFD800  }
0x112: {  	[spmem:s26] =	stream.linear.scatter [tilespmem:s16], [sflag:$0x3], $0x2800, $0x38;
	[tilespmem:$0x18A80] =	vst v63  }
0x113: {  	_ =	swait.ge [sflag:s17], $0x2800  }
0x114: {  	[sflag:s17] =	ssyncset.done $0x0  }
0x115: {  	s28 =	rddreg [dreg:$0x14];
	[sflag:s17] =	ssyncadd.s32 $0xFFFFD800  }
0x116: {  	[spmem:s28] =	stream.linear.scatter [tilespmem:s16], [sflag:$0x3], $0x2800, $0x38;
	[tilespmem:$0x18A80] =	vst v63  }
0x117: {  	_ =	swait.ge [sflag:s17], $0x2800  }
0x118: {  	[sflag:s17] =	ssyncset.done $0x0  }
0x119: {  	[sflag:s17] =	ssyncadd.s32 $0xFFFFD800  }
0x11a: {  	[spmem:s29] =	stream.linear.scatter [tilespmem:s16], [sflag:$0x3], $0x2800, $0x38;
	[tilespmem:$0x18A80] =	vst v63  }
0x11b: {  	_ =	swait.ge [sflag:s17], $0x2800  }
0x11c: {  	[sflag:s17] =	ssyncset.done $0x0  }
0x11d: {  	[sflag:s17] =	ssyncadd.s32 $0xFFFFD800  }
0x11e: {  	[spmem:s30] =	stream.linear.scatter [tilespmem:s16], [sflag:$0x3], $0x2800, $0x38;
	[tilespmem:$0x18A80] =	vst v63  }
0x11f: {  	_ =	swait.ge [sflag:s17], $0x2800  }
0x120: {  	[sflag:s17] =	ssyncset.done $0x0  }
0x121: {  	[sflag:s17] =	ssyncadd.s32 $0xFFFFD800  }
0x122: {  	[spmem:s31] =	stream.linear.scatter [tilespmem:s16], [sflag:$0x3], $0x2000, $0x38;
	[tilespmem:$0x18A80] =	vst v63  }
0x123: {  	_ =	swait.ge [sflag:s17], $0x2000  }
0x124: {  	[sflag:s17] =	ssyncset.done $0x0  }
0x125: {  	s15 =	simm.s32 @!p1 $0x13A80;
	[sflag:s17] =	ssyncadd.s32 $0xFFFFE000  }
0x126: {  	[spmem:s0] =	stream.linear.scatter @!p1 [tilespmem:s15], [sflag:$0x3], $0x800, $0x38;
	[tilespmem:$0x18A80] =	vst v63  }
0x127: {  	s15 =	simm.s32 @!p1 $0x3  }
0x128: {  	_ =	swait.ge @!p1 [sflag:s15], $0x800  }
0x129: {  	[sflag:s15] =	ssyncset.done @!p1 $0x0  }
0x12a: {  	s22 =	simm.s32 $0x200;
	[sflag:s15] =	ssyncadd.s32 @!p1 $0xFFFFF800;
	s15 =	simm.s32 $0x0  }
.LBB2_12:
0x12b: {  	p3 =	sne.s32 s22, $0x9E00;
	[tilespmem:s15+$0x13AF0] =	vst v1  }
0x12c: {  	[tilespmem:s15+$0x13A80] =	vst v1  }
0x12d: {  	[tilespmem:s15+$0x13A90] =	vst v1  }
.Ltmp9:
0x12e: {  	[tilespmem:s15+$0x13AA0] =	vst v1;
	(pc) =	sbr.rel @p3 .LBB2_12-.Ltmp9, $4  }
0x12f: {  	[tilespmem:s15+$0x13AB0] =	vst v1  }
0x130: {  	[tilespmem:s15+$0x13AC0] =	vst v1  }
0x131: {  	[tilespmem:s15+$0x13AD0] =	vst v1  }
0x132: {  	[tilespmem:s15+$0x13AE0] =	vst v1;
	s15 =	sshra.s32 s22, $0x2;
	s22 =	sadd.s32 $0x200, s22  }
0x133: {  	[tilespmem:s15+$0x13AF0] =	vst v1  }
0x134: {  	[tilespmem:s15+$0x13A80] =	vst v1  }
0x135: {  	[tilespmem:s15+$0x13A90] =	vst v1  }
0x136: {  	[tilespmem:s15+$0x13AA0] =	vst v1  }
0x137: {  	[tilespmem:s15+$0x13AB0] =	vst v1  }
0x138: {  	[tilespmem:s15+$0x13AC0] =	vst v1  }
0x139: {  	[tilespmem:s15+$0x13AD0] =	vst v1  }
0x13a: {  	[tilespmem:s15+$0x13AE0] =	vst v1  }
0x13b: {  	[bflag:$0x0] =	sbarrier.arrive $0xFFFF  }
0x13c: {  	s26 =	simm.s32 $0x0;
	s22 =	rddreg [dreg:$0xb]  }
0x13d: {  	[tilespmem:s19], [sflag:$0x1] =	stream.linear.gather [hbm4b:s22+s26], $0x50, $0x38;
	[tilespmem:$0x18A80] =	vst v63  }
0x13e: {  	s28 =	sadd.s32 $0x0, s24  }
0x13f: {  	[tilespmem:s9], [sflag:$0x2] =	stream.linear.gather [hbm4b:s28+s3], $0x50, $0x38;
	[tilespmem:$0x18A80] =	vst v63  }
0x140: {  	_ =	swait.ge [sflag:s4], $0x50  }
0x141: {  	[sflag:s4] =	ssyncset.done $0x0  }
0x142: {  	[sflag:s4] =	ssyncadd.s32 $0xFFFFFFB0  }
0x143: {  	[spmem:s2] =	stream.indirect.scatter.add.f32 [tilespmem:s16], [sflag:$0x3], $0x80, s19, s7, $0xb8;
	[tilespmem:$0x18A80] =	vst v63  }
0x144: {  	_ =	swait.ge [sflag:s17], $0x2800  }
0x145: {  	[sflag:s17] =	ssyncset.done $0x0  }
0x146: {  	[sflag:s17] =	ssyncadd.s32 $0xFFFFD800  }
0x147: {  	[tilespmem:s19], [sflag:$0x1] =	stream.linear.gather [hbm4b:s21+s3], $0x50, $0x38;
	[tilespmem:$0x18A80] =	vst v63  }
0x148: {  	_ =	swait.ge [sflag:s14], $0x50  }
0x149: {  	[sflag:s14] =	ssyncset.done $0x0  }
0x14a: {  	[sflag:s14] =	ssyncadd.s32 $0xFFFFFFB0  }
0x14b: {  	[spmem:s2] =	stream.indirect.scatter.add.f32 [tilespmem:s16], [sflag:$0x3], $0x80, s9, s7, $0xb8;
	[tilespmem:$0x18A80] =	vst v63  }
0x14c: {  	s15 =	sadd.s32 $0xA0, s23;
	_ =	swait.ge [sflag:s17], $0x2800  }
0x14d: {  	s22 =	simm.s32 $0x28;
	s21 =	simm.s32 $0x14;
	[sflag:s17] =	ssyncset.done $0x0  }
.LBB2_14:
0x14e: {  	s26 =	sadd.s32 s21, s24  }
0x14f: {  	[sflag:s17] =	ssyncadd.s32 $0xFFFFD800;
	s21 =	smov.u32 s22;
	s28 =	sadd.s32 $0x14, s22  }
0x150: {  	[tilespmem:s9], [sflag:$0x2] =	stream.linear.gather [hbm4b:s26+s3], $0x50, $0x38;
	[tilespmem:$0x18A80] =	vst v63  }
0x151: {  	p3 =	sne.s32 s22, $0x99C;
	_ =	swait.ge [sflag:s4], $0x50  }
0x152: {  	[sflag:s4] =	ssyncset.done $0x0  }
0x153: {  	[sflag:s4] =	ssyncadd.s32 $0xFFFFFFB0  }
0x154: {  	[spmem:s2] =	stream.indirect.scatter.add.f32 [tilespmem:s16], [sflag:$0x3], $0x80, s19, s7, $0xb8;
	[tilespmem:$0x18A80] =	vst v63  }
0x155: {  	_ =	swait.ge [sflag:s17], $0x2800  }
0x156: {  	s22 =	sshrl.u32 s15, $0x3;
	[sflag:s17] =	ssyncset.done $0x0  }
0x157: {  	s22 =	sadd.s32 s6, s22;
	[sflag:s17] =	ssyncadd.s32 $0xFFFFD800  }
0x158: {  	[tilespmem:s19], [sflag:$0x1] =	stream.linear.gather [hbm4b:s22+s3], $0x50, $0x38;
	[tilespmem:$0x18A80] =	vst v63  }
0x159: {  	_ =	swait.ge [sflag:s14], $0x50  }
.Ltmp10:
0x15a: {  	[sflag:s14] =	ssyncset.done $0x0;
	(pc) =	sbr.rel @p3 .LBB2_14-.Ltmp10, $4  }
0x15b: {  	[sflag:s14] =	ssyncadd.s32 $0xFFFFFFB0  }
0x15c: {  	[spmem:s2] =	stream.indirect.scatter.add.f32 [tilespmem:s16], [sflag:$0x3], $0x80, s9, s7, $0xb8;
	[tilespmem:$0x18A80] =	vst v63  }
0x15d: {  	_ =	swait.ge [sflag:s17], $0x2800  }
0x15e: {  	s15 =	sadd.s32 $0xA0, s15;
	s22 =	smov.u32 s28;
	[sflag:s17] =	ssyncset.done $0x0  }
0x15f: {  	s21 =	sadd.s32 s21, s24;
	[sflag:s17] =	ssyncadd.s32 $0xFFFFD800  }
0x160: {  	[tilespmem:s9], [sflag:$0x2] =	stream.linear.gather [hbm4b:s21+s3], $0x50, $0x38;
	[tilespmem:$0x18A80] =	vst v63  }
0x161: {  	_ =	swait.ge [sflag:s4], $0x50  }
0x162: {  	[sflag:s4] =	ssyncset.done $0x0  }
0x163: {  	[sflag:s4] =	ssyncadd.s32 $0xFFFFFFB0  }
0x164: {  	[spmem:s2] =	stream.indirect.scatter.add.f32 [tilespmem:s16], [sflag:$0x3], $0x80, s19, s7, $0xb8;
	[tilespmem:$0x18A80] =	vst v63  }
0x165: {  	_ =	swait.ge [sflag:s17], $0x2800  }
0x166: {  	s15 =	sshrl.u32 s15, $0x3;
	[sflag:s17] =	ssyncset.done $0x0  }
0x167: {  	s15 =	sadd.s32 s6, s15;
	[sflag:s17] =	ssyncadd.s32 $0xFFFFD800  }
0x168: {  	[tilespmem:s19], [sflag:$0x1] =	stream.linear.gather [hbm4b:s15+s3], $0x50, $0x38;
	[tilespmem:$0x18A80] =	vst v63  }
0x169: {  	_ =	swait.ge [sflag:s14], $0x50  }
0x16a: {  	[sflag:s14] =	ssyncset.done $0x0  }
0x16b: {  	[sflag:s14] =	ssyncadd.s32 $0xFFFFFFB0  }
0x16c: {  	[spmem:s2] =	stream.indirect.scatter.add.f32 [tilespmem:s16], [sflag:$0x3], $0x80, s9, s7, $0xb8;
	[tilespmem:$0x18A80] =	vst v63  }
0x16d: {  	_ =	swait.ge [sflag:s17], $0x2800  }
0x16e: {  	[sflag:s17] =	ssyncset.done $0x0  }
0x16f: {  	s28 =	rddreg [dreg:$0x12];
	[sflag:s17] =	ssyncadd.s32 $0xFFFFD800  }
0x170: {  	[tilespmem:s9], [sflag:$0x2] =	stream.linear.gather [hbm4b:s28+s3], $0x50, $0x38;
	[tilespmem:$0x18A80] =	vst v63  }
0x171: {  	_ =	swait.ge [sflag:s4], $0x50  }
0x172: {  	[sflag:s4] =	ssyncset.done $0x0  }
0x173: {  	[sflag:s4] =	ssyncadd.s32 $0xFFFFFFB0  }
0x174: {  	[spmem:s2] =	stream.indirect.scatter.add.f32 [tilespmem:s16], [sflag:$0x3], $0x80, s19, s7, $0xb8;
	[tilespmem:$0x18A80] =	vst v63  }
0x175: {  	_ =	swait.ge [sflag:s17], $0x2800  }
0x176: {  	[sflag:s17] =	ssyncset.done $0x0  }
0x177: {  	[sflag:s17] =	ssyncadd.s32 $0xFFFFD800  }
0x178: {  	_ =	swait.ge [sflag:s14], $0x50  }
0x179: {  	[sflag:s14] =	ssyncset.done $0x0  }
0x17a: {  	[sflag:s14] =	ssyncadd.s32 $0xFFFFFFB0  }
0x17b: {  	[spmem:s2] =	stream.indirect.scatter.add.f32 [tilespmem:s16], [sflag:$0x3], $0x80, s9, s7, $0xb8;
	[tilespmem:$0x18A80] =	vst v63  }
.Ltmp11:
0x17c: {  	_ =	swait.ge [sflag:s17], $0x2800;
	(pc) =	sbr.rel @p0 .LBB2_17-.Ltmp11, $4  }
0x17d: {  	[sflag:s17] =	ssyncset.done $0x0  }
0x17e: {  	[sflag:s17] =	ssyncadd.s32 $0xFFFFD800  }
0x17f: {  	[bflag:$0x0] =	sbarrier.arrive $0xFFFF  }
0x180: {  	s12 =	sor.u32 $0x1C03, s12  }
0x181: {  	s15 =	rddreg [dreg:$0xf]  }
0x182: {  	[hbm:s15], [sflag:s12] =	dma.local [spmem:s13], $0x2700  }
.Ltmp12:
0x183: {  	_ = 	snop;
	(pc) =	sbr.rel @p2 .LBB2_18-.Ltmp12, $4  }
.Ltmp13:
0x184: {  	_ = 	snop;
	(pc) =	sbr.rel @!p2 .LBB2_19-.Ltmp13, $4  }
0x185: {  	_ =	swait.ge [sflag:s17], $0x2700  }
0x186: {  	[sflag:s17] =	ssyncset.done $0x0  }
0x187: {  	s13 =	rddreg [dreg:$0x6];
	[sflag:s17] =	ssyncadd.s32 $0xFFFFD900  }
0x188: {  	_ = 	snop  }
.LBB2_17:
0x189: {  	s15 =	rddreg [dreg:$0xe]  }
0x18a: {  	[hbm:s15], [sflag:s12] =	dma.local [spmem:s13], $0x2700  }
.Ltmp14:
0x18b: {  	_ = 	snop;
	(pc) =	sbr.rel @p1 .LBB2_19-.Ltmp14, $4  }
.Ltmp15:
0x18c: {  	_ = 	snop;
	(pc) =	sbr.rel @!p1 .LBB2_18-.Ltmp15, $4  }
0x18d: {  	_ =	swait.ge [sflag:s17], $0x2700  }
0x18e: {  	[sflag:s17] =	ssyncset.done $0x0  }
0x18f: {  	s13 =	rddreg [dreg:$0x7];
	[sflag:s17] =	ssyncadd.s32 $0xFFFFD900  }
0x190: {  	_ = 	snop  }
.LBB2_20:
0x191: {  	_ =	sfence.sel $0x180000  }
0x192: {  	[bflag:$0x0] =	sbarrier.arrive $0xFFFF  }
0x193: {  	_ =	strace $0x90000047  }
0x194: {  	s0 =	stileid.u32;
	[bflag:$0x2] =	sbarrier.arrive $0xFFFF  }
0x195: {  	p0 =	sne.s32 s0, $0x0;
	s0 =	rddreg [dreg:$0x3]  }
0x196: {  	s0 =	sadd.s32 @!p0 $0x100000, s0  }
0x197: {  	[sflag:s0] =	ssyncadd.tile.s32 @!p0 $0x1;
	_ =	shalt  }
.Lfunc_end2:
_tile_overlayer_lowered:
.L_overlay_start_2:
0x198: {  	(tag) =	ssettag $0x2  }
0x199: {  	s0 =	rddreg [dreg:$0x0];
	s2 =	stileid.u32  }
0x19a: {  	s1 =	rddreg [dreg:$0x1];
	p0 =	sne.s32 s2, $0x0  }
0x19b: {  	s3 =	rddreg [dreg:$0x2];
	[bflag:$0x3] =	sbarrier.arrive $0xFFFF;
	s2 =	simm.s32 @!p0 $0x1C03  }
0x19c: {  	[timem:s3], [sflag:s2] =	dma.local @!p0 [hbm:s0], s1  }
0x19d: {  	s0 =	simm.s32 @!p0 $0x3  }
0x19e: {  	_ =	swait.ge @!p0 [sflag:s0], s1  }
0x19f: {  	s1 =	ssub.s32 @!p0 $0x0, s1;
	[sflag:s0] =	ssyncset.done @!p0 $0x0  }
0x1a0: {  	[sflag:s0] =	ssyncadd.s32 @!p0 s1  }
0x1a1: {  	[bflag:$0x3] =	sbarrier.arrive $0xFFFF  }
0x1a2: {  	_ =	shalt  }

</sc_bundles>
